<compile_context>
chip_gen: v7x
topology: tpu7x:2x2x1
jax: 0.10.2.dev20260603
libtpu: 0.0.44.dev20260713+nightly
codegen_flags: <defaults>
</compile_context>

<pallas_src>
import functools

import jax
import jax.numpy as jnp
from jax import lax
from jax.experimental import pallas as pl
from jax.experimental.pallas import tpu as pltpu
from jax.experimental.pallas import tpu_sc as plsc

N = 10000
E = 320000
D = 128
DH = D // 2
C = 16
R = 8

NC = 2
NS = 16
NW = NC * NS
K = 128
EPW = 10240
EP = NW * EPW
NCHUNK = EPW // K
TRASH = 10000
NPAD = 10240
RPW = NPAD // NS
ZR = 128

BN = 2000
NB = N // BN



def _tables_body(h_ref, w_ref, b_ref, o_ref):
    o_ref[0] = (
        jnp.dot(h_ref[...], w_ref[0], preferred_element_type=jnp.float32)
        + b_ref[0]
    )


def _tables(h, Wall, ball):
    return pl.pallas_call(
        _tables_body,
        grid=(NB, R + 1),
        in_specs=[
            pl.BlockSpec((BN, D), lambda n, r: (n, 0)),
            pl.BlockSpec((1, D, D), lambda n, r: (r, 0, 0)),
            pl.BlockSpec((1, 1, D), lambda n, r: (r, 0, 0)),
        ],
        out_specs=pl.BlockSpec((1, BN, D), lambda n, r: (r, n, 0)),
        out_shape=jax.ShapeDtypeStruct((R + 1, N, D), jnp.float32),
    )(h, Wall, ball)


def _combine_tables_body(plo_ref, phi_ref, t_ref, w_ref, b_ref, o_ref):
    agg = jnp.concatenate(
        [plo_ref[0] + plo_ref[1], phi_ref[0] + phi_ref[1]], axis=1)
    x = jnp.maximum(agg + t_ref[0], 0.0)
    o_ref[0] = (
        jnp.dot(x, w_ref[0], preferred_element_type=jnp.float32) + b_ref[0]
    )


def _combine_tables(plo, phi, t_prev, Wall, ball):
    return pl.pallas_call(
        _combine_tables_body,
        grid=(NB, R + 1),
        in_specs=[
            pl.BlockSpec((2, BN, DH), lambda n, r: (0, n, 0)),
            pl.BlockSpec((2, BN, DH), lambda n, r: (0, n, 0)),
            pl.BlockSpec((1, BN, D), lambda n, r: (R, n, 0)),
            pl.BlockSpec((1, D, D), lambda n, r: (r, 0, 0)),
            pl.BlockSpec((1, 1, D), lambda n, r: (r, 0, 0)),
        ],
        out_specs=pl.BlockSpec((1, BN, D), lambda n, r: (r, n, 0)),
        out_shape=jax.ShapeDtypeStruct((R + 1, N, D), jnp.float32),
    )(plo, phi, t_prev, Wall, ball)


def _final_body(plo_ref, phi_ref, t_ref, wc_ref, bc_ref, o_ref, acc_ref):
    n = pl.program_id(0)

    @pl.when(n == 0)
    def _init():
        acc_ref[...] = jnp.zeros_like(acc_ref)

    agg = jnp.concatenate(
        [plo_ref[0] + plo_ref[1], phi_ref[0] + phi_ref[1]], axis=1)
    x = jnp.maximum(agg + t_ref[0], 0.0)
    acc_ref[...] = acc_ref[...] + jnp.sum(x, axis=0, keepdims=True)

    @pl.when(n == NB - 1)
    def _fin():
        hg = acc_ref[...] * (1.0 / N)
        logits = (
            jnp.dot(hg, wc_ref[...], preferred_element_type=jnp.float32)
            + bc_ref[...]
        )
        m = jnp.max(logits, axis=1, keepdims=True)
        e = jnp.exp(logits - m)
        o_ref[...] = e / jnp.sum(e, axis=1, keepdims=True)


def _final(plo, phi, t_prev, Wc, bc):
    return pl.pallas_call(
        _final_body,
        grid=(NB,),
        in_specs=[
            pl.BlockSpec((2, BN, DH), lambda n: (0, n, 0)),
            pl.BlockSpec((2, BN, DH), lambda n: (0, n, 0)),
            pl.BlockSpec((1, BN, D), lambda n: (R, n, 0)),
            pl.BlockSpec((D, C), lambda n: (0, 0)),
            pl.BlockSpec((1, C), lambda n: (0, 0)),
        ],
        out_specs=pl.BlockSpec((1, C), lambda n: (0, 0)),
        out_shape=jax.ShapeDtypeStruct((1, C), jnp.float32),
        scratch_shapes=[pltpu.VMEM((1, D), jnp.float32)],
    )(plo, phi, t_prev, Wc, bc)



NBUF = 8
PD = NBUF // 2


def _sc_body(table, gidx3, dst3, zrows, out,
             gidx_v, dst_v, r0, r1, r2, r3, r4, r5, r6, r7, agg_sh,
             g0, g1, g2, g3, g4, g5, g6, g7,
             s0, s1, s2, s3, s4, s5, s6, s7):
    rows = (r0, r1, r2, r3, r4, r5, r6, r7)
    gsem = (g0, g1, g2, g3, g4, g5, g6, g7)
    ssem = (s0, s1, s2, s3, s4, s5, s6, s7)
    cid = lax.axis_index("c")
    s = lax.axis_index("s")
    wid = s * NC + cid

    pltpu.sync_copy(gidx3.at[wid], gidx_v)
    pltpu.sync_copy(dst3.at[wid], dst_v)

    pltpu.sync_copy(zrows, agg_sh.at[pl.ds(s * RPW, RPW)])

    plsc.subcore_barrier()

    for b in range(PD):
        pltpu.async_copy(table.at[gidx_v.at[b]], rows[b], gsem[b])

    def _round(i, carry):
        c0 = i * NBUF
        for b in range(NBUF):
            c = c0 + b
            bg = (b + PD) % NBUF
            pltpu.make_async_copy(
                table.at[gidx_v.at[c]], rows[b], gsem[b]).wait()
            pltpu.async_copy(
                rows[b], agg_sh.at[dst_v.at[c]], ssem[b], add=True)

            @pl.when(c + PD < NCHUNK)
            def _():
                @pl.when(c >= PD)
                def _():
                    pltpu.make_async_copy(
                        rows[bg], agg_sh.at[dst_v.at[c - PD]],
                        ssem[bg]).wait()
                pltpu.async_copy(
                    table.at[gidx_v.at[c + PD]], rows[bg], gsem[bg])
        return carry
    lax.fori_loop(0, NCHUNK // NBUF, _round, 0)

    for c in range(NCHUNK - NBUF, NCHUNK):
        pltpu.make_async_copy(
            rows[c % NBUF], agg_sh.at[dst_v.at[c]], ssem[c % NBUF]).wait()

    plsc.subcore_barrier()

    sl = pl.ds(s * RPW, RPW)
    pltpu.sync_copy(agg_sh.at[sl], out.at[cid, sl])


@functools.cache
def _sc_kernel():
    return pl.kernel(
        _sc_body,
        out_type=jax.ShapeDtypeStruct((NC, NPAD, DH), jnp.float32),
        mesh=plsc.VectorSubcoreMesh(
            core_axis_name="c", subcore_axis_name="s",
            num_cores=NC, num_subcores=NS,
        ),
        scratch_types=[
            pltpu.VMEM((NCHUNK, K), jnp.int32),
            pltpu.VMEM((NCHUNK, K), jnp.int32),
        ] + [pltpu.VMEM((K, DH), jnp.float32)] * NBUF
          + [pltpu.VMEM_SHARED((NPAD, DH), jnp.float32)]
          + [pltpu.SemaphoreType.DMA] * (2 * NBUF),
        compiler_params=pltpu.CompilerParams(use_tc_tiling_on_sc=False),
    )


def _sc_aggregate(gidx3, table, dst3, zrows):
    return _sc_kernel()(table, gidx3, dst3, zrows)



def kernel(h, edge_index, rel_types, W1, loop1, b1, W2, loop2, b2, Wc, bc):
    h = h.astype(jnp.float32)
    ppw = EPW - E // NW
    parange = jnp.arange(ppw, dtype=jnp.int32)
    pad_src = jnp.broadcast_to(parange % N, (NW, ppw))
    pad_dst = jnp.broadcast_to(TRASH + parange % (NPAD - N), (NW, ppw))
    src2 = jnp.concatenate([edge_index[0].reshape(NW, -1), pad_src], axis=1)
    rel2 = jnp.concatenate(
        [rel_types.reshape(NW, -1), jnp.zeros((NW, ppw), jnp.int32)], axis=1)
    gflat = (rel2 * N + src2) * 2
    gidx3_lo = gflat.reshape(NW, NCHUNK, K)
    gidx3_hi = (gflat + 1).reshape(NW, NCHUNK, K)
    dst3 = jnp.concatenate(
        [edge_index[1].reshape(NW, -1), pad_dst], axis=1
    ).reshape(NW, NCHUNK, K)
    zrows = jnp.zeros((RPW, DH), jnp.float32)

    W1all = jnp.concatenate([W1, loop1[None]], axis=0)
    b1all = jnp.zeros((R + 1, 1, D), jnp.float32).at[R, 0].set(b1)
    W2all = jnp.concatenate([W2, loop2[None]], axis=0)
    b2all = jnp.zeros((R + 1, 1, D), jnp.float32).at[R, 0].set(b2)

    t1 = _tables(h, W1all, b1all)
    t1h = t1.reshape((R + 1) * N * 2, DH)
    p1lo = _sc_aggregate(gidx3_lo, t1h, dst3, zrows)
    p1hi = _sc_aggregate(gidx3_hi, t1h, dst3, zrows)
    t2 = _combine_tables(p1lo, p1hi, t1, W2all, b2all)
    t2h = t2.reshape((R + 1) * N * 2, DH)
    p2lo = _sc_aggregate(gidx3_lo, t2h, dst3, zrows)
    p2hi = _sc_aggregate(gidx3_hi, t2h, dst3, zrows)
    return _final(p2lo, p2hi, t2, Wc, bc.reshape(1, C))

# --- scband reference (transcript-rebuilt; emitter-appended) ---
"""Pipeline reference for scband-classifier-grid-search-72859825209456 (READ-ONLY COPY).

The authoritative reference and input builder live on the scoring server;
editing this copy changes nothing except your own understanding.
"""

import jax, jax.numpy as jnp
import numpy as np

N_NODES = 10000
N_EDGES = 320000
D = 128
N_REL = 8
N_CLASSES = 16


def setup_inputs(seed: int = 0) -> dict:
    key = jax.random.key(seed)
    ks = jax.random.split(key, 12)
    h = jax.random.normal(ks[0], (N_NODES, D), dtype=jnp.float32)
    edge_index = jax.random.randint(ks[1], (2, N_EDGES), 0, N_NODES, dtype=jnp.int32)
    rel_types = jax.random.randint(ks[2], (N_EDGES,), 0, N_REL, dtype=jnp.int32)
    scale = 1.0 / np.sqrt(D)
    W1 = jax.random.normal(ks[3], (N_REL, D, D), dtype=jnp.float32) * scale
    loop1 = jax.random.normal(ks[4], (D, D), dtype=jnp.float32) * scale
    b1 = jnp.zeros((D,), dtype=jnp.float32)
    W2 = jax.random.normal(ks[5], (N_REL, D, D), dtype=jnp.float32) * scale
    loop2 = jax.random.normal(ks[6], (D, D), dtype=jnp.float32) * scale
    b2 = jnp.zeros((D,), dtype=jnp.float32)
    Wc = jax.random.normal(ks[7], (D, N_CLASSES), dtype=jnp.float32) * scale
    bc = jnp.zeros((N_CLASSES,), dtype=jnp.float32)
    return {"h": h, "edge_index": edge_index, "rel_types": rel_types,
            "W1": W1, "loop1": loop1, "b1": b1,
            "W2": W2, "loop2": loop2, "b2": b2,
            "Wc": Wc, "bc": bc}


def _rel_graph_conv(h, src, dst, rel, W, Wloop, b):
    # DGL RelGraphConv (regularizer=None, self_loop=True, no norm):
    # out[i] = sum_{e: dst(e)=i} W[rel(e)] @ h[src(e)] + Wloop @ h[i] + b
    # low-mem formulation: precompute h @ W[r] for each relation, then gather per-edge.
    hW = jnp.einsum('ni,rio->rno', h, W)          # [R, N, out]
    msg = hW[rel, src]                            # gather: [E, out]
    agg = jnp.zeros((h.shape[0], W.shape[2]), dtype=h.dtype).at[dst].add(msg)
    return agg + h @ Wloop + b


def reference(h, edge_index, rel_types, W1, loop1, b1, W2, loop2, b2, Wc, bc):
    h = h.astype(jnp.float32)
    src = edge_index[0]
    dst = edge_index[1]
    # RGCN layer 0 + ReLU
    x = jax.nn.relu(_rel_graph_conv(h, src, dst, rel_types, W1, loop1, b1))
    # RGCN layer 1 + ReLU
    x = jax.nn.relu(_rel_graph_conv(x, src, dst, rel_types, W2, loop2, b2))
    # contains_fc == False path: dgl.mean_nodes over the (single) graph
    hg = jnp.mean(x, axis=0, keepdims=True)       # [1, D]
    logits = hg @ Wc + bc                         # [1, n_classes]
    return jax.nn.softmax(logits, axis=1)

if __name__ == "__main__":
    import jax
    _d = setup_inputs()
    print(jax.jit(kernel)(*tuple(_d.values())))

</pallas_src>

<mosaic_0001>
#map = affine_map<(d0, d1) -> (0, 0)>
#map1 = affine_map<(d0, d1) -> (0, 0, 0)>
module attributes {stable_mosaic.version = 14 : i64} {
  func.func @_sc_body(%arg0: i32, %arg1: i32, %arg2: memref<180000x64xf32, #tpu.memory_space<hbm>>, %arg3: memref<32x80x128xi32, #tpu.memory_space<hbm>>, %arg4: memref<32x80x128xi32, #tpu.memory_space<hbm>>, %arg5: memref<640x64xf32, #tpu.memory_space<hbm>>, %arg6: memref<2x10240x64xf32, #tpu.memory_space<hbm>>, %arg7: memref<80x128xi32, #tpu.memory_space<vmem>>, %arg8: memref<80x128xi32, #tpu.memory_space<vmem>>, %arg9: memref<128x64xf32, #tpu.memory_space<vmem>>, %arg10: memref<128x64xf32, #tpu.memory_space<vmem>>, %arg11: memref<128x64xf32, #tpu.memory_space<vmem>>, %arg12: memref<128x64xf32, #tpu.memory_space<vmem>>, %arg13: memref<128x64xf32, #tpu.memory_space<vmem>>, %arg14: memref<128x64xf32, #tpu.memory_space<vmem>>, %arg15: memref<128x64xf32, #tpu.memory_space<vmem>>, %arg16: memref<128x64xf32, #tpu.memory_space<vmem>>, %arg17: memref<10240x64xf32, #tpu.memory_space<vmem_shared>>, %arg18: memref<!tpu.dma_semaphore, #tpu.memory_space<semaphore_mem>>, %arg19: memref<!tpu.dma_semaphore, #tpu.memory_space<semaphore_mem>>, %arg20: memref<!tpu.dma_semaphore, #tpu.memory_space<semaphore_mem>>, %arg21: memref<!tpu.dma_semaphore, #tpu.memory_space<semaphore_mem>>, %arg22: memref<!tpu.dma_semaphore, #tpu.memory_space<semaphore_mem>>, %arg23: memref<!tpu.dma_semaphore, #tpu.memory_space<semaphore_mem>>, %arg24: memref<!tpu.dma_semaphore, #tpu.memory_space<semaphore_mem>>, %arg25: memref<!tpu.dma_semaphore, #tpu.memory_space<semaphore_mem>>, %arg26: memref<!tpu.dma_semaphore, #tpu.memory_space<semaphore_mem>>, %arg27: memref<!tpu.dma_semaphore, #tpu.memory_space<semaphore_mem>>, %arg28: memref<!tpu.dma_semaphore, #tpu.memory_space<semaphore_mem>>, %arg29: memref<!tpu.dma_semaphore, #tpu.memory_space<semaphore_mem>>, %arg30: memref<!tpu.dma_semaphore, #tpu.memory_space<semaphore_mem>>, %arg31: memref<!tpu.dma_semaphore, #tpu.memory_space<semaphore_mem>>, %arg32: memref<!tpu.dma_semaphore, #tpu.memory_space<semaphore_mem>>, %arg33: memref<!tpu.dma_semaphore, #tpu.memory_space<semaphore_mem>>) attributes {dimension_semantics = [#tpu.dimension_semantics<core_parallel>, #tpu.dimension_semantics<subcore_parallel>], iteration_bounds = array<i64: 2, 16>, scalar_prefetch = 0 : i64, scratch_operands = 27 : i64, tpu.core_type = #tpu.core_type<sc_vector_subcore>, window_params = [{transform_indices = #map}, {transform_indices = #map1}, {transform_indices = #map1}, {transform_indices = #map}, {transform_indices = #map1}]} {
    %mul3A = arith.constant 2 : i32
    %mul3A_0 = arith.muli %arg1, %mul3A : i32
    %add3A = arith.addi %mul3A_0, %arg0 : i32
    "tpu.region"() ({
      %run_scoped3A = tpu.sem_alloc : memref<!tpu.dma_semaphore, #tpu.memory_space<semaphore_mem>>
      %dma_start3A_93 = arith.constant 0 : i32
      %dma_start3A_94 = arith.constant 0 : i32
      %dma_start3A_95 = tpu.memref_slice %arg3[%add3A, %dma_start3A_93, %dma_start3A_94] : memref<32x80x128xi32, #tpu.memory_space<hbm>> -> memref<1x80x128xi32, #tpu.memory_space<hbm>>
      %dma_start3A_96 = tpu.memref_squeeze %dma_start3A_95 : memref<1x80x128xi32, #tpu.memory_space<hbm>> -> memref<80x128xi32, #tpu.memory_space<hbm>>
      %dma_start3A_97 = arith.constant 0 : i32
      %dma_start3A_98 = arith.constant 0 : i32
      %dma_start3A_99 = tpu.memref_slice %arg3[%add3A, %dma_start3A_97, %dma_start3A_98] : memref<32x80x128xi32, #tpu.memory_space<hbm>> -> memref<1x80x128xi32, #tpu.memory_space<hbm>>
      %dma_start3A_100 = tpu.memref_squeeze %dma_start3A_99 : memref<1x80x128xi32, #tpu.memory_space<hbm>> -> memref<80x128xi32, #tpu.memory_space<hbm>>
      tpu.enqueue_dma source(%dma_start3A_100 : memref<80x128xi32, #tpu.memory_space<hbm>>) target(%arg7 : memref<80x128xi32, #tpu.memory_space<vmem>>) target_semaphore(%run_scoped3A : memref<!tpu.dma_semaphore, #tpu.memory_space<semaphore_mem>>)
      %dma_wait3A_101 = arith.constant 0 : i32
      %dma_wait3A_102 = arith.constant 0 : i32
      %dma_wait3A_103 = tpu.memref_slice %arg3[%add3A, %dma_wait3A_101, %dma_wait3A_102] : memref<32x80x128xi32, #tpu.memory_space<hbm>> -> memref<1x80x128xi32, #tpu.memory_space<hbm>>
      %dma_wait3A_104 = tpu.memref_squeeze %dma_wait3A_103 : memref<1x80x128xi32, #tpu.memory_space<hbm>> -> memref<80x128xi32, #tpu.memory_space<hbm>>
      %dma_wait3A_105 = arith.constant 0 : i32
      %dma_wait3A_106 = arith.constant 0 : i32
      %dma_wait3A_107 = tpu.memref_slice %arg3[%add3A, %dma_wait3A_105, %dma_wait3A_106] : memref<32x80x128xi32, #tpu.memory_space<hbm>> -> memref<1x80x128xi32, #tpu.memory_space<hbm>>
      %dma_wait3A_108 = tpu.memref_squeeze %dma_wait3A_107 : memref<1x80x128xi32, #tpu.memory_space<hbm>> -> memref<80x128xi32, #tpu.memory_space<hbm>>
      tpu.wait_dma2 semaphore(%run_scoped3A : memref<!tpu.dma_semaphore, #tpu.memory_space<semaphore_mem>>) src(%dma_wait3A_108 : memref<80x128xi32, #tpu.memory_space<hbm>>) dst(%arg7 : memref<80x128xi32, #tpu.memory_space<vmem>>)
      tpu.yield
    }) : () -> ()
    "tpu.region"() ({
      %run_scoped3A = tpu.sem_alloc : memref<!tpu.dma_semaphore, #tpu.memory_space<semaphore_mem>>
      %dma_start3A_93 = arith.constant 0 : i32
      %dma_start3A_94 = arith.constant 0 : i32
      %dma_start3A_95 = tpu.memref_slice %arg4[%add3A, %dma_start3A_93, %dma_start3A_94] : memref<32x80x128xi32, #tpu.memory_space<hbm>> -> memref<1x80x128xi32, #tpu.memory_space<hbm>>
      %dma_start3A_96 = tpu.memref_squeeze %dma_start3A_95 : memref<1x80x128xi32, #tpu.memory_space<hbm>> -> memref<80x128xi32, #tpu.memory_space<hbm>>
      %dma_start3A_97 = arith.constant 0 : i32
      %dma_start3A_98 = arith.constant 0 : i32
      %dma_start3A_99 = tpu.memref_slice %arg4[%add3A, %dma_start3A_97, %dma_start3A_98] : memref<32x80x128xi32, #tpu.memory_space<hbm>> -> memref<1x80x128xi32, #tpu.memory_space<hbm>>
      %dma_start3A_100 = tpu.memref_squeeze %dma_start3A_99 : memref<1x80x128xi32, #tpu.memory_space<hbm>> -> memref<80x128xi32, #tpu.memory_space<hbm>>
      tpu.enqueue_dma source(%dma_start3A_100 : memref<80x128xi32, #tpu.memory_space<hbm>>) target(%arg8 : memref<80x128xi32, #tpu.memory_space<vmem>>) target_semaphore(%run_scoped3A : memref<!tpu.dma_semaphore, #tpu.memory_space<semaphore_mem>>)
      %dma_wait3A_101 = arith.constant 0 : i32
      %dma_wait3A_102 = arith.constant 0 : i32
      %dma_wait3A_103 = tpu.memref_slice %arg4[%add3A, %dma_wait3A_101, %dma_wait3A_102] : memref<32x80x128xi32, #tpu.memory_space<hbm>> -> memref<1x80x128xi32, #tpu.memory_space<hbm>>
      %dma_wait3A_104 = tpu.memref_squeeze %dma_wait3A_103 : memref<1x80x128xi32, #tpu.memory_space<hbm>> -> memref<80x128xi32, #tpu.memory_space<hbm>>
      %dma_wait3A_105 = arith.constant 0 : i32
      %dma_wait3A_106 = arith.constant 0 : i32
      %dma_wait3A_107 = tpu.memref_slice %arg4[%add3A, %dma_wait3A_105, %dma_wait3A_106] : memref<32x80x128xi32, #tpu.memory_space<hbm>> -> memref<1x80x128xi32, #tpu.memory_space<hbm>>
      %dma_wait3A_108 = tpu.memref_squeeze %dma_wait3A_107 : memref<1x80x128xi32, #tpu.memory_space<hbm>> -> memref<80x128xi32, #tpu.memory_space<hbm>>
      tpu.wait_dma2 semaphore(%run_scoped3A : memref<!tpu.dma_semaphore, #tpu.memory_space<semaphore_mem>>) src(%dma_wait3A_108 : memref<80x128xi32, #tpu.memory_space<hbm>>) dst(%arg8 : memref<80x128xi32, #tpu.memory_space<vmem>>)
      tpu.yield
    }) : () -> ()
    %mul3A_1 = arith.constant 640 : i32
    %mul3A_2 = arith.muli %arg1, %mul3A_1 : i32
    "tpu.region"() ({
      %run_scoped3A = tpu.sem_alloc : memref<!tpu.dma_semaphore, #tpu.memory_space<semaphore_mem>>
      %dma_start3A_93 = arith.constant 0 : i32
      %dma_start3A_94 = tpu.memref_slice %arg17[%mul3A_2, %dma_start3A_93] : memref<10240x64xf32, #tpu.memory_space<vmem_shared>> -> memref<640x64xf32, #tpu.memory_space<vmem_shared>>
      tpu.enqueue_dma source(%arg5 : memref<640x64xf32, #tpu.memory_space<hbm>>) target(%dma_start3A_94 : memref<640x64xf32, #tpu.memory_space<vmem_shared>>) target_semaphore(%run_scoped3A : memref<!tpu.dma_semaphore, #tpu.memory_space<semaphore_mem>>)
      %dma_wait3A_95 = arith.constant 0 : i32
      %dma_wait3A_96 = tpu.memref_slice %arg17[%mul3A_2, %dma_wait3A_95] : memref<10240x64xf32, #tpu.memory_space<vmem_shared>> -> memref<640x64xf32, #tpu.memory_space<vmem_shared>>
      tpu.wait_dma2 semaphore(%run_scoped3A : memref<!tpu.dma_semaphore, #tpu.memory_space<semaphore_mem>>) src(%arg5 : memref<640x64xf32, #tpu.memory_space<hbm>>) dst(%dma_wait3A_96 : memref<640x64xf32, #tpu.memory_space<vmem_shared>>)
      tpu.yield
    }) : () -> ()
    %barrier3A = arith.constant 0 : index
    tpu.barrier barrier_id(%barrier3A)
    %dma_start3A = arith.constant 0 : i32
    %dma_start3A_3 = arith.constant 0 : i32
    %dma_start3A_4 = tpu.memref_slice %arg7[%dma_start3A, %dma_start3A_3] : memref<80x128xi32, #tpu.memory_space<vmem>> -> memref<1x128xi32, #tpu.memory_space<vmem>>
    %dma_start3A_5 = tpu.memref_squeeze %dma_start3A_4 : memref<1x128xi32, #tpu.memory_space<vmem>> -> memref<128xi32, #tpu.memory_space<vmem>>
    %dma_start3A_6 = arith.constant 0 : i32
    %dma_start3A_7 = arith.constant 0 : i32
    %dma_start3A_8 = tpu.memref_slice %arg2[%dma_start3A_6, %dma_start3A_7] : memref<180000x64xf32, #tpu.memory_space<hbm>> -> memref<180000x64xf32, #tpu.memory_space<hbm>>
    tpu.enqueue_indirect_dma source(%dma_start3A_8 : memref<180000x64xf32, #tpu.memory_space<hbm>>) target(%arg9 : memref<128x64xf32, #tpu.memory_space<vmem>>) offsets(%dma_start3A_5 : memref<128xi32, #tpu.memory_space<vmem>>) semaphore(%arg18 : memref<!tpu.dma_semaphore, #tpu.memory_space<semaphore_mem>>)
    %dma_start3A_9 = arith.constant 1 : i32
    %dma_start3A_10 = arith.constant 0 : i32
    %dma_start3A_11 = tpu.memref_slice %arg7[%dma_start3A_9, %dma_start3A_10] : memref<80x128xi32, #tpu.memory_space<vmem>> -> memref<1x128xi32, #tpu.memory_space<vmem>>
    %dma_start3A_12 = tpu.memref_squeeze %dma_start3A_11 : memref<1x128xi32, #tpu.memory_space<vmem>> -> memref<128xi32, #tpu.memory_space<vmem>>
    %dma_start3A_13 = arith.constant 0 : i32
    %dma_start3A_14 = arith.constant 0 : i32
    %dma_start3A_15 = tpu.memref_slice %arg2[%dma_start3A_13, %dma_start3A_14] : memref<180000x64xf32, #tpu.memory_space<hbm>> -> memref<180000x64xf32, #tpu.memory_space<hbm>>
    tpu.enqueue_indirect_dma source(%dma_start3A_15 : memref<180000x64xf32, #tpu.memory_space<hbm>>) target(%arg10 : memref<128x64xf32, #tpu.memory_space<vmem>>) offsets(%dma_start3A_12 : memref<128xi32, #tpu.memory_space<vmem>>) semaphore(%arg19 : memref<!tpu.dma_semaphore, #tpu.memory_space<semaphore_mem>>)
    %dma_start3A_16 = arith.constant 2 : i32
    %dma_start3A_17 = arith.constant 0 : i32
    %dma_start3A_18 = tpu.memref_slice %arg7[%dma_start3A_16, %dma_start3A_17] : memref<80x128xi32, #tpu.memory_space<vmem>> -> memref<1x128xi32, #tpu.memory_space<vmem>>
    %dma_start3A_19 = tpu.memref_squeeze %dma_start3A_18 : memref<1x128xi32, #tpu.memory_space<vmem>> -> memref<128xi32, #tpu.memory_space<vmem>>
    %dma_start3A_20 = arith.constant 0 : i32
    %dma_start3A_21 = arith.constant 0 : i32
    %dma_start3A_22 = tpu.memref_slice %arg2[%dma_start3A_20, %dma_start3A_21] : memref<180000x64xf32, #tpu.memory_space<hbm>> -> memref<180000x64xf32, #tpu.memory_space<hbm>>
    tpu.enqueue_indirect_dma source(%dma_start3A_22 : memref<180000x64xf32, #tpu.memory_space<hbm>>) target(%arg11 : memref<128x64xf32, #tpu.memory_space<vmem>>) offsets(%dma_start3A_19 : memref<128xi32, #tpu.memory_space<vmem>>) semaphore(%arg20 : memref<!tpu.dma_semaphore, #tpu.memory_space<semaphore_mem>>)
    %dma_start3A_23 = arith.constant 3 : i32
    %dma_start3A_24 = arith.constant 0 : i32
    %dma_start3A_25 = tpu.memref_slice %arg7[%dma_start3A_23, %dma_start3A_24] : memref<80x128xi32, #tpu.memory_space<vmem>> -> memref<1x128xi32, #tpu.memory_space<vmem>>
    %dma_start3A_26 = tpu.memref_squeeze %dma_start3A_25 : memref<1x128xi32, #tpu.memory_space<vmem>> -> memref<128xi32, #tpu.memory_space<vmem>>
    %dma_start3A_27 = arith.constant 0 : i32
    %dma_start3A_28 = arith.constant 0 : i32
    %dma_start3A_29 = tpu.memref_slice %arg2[%dma_start3A_27, %dma_start3A_28] : memref<180000x64xf32, #tpu.memory_space<hbm>> -> memref<180000x64xf32, #tpu.memory_space<hbm>>
    tpu.enqueue_indirect_dma source(%dma_start3A_29 : memref<180000x64xf32, #tpu.memory_space<hbm>>) target(%arg12 : memref<128x64xf32, #tpu.memory_space<vmem>>) offsets(%dma_start3A_26 : memref<128xi32, #tpu.memory_space<vmem>>) semaphore(%arg21 : memref<!tpu.dma_semaphore, #tpu.memory_space<semaphore_mem>>)
    %scan3A = arith.constant 0 : i32
    %scan3A_30 = arith.constant 0 : i32
    %scan3A_31 = arith.constant 10 : i32
    %scan3A_32 = arith.addi %scan3A_30, %scan3A_31 : i32
    %scan3A_33 = arith.constant 1 : i32
    scf.for %scan3A_93 = %scan3A_30 to %scan3A_32 step %scan3A_33  : i32 {
      %mul3A_94 = arith.constant 8 : i32
      %mul3A_95 = arith.muli %scan3A_93, %mul3A_94 : i32
      %add3A_96 = arith.constant 0 : i32
      %add3A_97 = arith.addi %mul3A_95, %add3A_96 : i32
      %dma_wait3A_98 = arith.constant 0 : i32
      %dma_wait3A_99 = tpu.memref_slice %arg7[%add3A_97, %dma_wait3A_98] : memref<80x128xi32, #tpu.memory_space<vmem>> -> memref<1x128xi32, #tpu.memory_space<vmem>>
      %dma_wait3A_100 = tpu.memref_squeeze %dma_wait3A_99 : memref<1x128xi32, #tpu.memory_space<vmem>> -> memref<128xi32, #tpu.memory_space<vmem>>
      %dma_wait3A_101 = arith.constant 0 : i32
      %dma_wait3A_102 = arith.constant 0 : i32
      %dma_wait3A_103 = tpu.memref_slice %arg2[%dma_wait3A_101, %dma_wait3A_102] : memref<180000x64xf32, #tpu.memory_space<hbm>> -> memref<180000x64xf32, #tpu.memory_space<hbm>>
      tpu.wait_indirect_dma semaphore(%arg18 : memref<!tpu.dma_semaphore, #tpu.memory_space<semaphore_mem>>) src(%dma_wait3A_103 : memref<180000x64xf32, #tpu.memory_space<hbm>>) dst(%arg9 : memref<128x64xf32, #tpu.memory_space<vmem>>)
      %dma_start3A_104 = arith.constant 0 : i32
      %dma_start3A_105 = tpu.memref_slice %arg8[%add3A_97, %dma_start3A_104] : memref<80x128xi32, #tpu.memory_space<vmem>> -> memref<1x128xi32, #tpu.memory_space<vmem>>
      %dma_start3A_106 = tpu.memref_squeeze %dma_start3A_105 : memref<1x128xi32, #tpu.memory_space<vmem>> -> memref<128xi32, #tpu.memory_space<vmem>>
      %dma_start3A_107 = arith.constant 0 : i32
      %dma_start3A_108 = arith.constant 0 : i32
      %dma_start3A_109 = tpu.memref_slice %arg17[%dma_start3A_107, %dma_start3A_108] : memref<10240x64xf32, #tpu.memory_space<vmem_shared>> -> memref<10240x64xf32, #tpu.memory_space<vmem_shared>>
      tpu.enqueue_indirect_dma source(%arg9 : memref<128x64xf32, #tpu.memory_space<vmem>>) target(%dma_start3A_109 : memref<10240x64xf32, #tpu.memory_space<vmem_shared>>) offsets(%dma_start3A_106 : memref<128xi32, #tpu.memory_space<vmem>>) semaphore(%arg26 : memref<!tpu.dma_semaphore, #tpu.memory_space<semaphore_mem>>) {add = true}
      %add3A_110 = arith.constant 4 : i32
      %add3A_111 = arith.addi %add3A_97, %add3A_110 : i32
      %lt3A = arith.constant 80 : i32
      %lt3A_112 = arith.cmpi slt, %add3A_111, %lt3A : i32
      %convert_element_type3A = arith.extui %lt3A_112 : i1 to i32
      %cond3A = arith.constant 0 : i32
      %cond3A_113 = arith.cmpi ne, %convert_element_type3A, %cond3A : i32
      scf.if %cond3A_113 {
        %ge3A = arith.constant 4 : i32
        %ge3A_261 = arith.cmpi sge, %add3A_97, %ge3A : i32
        %convert_element_type3A_262 = arith.extui %ge3A_261 : i1 to i32
        %cond3A_263 = arith.constant 0 : i32
        %cond3A_264 = arith.cmpi ne, %convert_element_type3A_262, %cond3A_263 : i32
        scf.if %cond3A_264 {
          %sub3A = arith.constant 4 : i32
          %sub3A_273 = arith.subi %add3A_97, %sub3A : i32
          %dma_wait3A_274 = arith.constant 0 : i32
          %dma_wait3A_275 = tpu.memref_slice %arg8[%sub3A_273, %dma_wait3A_274] : memref<80x128xi32, #tpu.memory_space<vmem>> -> memref<1x128xi32, #tpu.memory_space<vmem>>
          %dma_wait3A_276 = tpu.memref_squeeze %dma_wait3A_275 : memref<1x128xi32, #tpu.memory_space<vmem>> -> memref<128xi32, #tpu.memory_space<vmem>>
          %dma_wait3A_277 = arith.constant 0 : i32
          %dma_wait3A_278 = arith.constant 0 : i32
          %dma_wait3A_279 = tpu.memref_slice %arg17[%dma_wait3A_277, %dma_wait3A_278] : memref<10240x64xf32, #tpu.memory_space<vmem_shared>> -> memref<10240x64xf32, #tpu.memory_space<vmem_shared>>
          tpu.wait_indirect_dma semaphore(%arg30 : memref<!tpu.dma_semaphore, #tpu.memory_space<semaphore_mem>>) src(%arg13 : memref<128x64xf32, #tpu.memory_space<vmem>>) dst(%dma_wait3A_279 : memref<10240x64xf32, #tpu.memory_space<vmem_shared>>)
        } else {
        }
        %add3A_265 = arith.constant 4 : i32
        %add3A_266 = arith.addi %add3A_97, %add3A_265 : i32
        %dma_start3A_267 = arith.constant 0 : i32
        %dma_start3A_268 = tpu.memref_slice %arg7[%add3A_266, %dma_start3A_267] : memref<80x128xi32, #tpu.memory_space<vmem>> -> memref<1x128xi32, #tpu.memory_space<vmem>>
        %dma_start3A_269 = tpu.memref_squeeze %dma_start3A_268 : memref<1x128xi32, #tpu.memory_space<vmem>> -> memref<128xi32, #tpu.memory_space<vmem>>
        %dma_start3A_270 = arith.constant 0 : i32
        %dma_start3A_271 = arith.constant 0 : i32
        %dma_start3A_272 = tpu.memref_slice %arg2[%dma_start3A_270, %dma_start3A_271] : memref<180000x64xf32, #tpu.memory_space<hbm>> -> memref<180000x64xf32, #tpu.memory_space<hbm>>
        tpu.enqueue_indirect_dma source(%dma_start3A_272 : memref<180000x64xf32, #tpu.memory_space<hbm>>) target(%arg13 : memref<128x64xf32, #tpu.memory_space<vmem>>) offsets(%dma_start3A_269 : memref<128xi32, #tpu.memory_space<vmem>>) semaphore(%arg22 : memref<!tpu.dma_semaphore, #tpu.memory_space<semaphore_mem>>)
      } else {
      }
      %add3A_114 = arith.constant 1 : i32
      %add3A_115 = arith.addi %mul3A_95, %add3A_114 : i32
      %dma_wait3A_116 = arith.constant 0 : i32
      %dma_wait3A_117 = tpu.memref_slice %arg7[%add3A_115, %dma_wait3A_116] : memref<80x128xi32, #tpu.memory_space<vmem>> -> memref<1x128xi32, #tpu.memory_space<vmem>>
      %dma_wait3A_118 = tpu.memref_squeeze %dma_wait3A_117 : memref<1x128xi32, #tpu.memory_space<vmem>> -> memref<128xi32, #tpu.memory_space<vmem>>
      %dma_wait3A_119 = arith.constant 0 : i32
      %dma_wait3A_120 = arith.constant 0 : i32
      %dma_wait3A_121 = tpu.memref_slice %arg2[%dma_wait3A_119, %dma_wait3A_120] : memref<180000x64xf32, #tpu.memory_space<hbm>> -> memref<180000x64xf32, #tpu.memory_space<hbm>>
      tpu.wait_indirect_dma semaphore(%arg19 : memref<!tpu.dma_semaphore, #tpu.memory_space<semaphore_mem>>) src(%dma_wait3A_121 : memref<180000x64xf32, #tpu.memory_space<hbm>>) dst(%arg10 : memref<128x64xf32, #tpu.memory_space<vmem>>)
      %dma_start3A_122 = arith.constant 0 : i32
      %dma_start3A_123 = tpu.memref_slice %arg8[%add3A_115, %dma_start3A_122] : memref<80x128xi32, #tpu.memory_space<vmem>> -> memref<1x128xi32, #tpu.memory_space<vmem>>
      %dma_start3A_124 = tpu.memref_squeeze %dma_start3A_123 : memref<1x128xi32, #tpu.memory_space<vmem>> -> memref<128xi32, #tpu.memory_space<vmem>>
      %dma_start3A_125 = arith.constant 0 : i32
      %dma_start3A_126 = arith.constant 0 : i32
      %dma_start3A_127 = tpu.memref_slice %arg17[%dma_start3A_125, %dma_start3A_126] : memref<10240x64xf32, #tpu.memory_space<vmem_shared>> -> memref<10240x64xf32, #tpu.memory_space<vmem_shared>>
      tpu.enqueue_indirect_dma source(%arg10 : memref<128x64xf32, #tpu.memory_space<vmem>>) target(%dma_start3A_127 : memref<10240x64xf32, #tpu.memory_space<vmem_shared>>) offsets(%dma_start3A_124 : memref<128xi32, #tpu.memory_space<vmem>>) semaphore(%arg27 : memref<!tpu.dma_semaphore, #tpu.memory_space<semaphore_mem>>) {add = true}
      %add3A_128 = arith.constant 4 : i32
      %add3A_129 = arith.addi %add3A_115, %add3A_128 : i32
      %lt3A_130 = arith.constant 80 : i32
      %lt3A_131 = arith.cmpi slt, %add3A_129, %lt3A_130 : i32
      %convert_element_type3A_132 = arith.extui %lt3A_131 : i1 to i32
      %cond3A_133 = arith.constant 0 : i32
      %cond3A_134 = arith.cmpi ne, %convert_element_type3A_132, %cond3A_133 : i32
      scf.if %cond3A_134 {
        %ge3A = arith.constant 4 : i32
        %ge3A_261 = arith.cmpi sge, %add3A_115, %ge3A : i32
        %convert_element_type3A_262 = arith.extui %ge3A_261 : i1 to i32
        %cond3A_263 = arith.constant 0 : i32
        %cond3A_264 = arith.cmpi ne, %convert_element_type3A_262, %cond3A_263 : i32
        scf.if %cond3A_264 {
          %sub3A = arith.constant 4 : i32
          %sub3A_273 = arith.subi %add3A_115, %sub3A : i32
          %dma_wait3A_274 = arith.constant 0 : i32
          %dma_wait3A_275 = tpu.memref_slice %arg8[%sub3A_273, %dma_wait3A_274] : memref<80x128xi32, #tpu.memory_space<vmem>> -> memref<1x128xi32, #tpu.memory_space<vmem>>
          %dma_wait3A_276 = tpu.memref_squeeze %dma_wait3A_275 : memref<1x128xi32, #tpu.memory_space<vmem>> -> memref<128xi32, #tpu.memory_space<vmem>>
          %dma_wait3A_277 = arith.constant 0 : i32
          %dma_wait3A_278 = arith.constant 0 : i32
          %dma_wait3A_279 = tpu.memref_slice %arg17[%dma_wait3A_277, %dma_wait3A_278] : memref<10240x64xf32, #tpu.memory_space<vmem_shared>> -> memref<10240x64xf32, #tpu.memory_space<vmem_shared>>
          tpu.wait_indirect_dma semaphore(%arg31 : memref<!tpu.dma_semaphore, #tpu.memory_space<semaphore_mem>>) src(%arg14 : memref<128x64xf32, #tpu.memory_space<vmem>>) dst(%dma_wait3A_279 : memref<10240x64xf32, #tpu.memory_space<vmem_shared>>)
        } else {
        }
        %add3A_265 = arith.constant 4 : i32
        %add3A_266 = arith.addi %add3A_115, %add3A_265 : i32
        %dma_start3A_267 = arith.constant 0 : i32
        %dma_start3A_268 = tpu.memref_slice %arg7[%add3A_266, %dma_start3A_267] : memref<80x128xi32, #tpu.memory_space<vmem>> -> memref<1x128xi32, #tpu.memory_space<vmem>>
        %dma_start3A_269 = tpu.memref_squeeze %dma_start3A_268 : memref<1x128xi32, #tpu.memory_space<vmem>> -> memref<128xi32, #tpu.memory_space<vmem>>
        %dma_start3A_270 = arith.constant 0 : i32
        %dma_start3A_271 = arith.constant 0 : i32
        %dma_start3A_272 = tpu.memref_slice %arg2[%dma_start3A_270, %dma_start3A_271] : memref<180000x64xf32, #tpu.memory_space<hbm>> -> memref<180000x64xf32, #tpu.memory_space<hbm>>
        tpu.enqueue_indirect_dma source(%dma_start3A_272 : memref<180000x64xf32, #tpu.memory_space<hbm>>) target(%arg14 : memref<128x64xf32, #tpu.memory_space<vmem>>) offsets(%dma_start3A_269 : memref<128xi32, #tpu.memory_space<vmem>>) semaphore(%arg23 : memref<!tpu.dma_semaphore, #tpu.memory_space<semaphore_mem>>)
      } else {
      }
      %add3A_135 = arith.constant 2 : i32
      %add3A_136 = arith.addi %mul3A_95, %add3A_135 : i32
      %dma_wait3A_137 = arith.constant 0 : i32
      %dma_wait3A_138 = tpu.memref_slice %arg7[%add3A_136, %dma_wait3A_137] : memref<80x128xi32, #tpu.memory_space<vmem>> -> memref<1x128xi32, #tpu.memory_space<vmem>>
      %dma_wait3A_139 = tpu.memref_squeeze %dma_wait3A_138 : memref<1x128xi32, #tpu.memory_space<vmem>> -> memref<128xi32, #tpu.memory_space<vmem>>
      %dma_wait3A_140 = arith.constant 0 : i32
      %dma_wait3A_141 = arith.constant 0 : i32
      %dma_wait3A_142 = tpu.memref_slice %arg2[%dma_wait3A_140, %dma_wait3A_141] : memref<180000x64xf32, #tpu.memory_space<hbm>> -> memref<180000x64xf32, #tpu.memory_space<hbm>>
      tpu.wait_indirect_dma semaphore(%arg20 : memref<!tpu.dma_semaphore, #tpu.memory_space<semaphore_mem>>) src(%dma_wait3A_142 : memref<180000x64xf32, #tpu.memory_space<hbm>>) dst(%arg11 : memref<128x64xf32, #tpu.memory_space<vmem>>)
      %dma_start3A_143 = arith.constant 0 : i32
      %dma_start3A_144 = tpu.memref_slice %arg8[%add3A_136, %dma_start3A_143] : memref<80x128xi32, #tpu.memory_space<vmem>> -> memref<1x128xi32, #tpu.memory_space<vmem>>
      %dma_start3A_145 = tpu.memref_squeeze %dma_start3A_144 : memref<1x128xi32, #tpu.memory_space<vmem>> -> memref<128xi32, #tpu.memory_space<vmem>>
      %dma_start3A_146 = arith.constant 0 : i32
      %dma_start3A_147 = arith.constant 0 : i32
      %dma_start3A_148 = tpu.memref_slice %arg17[%dma_start3A_146, %dma_start3A_147] : memref<10240x64xf32, #tpu.memory_space<vmem_shared>> -> memref<10240x64xf32, #tpu.memory_space<vmem_shared>>
      tpu.enqueue_indirect_dma source(%arg11 : memref<128x64xf32, #tpu.memory_space<vmem>>) target(%dma_start3A_148 : memref<10240x64xf32, #tpu.memory_space<vmem_shared>>) offsets(%dma_start3A_145 : memref<128xi32, #tpu.memory_space<vmem>>) semaphore(%arg28 : memref<!tpu.dma_semaphore, #tpu.memory_space<semaphore_mem>>) {add = true}
      %add3A_149 = arith.constant 4 : i32
      %add3A_150 = arith.addi %add3A_136, %add3A_149 : i32
      %lt3A_151 = arith.constant 80 : i32
      %lt3A_152 = arith.cmpi slt, %add3A_150, %lt3A_151 : i32
      %convert_element_type3A_153 = arith.extui %lt3A_152 : i1 to i32
      %cond3A_154 = arith.constant 0 : i32
      %cond3A_155 = arith.cmpi ne, %convert_element_type3A_153, %cond3A_154 : i32
      scf.if %cond3A_155 {
        %ge3A = arith.constant 4 : i32
        %ge3A_261 = arith.cmpi sge, %add3A_136, %ge3A : i32
        %convert_element_type3A_262 = arith.extui %ge3A_261 : i1 to i32
        %cond3A_263 = arith.constant 0 : i32
        %cond3A_264 = arith.cmpi ne, %convert_element_type3A_262, %cond3A_263 : i32
        scf.if %cond3A_264 {
          %sub3A = arith.constant 4 : i32
          %sub3A_273 = arith.subi %add3A_136, %sub3A : i32
          %dma_wait3A_274 = arith.constant 0 : i32
          %dma_wait3A_275 = tpu.memref_slice %arg8[%sub3A_273, %dma_wait3A_274] : memref<80x128xi32, #tpu.memory_space<vmem>> -> memref<1x128xi32, #tpu.memory_space<vmem>>
          %dma_wait3A_276 = tpu.memref_squeeze %dma_wait3A_275 : memref<1x128xi32, #tpu.memory_space<vmem>> -> memref<128xi32, #tpu.memory_space<vmem>>
          %dma_wait3A_277 = arith.constant 0 : i32
          %dma_wait3A_278 = arith.constant 0 : i32
          %dma_wait3A_279 = tpu.memref_slice %arg17[%dma_wait3A_277, %dma_wait3A_278] : memref<10240x64xf32, #tpu.memory_space<vmem_shared>> -> memref<10240x64xf32, #tpu.memory_space<vmem_shared>>
          tpu.wait_indirect_dma semaphore(%arg32 : memref<!tpu.dma_semaphore, #tpu.memory_space<semaphore_mem>>) src(%arg15 : memref<128x64xf32, #tpu.memory_space<vmem>>) dst(%dma_wait3A_279 : memref<10240x64xf32, #tpu.memory_space<vmem_shared>>)
        } else {
        }
        %add3A_265 = arith.constant 4 : i32
        %add3A_266 = arith.addi %add3A_136, %add3A_265 : i32
        %dma_start3A_267 = arith.constant 0 : i32
        %dma_start3A_268 = tpu.memref_slice %arg7[%add3A_266, %dma_start3A_267] : memref<80x128xi32, #tpu.memory_space<vmem>> -> memref<1x128xi32, #tpu.memory_space<vmem>>
        %dma_start3A_269 = tpu.memref_squeeze %dma_start3A_268 : memref<1x128xi32, #tpu.memory_space<vmem>> -> memref<128xi32, #tpu.memory_space<vmem>>
        %dma_start3A_270 = arith.constant 0 : i32
        %dma_start3A_271 = arith.constant 0 : i32
        %dma_start3A_272 = tpu.memref_slice %arg2[%dma_start3A_270, %dma_start3A_271] : memref<180000x64xf32, #tpu.memory_space<hbm>> -> memref<180000x64xf32, #tpu.memory_space<hbm>>
        tpu.enqueue_indirect_dma source(%dma_start3A_272 : memref<180000x64xf32, #tpu.memory_space<hbm>>) target(%arg15 : memref<128x64xf32, #tpu.memory_space<vmem>>) offsets(%dma_start3A_269 : memref<128xi32, #tpu.memory_space<vmem>>) semaphore(%arg24 : memref<!tpu.dma_semaphore, #tpu.memory_space<semaphore_mem>>)
      } else {
      }
      %add3A_156 = arith.constant 3 : i32
      %add3A_157 = arith.addi %mul3A_95, %add3A_156 : i32
      %dma_wait3A_158 = arith.constant 0 : i32
      %dma_wait3A_159 = tpu.memref_slice %arg7[%add3A_157, %dma_wait3A_158] : memref<80x128xi32, #tpu.memory_space<vmem>> -> memref<1x128xi32, #tpu.memory_space<vmem>>
      %dma_wait3A_160 = tpu.memref_squeeze %dma_wait3A_159 : memref<1x128xi32, #tpu.memory_space<vmem>> -> memref<128xi32, #tpu.memory_space<vmem>>
      %dma_wait3A_161 = arith.constant 0 : i32
      %dma_wait3A_162 = arith.constant 0 : i32
      %dma_wait3A_163 = tpu.memref_slice %arg2[%dma_wait3A_161, %dma_wait3A_162] : memref<180000x64xf32, #tpu.memory_space<hbm>> -> memref<180000x64xf32, #tpu.memory_space<hbm>>
      tpu.wait_indirect_dma semaphore(%arg21 : memref<!tpu.dma_semaphore, #tpu.memory_space<semaphore_mem>>) src(%dma_wait3A_163 : memref<180000x64xf32, #tpu.memory_space<hbm>>) dst(%arg12 : memref<128x64xf32, #tpu.memory_space<vmem>>)
      %dma_start3A_164 = arith.constant 0 : i32
      %dma_start3A_165 = tpu.memref_slice %arg8[%add3A_157, %dma_start3A_164] : memref<80x128xi32, #tpu.memory_space<vmem>> -> memref<1x128xi32, #tpu.memory_space<vmem>>
      %dma_start3A_166 = tpu.memref_squeeze %dma_start3A_165 : memref<1x128xi32, #tpu.memory_space<vmem>> -> memref<128xi32, #tpu.memory_space<vmem>>
      %dma_start3A_167 = arith.constant 0 : i32
      %dma_start3A_168 = arith.constant 0 : i32
      %dma_start3A_169 = tpu.memref_slice %arg17[%dma_start3A_167, %dma_start3A_168] : memref<10240x64xf32, #tpu.memory_space<vmem_shared>> -> memref<10240x64xf32, #tpu.memory_space<vmem_shared>>
      tpu.enqueue_indirect_dma source(%arg12 : memref<128x64xf32, #tpu.memory_space<vmem>>) target(%dma_start3A_169 : memref<10240x64xf32, #tpu.memory_space<vmem_shared>>) offsets(%dma_start3A_166 : memref<128xi32, #tpu.memory_space<vmem>>) semaphore(%arg29 : memref<!tpu.dma_semaphore, #tpu.memory_space<semaphore_mem>>) {add = true}
      %add3A_170 = arith.constant 4 : i32
      %add3A_171 = arith.addi %add3A_157, %add3A_170 : i32
      %lt3A_172 = arith.constant 80 : i32
      %lt3A_173 = arith.cmpi slt, %add3A_171, %lt3A_172 : i32
      %convert_element_type3A_174 = arith.extui %lt3A_173 : i1 to i32
      %cond3A_175 = arith.constant 0 : i32
      %cond3A_176 = arith.cmpi ne, %convert_element_type3A_174, %cond3A_175 : i32
      scf.if %cond3A_176 {
        %ge3A = arith.constant 4 : i32
        %ge3A_261 = arith.cmpi sge, %add3A_157, %ge3A : i32
        %convert_element_type3A_262 = arith.extui %ge3A_261 : i1 to i32
        %cond3A_263 = arith.constant 0 : i32
        %cond3A_264 = arith.cmpi ne, %convert_element_type3A_262, %cond3A_263 : i32
        scf.if %cond3A_264 {
          %sub3A = arith.constant 4 : i32
          %sub3A_273 = arith.subi %add3A_157, %sub3A : i32
          %dma_wait3A_274 = arith.constant 0 : i32
          %dma_wait3A_275 = tpu.memref_slice %arg8[%sub3A_273, %dma_wait3A_274] : memref<80x128xi32, #tpu.memory_space<vmem>> -> memref<1x128xi32, #tpu.memory_space<vmem>>
          %dma_wait3A_276 = tpu.memref_squeeze %dma_wait3A_275 : memref<1x128xi32, #tpu.memory_space<vmem>> -> memref<128xi32, #tpu.memory_space<vmem>>
          %dma_wait3A_277 = arith.constant 0 : i32
          %dma_wait3A_278 = arith.constant 0 : i32
          %dma_wait3A_279 = tpu.memref_slice %arg17[%dma_wait3A_277, %dma_wait3A_278] : memref<10240x64xf32, #tpu.memory_space<vmem_shared>> -> memref<10240x64xf32, #tpu.memory_space<vmem_shared>>
          tpu.wait_indirect_dma semaphore(%arg33 : memref<!tpu.dma_semaphore, #tpu.memory_space<semaphore_mem>>) src(%arg16 : memref<128x64xf32, #tpu.memory_space<vmem>>) dst(%dma_wait3A_279 : memref<10240x64xf32, #tpu.memory_space<vmem_shared>>)
        } else {
        }
        %add3A_265 = arith.constant 4 : i32
        %add3A_266 = arith.addi %add3A_157, %add3A_265 : i32
        %dma_start3A_267 = arith.constant 0 : i32
        %dma_start3A_268 = tpu.memref_slice %arg7[%add3A_266, %dma_start3A_267] : memref<80x128xi32, #tpu.memory_space<vmem>> -> memref<1x128xi32, #tpu.memory_space<vmem>>
        %dma_start3A_269 = tpu.memref_squeeze %dma_start3A_268 : memref<1x128xi32, #tpu.memory_space<vmem>> -> memref<128xi32, #tpu.memory_space<vmem>>
        %dma_start3A_270 = arith.constant 0 : i32
        %dma_start3A_271 = arith.constant 0 : i32
        %dma_start3A_272 = tpu.memref_slice %arg2[%dma_start3A_270, %dma_start3A_271] : memref<180000x64xf32, #tpu.memory_space<hbm>> -> memref<180000x64xf32, #tpu.memory_space<hbm>>
        tpu.enqueue_indirect_dma source(%dma_start3A_272 : memref<180000x64xf32, #tpu.memory_space<hbm>>) target(%arg16 : memref<128x64xf32, #tpu.memory_space<vmem>>) offsets(%dma_start3A_269 : memref<128xi32, #tpu.memory_space<vmem>>) semaphore(%arg25 : memref<!tpu.dma_semaphore, #tpu.memory_space<semaphore_mem>>)
      } else {
      }
      %add3A_177 = arith.constant 4 : i32
      %add3A_178 = arith.addi %mul3A_95, %add3A_177 : i32
      %dma_wait3A_179 = arith.constant 0 : i32
      %dma_wait3A_180 = tpu.memref_slice %arg7[%add3A_178, %dma_wait3A_179] : memref<80x128xi32, #tpu.memory_space<vmem>> -> memref<1x128xi32, #tpu.memory_space<vmem>>
      %dma_wait3A_181 = tpu.memref_squeeze %dma_wait3A_180 : memref<1x128xi32, #tpu.memory_space<vmem>> -> memref<128xi32, #tpu.memory_space<vmem>>
      %dma_wait3A_182 = arith.constant 0 : i32
      %dma_wait3A_183 = arith.constant 0 : i32
      %dma_wait3A_184 = tpu.memref_slice %arg2[%dma_wait3A_182, %dma_wait3A_183] : memref<180000x64xf32, #tpu.memory_space<hbm>> -> memref<180000x64xf32, #tpu.memory_space<hbm>>
      tpu.wait_indirect_dma semaphore(%arg22 : memref<!tpu.dma_semaphore, #tpu.memory_space<semaphore_mem>>) src(%dma_wait3A_184 : memref<180000x64xf32, #tpu.memory_space<hbm>>) dst(%arg13 : memref<128x64xf32, #tpu.memory_space<vmem>>)
      %dma_start3A_185 = arith.constant 0 : i32
      %dma_start3A_186 = tpu.memref_slice %arg8[%add3A_178, %dma_start3A_185] : memref<80x128xi32, #tpu.memory_space<vmem>> -> memref<1x128xi32, #tpu.memory_space<vmem>>
      %dma_start3A_187 = tpu.memref_squeeze %dma_start3A_186 : memref<1x128xi32, #tpu.memory_space<vmem>> -> memref<128xi32, #tpu.memory_space<vmem>>
      %dma_start3A_188 = arith.constant 0 : i32
      %dma_start3A_189 = arith.constant 0 : i32
      %dma_start3A_190 = tpu.memref_slice %arg17[%dma_start3A_188, %dma_start3A_189] : memref<10240x64xf32, #tpu.memory_space<vmem_shared>> -> memref<10240x64xf32, #tpu.memory_space<vmem_shared>>
      tpu.enqueue_indirect_dma source(%arg13 : memref<128x64xf32, #tpu.memory_space<vmem>>) target(%dma_start3A_190 : memref<10240x64xf32, #tpu.memory_space<vmem_shared>>) offsets(%dma_start3A_187 : memref<128xi32, #tpu.memory_space<vmem>>) semaphore(%arg30 : memref<!tpu.dma_semaphore, #tpu.memory_space<semaphore_mem>>) {add = true}
      %add3A_191 = arith.constant 4 : i32
      %add3A_192 = arith.addi %add3A_178, %add3A_191 : i32
      %lt3A_193 = arith.constant 80 : i32
      %lt3A_194 = arith.cmpi slt, %add3A_192, %lt3A_193 : i32
      %convert_element_type3A_195 = arith.extui %lt3A_194 : i1 to i32
      %cond3A_196 = arith.constant 0 : i32
      %cond3A_197 = arith.cmpi ne, %convert_element_type3A_195, %cond3A_196 : i32
      scf.if %cond3A_197 {
        %ge3A = arith.constant 4 : i32
        %ge3A_261 = arith.cmpi sge, %add3A_178, %ge3A : i32
        %convert_element_type3A_262 = arith.extui %ge3A_261 : i1 to i32
        %cond3A_263 = arith.constant 0 : i32
        %cond3A_264 = arith.cmpi ne, %convert_element_type3A_262, %cond3A_263 : i32
        scf.if %cond3A_264 {
          %sub3A = arith.constant 4 : i32
          %sub3A_273 = arith.subi %add3A_178, %sub3A : i32
          %dma_wait3A_274 = arith.constant 0 : i32
          %dma_wait3A_275 = tpu.memref_slice %arg8[%sub3A_273, %dma_wait3A_274] : memref<80x128xi32, #tpu.memory_space<vmem>> -> memref<1x128xi32, #tpu.memory_space<vmem>>
          %dma_wait3A_276 = tpu.memref_squeeze %dma_wait3A_275 : memref<1x128xi32, #tpu.memory_space<vmem>> -> memref<128xi32, #tpu.memory_space<vmem>>
          %dma_wait3A_277 = arith.constant 0 : i32
          %dma_wait3A_278 = arith.constant 0 : i32
          %dma_wait3A_279 = tpu.memref_slice %arg17[%dma_wait3A_277, %dma_wait3A_278] : memref<10240x64xf32, #tpu.memory_space<vmem_shared>> -> memref<10240x64xf32, #tpu.memory_space<vmem_shared>>
          tpu.wait_indirect_dma semaphore(%arg26 : memref<!tpu.dma_semaphore, #tpu.memory_space<semaphore_mem>>) src(%arg9 : memref<128x64xf32, #tpu.memory_space<vmem>>) dst(%dma_wait3A_279 : memref<10240x64xf32, #tpu.memory_space<vmem_shared>>)
        } else {
        }
        %add3A_265 = arith.constant 4 : i32
        %add3A_266 = arith.addi %add3A_178, %add3A_265 : i32
        %dma_start3A_267 = arith.constant 0 : i32
        %dma_start3A_268 = tpu.memref_slice %arg7[%add3A_266, %dma_start3A_267] : memref<80x128xi32, #tpu.memory_space<vmem>> -> memref<1x128xi32, #tpu.memory_space<vmem>>
        %dma_start3A_269 = tpu.memref_squeeze %dma_start3A_268 : memref<1x128xi32, #tpu.memory_space<vmem>> -> memref<128xi32, #tpu.memory_space<vmem>>
        %dma_start3A_270 = arith.constant 0 : i32
        %dma_start3A_271 = arith.constant 0 : i32
        %dma_start3A_272 = tpu.memref_slice %arg2[%dma_start3A_270, %dma_start3A_271] : memref<180000x64xf32, #tpu.memory_space<hbm>> -> memref<180000x64xf32, #tpu.memory_space<hbm>>
        tpu.enqueue_indirect_dma source(%dma_start3A_272 : memref<180000x64xf32, #tpu.memory_space<hbm>>) target(%arg9 : memref<128x64xf32, #tpu.memory_space<vmem>>) offsets(%dma_start3A_269 : memref<128xi32, #tpu.memory_space<vmem>>) semaphore(%arg18 : memref<!tpu.dma_semaphore, #tpu.memory_space<semaphore_mem>>)
      } else {
      }
      %add3A_198 = arith.constant 5 : i32
      %add3A_199 = arith.addi %mul3A_95, %add3A_198 : i32
      %dma_wait3A_200 = arith.constant 0 : i32
      %dma_wait3A_201 = tpu.memref_slice %arg7[%add3A_199, %dma_wait3A_200] : memref<80x128xi32, #tpu.memory_space<vmem>> -> memref<1x128xi32, #tpu.memory_space<vmem>>
      %dma_wait3A_202 = tpu.memref_squeeze %dma_wait3A_201 : memref<1x128xi32, #tpu.memory_space<vmem>> -> memref<128xi32, #tpu.memory_space<vmem>>
      %dma_wait3A_203 = arith.constant 0 : i32
      %dma_wait3A_204 = arith.constant 0 : i32
      %dma_wait3A_205 = tpu.memref_slice %arg2[%dma_wait3A_203, %dma_wait3A_204] : memref<180000x64xf32, #tpu.memory_space<hbm>> -> memref<180000x64xf32, #tpu.memory_space<hbm>>
      tpu.wait_indirect_dma semaphore(%arg23 : memref<!tpu.dma_semaphore, #tpu.memory_space<semaphore_mem>>) src(%dma_wait3A_205 : memref<180000x64xf32, #tpu.memory_space<hbm>>) dst(%arg14 : memref<128x64xf32, #tpu.memory_space<vmem>>)
      %dma_start3A_206 = arith.constant 0 : i32
      %dma_start3A_207 = tpu.memref_slice %arg8[%add3A_199, %dma_start3A_206] : memref<80x128xi32, #tpu.memory_space<vmem>> -> memref<1x128xi32, #tpu.memory_space<vmem>>
      %dma_start3A_208 = tpu.memref_squeeze %dma_start3A_207 : memref<1x128xi32, #tpu.memory_space<vmem>> -> memref<128xi32, #tpu.memory_space<vmem>>
      %dma_start3A_209 = arith.constant 0 : i32
      %dma_start3A_210 = arith.constant 0 : i32
      %dma_start3A_211 = tpu.memref_slice %arg17[%dma_start3A_209, %dma_start3A_210] : memref<10240x64xf32, #tpu.memory_space<vmem_shared>> -> memref<10240x64xf32, #tpu.memory_space<vmem_shared>>
      tpu.enqueue_indirect_dma source(%arg14 : memref<128x64xf32, #tpu.memory_space<vmem>>) target(%dma_start3A_211 : memref<10240x64xf32, #tpu.memory_space<vmem_shared>>) offsets(%dma_start3A_208 : memref<128xi32, #tpu.memory_space<vmem>>) semaphore(%arg31 : memref<!tpu.dma_semaphore, #tpu.memory_space<semaphore_mem>>) {add = true}
      %add3A_212 = arith.constant 4 : i32
      %add3A_213 = arith.addi %add3A_199, %add3A_212 : i32
      %lt3A_214 = arith.constant 80 : i32
      %lt3A_215 = arith.cmpi slt, %add3A_213, %lt3A_214 : i32
      %convert_element_type3A_216 = arith.extui %lt3A_215 : i1 to i32
      %cond3A_217 = arith.constant 0 : i32
      %cond3A_218 = arith.cmpi ne, %convert_element_type3A_216, %cond3A_217 : i32
      scf.if %cond3A_218 {
        %ge3A = arith.constant 4 : i32
        %ge3A_261 = arith.cmpi sge, %add3A_199, %ge3A : i32
        %convert_element_type3A_262 = arith.extui %ge3A_261 : i1 to i32
        %cond3A_263 = arith.constant 0 : i32
        %cond3A_264 = arith.cmpi ne, %convert_element_type3A_262, %cond3A_263 : i32
        scf.if %cond3A_264 {
          %sub3A = arith.constant 4 : i32
          %sub3A_273 = arith.subi %add3A_199, %sub3A : i32
          %dma_wait3A_274 = arith.constant 0 : i32
          %dma_wait3A_275 = tpu.memref_slice %arg8[%sub3A_273, %dma_wait3A_274] : memref<80x128xi32, #tpu.memory_space<vmem>> -> memref<1x128xi32, #tpu.memory_space<vmem>>
          %dma_wait3A_276 = tpu.memref_squeeze %dma_wait3A_275 : memref<1x128xi32, #tpu.memory_space<vmem>> -> memref<128xi32, #tpu.memory_space<vmem>>
          %dma_wait3A_277 = arith.constant 0 : i32
          %dma_wait3A_278 = arith.constant 0 : i32
          %dma_wait3A_279 = tpu.memref_slice %arg17[%dma_wait3A_277, %dma_wait3A_278] : memref<10240x64xf32, #tpu.memory_space<vmem_shared>> -> memref<10240x64xf32, #tpu.memory_space<vmem_shared>>
          tpu.wait_indirect_dma semaphore(%arg27 : memref<!tpu.dma_semaphore, #tpu.memory_space<semaphore_mem>>) src(%arg10 : memref<128x64xf32, #tpu.memory_space<vmem>>) dst(%dma_wait3A_279 : memref<10240x64xf32, #tpu.memory_space<vmem_shared>>)
        } else {
        }
        %add3A_265 = arith.constant 4 : i32
        %add3A_266 = arith.addi %add3A_199, %add3A_265 : i32
        %dma_start3A_267 = arith.constant 0 : i32
        %dma_start3A_268 = tpu.memref_slice %arg7[%add3A_266, %dma_start3A_267] : memref<80x128xi32, #tpu.memory_space<vmem>> -> memref<1x128xi32, #tpu.memory_space<vmem>>
        %dma_start3A_269 = tpu.memref_squeeze %dma_start3A_268 : memref<1x128xi32, #tpu.memory_space<vmem>> -> memref<128xi32, #tpu.memory_space<vmem>>
        %dma_start3A_270 = arith.constant 0 : i32
        %dma_start3A_271 = arith.constant 0 : i32
        %dma_start3A_272 = tpu.memref_slice %arg2[%dma_start3A_270, %dma_start3A_271] : memref<180000x64xf32, #tpu.memory_space<hbm>> -> memref<180000x64xf32, #tpu.memory_space<hbm>>
        tpu.enqueue_indirect_dma source(%dma_start3A_272 : memref<180000x64xf32, #tpu.memory_space<hbm>>) target(%arg10 : memref<128x64xf32, #tpu.memory_space<vmem>>) offsets(%dma_start3A_269 : memref<128xi32, #tpu.memory_space<vmem>>) semaphore(%arg19 : memref<!tpu.dma_semaphore, #tpu.memory_space<semaphore_mem>>)
      } else {
      }
      %add3A_219 = arith.constant 6 : i32
      %add3A_220 = arith.addi %mul3A_95, %add3A_219 : i32
      %dma_wait3A_221 = arith.constant 0 : i32
      %dma_wait3A_222 = tpu.memref_slice %arg7[%add3A_220, %dma_wait3A_221] : memref<80x128xi32, #tpu.memory_space<vmem>> -> memref<1x128xi32, #tpu.memory_space<vmem>>
      %dma_wait3A_223 = tpu.memref_squeeze %dma_wait3A_222 : memref<1x128xi32, #tpu.memory_space<vmem>> -> memref<128xi32, #tpu.memory_space<vmem>>
      %dma_wait3A_224 = arith.constant 0 : i32
      %dma_wait3A_225 = arith.constant 0 : i32
      %dma_wait3A_226 = tpu.memref_slice %arg2[%dma_wait3A_224, %dma_wait3A_225] : memref<180000x64xf32, #tpu.memory_space<hbm>> -> memref<180000x64xf32, #tpu.memory_space<hbm>>
      tpu.wait_indirect_dma semaphore(%arg24 : memref<!tpu.dma_semaphore, #tpu.memory_space<semaphore_mem>>) src(%dma_wait3A_226 : memref<180000x64xf32, #tpu.memory_space<hbm>>) dst(%arg15 : memref<128x64xf32, #tpu.memory_space<vmem>>)
      %dma_start3A_227 = arith.constant 0 : i32
      %dma_start3A_228 = tpu.memref_slice %arg8[%add3A_220, %dma_start3A_227] : memref<80x128xi32, #tpu.memory_space<vmem>> -> memref<1x128xi32, #tpu.memory_space<vmem>>
      %dma_start3A_229 = tpu.memref_squeeze %dma_start3A_228 : memref<1x128xi32, #tpu.memory_space<vmem>> -> memref<128xi32, #tpu.memory_space<vmem>>
      %dma_start3A_230 = arith.constant 0 : i32
      %dma_start3A_231 = arith.constant 0 : i32
      %dma_start3A_232 = tpu.memref_slice %arg17[%dma_start3A_230, %dma_start3A_231] : memref<10240x64xf32, #tpu.memory_space<vmem_shared>> -> memref<10240x64xf32, #tpu.memory_space<vmem_shared>>
      tpu.enqueue_indirect_dma source(%arg15 : memref<128x64xf32, #tpu.memory_space<vmem>>) target(%dma_start3A_232 : memref<10240x64xf32, #tpu.memory_space<vmem_shared>>) offsets(%dma_start3A_229 : memref<128xi32, #tpu.memory_space<vmem>>) semaphore(%arg32 : memref<!tpu.dma_semaphore, #tpu.memory_space<semaphore_mem>>) {add = true}
      %add3A_233 = arith.constant 4 : i32
      %add3A_234 = arith.addi %add3A_220, %add3A_233 : i32
      %lt3A_235 = arith.constant 80 : i32
      %lt3A_236 = arith.cmpi slt, %add3A_234, %lt3A_235 : i32
      %convert_element_type3A_237 = arith.extui %lt3A_236 : i1 to i32
      %cond3A_238 = arith.constant 0 : i32
      %cond3A_239 = arith.cmpi ne, %convert_element_type3A_237, %cond3A_238 : i32
      scf.if %cond3A_239 {
        %ge3A = arith.constant 4 : i32
        %ge3A_261 = arith.cmpi sge, %add3A_220, %ge3A : i32
        %convert_element_type3A_262 = arith.extui %ge3A_261 : i1 to i32
        %cond3A_263 = arith.constant 0 : i32
        %cond3A_264 = arith.cmpi ne, %convert_element_type3A_262, %cond3A_263 : i32
        scf.if %cond3A_264 {
          %sub3A = arith.constant 4 : i32
          %sub3A_273 = arith.subi %add3A_220, %sub3A : i32
          %dma_wait3A_274 = arith.constant 0 : i32
          %dma_wait3A_275 = tpu.memref_slice %arg8[%sub3A_273, %dma_wait3A_274] : memref<80x128xi32, #tpu.memory_space<vmem>> -> memref<1x128xi32, #tpu.memory_space<vmem>>
          %dma_wait3A_276 = tpu.memref_squeeze %dma_wait3A_275 : memref<1x128xi32, #tpu.memory_space<vmem>> -> memref<128xi32, #tpu.memory_space<vmem>>
          %dma_wait3A_277 = arith.constant 0 : i32
          %dma_wait3A_278 = arith.constant 0 : i32
          %dma_wait3A_279 = tpu.memref_slice %arg17[%dma_wait3A_277, %dma_wait3A_278] : memref<10240x64xf32, #tpu.memory_space<vmem_shared>> -> memref<10240x64xf32, #tpu.memory_space<vmem_shared>>
          tpu.wait_indirect_dma semaphore(%arg28 : memref<!tpu.dma_semaphore, #tpu.memory_space<semaphore_mem>>) src(%arg11 : memref<128x64xf32, #tpu.memory_space<vmem>>) dst(%dma_wait3A_279 : memref<10240x64xf32, #tpu.memory_space<vmem_shared>>)
        } else {
        }
        %add3A_265 = arith.constant 4 : i32
        %add3A_266 = arith.addi %add3A_220, %add3A_265 : i32
        %dma_start3A_267 = arith.constant 0 : i32
        %dma_start3A_268 = tpu.memref_slice %arg7[%add3A_266, %dma_start3A_267] : memref<80x128xi32, #tpu.memory_space<vmem>> -> memref<1x128xi32, #tpu.memory_space<vmem>>
        %dma_start3A_269 = tpu.memref_squeeze %dma_start3A_268 : memref<1x128xi32, #tpu.memory_space<vmem>> -> memref<128xi32, #tpu.memory_space<vmem>>
        %dma_start3A_270 = arith.constant 0 : i32
        %dma_start3A_271 = arith.constant 0 : i32
        %dma_start3A_272 = tpu.memref_slice %arg2[%dma_start3A_270, %dma_start3A_271] : memref<180000x64xf32, #tpu.memory_space<hbm>> -> memref<180000x64xf32, #tpu.memory_space<hbm>>
        tpu.enqueue_indirect_dma source(%dma_start3A_272 : memref<180000x64xf32, #tpu.memory_space<hbm>>) target(%arg11 : memref<128x64xf32, #tpu.memory_space<vmem>>) offsets(%dma_start3A_269 : memref<128xi32, #tpu.memory_space<vmem>>) semaphore(%arg20 : memref<!tpu.dma_semaphore, #tpu.memory_space<semaphore_mem>>)
      } else {
      }
      %add3A_240 = arith.constant 7 : i32
      %add3A_241 = arith.addi %mul3A_95, %add3A_240 : i32
      %dma_wait3A_242 = arith.constant 0 : i32
      %dma_wait3A_243 = tpu.memref_slice %arg7[%add3A_241, %dma_wait3A_242] : memref<80x128xi32, #tpu.memory_space<vmem>> -> memref<1x128xi32, #tpu.memory_space<vmem>>
      %dma_wait3A_244 = tpu.memref_squeeze %dma_wait3A_243 : memref<1x128xi32, #tpu.memory_space<vmem>> -> memref<128xi32, #tpu.memory_space<vmem>>
      %dma_wait3A_245 = arith.constant 0 : i32
      %dma_wait3A_246 = arith.constant 0 : i32
      %dma_wait3A_247 = tpu.memref_slice %arg2[%dma_wait3A_245, %dma_wait3A_246] : memref<180000x64xf32, #tpu.memory_space<hbm>> -> memref<180000x64xf32, #tpu.memory_space<hbm>>
      tpu.wait_indirect_dma semaphore(%arg25 : memref<!tpu.dma_semaphore, #tpu.memory_space<semaphore_mem>>) src(%dma_wait3A_247 : memref<180000x64xf32, #tpu.memory_space<hbm>>) dst(%arg16 : memref<128x64xf32, #tpu.memory_space<vmem>>)
      %dma_start3A_248 = arith.constant 0 : i32
      %dma_start3A_249 = tpu.memref_slice %arg8[%add3A_241, %dma_start3A_248] : memref<80x128xi32, #tpu.memory_space<vmem>> -> memref<1x128xi32, #tpu.memory_space<vmem>>
      %dma_start3A_250 = tpu.memref_squeeze %dma_start3A_249 : memref<1x128xi32, #tpu.memory_space<vmem>> -> memref<128xi32, #tpu.memory_space<vmem>>
      %dma_start3A_251 = arith.constant 0 : i32
      %dma_start3A_252 = arith.constant 0 : i32
      %dma_start3A_253 = tpu.memref_slice %arg17[%dma_start3A_251, %dma_start3A_252] : memref<10240x64xf32, #tpu.memory_space<vmem_shared>> -> memref<10240x64xf32, #tpu.memory_space<vmem_shared>>
      tpu.enqueue_indirect_dma source(%arg16 : memref<128x64xf32, #tpu.memory_space<vmem>>) target(%dma_start3A_253 : memref<10240x64xf32, #tpu.memory_space<vmem_shared>>) offsets(%dma_start3A_250 : memref<128xi32, #tpu.memory_space<vmem>>) semaphore(%arg33 : memref<!tpu.dma_semaphore, #tpu.memory_space<semaphore_mem>>) {add = true}
      %add3A_254 = arith.constant 4 : i32
      %add3A_255 = arith.addi %add3A_241, %add3A_254 : i32
      %lt3A_256 = arith.constant 80 : i32
      %lt3A_257 = arith.cmpi slt, %add3A_255, %lt3A_256 : i32
      %convert_element_type3A_258 = arith.extui %lt3A_257 : i1 to i32
      %cond3A_259 = arith.constant 0 : i32
      %cond3A_260 = arith.cmpi ne, %convert_element_type3A_258, %cond3A_259 : i32
      scf.if %cond3A_260 {
        %ge3A = arith.constant 4 : i32
        %ge3A_261 = arith.cmpi sge, %add3A_241, %ge3A : i32
        %convert_element_type3A_262 = arith.extui %ge3A_261 : i1 to i32
        %cond3A_263 = arith.constant 0 : i32
        %cond3A_264 = arith.cmpi ne, %convert_element_type3A_262, %cond3A_263 : i32
        scf.if %cond3A_264 {
          %sub3A = arith.constant 4 : i32
          %sub3A_273 = arith.subi %add3A_241, %sub3A : i32
          %dma_wait3A_274 = arith.constant 0 : i32
          %dma_wait3A_275 = tpu.memref_slice %arg8[%sub3A_273, %dma_wait3A_274] : memref<80x128xi32, #tpu.memory_space<vmem>> -> memref<1x128xi32, #tpu.memory_space<vmem>>
          %dma_wait3A_276 = tpu.memref_squeeze %dma_wait3A_275 : memref<1x128xi32, #tpu.memory_space<vmem>> -> memref<128xi32, #tpu.memory_space<vmem>>
          %dma_wait3A_277 = arith.constant 0 : i32
          %dma_wait3A_278 = arith.constant 0 : i32
          %dma_wait3A_279 = tpu.memref_slice %arg17[%dma_wait3A_277, %dma_wait3A_278] : memref<10240x64xf32, #tpu.memory_space<vmem_shared>> -> memref<10240x64xf32, #tpu.memory_space<vmem_shared>>
          tpu.wait_indirect_dma semaphore(%arg29 : memref<!tpu.dma_semaphore, #tpu.memory_space<semaphore_mem>>) src(%arg12 : memref<128x64xf32, #tpu.memory_space<vmem>>) dst(%dma_wait3A_279 : memref<10240x64xf32, #tpu.memory_space<vmem_shared>>)
        } else {
        }
        %add3A_265 = arith.constant 4 : i32
        %add3A_266 = arith.addi %add3A_241, %add3A_265 : i32
        %dma_start3A_267 = arith.constant 0 : i32
        %dma_start3A_268 = tpu.memref_slice %arg7[%add3A_266, %dma_start3A_267] : memref<80x128xi32, #tpu.memory_space<vmem>> -> memref<1x128xi32, #tpu.memory_space<vmem>>
        %dma_start3A_269 = tpu.memref_squeeze %dma_start3A_268 : memref<1x128xi32, #tpu.memory_space<vmem>> -> memref<128xi32, #tpu.memory_space<vmem>>
        %dma_start3A_270 = arith.constant 0 : i32
        %dma_start3A_271 = arith.constant 0 : i32
        %dma_start3A_272 = tpu.memref_slice %arg2[%dma_start3A_270, %dma_start3A_271] : memref<180000x64xf32, #tpu.memory_space<hbm>> -> memref<180000x64xf32, #tpu.memory_space<hbm>>
        tpu.enqueue_indirect_dma source(%dma_start3A_272 : memref<180000x64xf32, #tpu.memory_space<hbm>>) target(%arg12 : memref<128x64xf32, #tpu.memory_space<vmem>>) offsets(%dma_start3A_269 : memref<128xi32, #tpu.memory_space<vmem>>) semaphore(%arg21 : memref<!tpu.dma_semaphore, #tpu.memory_space<semaphore_mem>>)
      } else {
      }
    }
    %scan3A_34 = arith.constant 10 : i32
    %dma_wait3A = arith.constant 72 : i32
    %dma_wait3A_35 = arith.constant 0 : i32
    %dma_wait3A_36 = tpu.memref_slice %arg8[%dma_wait3A, %dma_wait3A_35] : memref<80x128xi32, #tpu.memory_space<vmem>> -> memref<1x128xi32, #tpu.memory_space<vmem>>
    %dma_wait3A_37 = tpu.memref_squeeze %dma_wait3A_36 : memref<1x128xi32, #tpu.memory_space<vmem>> -> memref<128xi32, #tpu.memory_space<vmem>>
    %dma_wait3A_38 = arith.constant 0 : i32
    %dma_wait3A_39 = arith.constant 0 : i32
    %dma_wait3A_40 = tpu.memref_slice %arg17[%dma_wait3A_38, %dma_wait3A_39] : memref<10240x64xf32, #tpu.memory_space<vmem_shared>> -> memref<10240x64xf32, #tpu.memory_space<vmem_shared>>
    tpu.wait_indirect_dma semaphore(%arg26 : memref<!tpu.dma_semaphore, #tpu.memory_space<semaphore_mem>>) src(%arg9 : memref<128x64xf32, #tpu.memory_space<vmem>>) dst(%dma_wait3A_40 : memref<10240x64xf32, #tpu.memory_space<vmem_shared>>)
    %dma_wait3A_41 = arith.constant 73 : i32
    %dma_wait3A_42 = arith.constant 0 : i32
    %dma_wait3A_43 = tpu.memref_slice %arg8[%dma_wait3A_41, %dma_wait3A_42] : memref<80x128xi32, #tpu.memory_space<vmem>> -> memref<1x128xi32, #tpu.memory_space<vmem>>
    %dma_wait3A_44 = tpu.memref_squeeze %dma_wait3A_43 : memref<1x128xi32, #tpu.memory_space<vmem>> -> memref<128xi32, #tpu.memory_space<vmem>>
    %dma_wait3A_45 = arith.constant 0 : i32
    %dma_wait3A_46 = arith.constant 0 : i32
    %dma_wait3A_47 = tpu.memref_slice %arg17[%dma_wait3A_45, %dma_wait3A_46] : memref<10240x64xf32, #tpu.memory_space<vmem_shared>> -> memref<10240x64xf32, #tpu.memory_space<vmem_shared>>
    tpu.wait_indirect_dma semaphore(%arg27 : memref<!tpu.dma_semaphore, #tpu.memory_space<semaphore_mem>>) src(%arg10 : memref<128x64xf32, #tpu.memory_space<vmem>>) dst(%dma_wait3A_47 : memref<10240x64xf32, #tpu.memory_space<vmem_shared>>)
    %dma_wait3A_48 = arith.constant 74 : i32
    %dma_wait3A_49 = arith.constant 0 : i32
    %dma_wait3A_50 = tpu.memref_slice %arg8[%dma_wait3A_48, %dma_wait3A_49] : memref<80x128xi32, #tpu.memory_space<vmem>> -> memref<1x128xi32, #tpu.memory_space<vmem>>
    %dma_wait3A_51 = tpu.memref_squeeze %dma_wait3A_50 : memref<1x128xi32, #tpu.memory_space<vmem>> -> memref<128xi32, #tpu.memory_space<vmem>>
    %dma_wait3A_52 = arith.constant 0 : i32
    %dma_wait3A_53 = arith.constant 0 : i32
    %dma_wait3A_54 = tpu.memref_slice %arg17[%dma_wait3A_52, %dma_wait3A_53] : memref<10240x64xf32, #tpu.memory_space<vmem_shared>> -> memref<10240x64xf32, #tpu.memory_space<vmem_shared>>
    tpu.wait_indirect_dma semaphore(%arg28 : memref<!tpu.dma_semaphore, #tpu.memory_space<semaphore_mem>>) src(%arg11 : memref<128x64xf32, #tpu.memory_space<vmem>>) dst(%dma_wait3A_54 : memref<10240x64xf32, #tpu.memory_space<vmem_shared>>)
    %dma_wait3A_55 = arith.constant 75 : i32
    %dma_wait3A_56 = arith.constant 0 : i32
    %dma_wait3A_57 = tpu.memref_slice %arg8[%dma_wait3A_55, %dma_wait3A_56] : memref<80x128xi32, #tpu.memory_space<vmem>> -> memref<1x128xi32, #tpu.memory_space<vmem>>
    %dma_wait3A_58 = tpu.memref_squeeze %dma_wait3A_57 : memref<1x128xi32, #tpu.memory_space<vmem>> -> memref<128xi32, #tpu.memory_space<vmem>>
    %dma_wait3A_59 = arith.constant 0 : i32
    %dma_wait3A_60 = arith.constant 0 : i32
    %dma_wait3A_61 = tpu.memref_slice %arg17[%dma_wait3A_59, %dma_wait3A_60] : memref<10240x64xf32, #tpu.memory_space<vmem_shared>> -> memref<10240x64xf32, #tpu.memory_space<vmem_shared>>
    tpu.wait_indirect_dma semaphore(%arg29 : memref<!tpu.dma_semaphore, #tpu.memory_space<semaphore_mem>>) src(%arg12 : memref<128x64xf32, #tpu.memory_space<vmem>>) dst(%dma_wait3A_61 : memref<10240x64xf32, #tpu.memory_space<vmem_shared>>)
    %dma_wait3A_62 = arith.constant 76 : i32
    %dma_wait3A_63 = arith.constant 0 : i32
    %dma_wait3A_64 = tpu.memref_slice %arg8[%dma_wait3A_62, %dma_wait3A_63] : memref<80x128xi32, #tpu.memory_space<vmem>> -> memref<1x128xi32, #tpu.memory_space<vmem>>
    %dma_wait3A_65 = tpu.memref_squeeze %dma_wait3A_64 : memref<1x128xi32, #tpu.memory_space<vmem>> -> memref<128xi32, #tpu.memory_space<vmem>>
    %dma_wait3A_66 = arith.constant 0 : i32
    %dma_wait3A_67 = arith.constant 0 : i32
    %dma_wait3A_68 = tpu.memref_slice %arg17[%dma_wait3A_66, %dma_wait3A_67] : memref<10240x64xf32, #tpu.memory_space<vmem_shared>> -> memref<10240x64xf32, #tpu.memory_space<vmem_shared>>
    tpu.wait_indirect_dma semaphore(%arg30 : memref<!tpu.dma_semaphore, #tpu.memory_space<semaphore_mem>>) src(%arg13 : memref<128x64xf32, #tpu.memory_space<vmem>>) dst(%dma_wait3A_68 : memref<10240x64xf32, #tpu.memory_space<vmem_shared>>)
    %dma_wait3A_69 = arith.constant 77 : i32
    %dma_wait3A_70 = arith.constant 0 : i32
    %dma_wait3A_71 = tpu.memref_slice %arg8[%dma_wait3A_69, %dma_wait3A_70] : memref<80x128xi32, #tpu.memory_space<vmem>> -> memref<1x128xi32, #tpu.memory_space<vmem>>
    %dma_wait3A_72 = tpu.memref_squeeze %dma_wait3A_71 : memref<1x128xi32, #tpu.memory_space<vmem>> -> memref<128xi32, #tpu.memory_space<vmem>>
    %dma_wait3A_73 = arith.constant 0 : i32
    %dma_wait3A_74 = arith.constant 0 : i32
    %dma_wait3A_75 = tpu.memref_slice %arg17[%dma_wait3A_73, %dma_wait3A_74] : memref<10240x64xf32, #tpu.memory_space<vmem_shared>> -> memref<10240x64xf32, #tpu.memory_space<vmem_shared>>
    tpu.wait_indirect_dma semaphore(%arg31 : memref<!tpu.dma_semaphore, #tpu.memory_space<semaphore_mem>>) src(%arg14 : memref<128x64xf32, #tpu.memory_space<vmem>>) dst(%dma_wait3A_75 : memref<10240x64xf32, #tpu.memory_space<vmem_shared>>)
    %dma_wait3A_76 = arith.constant 78 : i32
    %dma_wait3A_77 = arith.constant 0 : i32
    %dma_wait3A_78 = tpu.memref_slice %arg8[%dma_wait3A_76, %dma_wait3A_77] : memref<80x128xi32, #tpu.memory_space<vmem>> -> memref<1x128xi32, #tpu.memory_space<vmem>>
    %dma_wait3A_79 = tpu.memref_squeeze %dma_wait3A_78 : memref<1x128xi32, #tpu.memory_space<vmem>> -> memref<128xi32, #tpu.memory_space<vmem>>
    %dma_wait3A_80 = arith.constant 0 : i32
    %dma_wait3A_81 = arith.constant 0 : i32
    %dma_wait3A_82 = tpu.memref_slice %arg17[%dma_wait3A_80, %dma_wait3A_81] : memref<10240x64xf32, #tpu.memory_space<vmem_shared>> -> memref<10240x64xf32, #tpu.memory_space<vmem_shared>>
    tpu.wait_indirect_dma semaphore(%arg32 : memref<!tpu.dma_semaphore, #tpu.memory_space<semaphore_mem>>) src(%arg15 : memref<128x64xf32, #tpu.memory_space<vmem>>) dst(%dma_wait3A_82 : memref<10240x64xf32, #tpu.memory_space<vmem_shared>>)
    %dma_wait3A_83 = arith.constant 79 : i32
    %dma_wait3A_84 = arith.constant 0 : i32
    %dma_wait3A_85 = tpu.memref_slice %arg8[%dma_wait3A_83, %dma_wait3A_84] : memref<80x128xi32, #tpu.memory_space<vmem>> -> memref<1x128xi32, #tpu.memory_space<vmem>>
    %dma_wait3A_86 = tpu.memref_squeeze %dma_wait3A_85 : memref<1x128xi32, #tpu.memory_space<vmem>> -> memref<128xi32, #tpu.memory_space<vmem>>
    %dma_wait3A_87 = arith.constant 0 : i32
    %dma_wait3A_88 = arith.constant 0 : i32
    %dma_wait3A_89 = tpu.memref_slice %arg17[%dma_wait3A_87, %dma_wait3A_88] : memref<10240x64xf32, #tpu.memory_space<vmem_shared>> -> memref<10240x64xf32, #tpu.memory_space<vmem_shared>>
    tpu.wait_indirect_dma semaphore(%arg33 : memref<!tpu.dma_semaphore, #tpu.memory_space<semaphore_mem>>) src(%arg16 : memref<128x64xf32, #tpu.memory_space<vmem>>) dst(%dma_wait3A_89 : memref<10240x64xf32, #tpu.memory_space<vmem_shared>>)
    %barrier3A_90 = arith.constant 0 : index
    tpu.barrier barrier_id(%barrier3A_90)
    %mul3A_91 = arith.constant 640 : i32
    %mul3A_92 = arith.muli %arg1, %mul3A_91 : i32
    "tpu.region"() ({
      %run_scoped3A = tpu.sem_alloc : memref<!tpu.dma_semaphore, #tpu.memory_space<semaphore_mem>>
      %dma_start3A_93 = arith.constant 0 : i32
      %dma_start3A_94 = tpu.memref_slice %arg6[%arg0, %mul3A_92, %dma_start3A_93] : memref<2x10240x64xf32, #tpu.memory_space<hbm>> -> memref<1x640x64xf32, #tpu.memory_space<hbm>>
      %dma_start3A_95 = tpu.memref_squeeze %dma_start3A_94 : memref<1x640x64xf32, #tpu.memory_space<hbm>> -> memref<640x64xf32, #tpu.memory_space<hbm>>
      %dma_start3A_96 = arith.constant 0 : i32
      %dma_start3A_97 = tpu.memref_slice %arg17[%mul3A_92, %dma_start3A_96] : memref<10240x64xf32, #tpu.memory_space<vmem_shared>> -> memref<640x64xf32, #tpu.memory_space<vmem_shared>>
      tpu.enqueue_dma source(%dma_start3A_97 : memref<640x64xf32, #tpu.memory_space<vmem_shared>>) target(%dma_start3A_95 : memref<640x64xf32, #tpu.memory_space<hbm>>) target_semaphore(%run_scoped3A : memref<!tpu.dma_semaphore, #tpu.memory_space<semaphore_mem>>)
      %dma_wait3A_98 = arith.constant 0 : i32
      %dma_wait3A_99 = tpu.memref_slice %arg6[%arg0, %mul3A_92, %dma_wait3A_98] : memref<2x10240x64xf32, #tpu.memory_space<hbm>> -> memref<1x640x64xf32, #tpu.memory_space<hbm>>
      %dma_wait3A_100 = tpu.memref_squeeze %dma_wait3A_99 : memref<1x640x64xf32, #tpu.memory_space<hbm>> -> memref<640x64xf32, #tpu.memory_space<hbm>>
      %dma_wait3A_101 = arith.constant 0 : i32
      %dma_wait3A_102 = tpu.memref_slice %arg17[%mul3A_92, %dma_wait3A_101] : memref<10240x64xf32, #tpu.memory_space<vmem_shared>> -> memref<640x64xf32, #tpu.memory_space<vmem_shared>>
      tpu.wait_dma2 semaphore(%run_scoped3A : memref<!tpu.dma_semaphore, #tpu.memory_space<semaphore_mem>>) src(%dma_wait3A_102 : memref<640x64xf32, #tpu.memory_space<vmem_shared>>) dst(%dma_wait3A_100 : memref<640x64xf32, #tpu.memory_space<hbm>>)
      tpu.yield
    }) : () -> ()
    return
  }
}

#map = affine_map<(d0, d1) -> (0, 0)>
#map1 = affine_map<(d0, d1) -> (0, 0, 0)>
module attributes {stable_mosaic.version = 14 : i64} {
  func.func @_sc_body(%arg0: i32, %arg1: i32, %arg2: memref<180000x64xf32, #tpu.memory_space<hbm>>, %arg3: memref<32x80x128xi32, #tpu.memory_space<hbm>>, %arg4: memref<32x80x128xi32, #tpu.memory_space<hbm>>, %arg5: memref<640x64xf32, #tpu.memory_space<hbm>>, %arg6: memref<2x10240x64xf32, #tpu.memory_space<hbm>>, %arg7: memref<80x128xi32, #tpu.memory_space<vmem>>, %arg8: memref<80x128xi32, #tpu.memory_space<vmem>>, %arg9: memref<128x64xf32, #tpu.memory_space<vmem>>, %arg10: memref<128x64xf32, #tpu.memory_space<vmem>>, %arg11: memref<128x64xf32, #tpu.memory_space<vmem>>, %arg12: memref<128x64xf32, #tpu.memory_space<vmem>>, %arg13: memref<128x64xf32, #tpu.memory_space<vmem>>, %arg14: memref<128x64xf32, #tpu.memory_space<vmem>>, %arg15: memref<128x64xf32, #tpu.memory_space<vmem>>, %arg16: memref<128x64xf32, #tpu.memory_space<vmem>>, %arg17: memref<10240x64xf32, #tpu.memory_space<vmem_shared>>, %arg18: memref<!tpu.dma_semaphore, #tpu.memory_space<semaphore_mem>>, %arg19: memref<!tpu.dma_semaphore, #tpu.memory_space<semaphore_mem>>, %arg20: memref<!tpu.dma_semaphore, #tpu.memory_space<semaphore_mem>>, %arg21: memref<!tpu.dma_semaphore, #tpu.memory_space<semaphore_mem>>, %arg22: memref<!tpu.dma_semaphore, #tpu.memory_space<semaphore_mem>>, %arg23: memref<!tpu.dma_semaphore, #tpu.memory_space<semaphore_mem>>, %arg24: memref<!tpu.dma_semaphore, #tpu.memory_space<semaphore_mem>>, %arg25: memref<!tpu.dma_semaphore, #tpu.memory_space<semaphore_mem>>, %arg26: memref<!tpu.dma_semaphore, #tpu.memory_space<semaphore_mem>>, %arg27: memref<!tpu.dma_semaphore, #tpu.memory_space<semaphore_mem>>, %arg28: memref<!tpu.dma_semaphore, #tpu.memory_space<semaphore_mem>>, %arg29: memref<!tpu.dma_semaphore, #tpu.memory_space<semaphore_mem>>, %arg30: memref<!tpu.dma_semaphore, #tpu.memory_space<semaphore_mem>>, %arg31: memref<!tpu.dma_semaphore, #tpu.memory_space<semaphore_mem>>, %arg32: memref<!tpu.dma_semaphore, #tpu.memory_space<semaphore_mem>>, %arg33: memref<!tpu.dma_semaphore, #tpu.memory_space<semaphore_mem>>) attributes {dimension_semantics = [#tpu.dimension_semantics<core_parallel>, #tpu.dimension_semantics<subcore_parallel>], iteration_bounds = array<i64: 2, 16>, scalar_prefetch = 0 : i64, scratch_operands = 27 : i64, tpu.core_type = #tpu.core_type<sc_vector_subcore>, window_params = [{transform_indices = #map}, {transform_indices = #map1}, {transform_indices = #map1}, {transform_indices = #map}, {transform_indices = #map1}]} {
    %mul3A = arith.constant 2 : i32
    %mul3A_0 = arith.muli %arg1, %mul3A : i32
    %add3A = arith.addi %mul3A_0, %arg0 : i32
    "tpu.region"() ({
      %run_scoped3A = tpu.sem_alloc : memref<!tpu.dma_semaphore, #tpu.memory_space<semaphore_mem>>
      %dma_start3A_93 = arith.constant 0 : i32
      %dma_start3A_94 = arith.constant 0 : i32
      %dma_start3A_95 = tpu.memref_slice %arg3[%add3A, %dma_start3A_93, %dma_start3A_94] : memref<32x80x128xi32, #tpu.memory_space<hbm>> -> memref<1x80x128xi32, #tpu.memory_space<hbm>>
      %dma_start3A_96 = tpu.memref_squeeze %dma_start3A_95 : memref<1x80x128xi32, #tpu.memory_space<hbm>> -> memref<80x128xi32, #tpu.memory_space<hbm>>
      %dma_start3A_97 = arith.constant 0 : i32
      %dma_start3A_98 = arith.constant 0 : i32
      %dma_start3A_99 = tpu.memref_slice %arg3[%add3A, %dma_start3A_97, %dma_start3A_98] : memref<32x80x128xi32, #tpu.memory_space<hbm>> -> memref<1x80x128xi32, #tpu.memory_space<hbm>>
      %dma_start3A_100 = tpu.memref_squeeze %dma_start3A_99 : memref<1x80x128xi32, #tpu.memory_space<hbm>> -> memref<80x128xi32, #tpu.memory_space<hbm>>
      tpu.enqueue_dma source(%dma_start3A_100 : memref<80x128xi32, #tpu.memory_space<hbm>>) target(%arg7 : memref<80x128xi32, #tpu.memory_space<vmem>>) target_semaphore(%run_scoped3A : memref<!tpu.dma_semaphore, #tpu.memory_space<semaphore_mem>>)
      %dma_wait3A_101 = arith.constant 0 : i32
      %dma_wait3A_102 = arith.constant 0 : i32
      %dma_wait3A_103 = tpu.memref_slice %arg3[%add3A, %dma_wait3A_101, %dma_wait3A_102] : memref<32x80x128xi32, #tpu.memory_space<hbm>> -> memref<1x80x128xi32, #tpu.memory_space<hbm>>
      %dma_wait3A_104 = tpu.memref_squeeze %dma_wait3A_103 : memref<1x80x128xi32, #tpu.memory_space<hbm>> -> memref<80x128xi32, #tpu.memory_space<hbm>>
      %dma_wait3A_105 = arith.constant 0 : i32
      %dma_wait3A_106 = arith.constant 0 : i32
      %dma_wait3A_107 = tpu.memref_slice %arg3[%add3A, %dma_wait3A_105, %dma_wait3A_106] : memref<32x80x128xi32, #tpu.memory_space<hbm>> -> memref<1x80x128xi32, #tpu.memory_space<hbm>>
      %dma_wait3A_108 = tpu.memref_squeeze %dma_wait3A_107 : memref<1x80x128xi32, #tpu.memory_space<hbm>> -> memref<80x128xi32, #tpu.memory_space<hbm>>
      tpu.wait_dma2 semaphore(%run_scoped3A : memref<!tpu.dma_semaphore, #tpu.memory_space<semaphore_mem>>) src(%dma_wait3A_108 : memref<80x128xi32, #tpu.memory_space<hbm>>) dst(%arg7 : memref<80x128xi32, #tpu.memory_space<vmem>>)
      tpu.yield
    }) : () -> ()
    "tpu.region"() ({
      %run_scoped3A = tpu.sem_alloc : memref<!tpu.dma_semaphore, #tpu.memory_space<semaphore_mem>>
      %dma_start3A_93 = arith.constant 0 : i32
      %dma_start3A_94 = arith.constant 0 : i32
      %dma_start3A_95 = tpu.memref_slice %arg4[%add3A, %dma_start3A_93, %dma_start3A_94] : memref<32x80x128xi32, #tpu.memory_space<hbm>> -> memref<1x80x128xi32, #tpu.memory_space<hbm>>
      %dma_start3A_96 = tpu.memref_squeeze %dma_start3A_95 : memref<1x80x128xi32, #tpu.memory_space<hbm>> -> memref<80x128xi32, #tpu.memory_space<hbm>>
      %dma_start3A_97 = arith.constant 0 : i32
      %dma_start3A_98 = arith.constant 0 : i32
      %dma_start3A_99 = tpu.memref_slice %arg4[%add3A, %dma_start3A_97, %dma_start3A_98] : memref<32x80x128xi32, #tpu.memory_space<hbm>> -> memref<1x80x128xi32, #tpu.memory_space<hbm>>
      %dma_start3A_100 = tpu.memref_squeeze %dma_start3A_99 : memref<1x80x128xi32, #tpu.memory_space<hbm>> -> memref<80x128xi32, #tpu.memory_space<hbm>>
      tpu.enqueue_dma source(%dma_start3A_100 : memref<80x128xi32, #tpu.memory_space<hbm>>) target(%arg8 : memref<80x128xi32, #tpu.memory_space<vmem>>) target_semaphore(%run_scoped3A : memref<!tpu.dma_semaphore, #tpu.memory_space<semaphore_mem>>)
      %dma_wait3A_101 = arith.constant 0 : i32
      %dma_wait3A_102 = arith.constant 0 : i32
      %dma_wait3A_103 = tpu.memref_slice %arg4[%add3A, %dma_wait3A_101, %dma_wait3A_102] : memref<32x80x128xi32, #tpu.memory_space<hbm>> -> memref<1x80x128xi32, #tpu.memory_space<hbm>>
      %dma_wait3A_104 = tpu.memref_squeeze %dma_wait3A_103 : memref<1x80x128xi32, #tpu.memory_space<hbm>> -> memref<80x128xi32, #tpu.memory_space<hbm>>
      %dma_wait3A_105 = arith.constant 0 : i32
      %dma_wait3A_106 = arith.constant 0 : i32
      %dma_wait3A_107 = tpu.memref_slice %arg4[%add3A, %dma_wait3A_105, %dma_wait3A_106] : memref<32x80x128xi32, #tpu.memory_space<hbm>> -> memref<1x80x128xi32, #tpu.memory_space<hbm>>
      %dma_wait3A_108 = tpu.memref_squeeze %dma_wait3A_107 : memref<1x80x128xi32, #tpu.memory_space<hbm>> -> memref<80x128xi32, #tpu.memory_space<hbm>>
      tpu.wait_dma2 semaphore(%run_scoped3A : memref<!tpu.dma_semaphore, #tpu.memory_space<semaphore_mem>>) src(%dma_wait3A_108 : memref<80x128xi32, #tpu.memory_space<hbm>>) dst(%arg8 : memref<80x128xi32, #tpu.memory_space<vmem>>)
      tpu.yield
    }) : () -> ()
    %mul3A_1 = arith.constant 640 : i32
    %mul3A_2 = arith.muli %arg1, %mul3A_1 : i32
    "tpu.region"() ({
      %run_scoped3A = tpu.sem_alloc : memref<!tpu.dma_semaphore, #tpu.memory_space<semaphore_mem>>
      %dma_start3A_93 = arith.constant 0 : i32
      %dma_start3A_94 = tpu.memref_slice %arg17[%mul3A_2, %dma_start3A_93] : memref<10240x64xf32, #tpu.memory_space<vmem_shared>> -> memref<640x64xf32, #tpu.memory_space<vmem_shared>>
      tpu.enqueue_dma source(%arg5 : memref<640x64xf32, #tpu.memory_space<hbm>>) target(%dma_start3A_94 : memref<640x64xf32, #tpu.memory_space<vmem_shared>>) target_semaphore(%run_scoped3A : memref<!tpu.dma_semaphore, #tpu.memory_space<semaphore_mem>>)
      %dma_wait3A_95 = arith.constant 0 : i32
      %dma_wait3A_96 = tpu.memref_slice %arg17[%mul3A_2, %dma_wait3A_95] : memref<10240x64xf32, #tpu.memory_space<vmem_shared>> -> memref<640x64xf32, #tpu.memory_space<vmem_shared>>
      tpu.wait_dma2 semaphore(%run_scoped3A : memref<!tpu.dma_semaphore, #tpu.memory_space<semaphore_mem>>) src(%arg5 : memref<640x64xf32, #tpu.memory_space<hbm>>) dst(%dma_wait3A_96 : memref<640x64xf32, #tpu.memory_space<vmem_shared>>)
      tpu.yield
    }) : () -> ()
    %barrier3A = arith.constant 0 : index
    tpu.barrier barrier_id(%barrier3A)
    %dma_start3A = arith.constant 0 : i32
    %dma_start3A_3 = arith.constant 0 : i32
    %dma_start3A_4 = tpu.memref_slice %arg7[%dma_start3A, %dma_start3A_3] : memref<80x128xi32, #tpu.memory_space<vmem>> -> memref<1x128xi32, #tpu.memory_space<vmem>>
    %dma_start3A_5 = tpu.memref_squeeze %dma_start3A_4 : memref<1x128xi32, #tpu.memory_space<vmem>> -> memref<128xi32, #tpu.memory_space<vmem>>
    %dma_start3A_6 = arith.constant 0 : i32
    %dma_start3A_7 = arith.constant 0 : i32
    %dma_start3A_8 = tpu.memref_slice %arg2[%dma_start3A_6, %dma_start3A_7] : memref<180000x64xf32, #tpu.memory_space<hbm>> -> memref<180000x64xf32, #tpu.memory_space<hbm>>
    tpu.enqueue_indirect_dma source(%dma_start3A_8 : memref<180000x64xf32, #tpu.memory_space<hbm>>) target(%arg9 : memref<128x64xf32, #tpu.memory_space<vmem>>) offsets(%dma_start3A_5 : memref<128xi32, #tpu.memory_space<vmem>>) semaphore(%arg18 : memref<!tpu.dma_semaphore, #tpu.memory_space<semaphore_mem>>)
    %dma_start3A_9 = arith.constant 1 : i32
    %dma_start3A_10 = arith.constant 0 : i32
    %dma_start3A_11 = tpu.memref_slice %arg7[%dma_start3A_9, %dma_start3A_10] : memref<80x128xi32, #tpu.memory_space<vmem>> -> memref<1x128xi32, #tpu.memory_space<vmem>>
    %dma_start3A_12 = tpu.memref_squeeze %dma_start3A_11 : memref<1x128xi32, #tpu.memory_space<vmem>> -> memref<128xi32, #tpu.memory_space<vmem>>
    %dma_start3A_13 = arith.constant 0 : i32
    %dma_start3A_14 = arith.constant 0 : i32
    %dma_start3A_15 = tpu.memref_slice %arg2[%dma_start3A_13, %dma_start3A_14] : memref<180000x64xf32, #tpu.memory_space<hbm>> -> memref<180000x64xf32, #tpu.memory_space<hbm>>
    tpu.enqueue_indirect_dma source(%dma_start3A_15 : memref<180000x64xf32, #tpu.memory_space<hbm>>) target(%arg10 : memref<128x64xf32, #tpu.memory_space<vmem>>) offsets(%dma_start3A_12 : memref<128xi32, #tpu.memory_space<vmem>>) semaphore(%arg19 : memref<!tpu.dma_semaphore, #tpu.memory_space<semaphore_mem>>)
    %dma_start3A_16 = arith.constant 2 : i32
    %dma_start3A_17 = arith.constant 0 : i32
    %dma_start3A_18 = tpu.memref_slice %arg7[%dma_start3A_16, %dma_start3A_17] : memref<80x128xi32, #tpu.memory_space<vmem>> -> memref<1x128xi32, #tpu.memory_space<vmem>>
    %dma_start3A_19 = tpu.memref_squeeze %dma_start3A_18 : memref<1x128xi32, #tpu.memory_space<vmem>> -> memref<128xi32, #tpu.memory_space<vmem>>
    %dma_start3A_20 = arith.constant 0 : i32
    %dma_start3A_21 = arith.constant 0 : i32
    %dma_start3A_22 = tpu.memref_slice %arg2[%dma_start3A_20, %dma_start3A_21] : memref<180000x64xf32, #tpu.memory_space<hbm>> -> memref<180000x64xf32, #tpu.memory_space<hbm>>
    tpu.enqueue_indirect_dma source(%dma_start3A_22 : memref<180000x64xf32, #tpu.memory_space<hbm>>) target(%arg11 : memref<128x64xf32, #tpu.memory_space<vmem>>) offsets(%dma_start3A_19 : memref<128xi32, #tpu.memory_space<vmem>>) semaphore(%arg20 : memref<!tpu.dma_semaphore, #tpu.memory_space<semaphore_mem>>)
    %dma_start3A_23 = arith.constant 3 : i32
    %dma_start3A_24 = arith.constant 0 : i32
    %dma_start3A_25 = tpu.memref_slice %arg7[%dma_start3A_23, %dma_start3A_24] : memref<80x128xi32, #tpu.memory_space<vmem>> -> memref<1x128xi32, #tpu.memory_space<vmem>>
    %dma_start3A_26 = tpu.memref_squeeze %dma_start3A_25 : memref<1x128xi32, #tpu.memory_space<vmem>> -> memref<128xi32, #tpu.memory_space<vmem>>
    %dma_start3A_27 = arith.constant 0 : i32
    %dma_start3A_28 = arith.constant 0 : i32
    %dma_start3A_29 = tpu.memref_slice %arg2[%dma_start3A_27, %dma_start3A_28] : memref<180000x64xf32, #tpu.memory_space<hbm>> -> memref<180000x64xf32, #tpu.memory_space<hbm>>
    tpu.enqueue_indirect_dma source(%dma_start3A_29 : memref<180000x64xf32, #tpu.memory_space<hbm>>) target(%arg12 : memref<128x64xf32, #tpu.memory_space<vmem>>) offsets(%dma_start3A_26 : memref<128xi32, #tpu.memory_space<vmem>>) semaphore(%arg21 : memref<!tpu.dma_semaphore, #tpu.memory_space<semaphore_mem>>)
    %scan3A = arith.constant 0 : i32
    %scan3A_30 = arith.constant 0 : i32
    %scan3A_31 = arith.constant 10 : i32
    %scan3A_32 = arith.addi %scan3A_30, %scan3A_31 : i32
    %scan3A_33 = arith.constant 1 : i32
    scf.for %scan3A_93 = %scan3A_30 to %scan3A_32 step %scan3A_33  : i32 {
      %mul3A_94 = arith.constant 8 : i32
      %mul3A_95 = arith.muli %scan3A_93, %mul3A_94 : i32
      %add3A_96 = arith.constant 0 : i32
      %add3A_97 = arith.addi %mul3A_95, %add3A_96 : i32
      %dma_wait3A_98 = arith.constant 0 : i32
      %dma_wait3A_99 = tpu.memref_slice %arg7[%add3A_97, %dma_wait3A_98] : memref<80x128xi32, #tpu.memory_space<vmem>> -> memref<1x128xi32, #tpu.memory_space<vmem>>
      %dma_wait3A_100 = tpu.memref_squeeze %dma_wait3A_99 : memref<1x128xi32, #tpu.memory_space<vmem>> -> memref<128xi32, #tpu.memory_space<vmem>>
      %dma_wait3A_101 = arith.constant 0 : i32
      %dma_wait3A_102 = arith.constant 0 : i32
      %dma_wait3A_103 = tpu.memref_slice %arg2[%dma_wait3A_101, %dma_wait3A_102] : memref<180000x64xf32, #tpu.memory_space<hbm>> -> memref<180000x64xf32, #tpu.memory_space<hbm>>
      tpu.wait_indirect_dma semaphore(%arg18 : memref<!tpu.dma_semaphore, #tpu.memory_space<semaphore_mem>>) src(%dma_wait3A_103 : memref<180000x64xf32, #tpu.memory_space<hbm>>) dst(%arg9 : memref<128x64xf32, #tpu.memory_space<vmem>>)
      %dma_start3A_104 = arith.constant 0 : i32
      %dma_start3A_105 = tpu.memref_slice %arg8[%add3A_97, %dma_start3A_104] : memref<80x128xi32, #tpu.memory_space<vmem>> -> memref<1x128xi32, #tpu.memory_space<vmem>>
      %dma_start3A_106 = tpu.memref_squeeze %dma_start3A_105 : memref<1x128xi32, #tpu.memory_space<vmem>> -> memref<128xi32, #tpu.memory_space<vmem>>
      %dma_start3A_107 = arith.constant 0 : i32
      %dma_start3A_108 = arith.constant 0 : i32
      %dma_start3A_109 = tpu.memref_slice %arg17[%dma_start3A_107, %dma_start3A_108] : memref<10240x64xf32, #tpu.memory_space<vmem_shared>> -> memref<10240x64xf32, #tpu.memory_space<vmem_shared>>
      tpu.enqueue_indirect_dma source(%arg9 : memref<128x64xf32, #tpu.memory_space<vmem>>) target(%dma_start3A_109 : memref<10240x64xf32, #tpu.memory_space<vmem_shared>>) offsets(%dma_start3A_106 : memref<128xi32, #tpu.memory_space<vmem>>) semaphore(%arg26 : memref<!tpu.dma_semaphore, #tpu.memory_space<semaphore_mem>>) {add = true}
      %add3A_110 = arith.constant 4 : i32
      %add3A_111 = arith.addi %add3A_97, %add3A_110 : i32
      %lt3A = arith.constant 80 : i32
      %lt3A_112 = arith.cmpi slt, %add3A_111, %lt3A : i32
      %convert_element_type3A = arith.extui %lt3A_112 : i1 to i32
      %cond3A = arith.constant 0 : i32
      %cond3A_113 = arith.cmpi ne, %convert_element_type3A, %cond3A : i32
      scf.if %cond3A_113 {
        %ge3A = arith.constant 4 : i32
        %ge3A_261 = arith.cmpi sge, %add3A_97, %ge3A : i32
        %convert_element_type3A_262 = arith.extui %ge3A_261 : i1 to i32
        %cond3A_263 = arith.constant 0 : i32
        %cond3A_264 = arith.cmpi ne, %convert_element_type3A_262, %cond3A_263 : i32
        scf.if %cond3A_264 {
          %sub3A = arith.constant 4 : i32
          %sub3A_273 = arith.subi %add3A_97, %sub3A : i32
          %dma_wait3A_274 = arith.constant 0 : i32
          %dma_wait3A_275 = tpu.memref_slice %arg8[%sub3A_273, %dma_wait3A_274] : memref<80x128xi32, #tpu.memory_space<vmem>> -> memref<1x128xi32, #tpu.memory_space<vmem>>
          %dma_wait3A_276 = tpu.memref_squeeze %dma_wait3A_275 : memref<1x128xi32, #tpu.memory_space<vmem>> -> memref<128xi32, #tpu.memory_space<vmem>>
          %dma_wait3A_277 = arith.constant 0 : i32
          %dma_wait3A_278 = arith.constant 0 : i32
          %dma_wait3A_279 = tpu.memref_slice %arg17[%dma_wait3A_277, %dma_wait3A_278] : memref<10240x64xf32, #tpu.memory_space<vmem_shared>> -> memref<10240x64xf32, #tpu.memory_space<vmem_shared>>
          tpu.wait_indirect_dma semaphore(%arg30 : memref<!tpu.dma_semaphore, #tpu.memory_space<semaphore_mem>>) src(%arg13 : memref<128x64xf32, #tpu.memory_space<vmem>>) dst(%dma_wait3A_279 : memref<10240x64xf32, #tpu.memory_space<vmem_shared>>)
        } else {
        }
        %add3A_265 = arith.constant 4 : i32
        %add3A_266 = arith.addi %add3A_97, %add3A_265 : i32
        %dma_start3A_267 = arith.constant 0 : i32
        %dma_start3A_268 = tpu.memref_slice %arg7[%add3A_266, %dma_start3A_267] : memref<80x128xi32, #tpu.memory_space<vmem>> -> memref<1x128xi32, #tpu.memory_space<vmem>>
        %dma_start3A_269 = tpu.memref_squeeze %dma_start3A_268 : memref<1x128xi32, #tpu.memory_space<vmem>> -> memref<128xi32, #tpu.memory_space<vmem>>
        %dma_start3A_270 = arith.constant 0 : i32
        %dma_start3A_271 = arith.constant 0 : i32
        %dma_start3A_272 = tpu.memref_slice %arg2[%dma_start3A_270, %dma_start3A_271] : memref<180000x64xf32, #tpu.memory_space<hbm>> -> memref<180000x64xf32, #tpu.memory_space<hbm>>
        tpu.enqueue_indirect_dma source(%dma_start3A_272 : memref<180000x64xf32, #tpu.memory_space<hbm>>) target(%arg13 : memref<128x64xf32, #tpu.memory_space<vmem>>) offsets(%dma_start3A_269 : memref<128xi32, #tpu.memory_space<vmem>>) semaphore(%arg22 : memref<!tpu.dma_semaphore, #tpu.memory_space<semaphore_mem>>)
      } else {
      }
      %add3A_114 = arith.constant 1 : i32
      %add3A_115 = arith.addi %mul3A_95, %add3A_114 : i32
      %dma_wait3A_116 = arith.constant 0 : i32
      %dma_wait3A_117 = tpu.memref_slice %arg7[%add3A_115, %dma_wait3A_116] : memref<80x128xi32, #tpu.memory_space<vmem>> -> memref<1x128xi32, #tpu.memory_space<vmem>>
      %dma_wait3A_118 = tpu.memref_squeeze %dma_wait3A_117 : memref<1x128xi32, #tpu.memory_space<vmem>> -> memref<128xi32, #tpu.memory_space<vmem>>
      %dma_wait3A_119 = arith.constant 0 : i32
      %dma_wait3A_120 = arith.constant 0 : i32
      %dma_wait3A_121 = tpu.memref_slice %arg2[%dma_wait3A_119, %dma_wait3A_120] : memref<180000x64xf32, #tpu.memory_space<hbm>> -> memref<180000x64xf32, #tpu.memory_space<hbm>>
      tpu.wait_indirect_dma semaphore(%arg19 : memref<!tpu.dma_semaphore, #tpu.memory_space<semaphore_mem>>) src(%dma_wait3A_121 : memref<180000x64xf32, #tpu.memory_space<hbm>>) dst(%arg10 : memref<128x64xf32, #tpu.memory_space<vmem>>)
      %dma_start3A_122 = arith.constant 0 : i32
      %dma_start3A_123 = tpu.memref_slice %arg8[%add3A_115, %dma_start3A_122] : memref<80x128xi32, #tpu.memory_space<vmem>> -> memref<1x128xi32, #tpu.memory_space<vmem>>
      %dma_start3A_124 = tpu.memref_squeeze %dma_start3A_123 : memref<1x128xi32, #tpu.memory_space<vmem>> -> memref<128xi32, #tpu.memory_space<vmem>>
      %dma_start3A_125 = arith.constant 0 : i32
      %dma_start3A_126 = arith.constant 0 : i32
      %dma_start3A_127 = tpu.memref_slice %arg17[%dma_start3A_125, %dma_start3A_126] : memref<10240x64xf32, #tpu.memory_space<vmem_shared>> -> memref<10240x64xf32, #tpu.memory_space<vmem_shared>>
      tpu.enqueue_indirect_dma source(%arg10 : memref<128x64xf32, #tpu.memory_space<vmem>>) target(%dma_start3A_127 : memref<10240x64xf32, #tpu.memory_space<vmem_shared>>) offsets(%dma_start3A_124 : memref<128xi32, #tpu.memory_space<vmem>>) semaphore(%arg27 : memref<!tpu.dma_semaphore, #tpu.memory_space<semaphore_mem>>) {add = true}
      %add3A_128 = arith.constant 4 : i32
      %add3A_129 = arith.addi %add3A_115, %add3A_128 : i32
      %lt3A_130 = arith.constant 80 : i32
      %lt3A_131 = arith.cmpi slt, %add3A_129, %lt3A_130 : i32
      %convert_element_type3A_132 = arith.extui %lt3A_131 : i1 to i32
      %cond3A_133 = arith.constant 0 : i32
      %cond3A_134 = arith.cmpi ne, %convert_element_type3A_132, %cond3A_133 : i32
      scf.if %cond3A_134 {
        %ge3A = arith.constant 4 : i32
        %ge3A_261 = arith.cmpi sge, %add3A_115, %ge3A : i32
        %convert_element_type3A_262 = arith.extui %ge3A_261 : i1 to i32
        %cond3A_263 = arith.constant 0 : i32
        %cond3A_264 = arith.cmpi ne, %convert_element_type3A_262, %cond3A_263 : i32
        scf.if %cond3A_264 {
          %sub3A = arith.constant 4 : i32
          %sub3A_273 = arith.subi %add3A_115, %sub3A : i32
          %dma_wait3A_274 = arith.constant 0 : i32
          %dma_wait3A_275 = tpu.memref_slice %arg8[%sub3A_273, %dma_wait3A_274] : memref<80x128xi32, #tpu.memory_space<vmem>> -> memref<1x128xi32, #tpu.memory_space<vmem>>
          %dma_wait3A_276 = tpu.memref_squeeze %dma_wait3A_275 : memref<1x128xi32, #tpu.memory_space<vmem>> -> memref<128xi32, #tpu.memory_space<vmem>>
          %dma_wait3A_277 = arith.constant 0 : i32
          %dma_wait3A_278 = arith.constant 0 : i32
          %dma_wait3A_279 = tpu.memref_slice %arg17[%dma_wait3A_277, %dma_wait3A_278] : memref<10240x64xf32, #tpu.memory_space<vmem_shared>> -> memref<10240x64xf32, #tpu.memory_space<vmem_shared>>
          tpu.wait_indirect_dma semaphore(%arg31 : memref<!tpu.dma_semaphore, #tpu.memory_space<semaphore_mem>>) src(%arg14 : memref<128x64xf32, #tpu.memory_space<vmem>>) dst(%dma_wait3A_279 : memref<10240x64xf32, #tpu.memory_space<vmem_shared>>)
        } else {
        }
        %add3A_265 = arith.constant 4 : i32
        %add3A_266 = arith.addi %add3A_115, %add3A_265 : i32
        %dma_start3A_267 = arith.constant 0 : i32
        %dma_start3A_268 = tpu.memref_slice %arg7[%add3A_266, %dma_start3A_267] : memref<80x128xi32, #tpu.memory_space<vmem>> -> memref<1x128xi32, #tpu.memory_space<vmem>>
        %dma_start3A_269 = tpu.memref_squeeze %dma_start3A_268 : memref<1x128xi32, #tpu.memory_space<vmem>> -> memref<128xi32, #tpu.memory_space<vmem>>
        %dma_start3A_270 = arith.constant 0 : i32
        %dma_start3A_271 = arith.constant 0 : i32
        %dma_start3A_272 = tpu.memref_slice %arg2[%dma_start3A_270, %dma_start3A_271] : memref<180000x64xf32, #tpu.memory_space<hbm>> -> memref<180000x64xf32, #tpu.memory_space<hbm>>
        tpu.enqueue_indirect_dma source(%dma_start3A_272 : memref<180000x64xf32, #tpu.memory_space<hbm>>) target(%arg14 : memref<128x64xf32, #tpu.memory_space<vmem>>) offsets(%dma_start3A_269 : memref<128xi32, #tpu.memory_space<vmem>>) semaphore(%arg23 : memref<!tpu.dma_semaphore, #tpu.memory_space<semaphore_mem>>)
      } else {
      }
      %add3A_135 = arith.constant 2 : i32
      %add3A_136 = arith.addi %mul3A_95, %add3A_135 : i32
      %dma_wait3A_137 = arith.constant 0 : i32
      %dma_wait3A_138 = tpu.memref_slice %arg7[%add3A_136, %dma_wait3A_137] : memref<80x128xi32, #tpu.memory_space<vmem>> -> memref<1x128xi32, #tpu.memory_space<vmem>>
      %dma_wait3A_139 = tpu.memref_squeeze %dma_wait3A_138 : memref<1x128xi32, #tpu.memory_space<vmem>> -> memref<128xi32, #tpu.memory_space<vmem>>
      %dma_wait3A_140 = arith.constant 0 : i32
      %dma_wait3A_141 = arith.constant 0 : i32
      %dma_wait3A_142 = tpu.memref_slice %arg2[%dma_wait3A_140, %dma_wait3A_141] : memref<180000x64xf32, #tpu.memory_space<hbm>> -> memref<180000x64xf32, #tpu.memory_space<hbm>>
      tpu.wait_indirect_dma semaphore(%arg20 : memref<!tpu.dma_semaphore, #tpu.memory_space<semaphore_mem>>) src(%dma_wait3A_142 : memref<180000x64xf32, #tpu.memory_space<hbm>>) dst(%arg11 : memref<128x64xf32, #tpu.memory_space<vmem>>)
      %dma_start3A_143 = arith.constant 0 : i32
      %dma_start3A_144 = tpu.memref_slice %arg8[%add3A_136, %dma_start3A_143] : memref<80x128xi32, #tpu.memory_space<vmem>> -> memref<1x128xi32, #tpu.memory_space<vmem>>
      %dma_start3A_145 = tpu.memref_squeeze %dma_start3A_144 : memref<1x128xi32, #tpu.memory_space<vmem>> -> memref<128xi32, #tpu.memory_space<vmem>>
      %dma_start3A_146 = arith.constant 0 : i32
      %dma_start3A_147 = arith.constant 0 : i32
      %dma_start3A_148 = tpu.memref_slice %arg17[%dma_start3A_146, %dma_start3A_147] : memref<10240x64xf32, #tpu.memory_space<vmem_shared>> -> memref<10240x64xf32, #tpu.memory_space<vmem_shared>>
      tpu.enqueue_indirect_dma source(%arg11 : memref<128x64xf32, #tpu.memory_space<vmem>>) target(%dma_start3A_148 : memref<10240x64xf32, #tpu.memory_space<vmem_shared>>) offsets(%dma_start3A_145 : memref<128xi32, #tpu.memory_space<vmem>>) semaphore(%arg28 : memref<!tpu.dma_semaphore, #tpu.memory_space<semaphore_mem>>) {add = true}
      %add3A_149 = arith.constant 4 : i32
      %add3A_150 = arith.addi %add3A_136, %add3A_149 : i32
      %lt3A_151 = arith.constant 80 : i32
      %lt3A_152 = arith.cmpi slt, %add3A_150, %lt3A_151 : i32
      %convert_element_type3A_153 = arith.extui %lt3A_152 : i1 to i32
      %cond3A_154 = arith.constant 0 : i32
      %cond3A_155 = arith.cmpi ne, %convert_element_type3A_153, %cond3A_154 : i32
      scf.if %cond3A_155 {
        %ge3A = arith.constant 4 : i32
        %ge3A_261 = arith.cmpi sge, %add3A_136, %ge3A : i32
        %convert_element_type3A_262 = arith.extui %ge3A_261 : i1 to i32
        %cond3A_263 = arith.constant 0 : i32
        %cond3A_264 = arith.cmpi ne, %convert_element_type3A_262, %cond3A_263 : i32
        scf.if %cond3A_264 {
          %sub3A = arith.constant 4 : i32
          %sub3A_273 = arith.subi %add3A_136, %sub3A : i32
          %dma_wait3A_274 = arith.constant 0 : i32
          %dma_wait3A_275 = tpu.memref_slice %arg8[%sub3A_273, %dma_wait3A_274] : memref<80x128xi32, #tpu.memory_space<vmem>> -> memref<1x128xi32, #tpu.memory_space<vmem>>
          %dma_wait3A_276 = tpu.memref_squeeze %dma_wait3A_275 : memref<1x128xi32, #tpu.memory_space<vmem>> -> memref<128xi32, #tpu.memory_space<vmem>>
          %dma_wait3A_277 = arith.constant 0 : i32
          %dma_wait3A_278 = arith.constant 0 : i32
          %dma_wait3A_279 = tpu.memref_slice %arg17[%dma_wait3A_277, %dma_wait3A_278] : memref<10240x64xf32, #tpu.memory_space<vmem_shared>> -> memref<10240x64xf32, #tpu.memory_space<vmem_shared>>
          tpu.wait_indirect_dma semaphore(%arg32 : memref<!tpu.dma_semaphore, #tpu.memory_space<semaphore_mem>>) src(%arg15 : memref<128x64xf32, #tpu.memory_space<vmem>>) dst(%dma_wait3A_279 : memref<10240x64xf32, #tpu.memory_space<vmem_shared>>)
        } else {
        }
        %add3A_265 = arith.constant 4 : i32
        %add3A_266 = arith.addi %add3A_136, %add3A_265 : i32
        %dma_start3A_267 = arith.constant 0 : i32
        %dma_start3A_268 = tpu.memref_slice %arg7[%add3A_266, %dma_start3A_267] : memref<80x128xi32, #tpu.memory_space<vmem>> -> memref<1x128xi32, #tpu.memory_space<vmem>>
        %dma_start3A_269 = tpu.memref_squeeze %dma_start3A_268 : memref<1x128xi32, #tpu.memory_space<vmem>> -> memref<128xi32, #tpu.memory_space<vmem>>
        %dma_start3A_270 = arith.constant 0 : i32
        %dma_start3A_271 = arith.constant 0 : i32
        %dma_start3A_272 = tpu.memref_slice %arg2[%dma_start3A_270, %dma_start3A_271] : memref<180000x64xf32, #tpu.memory_space<hbm>> -> memref<180000x64xf32, #tpu.memory_space<hbm>>
        tpu.enqueue_indirect_dma source(%dma_start3A_272 : memref<180000x64xf32, #tpu.memory_space<hbm>>) target(%arg15 : memref<128x64xf32, #tpu.memory_space<vmem>>) offsets(%dma_start3A_269 : memref<128xi32, #tpu.memory_space<vmem>>) semaphore(%arg24 : memref<!tpu.dma_semaphore, #tpu.memory_space<semaphore_mem>>)
      } else {
      }
      %add3A_156 = arith.constant 3 : i32
      %add3A_157 = arith.addi %mul3A_95, %add3A_156 : i32
      %dma_wait3A_158 = arith.constant 0 : i32
      %dma_wait3A_159 = tpu.memref_slice %arg7[%add3A_157, %dma_wait3A_158] : memref<80x128xi32, #tpu.memory_space<vmem>> -> memref<1x128xi32, #tpu.memory_space<vmem>>
      %dma_wait3A_160 = tpu.memref_squeeze %dma_wait3A_159 : memref<1x128xi32, #tpu.memory_space<vmem>> -> memref<128xi32, #tpu.memory_space<vmem>>
      %dma_wait3A_161 = arith.constant 0 : i32
      %dma_wait3A_162 = arith.constant 0 : i32
      %dma_wait3A_163 = tpu.memref_slice %arg2[%dma_wait3A_161, %dma_wait3A_162] : memref<180000x64xf32, #tpu.memory_space<hbm>> -> memref<180000x64xf32, #tpu.memory_space<hbm>>
      tpu.wait_indirect_dma semaphore(%arg21 : memref<!tpu.dma_semaphore, #tpu.memory_space<semaphore_mem>>) src(%dma_wait3A_163 : memref<180000x64xf32, #tpu.memory_space<hbm>>) dst(%arg12 : memref<128x64xf32, #tpu.memory_space<vmem>>)
      %dma_start3A_164 = arith.constant 0 : i32
      %dma_start3A_165 = tpu.memref_slice %arg8[%add3A_157, %dma_start3A_164] : memref<80x128xi32, #tpu.memory_space<vmem>> -> memref<1x128xi32, #tpu.memory_space<vmem>>
      %dma_start3A_166 = tpu.memref_squeeze %dma_start3A_165 : memref<1x128xi32, #tpu.memory_space<vmem>> -> memref<128xi32, #tpu.memory_space<vmem>>
      %dma_start3A_167 = arith.constant 0 : i32
      %dma_start3A_168 = arith.constant 0 : i32
      %dma_start3A_169 = tpu.memref_slice %arg17[%dma_start3A_167, %dma_start3A_168] : memref<10240x64xf32, #tpu.memory_space<vmem_shared>> -> memref<10240x64xf32, #tpu.memory_space<vmem_shared>>
      tpu.enqueue_indirect_dma source(%arg12 : memref<128x64xf32, #tpu.memory_space<vmem>>) target(%dma_start3A_169 : memref<10240x64xf32, #tpu.memory_space<vmem_shared>>) offsets(%dma_start3A_166 : memref<128xi32, #tpu.memory_space<vmem>>) semaphore(%arg29 : memref<!tpu.dma_semaphore, #tpu.memory_space<semaphore_mem>>) {add = true}
      %add3A_170 = arith.constant 4 : i32
      %add3A_171 = arith.addi %add3A_157, %add3A_170 : i32
      %lt3A_172 = arith.constant 80 : i32
      %lt3A_173 = arith.cmpi slt, %add3A_171, %lt3A_172 : i32
      %convert_element_type3A_174 = arith.extui %lt3A_173 : i1 to i32
      %cond3A_175 = arith.constant 0 : i32
      %cond3A_176 = arith.cmpi ne, %convert_element_type3A_174, %cond3A_175 : i32
      scf.if %cond3A_176 {
        %ge3A = arith.constant 4 : i32
        %ge3A_261 = arith.cmpi sge, %add3A_157, %ge3A : i32
        %convert_element_type3A_262 = arith.extui %ge3A_261 : i1 to i32
        %cond3A_263 = arith.constant 0 : i32
        %cond3A_264 = arith.cmpi ne, %convert_element_type3A_262, %cond3A_263 : i32
        scf.if %cond3A_264 {
          %sub3A = arith.constant 4 : i32
          %sub3A_273 = arith.subi %add3A_157, %sub3A : i32
          %dma_wait3A_274 = arith.constant 0 : i32
          %dma_wait3A_275 = tpu.memref_slice %arg8[%sub3A_273, %dma_wait3A_274] : memref<80x128xi32, #tpu.memory_space<vmem>> -> memref<1x128xi32, #tpu.memory_space<vmem>>
          %dma_wait3A_276 = tpu.memref_squeeze %dma_wait3A_275 : memref<1x128xi32, #tpu.memory_space<vmem>> -> memref<128xi32, #tpu.memory_space<vmem>>
          %dma_wait3A_277 = arith.constant 0 : i32
          %dma_wait3A_278 = arith.constant 0 : i32
          %dma_wait3A_279 = tpu.memref_slice %arg17[%dma_wait3A_277, %dma_wait3A_278] : memref<10240x64xf32, #tpu.memory_space<vmem_shared>> -> memref<10240x64xf32, #tpu.memory_space<vmem_shared>>
          tpu.wait_indirect_dma semaphore(%arg33 : memref<!tpu.dma_semaphore, #tpu.memory_space<semaphore_mem>>) src(%arg16 : memref<128x64xf32, #tpu.memory_space<vmem>>) dst(%dma_wait3A_279 : memref<10240x64xf32, #tpu.memory_space<vmem_shared>>)
        } else {
        }
        %add3A_265 = arith.constant 4 : i32
        %add3A_266 = arith.addi %add3A_157, %add3A_265 : i32
        %dma_start3A_267 = arith.constant 0 : i32
        %dma_start3A_268 = tpu.memref_slice %arg7[%add3A_266, %dma_start3A_267] : memref<80x128xi32, #tpu.memory_space<vmem>> -> memref<1x128xi32, #tpu.memory_space<vmem>>
        %dma_start3A_269 = tpu.memref_squeeze %dma_start3A_268 : memref<1x128xi32, #tpu.memory_space<vmem>> -> memref<128xi32, #tpu.memory_space<vmem>>
        %dma_start3A_270 = arith.constant 0 : i32
        %dma_start3A_271 = arith.constant 0 : i32
        %dma_start3A_272 = tpu.memref_slice %arg2[%dma_start3A_270, %dma_start3A_271] : memref<180000x64xf32, #tpu.memory_space<hbm>> -> memref<180000x64xf32, #tpu.memory_space<hbm>>
        tpu.enqueue_indirect_dma source(%dma_start3A_272 : memref<180000x64xf32, #tpu.memory_space<hbm>>) target(%arg16 : memref<128x64xf32, #tpu.memory_space<vmem>>) offsets(%dma_start3A_269 : memref<128xi32, #tpu.memory_space<vmem>>) semaphore(%arg25 : memref<!tpu.dma_semaphore, #tpu.memory_space<semaphore_mem>>)
      } else {
      }
      %add3A_177 = arith.constant 4 : i32
      %add3A_178 = arith.addi %mul3A_95, %add3A_177 : i32
      %dma_wait3A_179 = arith.constant 0 : i32
      %dma_wait3A_180 = tpu.memref_slice %arg7[%add3A_178, %dma_wait3A_179] : memref<80x128xi32, #tpu.memory_space<vmem>> -> memref<1x128xi32, #tpu.memory_space<vmem>>
      %dma_wait3A_181 = tpu.memref_squeeze %dma_wait3A_180 : memref<1x128xi32, #tpu.memory_space<vmem>> -> memref<128xi32, #tpu.memory_space<vmem>>
      %dma_wait3A_182 = arith.constant 0 : i32
      %dma_wait3A_183 = arith.constant 0 : i32
      %dma_wait3A_184 = tpu.memref_slice %arg2[%dma_wait3A_182, %dma_wait3A_183] : memref<180000x64xf32, #tpu.memory_space<hbm>> -> memref<180000x64xf32, #tpu.memory_space<hbm>>
      tpu.wait_indirect_dma semaphore(%arg22 : memref<!tpu.dma_semaphore, #tpu.memory_space<semaphore_mem>>) src(%dma_wait3A_184 : memref<180000x64xf32, #tpu.memory_space<hbm>>) dst(%arg13 : memref<128x64xf32, #tpu.memory_space<vmem>>)
      %dma_start3A_185 = arith.constant 0 : i32
      %dma_start3A_186 = tpu.memref_slice %arg8[%add3A_178, %dma_start3A_185] : memref<80x128xi32, #tpu.memory_space<vmem>> -> memref<1x128xi32, #tpu.memory_space<vmem>>
      %dma_start3A_187 = tpu.memref_squeeze %dma_start3A_186 : memref<1x128xi32, #tpu.memory_space<vmem>> -> memref<128xi32, #tpu.memory_space<vmem>>
      %dma_start3A_188 = arith.constant 0 : i32
      %dma_start3A_189 = arith.constant 0 : i32
      %dma_start3A_190 = tpu.memref_slice %arg17[%dma_start3A_188, %dma_start3A_189] : memref<10240x64xf32, #tpu.memory_space<vmem_shared>> -> memref<10240x64xf32, #tpu.memory_space<vmem_shared>>
      tpu.enqueue_indirect_dma source(%arg13 : memref<128x64xf32, #tpu.memory_space<vmem>>) target(%dma_start3A_190 : memref<10240x64xf32, #tpu.memory_space<vmem_shared>>) offsets(%dma_start3A_187 : memref<128xi32, #tpu.memory_space<vmem>>) semaphore(%arg30 : memref<!tpu.dma_semaphore, #tpu.memory_space<semaphore_mem>>) {add = true}
      %add3A_191 = arith.constant 4 : i32
      %add3A_192 = arith.addi %add3A_178, %add3A_191 : i32
      %lt3A_193 = arith.constant 80 : i32
      %lt3A_194 = arith.cmpi slt, %add3A_192, %lt3A_193 : i32
      %convert_element_type3A_195 = arith.extui %lt3A_194 : i1 to i32
      %cond3A_196 = arith.constant 0 : i32
      %cond3A_197 = arith.cmpi ne, %convert_element_type3A_195, %cond3A_196 : i32
      scf.if %cond3A_197 {
        %ge3A = arith.constant 4 : i32
        %ge3A_261 = arith.cmpi sge, %add3A_178, %ge3A : i32
        %convert_element_type3A_262 = arith.extui %ge3A_261 : i1 to i32
        %cond3A_263 = arith.constant 0 : i32
        %cond3A_264 = arith.cmpi ne, %convert_element_type3A_262, %cond3A_263 : i32
        scf.if %cond3A_264 {
          %sub3A = arith.constant 4 : i32
          %sub3A_273 = arith.subi %add3A_178, %sub3A : i32
          %dma_wait3A_274 = arith.constant 0 : i32
          %dma_wait3A_275 = tpu.memref_slice %arg8[%sub3A_273, %dma_wait3A_274] : memref<80x128xi32, #tpu.memory_space<vmem>> -> memref<1x128xi32, #tpu.memory_space<vmem>>
          %dma_wait3A_276 = tpu.memref_squeeze %dma_wait3A_275 : memref<1x128xi32, #tpu.memory_space<vmem>> -> memref<128xi32, #tpu.memory_space<vmem>>
          %dma_wait3A_277 = arith.constant 0 : i32
          %dma_wait3A_278 = arith.constant 0 : i32
          %dma_wait3A_279 = tpu.memref_slice %arg17[%dma_wait3A_277, %dma_wait3A_278] : memref<10240x64xf32, #tpu.memory_space<vmem_shared>> -> memref<10240x64xf32, #tpu.memory_space<vmem_shared>>
          tpu.wait_indirect_dma semaphore(%arg26 : memref<!tpu.dma_semaphore, #tpu.memory_space<semaphore_mem>>) src(%arg9 : memref<128x64xf32, #tpu.memory_space<vmem>>) dst(%dma_wait3A_279 : memref<10240x64xf32, #tpu.memory_space<vmem_shared>>)
        } else {
        }
        %add3A_265 = arith.constant 4 : i32
        %add3A_266 = arith.addi %add3A_178, %add3A_265 : i32
        %dma_start3A_267 = arith.constant 0 : i32
        %dma_start3A_268 = tpu.memref_slice %arg7[%add3A_266, %dma_start3A_267] : memref<80x128xi32, #tpu.memory_space<vmem>> -> memref<1x128xi32, #tpu.memory_space<vmem>>
        %dma_start3A_269 = tpu.memref_squeeze %dma_start3A_268 : memref<1x128xi32, #tpu.memory_space<vmem>> -> memref<128xi32, #tpu.memory_space<vmem>>
        %dma_start3A_270 = arith.constant 0 : i32
        %dma_start3A_271 = arith.constant 0 : i32
        %dma_start3A_272 = tpu.memref_slice %arg2[%dma_start3A_270, %dma_start3A_271] : memref<180000x64xf32, #tpu.memory_space<hbm>> -> memref<180000x64xf32, #tpu.memory_space<hbm>>
        tpu.enqueue_indirect_dma source(%dma_start3A_272 : memref<180000x64xf32, #tpu.memory_space<hbm>>) target(%arg9 : memref<128x64xf32, #tpu.memory_space<vmem>>) offsets(%dma_start3A_269 : memref<128xi32, #tpu.memory_space<vmem>>) semaphore(%arg18 : memref<!tpu.dma_semaphore, #tpu.memory_space<semaphore_mem>>)
      } else {
      }
      %add3A_198 = arith.constant 5 : i32
      %add3A_199 = arith.addi %mul3A_95, %add3A_198 : i32
      %dma_wait3A_200 = arith.constant 0 : i32
      %dma_wait3A_201 = tpu.memref_slice %arg7[%add3A_199, %dma_wait3A_200] : memref<80x128xi32, #tpu.memory_space<vmem>> -> memref<1x128xi32, #tpu.memory_space<vmem>>
      %dma_wait3A_202 = tpu.memref_squeeze %dma_wait3A_201 : memref<1x128xi32, #tpu.memory_space<vmem>> -> memref<128xi32, #tpu.memory_space<vmem>>
      %dma_wait3A_203 = arith.constant 0 : i32
      %dma_wait3A_204 = arith.constant 0 : i32
      %dma_wait3A_205 = tpu.memref_slice %arg2[%dma_wait3A_203, %dma_wait3A_204] : memref<180000x64xf32, #tpu.memory_space<hbm>> -> memref<180000x64xf32, #tpu.memory_space<hbm>>
      tpu.wait_indirect_dma semaphore(%arg23 : memref<!tpu.dma_semaphore, #tpu.memory_space<semaphore_mem>>) src(%dma_wait3A_205 : memref<180000x64xf32, #tpu.memory_space<hbm>>) dst(%arg14 : memref<128x64xf32, #tpu.memory_space<vmem>>)
      %dma_start3A_206 = arith.constant 0 : i32
      %dma_start3A_207 = tpu.memref_slice %arg8[%add3A_199, %dma_start3A_206] : memref<80x128xi32, #tpu.memory_space<vmem>> -> memref<1x128xi32, #tpu.memory_space<vmem>>
      %dma_start3A_208 = tpu.memref_squeeze %dma_start3A_207 : memref<1x128xi32, #tpu.memory_space<vmem>> -> memref<128xi32, #tpu.memory_space<vmem>>
      %dma_start3A_209 = arith.constant 0 : i32
      %dma_start3A_210 = arith.constant 0 : i32
      %dma_start3A_211 = tpu.memref_slice %arg17[%dma_start3A_209, %dma_start3A_210] : memref<10240x64xf32, #tpu.memory_space<vmem_shared>> -> memref<10240x64xf32, #tpu.memory_space<vmem_shared>>
      tpu.enqueue_indirect_dma source(%arg14 : memref<128x64xf32, #tpu.memory_space<vmem>>) target(%dma_start3A_211 : memref<10240x64xf32, #tpu.memory_space<vmem_shared>>) offsets(%dma_start3A_208 : memref<128xi32, #tpu.memory_space<vmem>>) semaphore(%arg31 : memref<!tpu.dma_semaphore, #tpu.memory_space<semaphore_mem>>) {add = true}
      %add3A_212 = arith.constant 4 : i32
      %add3A_213 = arith.addi %add3A_199, %add3A_212 : i32
      %lt3A_214 = arith.constant 80 : i32
      %lt3A_215 = arith.cmpi slt, %add3A_213, %lt3A_214 : i32
      %convert_element_type3A_216 = arith.extui %lt3A_215 : i1 to i32
      %cond3A_217 = arith.constant 0 : i32
      %cond3A_218 = arith.cmpi ne, %convert_element_type3A_216, %cond3A_217 : i32
      scf.if %cond3A_218 {
        %ge3A = arith.constant 4 : i32
        %ge3A_261 = arith.cmpi sge, %add3A_199, %ge3A : i32
        %convert_element_type3A_262 = arith.extui %ge3A_261 : i1 to i32
        %cond3A_263 = arith.constant 0 : i32
        %cond3A_264 = arith.cmpi ne, %convert_element_type3A_262, %cond3A_263 : i32
        scf.if %cond3A_264 {
          %sub3A = arith.constant 4 : i32
          %sub3A_273 = arith.subi %add3A_199, %sub3A : i32
          %dma_wait3A_274 = arith.constant 0 : i32
          %dma_wait3A_275 = tpu.memref_slice %arg8[%sub3A_273, %dma_wait3A_274] : memref<80x128xi32, #tpu.memory_space<vmem>> -> memref<1x128xi32, #tpu.memory_space<vmem>>
          %dma_wait3A_276 = tpu.memref_squeeze %dma_wait3A_275 : memref<1x128xi32, #tpu.memory_space<vmem>> -> memref<128xi32, #tpu.memory_space<vmem>>
          %dma_wait3A_277 = arith.constant 0 : i32
          %dma_wait3A_278 = arith.constant 0 : i32
          %dma_wait3A_279 = tpu.memref_slice %arg17[%dma_wait3A_277, %dma_wait3A_278] : memref<10240x64xf32, #tpu.memory_space<vmem_shared>> -> memref<10240x64xf32, #tpu.memory_space<vmem_shared>>
          tpu.wait_indirect_dma semaphore(%arg27 : memref<!tpu.dma_semaphore, #tpu.memory_space<semaphore_mem>>) src(%arg10 : memref<128x64xf32, #tpu.memory_space<vmem>>) dst(%dma_wait3A_279 : memref<10240x64xf32, #tpu.memory_space<vmem_shared>>)
        } else {
        }
        %add3A_265 = arith.constant 4 : i32
        %add3A_266 = arith.addi %add3A_199, %add3A_265 : i32
        %dma_start3A_267 = arith.constant 0 : i32
        %dma_start3A_268 = tpu.memref_slice %arg7[%add3A_266, %dma_start3A_267] : memref<80x128xi32, #tpu.memory_space<vmem>> -> memref<1x128xi32, #tpu.memory_space<vmem>>
        %dma_start3A_269 = tpu.memref_squeeze %dma_start3A_268 : memref<1x128xi32, #tpu.memory_space<vmem>> -> memref<128xi32, #tpu.memory_space<vmem>>
        %dma_start3A_270 = arith.constant 0 : i32
        %dma_start3A_271 = arith.constant 0 : i32
        %dma_start3A_272 = tpu.memref_slice %arg2[%dma_start3A_270, %dma_start3A_271] : memref<180000x64xf32, #tpu.memory_space<hbm>> -> memref<180000x64xf32, #tpu.memory_space<hbm>>
        tpu.enqueue_indirect_dma source(%dma_start3A_272 : memref<180000x64xf32, #tpu.memory_space<hbm>>) target(%arg10 : memref<128x64xf32, #tpu.memory_space<vmem>>) offsets(%dma_start3A_269 : memref<128xi32, #tpu.memory_space<vmem>>) semaphore(%arg19 : memref<!tpu.dma_semaphore, #tpu.memory_space<semaphore_mem>>)
      } else {
      }
      %add3A_219 = arith.constant 6 : i32
      %add3A_220 = arith.addi %mul3A_95, %add3A_219 : i32
      %dma_wait3A_221 = arith.constant 0 : i32
      %dma_wait3A_222 = tpu.memref_slice %arg7[%add3A_220, %dma_wait3A_221] : memref<80x128xi32, #tpu.memory_space<vmem>> -> memref<1x128xi32, #tpu.memory_space<vmem>>
      %dma_wait3A_223 = tpu.memref_squeeze %dma_wait3A_222 : memref<1x128xi32, #tpu.memory_space<vmem>> -> memref<128xi32, #tpu.memory_space<vmem>>
      %dma_wait3A_224 = arith.constant 0 : i32
      %dma_wait3A_225 = arith.constant 0 : i32
      %dma_wait3A_226 = tpu.memref_slice %arg2[%dma_wait3A_224, %dma_wait3A_225] : memref<180000x64xf32, #tpu.memory_space<hbm>> -> memref<180000x64xf32, #tpu.memory_space<hbm>>
      tpu.wait_indirect_dma semaphore(%arg24 : memref<!tpu.dma_semaphore, #tpu.memory_space<semaphore_mem>>) src(%dma_wait3A_226 : memref<180000x64xf32, #tpu.memory_space<hbm>>) dst(%arg15 : memref<128x64xf32, #tpu.memory_space<vmem>>)
      %dma_start3A_227 = arith.constant 0 : i32
      %dma_start3A_228 = tpu.memref_slice %arg8[%add3A_220, %dma_start3A_227] : memref<80x128xi32, #tpu.memory_space<vmem>> -> memref<1x128xi32, #tpu.memory_space<vmem>>
      %dma_start3A_229 = tpu.memref_squeeze %dma_start3A_228 : memref<1x128xi32, #tpu.memory_space<vmem>> -> memref<128xi32, #tpu.memory_space<vmem>>
      %dma_start3A_230 = arith.constant 0 : i32
      %dma_start3A_231 = arith.constant 0 : i32
      %dma_start3A_232 = tpu.memref_slice %arg17[%dma_start3A_230, %dma_start3A_231] : memref<10240x64xf32, #tpu.memory_space<vmem_shared>> -> memref<10240x64xf32, #tpu.memory_space<vmem_shared>>
      tpu.enqueue_indirect_dma source(%arg15 : memref<128x64xf32, #tpu.memory_space<vmem>>) target(%dma_start3A_232 : memref<10240x64xf32, #tpu.memory_space<vmem_shared>>) offsets(%dma_start3A_229 : memref<128xi32, #tpu.memory_space<vmem>>) semaphore(%arg32 : memref<!tpu.dma_semaphore, #tpu.memory_space<semaphore_mem>>) {add = true}
      %add3A_233 = arith.constant 4 : i32
      %add3A_234 = arith.addi %add3A_220, %add3A_233 : i32
      %lt3A_235 = arith.constant 80 : i32
      %lt3A_236 = arith.cmpi slt, %add3A_234, %lt3A_235 : i32
      %convert_element_type3A_237 = arith.extui %lt3A_236 : i1 to i32
      %cond3A_238 = arith.constant 0 : i32
      %cond3A_239 = arith.cmpi ne, %convert_element_type3A_237, %cond3A_238 : i32
      scf.if %cond3A_239 {
        %ge3A = arith.constant 4 : i32
        %ge3A_261 = arith.cmpi sge, %add3A_220, %ge3A : i32
        %convert_element_type3A_262 = arith.extui %ge3A_261 : i1 to i32
        %cond3A_263 = arith.constant 0 : i32
        %cond3A_264 = arith.cmpi ne, %convert_element_type3A_262, %cond3A_263 : i32
        scf.if %cond3A_264 {
          %sub3A = arith.constant 4 : i32
          %sub3A_273 = arith.subi %add3A_220, %sub3A : i32
          %dma_wait3A_274 = arith.constant 0 : i32
          %dma_wait3A_275 = tpu.memref_slice %arg8[%sub3A_273, %dma_wait3A_274] : memref<80x128xi32, #tpu.memory_space<vmem>> -> memref<1x128xi32, #tpu.memory_space<vmem>>
          %dma_wait3A_276 = tpu.memref_squeeze %dma_wait3A_275 : memref<1x128xi32, #tpu.memory_space<vmem>> -> memref<128xi32, #tpu.memory_space<vmem>>
          %dma_wait3A_277 = arith.constant 0 : i32
          %dma_wait3A_278 = arith.constant 0 : i32
          %dma_wait3A_279 = tpu.memref_slice %arg17[%dma_wait3A_277, %dma_wait3A_278] : memref<10240x64xf32, #tpu.memory_space<vmem_shared>> -> memref<10240x64xf32, #tpu.memory_space<vmem_shared>>
          tpu.wait_indirect_dma semaphore(%arg28 : memref<!tpu.dma_semaphore, #tpu.memory_space<semaphore_mem>>) src(%arg11 : memref<128x64xf32, #tpu.memory_space<vmem>>) dst(%dma_wait3A_279 : memref<10240x64xf32, #tpu.memory_space<vmem_shared>>)
        } else {
        }
        %add3A_265 = arith.constant 4 : i32
        %add3A_266 = arith.addi %add3A_220, %add3A_265 : i32
        %dma_start3A_267 = arith.constant 0 : i32
        %dma_start3A_268 = tpu.memref_slice %arg7[%add3A_266, %dma_start3A_267] : memref<80x128xi32, #tpu.memory_space<vmem>> -> memref<1x128xi32, #tpu.memory_space<vmem>>
        %dma_start3A_269 = tpu.memref_squeeze %dma_start3A_268 : memref<1x128xi32, #tpu.memory_space<vmem>> -> memref<128xi32, #tpu.memory_space<vmem>>
        %dma_start3A_270 = arith.constant 0 : i32
        %dma_start3A_271 = arith.constant 0 : i32
        %dma_start3A_272 = tpu.memref_slice %arg2[%dma_start3A_270, %dma_start3A_271] : memref<180000x64xf32, #tpu.memory_space<hbm>> -> memref<180000x64xf32, #tpu.memory_space<hbm>>
        tpu.enqueue_indirect_dma source(%dma_start3A_272 : memref<180000x64xf32, #tpu.memory_space<hbm>>) target(%arg11 : memref<128x64xf32, #tpu.memory_space<vmem>>) offsets(%dma_start3A_269 : memref<128xi32, #tpu.memory_space<vmem>>) semaphore(%arg20 : memref<!tpu.dma_semaphore, #tpu.memory_space<semaphore_mem>>)
      } else {
      }
      %add3A_240 = arith.constant 7 : i32
      %add3A_241 = arith.addi %mul3A_95, %add3A_240 : i32
      %dma_wait3A_242 = arith.constant 0 : i32
      %dma_wait3A_243 = tpu.memref_slice %arg7[%add3A_241, %dma_wait3A_242] : memref<80x128xi32, #tpu.memory_space<vmem>> -> memref<1x128xi32, #tpu.memory_space<vmem>>
      %dma_wait3A_244 = tpu.memref_squeeze %dma_wait3A_243 : memref<1x128xi32, #tpu.memory_space<vmem>> -> memref<128xi32, #tpu.memory_space<vmem>>
      %dma_wait3A_245 = arith.constant 0 : i32
      %dma_wait3A_246 = arith.constant 0 : i32
      %dma_wait3A_247 = tpu.memref_slice %arg2[%dma_wait3A_245, %dma_wait3A_246] : memref<180000x64xf32, #tpu.memory_space<hbm>> -> memref<180000x64xf32, #tpu.memory_space<hbm>>
      tpu.wait_indirect_dma semaphore(%arg25 : memref<!tpu.dma_semaphore, #tpu.memory_space<semaphore_mem>>) src(%dma_wait3A_247 : memref<180000x64xf32, #tpu.memory_space<hbm>>) dst(%arg16 : memref<128x64xf32, #tpu.memory_space<vmem>>)
      %dma_start3A_248 = arith.constant 0 : i32
      %dma_start3A_249 = tpu.memref_slice %arg8[%add3A_241, %dma_start3A_248] : memref<80x128xi32, #tpu.memory_space<vmem>> -> memref<1x128xi32, #tpu.memory_space<vmem>>
      %dma_start3A_250 = tpu.memref_squeeze %dma_start3A_249 : memref<1x128xi32, #tpu.memory_space<vmem>> -> memref<128xi32, #tpu.memory_space<vmem>>
      %dma_start3A_251 = arith.constant 0 : i32
      %dma_start3A_252 = arith.constant 0 : i32
      %dma_start3A_253 = tpu.memref_slice %arg17[%dma_start3A_251, %dma_start3A_252] : memref<10240x64xf32, #tpu.memory_space<vmem_shared>> -> memref<10240x64xf32, #tpu.memory_space<vmem_shared>>
      tpu.enqueue_indirect_dma source(%arg16 : memref<128x64xf32, #tpu.memory_space<vmem>>) target(%dma_start3A_253 : memref<10240x64xf32, #tpu.memory_space<vmem_shared>>) offsets(%dma_start3A_250 : memref<128xi32, #tpu.memory_space<vmem>>) semaphore(%arg33 : memref<!tpu.dma_semaphore, #tpu.memory_space<semaphore_mem>>) {add = true}
      %add3A_254 = arith.constant 4 : i32
      %add3A_255 = arith.addi %add3A_241, %add3A_254 : i32
      %lt3A_256 = arith.constant 80 : i32
      %lt3A_257 = arith.cmpi slt, %add3A_255, %lt3A_256 : i32
      %convert_element_type3A_258 = arith.extui %lt3A_257 : i1 to i32
      %cond3A_259 = arith.constant 0 : i32
      %cond3A_260 = arith.cmpi ne, %convert_element_type3A_258, %cond3A_259 : i32
      scf.if %cond3A_260 {
        %ge3A = arith.constant 4 : i32
        %ge3A_261 = arith.cmpi sge, %add3A_241, %ge3A : i32
        %convert_element_type3A_262 = arith.extui %ge3A_261 : i1 to i32
        %cond3A_263 = arith.constant 0 : i32
        %cond3A_264 = arith.cmpi ne, %convert_element_type3A_262, %cond3A_263 : i32
        scf.if %cond3A_264 {
          %sub3A = arith.constant 4 : i32
          %sub3A_273 = arith.subi %add3A_241, %sub3A : i32
          %dma_wait3A_274 = arith.constant 0 : i32
          %dma_wait3A_275 = tpu.memref_slice %arg8[%sub3A_273, %dma_wait3A_274] : memref<80x128xi32, #tpu.memory_space<vmem>> -> memref<1x128xi32, #tpu.memory_space<vmem>>
          %dma_wait3A_276 = tpu.memref_squeeze %dma_wait3A_275 : memref<1x128xi32, #tpu.memory_space<vmem>> -> memref<128xi32, #tpu.memory_space<vmem>>
          %dma_wait3A_277 = arith.constant 0 : i32
          %dma_wait3A_278 = arith.constant 0 : i32
          %dma_wait3A_279 = tpu.memref_slice %arg17[%dma_wait3A_277, %dma_wait3A_278] : memref<10240x64xf32, #tpu.memory_space<vmem_shared>> -> memref<10240x64xf32, #tpu.memory_space<vmem_shared>>
          tpu.wait_indirect_dma semaphore(%arg29 : memref<!tpu.dma_semaphore, #tpu.memory_space<semaphore_mem>>) src(%arg12 : memref<128x64xf32, #tpu.memory_space<vmem>>) dst(%dma_wait3A_279 : memref<10240x64xf32, #tpu.memory_space<vmem_shared>>)
        } else {
        }
        %add3A_265 = arith.constant 4 : i32
        %add3A_266 = arith.addi %add3A_241, %add3A_265 : i32
        %dma_start3A_267 = arith.constant 0 : i32
        %dma_start3A_268 = tpu.memref_slice %arg7[%add3A_266, %dma_start3A_267] : memref<80x128xi32, #tpu.memory_space<vmem>> -> memref<1x128xi32, #tpu.memory_space<vmem>>
        %dma_start3A_269 = tpu.memref_squeeze %dma_start3A_268 : memref<1x128xi32, #tpu.memory_space<vmem>> -> memref<128xi32, #tpu.memory_space<vmem>>
        %dma_start3A_270 = arith.constant 0 : i32
        %dma_start3A_271 = arith.constant 0 : i32
        %dma_start3A_272 = tpu.memref_slice %arg2[%dma_start3A_270, %dma_start3A_271] : memref<180000x64xf32, #tpu.memory_space<hbm>> -> memref<180000x64xf32, #tpu.memory_space<hbm>>
        tpu.enqueue_indirect_dma source(%dma_start3A_272 : memref<180000x64xf32, #tpu.memory_space<hbm>>) target(%arg12 : memref<128x64xf32, #tpu.memory_space<vmem>>) offsets(%dma_start3A_269 : memref<128xi32, #tpu.memory_space<vmem>>) semaphore(%arg21 : memref<!tpu.dma_semaphore, #tpu.memory_space<semaphore_mem>>)
      } else {
      }
    }
    %scan3A_34 = arith.constant 10 : i32
    %dma_wait3A = arith.constant 72 : i32
    %dma_wait3A_35 = arith.constant 0 : i32
    %dma_wait3A_36 = tpu.memref_slice %arg8[%dma_wait3A, %dma_wait3A_35] : memref<80x128xi32, #tpu.memory_space<vmem>> -> memref<1x128xi32, #tpu.memory_space<vmem>>
    %dma_wait3A_37 = tpu.memref_squeeze %dma_wait3A_36 : memref<1x128xi32, #tpu.memory_space<vmem>> -> memref<128xi32, #tpu.memory_space<vmem>>
    %dma_wait3A_38 = arith.constant 0 : i32
    %dma_wait3A_39 = arith.constant 0 : i32
    %dma_wait3A_40 = tpu.memref_slice %arg17[%dma_wait3A_38, %dma_wait3A_39] : memref<10240x64xf32, #tpu.memory_space<vmem_shared>> -> memref<10240x64xf32, #tpu.memory_space<vmem_shared>>
    tpu.wait_indirect_dma semaphore(%arg26 : memref<!tpu.dma_semaphore, #tpu.memory_space<semaphore_mem>>) src(%arg9 : memref<128x64xf32, #tpu.memory_space<vmem>>) dst(%dma_wait3A_40 : memref<10240x64xf32, #tpu.memory_space<vmem_shared>>)
    %dma_wait3A_41 = arith.constant 73 : i32
    %dma_wait3A_42 = arith.constant 0 : i32
    %dma_wait3A_43 = tpu.memref_slice %arg8[%dma_wait3A_41, %dma_wait3A_42] : memref<80x128xi32, #tpu.memory_space<vmem>> -> memref<1x128xi32, #tpu.memory_space<vmem>>
    %dma_wait3A_44 = tpu.memref_squeeze %dma_wait3A_43 : memref<1x128xi32, #tpu.memory_space<vmem>> -> memref<128xi32, #tpu.memory_space<vmem>>
    %dma_wait3A_45 = arith.constant 0 : i32
    %dma_wait3A_46 = arith.constant 0 : i32
    %dma_wait3A_47 = tpu.memref_slice %arg17[%dma_wait3A_45, %dma_wait3A_46] : memref<10240x64xf32, #tpu.memory_space<vmem_shared>> -> memref<10240x64xf32, #tpu.memory_space<vmem_shared>>
    tpu.wait_indirect_dma semaphore(%arg27 : memref<!tpu.dma_semaphore, #tpu.memory_space<semaphore_mem>>) src(%arg10 : memref<128x64xf32, #tpu.memory_space<vmem>>) dst(%dma_wait3A_47 : memref<10240x64xf32, #tpu.memory_space<vmem_shared>>)
    %dma_wait3A_48 = arith.constant 74 : i32
    %dma_wait3A_49 = arith.constant 0 : i32
    %dma_wait3A_50 = tpu.memref_slice %arg8[%dma_wait3A_48, %dma_wait3A_49] : memref<80x128xi32, #tpu.memory_space<vmem>> -> memref<1x128xi32, #tpu.memory_space<vmem>>
    %dma_wait3A_51 = tpu.memref_squeeze %dma_wait3A_50 : memref<1x128xi32, #tpu.memory_space<vmem>> -> memref<128xi32, #tpu.memory_space<vmem>>
    %dma_wait3A_52 = arith.constant 0 : i32
    %dma_wait3A_53 = arith.constant 0 : i32
    %dma_wait3A_54 = tpu.memref_slice %arg17[%dma_wait3A_52, %dma_wait3A_53] : memref<10240x64xf32, #tpu.memory_space<vmem_shared>> -> memref<10240x64xf32, #tpu.memory_space<vmem_shared>>
    tpu.wait_indirect_dma semaphore(%arg28 : memref<!tpu.dma_semaphore, #tpu.memory_space<semaphore_mem>>) src(%arg11 : memref<128x64xf32, #tpu.memory_space<vmem>>) dst(%dma_wait3A_54 : memref<10240x64xf32, #tpu.memory_space<vmem_shared>>)
    %dma_wait3A_55 = arith.constant 75 : i32
    %dma_wait3A_56 = arith.constant 0 : i32
    %dma_wait3A_57 = tpu.memref_slice %arg8[%dma_wait3A_55, %dma_wait3A_56] : memref<80x128xi32, #tpu.memory_space<vmem>> -> memref<1x128xi32, #tpu.memory_space<vmem>>
    %dma_wait3A_58 = tpu.memref_squeeze %dma_wait3A_57 : memref<1x128xi32, #tpu.memory_space<vmem>> -> memref<128xi32, #tpu.memory_space<vmem>>
    %dma_wait3A_59 = arith.constant 0 : i32
    %dma_wait3A_60 = arith.constant 0 : i32
    %dma_wait3A_61 = tpu.memref_slice %arg17[%dma_wait3A_59, %dma_wait3A_60] : memref<10240x64xf32, #tpu.memory_space<vmem_shared>> -> memref<10240x64xf32, #tpu.memory_space<vmem_shared>>
    tpu.wait_indirect_dma semaphore(%arg29 : memref<!tpu.dma_semaphore, #tpu.memory_space<semaphore_mem>>) src(%arg12 : memref<128x64xf32, #tpu.memory_space<vmem>>) dst(%dma_wait3A_61 : memref<10240x64xf32, #tpu.memory_space<vmem_shared>>)
    %dma_wait3A_62 = arith.constant 76 : i32
    %dma_wait3A_63 = arith.constant 0 : i32
    %dma_wait3A_64 = tpu.memref_slice %arg8[%dma_wait3A_62, %dma_wait3A_63] : memref<80x128xi32, #tpu.memory_space<vmem>> -> memref<1x128xi32, #tpu.memory_space<vmem>>
    %dma_wait3A_65 = tpu.memref_squeeze %dma_wait3A_64 : memref<1x128xi32, #tpu.memory_space<vmem>> -> memref<128xi32, #tpu.memory_space<vmem>>
    %dma_wait3A_66 = arith.constant 0 : i32
    %dma_wait3A_67 = arith.constant 0 : i32
    %dma_wait3A_68 = tpu.memref_slice %arg17[%dma_wait3A_66, %dma_wait3A_67] : memref<10240x64xf32, #tpu.memory_space<vmem_shared>> -> memref<10240x64xf32, #tpu.memory_space<vmem_shared>>
    tpu.wait_indirect_dma semaphore(%arg30 : memref<!tpu.dma_semaphore, #tpu.memory_space<semaphore_mem>>) src(%arg13 : memref<128x64xf32, #tpu.memory_space<vmem>>) dst(%dma_wait3A_68 : memref<10240x64xf32, #tpu.memory_space<vmem_shared>>)
    %dma_wait3A_69 = arith.constant 77 : i32
    %dma_wait3A_70 = arith.constant 0 : i32
    %dma_wait3A_71 = tpu.memref_slice %arg8[%dma_wait3A_69, %dma_wait3A_70] : memref<80x128xi32, #tpu.memory_space<vmem>> -> memref<1x128xi32, #tpu.memory_space<vmem>>
    %dma_wait3A_72 = tpu.memref_squeeze %dma_wait3A_71 : memref<1x128xi32, #tpu.memory_space<vmem>> -> memref<128xi32, #tpu.memory_space<vmem>>
    %dma_wait3A_73 = arith.constant 0 : i32
    %dma_wait3A_74 = arith.constant 0 : i32
    %dma_wait3A_75 = tpu.memref_slice %arg17[%dma_wait3A_73, %dma_wait3A_74] : memref<10240x64xf32, #tpu.memory_space<vmem_shared>> -> memref<10240x64xf32, #tpu.memory_space<vmem_shared>>
    tpu.wait_indirect_dma semaphore(%arg31 : memref<!tpu.dma_semaphore, #tpu.memory_space<semaphore_mem>>) src(%arg14 : memref<128x64xf32, #tpu.memory_space<vmem>>) dst(%dma_wait3A_75 : memref<10240x64xf32, #tpu.memory_space<vmem_shared>>)
    %dma_wait3A_76 = arith.constant 78 : i32
    %dma_wait3A_77 = arith.constant 0 : i32
    %dma_wait3A_78 = tpu.memref_slice %arg8[%dma_wait3A_76, %dma_wait3A_77] : memref<80x128xi32, #tpu.memory_space<vmem>> -> memref<1x128xi32, #tpu.memory_space<vmem>>
    %dma_wait3A_79 = tpu.memref_squeeze %dma_wait3A_78 : memref<1x128xi32, #tpu.memory_space<vmem>> -> memref<128xi32, #tpu.memory_space<vmem>>
    %dma_wait3A_80 = arith.constant 0 : i32
    %dma_wait3A_81 = arith.constant 0 : i32
    %dma_wait3A_82 = tpu.memref_slice %arg17[%dma_wait3A_80, %dma_wait3A_81] : memref<10240x64xf32, #tpu.memory_space<vmem_shared>> -> memref<10240x64xf32, #tpu.memory_space<vmem_shared>>
    tpu.wait_indirect_dma semaphore(%arg32 : memref<!tpu.dma_semaphore, #tpu.memory_space<semaphore_mem>>) src(%arg15 : memref<128x64xf32, #tpu.memory_space<vmem>>) dst(%dma_wait3A_82 : memref<10240x64xf32, #tpu.memory_space<vmem_shared>>)
    %dma_wait3A_83 = arith.constant 79 : i32
    %dma_wait3A_84 = arith.constant 0 : i32
    %dma_wait3A_85 = tpu.memref_slice %arg8[%dma_wait3A_83, %dma_wait3A_84] : memref<80x128xi32, #tpu.memory_space<vmem>> -> memref<1x128xi32, #tpu.memory_space<vmem>>
    %dma_wait3A_86 = tpu.memref_squeeze %dma_wait3A_85 : memref<1x128xi32, #tpu.memory_space<vmem>> -> memref<128xi32, #tpu.memory_space<vmem>>
    %dma_wait3A_87 = arith.constant 0 : i32
    %dma_wait3A_88 = arith.constant 0 : i32
    %dma_wait3A_89 = tpu.memref_slice %arg17[%dma_wait3A_87, %dma_wait3A_88] : memref<10240x64xf32, #tpu.memory_space<vmem_shared>> -> memref<10240x64xf32, #tpu.memory_space<vmem_shared>>
    tpu.wait_indirect_dma semaphore(%arg33 : memref<!tpu.dma_semaphore, #tpu.memory_space<semaphore_mem>>) src(%arg16 : memref<128x64xf32, #tpu.memory_space<vmem>>) dst(%dma_wait3A_89 : memref<10240x64xf32, #tpu.memory_space<vmem_shared>>)
    %barrier3A_90 = arith.constant 0 : index
    tpu.barrier barrier_id(%barrier3A_90)
    %mul3A_91 = arith.constant 640 : i32
    %mul3A_92 = arith.muli %arg1, %mul3A_91 : i32
    "tpu.region"() ({
      %run_scoped3A = tpu.sem_alloc : memref<!tpu.dma_semaphore, #tpu.memory_space<semaphore_mem>>
      %dma_start3A_93 = arith.constant 0 : i32
      %dma_start3A_94 = tpu.memref_slice %arg6[%arg0, %mul3A_92, %dma_start3A_93] : memref<2x10240x64xf32, #tpu.memory_space<hbm>> -> memref<1x640x64xf32, #tpu.memory_space<hbm>>
      %dma_start3A_95 = tpu.memref_squeeze %dma_start3A_94 : memref<1x640x64xf32, #tpu.memory_space<hbm>> -> memref<640x64xf32, #tpu.memory_space<hbm>>
      %dma_start3A_96 = arith.constant 0 : i32
      %dma_start3A_97 = tpu.memref_slice %arg17[%mul3A_92, %dma_start3A_96] : memref<10240x64xf32, #tpu.memory_space<vmem_shared>> -> memref<640x64xf32, #tpu.memory_space<vmem_shared>>
      tpu.enqueue_dma source(%dma_start3A_97 : memref<640x64xf32, #tpu.memory_space<vmem_shared>>) target(%dma_start3A_95 : memref<640x64xf32, #tpu.memory_space<hbm>>) target_semaphore(%run_scoped3A : memref<!tpu.dma_semaphore, #tpu.memory_space<semaphore_mem>>)
      %dma_wait3A_98 = arith.constant 0 : i32
      %dma_wait3A_99 = tpu.memref_slice %arg6[%arg0, %mul3A_92, %dma_wait3A_98] : memref<2x10240x64xf32, #tpu.memory_space<hbm>> -> memref<1x640x64xf32, #tpu.memory_space<hbm>>
      %dma_wait3A_100 = tpu.memref_squeeze %dma_wait3A_99 : memref<1x640x64xf32, #tpu.memory_space<hbm>> -> memref<640x64xf32, #tpu.memory_space<hbm>>
      %dma_wait3A_101 = arith.constant 0 : i32
      %dma_wait3A_102 = tpu.memref_slice %arg17[%mul3A_92, %dma_wait3A_101] : memref<10240x64xf32, #tpu.memory_space<vmem_shared>> -> memref<640x64xf32, #tpu.memory_space<vmem_shared>>
      tpu.wait_dma2 semaphore(%run_scoped3A : memref<!tpu.dma_semaphore, #tpu.memory_space<semaphore_mem>>) src(%dma_wait3A_102 : memref<640x64xf32, #tpu.memory_space<vmem_shared>>) dst(%dma_wait3A_100 : memref<640x64xf32, #tpu.memory_space<hbm>>)
      tpu.yield
    }) : () -> ()
    return
  }
}

#map = affine_map<(d0, d1) -> (0, 0)>
#map1 = affine_map<(d0, d1) -> (0, 0, 0)>
module attributes {stable_mosaic.version = 14 : i64} {
  func.func @_sc_body(%arg0: i32, %arg1: i32, %arg2: memref<180000x64xf32, #tpu.memory_space<hbm>>, %arg3: memref<32x80x128xi32, #tpu.memory_space<hbm>>, %arg4: memref<32x80x128xi32, #tpu.memory_space<hbm>>, %arg5: memref<640x64xf32, #tpu.memory_space<hbm>>, %arg6: memref<2x10240x64xf32, #tpu.memory_space<hbm>>, %arg7: memref<80x128xi32, #tpu.memory_space<vmem>>, %arg8: memref<80x128xi32, #tpu.memory_space<vmem>>, %arg9: memref<128x64xf32, #tpu.memory_space<vmem>>, %arg10: memref<128x64xf32, #tpu.memory_space<vmem>>, %arg11: memref<128x64xf32, #tpu.memory_space<vmem>>, %arg12: memref<128x64xf32, #tpu.memory_space<vmem>>, %arg13: memref<128x64xf32, #tpu.memory_space<vmem>>, %arg14: memref<128x64xf32, #tpu.memory_space<vmem>>, %arg15: memref<128x64xf32, #tpu.memory_space<vmem>>, %arg16: memref<128x64xf32, #tpu.memory_space<vmem>>, %arg17: memref<10240x64xf32, #tpu.memory_space<vmem_shared>>, %arg18: memref<!tpu.dma_semaphore, #tpu.memory_space<semaphore_mem>>, %arg19: memref<!tpu.dma_semaphore, #tpu.memory_space<semaphore_mem>>, %arg20: memref<!tpu.dma_semaphore, #tpu.memory_space<semaphore_mem>>, %arg21: memref<!tpu.dma_semaphore, #tpu.memory_space<semaphore_mem>>, %arg22: memref<!tpu.dma_semaphore, #tpu.memory_space<semaphore_mem>>, %arg23: memref<!tpu.dma_semaphore, #tpu.memory_space<semaphore_mem>>, %arg24: memref<!tpu.dma_semaphore, #tpu.memory_space<semaphore_mem>>, %arg25: memref<!tpu.dma_semaphore, #tpu.memory_space<semaphore_mem>>, %arg26: memref<!tpu.dma_semaphore, #tpu.memory_space<semaphore_mem>>, %arg27: memref<!tpu.dma_semaphore, #tpu.memory_space<semaphore_mem>>, %arg28: memref<!tpu.dma_semaphore, #tpu.memory_space<semaphore_mem>>, %arg29: memref<!tpu.dma_semaphore, #tpu.memory_space<semaphore_mem>>, %arg30: memref<!tpu.dma_semaphore, #tpu.memory_space<semaphore_mem>>, %arg31: memref<!tpu.dma_semaphore, #tpu.memory_space<semaphore_mem>>, %arg32: memref<!tpu.dma_semaphore, #tpu.memory_space<semaphore_mem>>, %arg33: memref<!tpu.dma_semaphore, #tpu.memory_space<semaphore_mem>>) attributes {dimension_semantics = [#tpu.dimension_semantics<core_parallel>, #tpu.dimension_semantics<subcore_parallel>], iteration_bounds = array<i64: 2, 16>, scalar_prefetch = 0 : i64, scratch_operands = 27 : i64, tpu.core_type = #tpu.core_type<sc_vector_subcore>, window_params = [{transform_indices = #map}, {transform_indices = #map1}, {transform_indices = #map1}, {transform_indices = #map}, {transform_indices = #map1}]} {
    %mul3A = arith.constant 2 : i32
    %mul3A_0 = arith.muli %arg1, %mul3A : i32
    %add3A = arith.addi %mul3A_0, %arg0 : i32
    "tpu.region"() ({
      %run_scoped3A = tpu.sem_alloc : memref<!tpu.dma_semaphore, #tpu.memory_space<semaphore_mem>>
      %dma_start3A_93 = arith.constant 0 : i32
      %dma_start3A_94 = arith.constant 0 : i32
      %dma_start3A_95 = tpu.memref_slice %arg3[%add3A, %dma_start3A_93, %dma_start3A_94] : memref<32x80x128xi32, #tpu.memory_space<hbm>> -> memref<1x80x128xi32, #tpu.memory_space<hbm>>
      %dma_start3A_96 = tpu.memref_squeeze %dma_start3A_95 : memref<1x80x128xi32, #tpu.memory_space<hbm>> -> memref<80x128xi32, #tpu.memory_space<hbm>>
      %dma_start3A_97 = arith.constant 0 : i32
      %dma_start3A_98 = arith.constant 0 : i32
      %dma_start3A_99 = tpu.memref_slice %arg3[%add3A, %dma_start3A_97, %dma_start3A_98] : memref<32x80x128xi32, #tpu.memory_space<hbm>> -> memref<1x80x128xi32, #tpu.memory_space<hbm>>
      %dma_start3A_100 = tpu.memref_squeeze %dma_start3A_99 : memref<1x80x128xi32, #tpu.memory_space<hbm>> -> memref<80x128xi32, #tpu.memory_space<hbm>>
      tpu.enqueue_dma source(%dma_start3A_100 : memref<80x128xi32, #tpu.memory_space<hbm>>) target(%arg7 : memref<80x128xi32, #tpu.memory_space<vmem>>) target_semaphore(%run_scoped3A : memref<!tpu.dma_semaphore, #tpu.memory_space<semaphore_mem>>)
      %dma_wait3A_101 = arith.constant 0 : i32
      %dma_wait3A_102 = arith.constant 0 : i32
      %dma_wait3A_103 = tpu.memref_slice %arg3[%add3A, %dma_wait3A_101, %dma_wait3A_102] : memref<32x80x128xi32, #tpu.memory_space<hbm>> -> memref<1x80x128xi32, #tpu.memory_space<hbm>>
      %dma_wait3A_104 = tpu.memref_squeeze %dma_wait3A_103 : memref<1x80x128xi32, #tpu.memory_space<hbm>> -> memref<80x128xi32, #tpu.memory_space<hbm>>
      %dma_wait3A_105 = arith.constant 0 : i32
      %dma_wait3A_106 = arith.constant 0 : i32
      %dma_wait3A_107 = tpu.memref_slice %arg3[%add3A, %dma_wait3A_105, %dma_wait3A_106] : memref<32x80x128xi32, #tpu.memory_space<hbm>> -> memref<1x80x128xi32, #tpu.memory_space<hbm>>
      %dma_wait3A_108 = tpu.memref_squeeze %dma_wait3A_107 : memref<1x80x128xi32, #tpu.memory_space<hbm>> -> memref<80x128xi32, #tpu.memory_space<hbm>>
      tpu.wait_dma2 semaphore(%run_scoped3A : memref<!tpu.dma_semaphore, #tpu.memory_space<semaphore_mem>>) src(%dma_wait3A_108 : memref<80x128xi32, #tpu.memory_space<hbm>>) dst(%arg7 : memref<80x128xi32, #tpu.memory_space<vmem>>)
      tpu.yield
    }) : () -> ()
    "tpu.region"() ({
      %run_scoped3A = tpu.sem_alloc : memref<!tpu.dma_semaphore, #tpu.memory_space<semaphore_mem>>
      %dma_start3A_93 = arith.constant 0 : i32
      %dma_start3A_94 = arith.constant 0 : i32
      %dma_start3A_95 = tpu.memref_slice %arg4[%add3A, %dma_start3A_93, %dma_start3A_94] : memref<32x80x128xi32, #tpu.memory_space<hbm>> -> memref<1x80x128xi32, #tpu.memory_space<hbm>>
      %dma_start3A_96 = tpu.memref_squeeze %dma_start3A_95 : memref<1x80x128xi32, #tpu.memory_space<hbm>> -> memref<80x128xi32, #tpu.memory_space<hbm>>
      %dma_start3A_97 = arith.constant 0 : i32
      %dma_start3A_98 = arith.constant 0 : i32
      %dma_start3A_99 = tpu.memref_slice %arg4[%add3A, %dma_start3A_97, %dma_start3A_98] : memref<32x80x128xi32, #tpu.memory_space<hbm>> -> memref<1x80x128xi32, #tpu.memory_space<hbm>>
      %dma_start3A_100 = tpu.memref_squeeze %dma_start3A_99 : memref<1x80x128xi32, #tpu.memory_space<hbm>> -> memref<80x128xi32, #tpu.memory_space<hbm>>
      tpu.enqueue_dma source(%dma_start3A_100 : memref<80x128xi32, #tpu.memory_space<hbm>>) target(%arg8 : memref<80x128xi32, #tpu.memory_space<vmem>>) target_semaphore(%run_scoped3A : memref<!tpu.dma_semaphore, #tpu.memory_space<semaphore_mem>>)
      %dma_wait3A_101 = arith.constant 0 : i32
      %dma_wait3A_102 = arith.constant 0 : i32
      %dma_wait3A_103 = tpu.memref_slice %arg4[%add3A, %dma_wait3A_101, %dma_wait3A_102] : memref<32x80x128xi32, #tpu.memory_space<hbm>> -> memref<1x80x128xi32, #tpu.memory_space<hbm>>
      %dma_wait3A_104 = tpu.memref_squeeze %dma_wait3A_103 : memref<1x80x128xi32, #tpu.memory_space<hbm>> -> memref<80x128xi32, #tpu.memory_space<hbm>>
      %dma_wait3A_105 = arith.constant 0 : i32
      %dma_wait3A_106 = arith.constant 0 : i32
      %dma_wait3A_107 = tpu.memref_slice %arg4[%add3A, %dma_wait3A_105, %dma_wait3A_106] : memref<32x80x128xi32, #tpu.memory_space<hbm>> -> memref<1x80x128xi32, #tpu.memory_space<hbm>>
      %dma_wait3A_108 = tpu.memref_squeeze %dma_wait3A_107 : memref<1x80x128xi32, #tpu.memory_space<hbm>> -> memref<80x128xi32, #tpu.memory_space<hbm>>
      tpu.wait_dma2 semaphore(%run_scoped3A : memref<!tpu.dma_semaphore, #tpu.memory_space<semaphore_mem>>) src(%dma_wait3A_108 : memref<80x128xi32, #tpu.memory_space<hbm>>) dst(%arg8 : memref<80x128xi32, #tpu.memory_space<vmem>>)
      tpu.yield
    }) : () -> ()
    %mul3A_1 = arith.constant 640 : i32
    %mul3A_2 = arith.muli %arg1, %mul3A_1 : i32
    "tpu.region"() ({
      %run_scoped3A = tpu.sem_alloc : memref<!tpu.dma_semaphore, #tpu.memory_space<semaphore_mem>>
      %dma_start3A_93 = arith.constant 0 : i32
      %dma_start3A_94 = tpu.memref_slice %arg17[%mul3A_2, %dma_start3A_93] : memref<10240x64xf32, #tpu.memory_space<vmem_shared>> -> memref<640x64xf32, #tpu.memory_space<vmem_shared>>
      tpu.enqueue_dma source(%arg5 : memref<640x64xf32, #tpu.memory_space<hbm>>) target(%dma_start3A_94 : memref<640x64xf32, #tpu.memory_space<vmem_shared>>) target_semaphore(%run_scoped3A : memref<!tpu.dma_semaphore, #tpu.memory_space<semaphore_mem>>)
      %dma_wait3A_95 = arith.constant 0 : i32
      %dma_wait3A_96 = tpu.memref_slice %arg17[%mul3A_2, %dma_wait3A_95] : memref<10240x64xf32, #tpu.memory_space<vmem_shared>> -> memref<640x64xf32, #tpu.memory_space<vmem_shared>>
      tpu.wait_dma2 semaphore(%run_scoped3A : memref<!tpu.dma_semaphore, #tpu.memory_space<semaphore_mem>>) src(%arg5 : memref<640x64xf32, #tpu.memory_space<hbm>>) dst(%dma_wait3A_96 : memref<640x64xf32, #tpu.memory_space<vmem_shared>>)
      tpu.yield
    }) : () -> ()
    %barrier3A = arith.constant 0 : index
    tpu.barrier barrier_id(%barrier3A)
    %dma_start3A = arith.constant 0 : i32
    %dma_start3A_3 = arith.constant 0 : i32
    %dma_start3A_4 = tpu.memref_slice %arg7[%dma_start3A, %dma_start3A_3] : memref<80x128xi32, #tpu.memory_space<vmem>> -> memref<1x128xi32, #tpu.memory_space<vmem>>
    %dma_start3A_5 = tpu.memref_squeeze %dma_start3A_4 : memref<1x128xi32, #tpu.memory_space<vmem>> -> memref<128xi32, #tpu.memory_space<vmem>>
    %dma_start3A_6 = arith.constant 0 : i32
    %dma_start3A_7 = arith.constant 0 : i32
    %dma_start3A_8 = tpu.memref_slice %arg2[%dma_start3A_6, %dma_start3A_7] : memref<180000x64xf32, #tpu.memory_space<hbm>> -> memref<180000x64xf32, #tpu.memory_space<hbm>>
    tpu.enqueue_indirect_dma source(%dma_start3A_8 : memref<180000x64xf32, #tpu.memory_space<hbm>>) target(%arg9 : memref<128x64xf32, #tpu.memory_space<vmem>>) offsets(%dma_start3A_5 : memref<128xi32, #tpu.memory_space<vmem>>) semaphore(%arg18 : memref<!tpu.dma_semaphore, #tpu.memory_space<semaphore_mem>>)
    %dma_start3A_9 = arith.constant 1 : i32
    %dma_start3A_10 = arith.constant 0 : i32
    %dma_start3A_11 = tpu.memref_slice %arg7[%dma_start3A_9, %dma_start3A_10] : memref<80x128xi32, #tpu.memory_space<vmem>> -> memref<1x128xi32, #tpu.memory_space<vmem>>
    %dma_start3A_12 = tpu.memref_squeeze %dma_start3A_11 : memref<1x128xi32, #tpu.memory_space<vmem>> -> memref<128xi32, #tpu.memory_space<vmem>>
    %dma_start3A_13 = arith.constant 0 : i32
    %dma_start3A_14 = arith.constant 0 : i32
    %dma_start3A_15 = tpu.memref_slice %arg2[%dma_start3A_13, %dma_start3A_14] : memref<180000x64xf32, #tpu.memory_space<hbm>> -> memref<180000x64xf32, #tpu.memory_space<hbm>>
    tpu.enqueue_indirect_dma source(%dma_start3A_15 : memref<180000x64xf32, #tpu.memory_space<hbm>>) target(%arg10 : memref<128x64xf32, #tpu.memory_space<vmem>>) offsets(%dma_start3A_12 : memref<128xi32, #tpu.memory_space<vmem>>) semaphore(%arg19 : memref<!tpu.dma_semaphore, #tpu.memory_space<semaphore_mem>>)
    %dma_start3A_16 = arith.constant 2 : i32
    %dma_start3A_17 = arith.constant 0 : i32
    %dma_start3A_18 = tpu.memref_slice %arg7[%dma_start3A_16, %dma_start3A_17] : memref<80x128xi32, #tpu.memory_space<vmem>> -> memref<1x128xi32, #tpu.memory_space<vmem>>
    %dma_start3A_19 = tpu.memref_squeeze %dma_start3A_18 : memref<1x128xi32, #tpu.memory_space<vmem>> -> memref<128xi32, #tpu.memory_space<vmem>>
    %dma_start3A_20 = arith.constant 0 : i32
    %dma_start3A_21 = arith.constant 0 : i32
    %dma_start3A_22 = tpu.memref_slice %arg2[%dma_start3A_20, %dma_start3A_21] : memref<180000x64xf32, #tpu.memory_space<hbm>> -> memref<180000x64xf32, #tpu.memory_space<hbm>>
    tpu.enqueue_indirect_dma source(%dma_start3A_22 : memref<180000x64xf32, #tpu.memory_space<hbm>>) target(%arg11 : memref<128x64xf32, #tpu.memory_space<vmem>>) offsets(%dma_start3A_19 : memref<128xi32, #tpu.memory_space<vmem>>) semaphore(%arg20 : memref<!tpu.dma_semaphore, #tpu.memory_space<semaphore_mem>>)
    %dma_start3A_23 = arith.constant 3 : i32
    %dma_start3A_24 = arith.constant 0 : i32
    %dma_start3A_25 = tpu.memref_slice %arg7[%dma_start3A_23, %dma_start3A_24] : memref<80x128xi32, #tpu.memory_space<vmem>> -> memref<1x128xi32, #tpu.memory_space<vmem>>
    %dma_start3A_26 = tpu.memref_squeeze %dma_start3A_25 : memref<1x128xi32, #tpu.memory_space<vmem>> -> memref<128xi32, #tpu.memory_space<vmem>>
    %dma_start3A_27 = arith.constant 0 : i32
    %dma_start3A_28 = arith.constant 0 : i32
    %dma_start3A_29 = tpu.memref_slice %arg2[%dma_start3A_27, %dma_start3A_28] : memref<180000x64xf32, #tpu.memory_space<hbm>> -> memref<180000x64xf32, #tpu.memory_space<hbm>>
    tpu.enqueue_indirect_dma source(%dma_start3A_29 : memref<180000x64xf32, #tpu.memory_space<hbm>>) target(%arg12 : memref<128x64xf32, #tpu.memory_space<vmem>>) offsets(%dma_start3A_26 : memref<128xi32, #tpu.memory_space<vmem>>) semaphore(%arg21 : memref<!tpu.dma_semaphore, #tpu.memory_space<semaphore_mem>>)
    %scan3A = arith.constant 0 : i32
    %scan3A_30 = arith.constant 0 : i32
    %scan3A_31 = arith.constant 10 : i32
    %scan3A_32 = arith.addi %scan3A_30, %scan3A_31 : i32
    %scan3A_33 = arith.constant 1 : i32
    scf.for %scan3A_93 = %scan3A_30 to %scan3A_32 step %scan3A_33  : i32 {
      %mul3A_94 = arith.constant 8 : i32
      %mul3A_95 = arith.muli %scan3A_93, %mul3A_94 : i32
      %add3A_96 = arith.constant 0 : i32
      %add3A_97 = arith.addi %mul3A_95, %add3A_96 : i32
      %dma_wait3A_98 = arith.constant 0 : i32
      %dma_wait3A_99 = tpu.memref_slice %arg7[%add3A_97, %dma_wait3A_98] : memref<80x128xi32, #tpu.memory_space<vmem>> -> memref<1x128xi32, #tpu.memory_space<vmem>>
      %dma_wait3A_100 = tpu.memref_squeeze %dma_wait3A_99 : memref<1x128xi32, #tpu.memory_space<vmem>> -> memref<128xi32, #tpu.memory_space<vmem>>
      %dma_wait3A_101 = arith.constant 0 : i32
      %dma_wait3A_102 = arith.constant 0 : i32
      %dma_wait3A_103 = tpu.memref_slice %arg2[%dma_wait3A_101, %dma_wait3A_102] : memref<180000x64xf32, #tpu.memory_space<hbm>> -> memref<180000x64xf32, #tpu.memory_space<hbm>>
      tpu.wait_indirect_dma semaphore(%arg18 : memref<!tpu.dma_semaphore, #tpu.memory_space<semaphore_mem>>) src(%dma_wait3A_103 : memref<180000x64xf32, #tpu.memory_space<hbm>>) dst(%arg9 : memref<128x64xf32, #tpu.memory_space<vmem>>)
      %dma_start3A_104 = arith.constant 0 : i32
      %dma_start3A_105 = tpu.memref_slice %arg8[%add3A_97, %dma_start3A_104] : memref<80x128xi32, #tpu.memory_space<vmem>> -> memref<1x128xi32, #tpu.memory_space<vmem>>
      %dma_start3A_106 = tpu.memref_squeeze %dma_start3A_105 : memref<1x128xi32, #tpu.memory_space<vmem>> -> memref<128xi32, #tpu.memory_space<vmem>>
      %dma_start3A_107 = arith.constant 0 : i32
      %dma_start3A_108 = arith.constant 0 : i32
      %dma_start3A_109 = tpu.memref_slice %arg17[%dma_start3A_107, %dma_start3A_108] : memref<10240x64xf32, #tpu.memory_space<vmem_shared>> -> memref<10240x64xf32, #tpu.memory_space<vmem_shared>>
      tpu.enqueue_indirect_dma source(%arg9 : memref<128x64xf32, #tpu.memory_space<vmem>>) target(%dma_start3A_109 : memref<10240x64xf32, #tpu.memory_space<vmem_shared>>) offsets(%dma_start3A_106 : memref<128xi32, #tpu.memory_space<vmem>>) semaphore(%arg26 : memref<!tpu.dma_semaphore, #tpu.memory_space<semaphore_mem>>) {add = true}
      %add3A_110 = arith.constant 4 : i32
      %add3A_111 = arith.addi %add3A_97, %add3A_110 : i32
      %lt3A = arith.constant 80 : i32
      %lt3A_112 = arith.cmpi slt, %add3A_111, %lt3A : i32
      %convert_element_type3A = arith.extui %lt3A_112 : i1 to i32
      %cond3A = arith.constant 0 : i32
      %cond3A_113 = arith.cmpi ne, %convert_element_type3A, %cond3A : i32
      scf.if %cond3A_113 {
        %ge3A = arith.constant 4 : i32
        %ge3A_261 = arith.cmpi sge, %add3A_97, %ge3A : i32
        %convert_element_type3A_262 = arith.extui %ge3A_261 : i1 to i32
        %cond3A_263 = arith.constant 0 : i32
        %cond3A_264 = arith.cmpi ne, %convert_element_type3A_262, %cond3A_263 : i32
        scf.if %cond3A_264 {
          %sub3A = arith.constant 4 : i32
          %sub3A_273 = arith.subi %add3A_97, %sub3A : i32
          %dma_wait3A_274 = arith.constant 0 : i32
          %dma_wait3A_275 = tpu.memref_slice %arg8[%sub3A_273, %dma_wait3A_274] : memref<80x128xi32, #tpu.memory_space<vmem>> -> memref<1x128xi32, #tpu.memory_space<vmem>>
          %dma_wait3A_276 = tpu.memref_squeeze %dma_wait3A_275 : memref<1x128xi32, #tpu.memory_space<vmem>> -> memref<128xi32, #tpu.memory_space<vmem>>
          %dma_wait3A_277 = arith.constant 0 : i32
          %dma_wait3A_278 = arith.constant 0 : i32
          %dma_wait3A_279 = tpu.memref_slice %arg17[%dma_wait3A_277, %dma_wait3A_278] : memref<10240x64xf32, #tpu.memory_space<vmem_shared>> -> memref<10240x64xf32, #tpu.memory_space<vmem_shared>>
          tpu.wait_indirect_dma semaphore(%arg30 : memref<!tpu.dma_semaphore, #tpu.memory_space<semaphore_mem>>) src(%arg13 : memref<128x64xf32, #tpu.memory_space<vmem>>) dst(%dma_wait3A_279 : memref<10240x64xf32, #tpu.memory_space<vmem_shared>>)
        } else {
        }
        %add3A_265 = arith.constant 4 : i32
        %add3A_266 = arith.addi %add3A_97, %add3A_265 : i32
        %dma_start3A_267 = arith.constant 0 : i32
        %dma_start3A_268 = tpu.memref_slice %arg7[%add3A_266, %dma_start3A_267] : memref<80x128xi32, #tpu.memory_space<vmem>> -> memref<1x128xi32, #tpu.memory_space<vmem>>
        %dma_start3A_269 = tpu.memref_squeeze %dma_start3A_268 : memref<1x128xi32, #tpu.memory_space<vmem>> -> memref<128xi32, #tpu.memory_space<vmem>>
        %dma_start3A_270 = arith.constant 0 : i32
        %dma_start3A_271 = arith.constant 0 : i32
        %dma_start3A_272 = tpu.memref_slice %arg2[%dma_start3A_270, %dma_start3A_271] : memref<180000x64xf32, #tpu.memory_space<hbm>> -> memref<180000x64xf32, #tpu.memory_space<hbm>>
        tpu.enqueue_indirect_dma source(%dma_start3A_272 : memref<180000x64xf32, #tpu.memory_space<hbm>>) target(%arg13 : memref<128x64xf32, #tpu.memory_space<vmem>>) offsets(%dma_start3A_269 : memref<128xi32, #tpu.memory_space<vmem>>) semaphore(%arg22 : memref<!tpu.dma_semaphore, #tpu.memory_space<semaphore_mem>>)
      } else {
      }
      %add3A_114 = arith.constant 1 : i32
      %add3A_115 = arith.addi %mul3A_95, %add3A_114 : i32
      %dma_wait3A_116 = arith.constant 0 : i32
      %dma_wait3A_117 = tpu.memref_slice %arg7[%add3A_115, %dma_wait3A_116] : memref<80x128xi32, #tpu.memory_space<vmem>> -> memref<1x128xi32, #tpu.memory_space<vmem>>
      %dma_wait3A_118 = tpu.memref_squeeze %dma_wait3A_117 : memref<1x128xi32, #tpu.memory_space<vmem>> -> memref<128xi32, #tpu.memory_space<vmem>>
      %dma_wait3A_119 = arith.constant 0 : i32
      %dma_wait3A_120 = arith.constant 0 : i32
      %dma_wait3A_121 = tpu.memref_slice %arg2[%dma_wait3A_119, %dma_wait3A_120] : memref<180000x64xf32, #tpu.memory_space<hbm>> -> memref<180000x64xf32, #tpu.memory_space<hbm>>
      tpu.wait_indirect_dma semaphore(%arg19 : memref<!tpu.dma_semaphore, #tpu.memory_space<semaphore_mem>>) src(%dma_wait3A_121 : memref<180000x64xf32, #tpu.memory_space<hbm>>) dst(%arg10 : memref<128x64xf32, #tpu.memory_space<vmem>>)
      %dma_start3A_122 = arith.constant 0 : i32
      %dma_start3A_123 = tpu.memref_slice %arg8[%add3A_115, %dma_start3A_122] : memref<80x128xi32, #tpu.memory_space<vmem>> -> memref<1x128xi32, #tpu.memory_space<vmem>>
      %dma_start3A_124 = tpu.memref_squeeze %dma_start3A_123 : memref<1x128xi32, #tpu.memory_space<vmem>> -> memref<128xi32, #tpu.memory_space<vmem>>
      %dma_start3A_125 = arith.constant 0 : i32
      %dma_start3A_126 = arith.constant 0 : i32
      %dma_start3A_127 = tpu.memref_slice %arg17[%dma_start3A_125, %dma_start3A_126] : memref<10240x64xf32, #tpu.memory_space<vmem_shared>> -> memref<10240x64xf32, #tpu.memory_space<vmem_shared>>
      tpu.enqueue_indirect_dma source(%arg10 : memref<128x64xf32, #tpu.memory_space<vmem>>) target(%dma_start3A_127 : memref<10240x64xf32, #tpu.memory_space<vmem_shared>>) offsets(%dma_start3A_124 : memref<128xi32, #tpu.memory_space<vmem>>) semaphore(%arg27 : memref<!tpu.dma_semaphore, #tpu.memory_space<semaphore_mem>>) {add = true}
      %add3A_128 = arith.constant 4 : i32
      %add3A_129 = arith.addi %add3A_115, %add3A_128 : i32
      %lt3A_130 = arith.constant 80 : i32
      %lt3A_131 = arith.cmpi slt, %add3A_129, %lt3A_130 : i32
      %convert_element_type3A_132 = arith.extui %lt3A_131 : i1 to i32
      %cond3A_133 = arith.constant 0 : i32
      %cond3A_134 = arith.cmpi ne, %convert_element_type3A_132, %cond3A_133 : i32
      scf.if %cond3A_134 {
        %ge3A = arith.constant 4 : i32
        %ge3A_261 = arith.cmpi sge, %add3A_115, %ge3A : i32
        %convert_element_type3A_262 = arith.extui %ge3A_261 : i1 to i32
        %cond3A_263 = arith.constant 0 : i32
        %cond3A_264 = arith.cmpi ne, %convert_element_type3A_262, %cond3A_263 : i32
        scf.if %cond3A_264 {
          %sub3A = arith.constant 4 : i32
          %sub3A_273 = arith.subi %add3A_115, %sub3A : i32
          %dma_wait3A_274 = arith.constant 0 : i32
          %dma_wait3A_275 = tpu.memref_slice %arg8[%sub3A_273, %dma_wait3A_274] : memref<80x128xi32, #tpu.memory_space<vmem>> -> memref<1x128xi32, #tpu.memory_space<vmem>>
          %dma_wait3A_276 = tpu.memref_squeeze %dma_wait3A_275 : memref<1x128xi32, #tpu.memory_space<vmem>> -> memref<128xi32, #tpu.memory_space<vmem>>
          %dma_wait3A_277 = arith.constant 0 : i32
          %dma_wait3A_278 = arith.constant 0 : i32
          %dma_wait3A_279 = tpu.memref_slice %arg17[%dma_wait3A_277, %dma_wait3A_278] : memref<10240x64xf32, #tpu.memory_space<vmem_shared>> -> memref<10240x64xf32, #tpu.memory_space<vmem_shared>>
          tpu.wait_indirect_dma semaphore(%arg31 : memref<!tpu.dma_semaphore, #tpu.memory_space<semaphore_mem>>) src(%arg14 : memref<128x64xf32, #tpu.memory_space<vmem>>) dst(%dma_wait3A_279 : memref<10240x64xf32, #tpu.memory_space<vmem_shared>>)
        } else {
        }
        %add3A_265 = arith.constant 4 : i32
        %add3A_266 = arith.addi %add3A_115, %add3A_265 : i32
        %dma_start3A_267 = arith.constant 0 : i32
        %dma_start3A_268 = tpu.memref_slice %arg7[%add3A_266, %dma_start3A_267] : memref<80x128xi32, #tpu.memory_space<vmem>> -> memref<1x128xi32, #tpu.memory_space<vmem>>
        %dma_start3A_269 = tpu.memref_squeeze %dma_start3A_268 : memref<1x128xi32, #tpu.memory_space<vmem>> -> memref<128xi32, #tpu.memory_space<vmem>>
        %dma_start3A_270 = arith.constant 0 : i32
        %dma_start3A_271 = arith.constant 0 : i32
        %dma_start3A_272 = tpu.memref_slice %arg2[%dma_start3A_270, %dma_start3A_271] : memref<180000x64xf32, #tpu.memory_space<hbm>> -> memref<180000x64xf32, #tpu.memory_space<hbm>>
        tpu.enqueue_indirect_dma source(%dma_start3A_272 : memref<180000x64xf32, #tpu.memory_space<hbm>>) target(%arg14 : memref<128x64xf32, #tpu.memory_space<vmem>>) offsets(%dma_start3A_269 : memref<128xi32, #tpu.memory_space<vmem>>) semaphore(%arg23 : memref<!tpu.dma_semaphore, #tpu.memory_space<semaphore_mem>>)
      } else {
      }
      %add3A_135 = arith.constant 2 : i32
      %add3A_136 = arith.addi %mul3A_95, %add3A_135 : i32
      %dma_wait3A_137 = arith.constant 0 : i32
      %dma_wait3A_138 = tpu.memref_slice %arg7[%add3A_136, %dma_wait3A_137] : memref<80x128xi32, #tpu.memory_space<vmem>> -> memref<1x128xi32, #tpu.memory_space<vmem>>
      %dma_wait3A_139 = tpu.memref_squeeze %dma_wait3A_138 : memref<1x128xi32, #tpu.memory_space<vmem>> -> memref<128xi32, #tpu.memory_space<vmem>>
      %dma_wait3A_140 = arith.constant 0 : i32
      %dma_wait3A_141 = arith.constant 0 : i32
      %dma_wait3A_142 = tpu.memref_slice %arg2[%dma_wait3A_140, %dma_wait3A_141] : memref<180000x64xf32, #tpu.memory_space<hbm>> -> memref<180000x64xf32, #tpu.memory_space<hbm>>
      tpu.wait_indirect_dma semaphore(%arg20 : memref<!tpu.dma_semaphore, #tpu.memory_space<semaphore_mem>>) src(%dma_wait3A_142 : memref<180000x64xf32, #tpu.memory_space<hbm>>) dst(%arg11 : memref<128x64xf32, #tpu.memory_space<vmem>>)
      %dma_start3A_143 = arith.constant 0 : i32
      %dma_start3A_144 = tpu.memref_slice %arg8[%add3A_136, %dma_start3A_143] : memref<80x128xi32, #tpu.memory_space<vmem>> -> memref<1x128xi32, #tpu.memory_space<vmem>>
      %dma_start3A_145 = tpu.memref_squeeze %dma_start3A_144 : memref<1x128xi32, #tpu.memory_space<vmem>> -> memref<128xi32, #tpu.memory_space<vmem>>
      %dma_start3A_146 = arith.constant 0 : i32
      %dma_start3A_147 = arith.constant 0 : i32
      %dma_start3A_148 = tpu.memref_slice %arg17[%dma_start3A_146, %dma_start3A_147] : memref<10240x64xf32, #tpu.memory_space<vmem_shared>> -> memref<10240x64xf32, #tpu.memory_space<vmem_shared>>
      tpu.enqueue_indirect_dma source(%arg11 : memref<128x64xf32, #tpu.memory_space<vmem>>) target(%dma_start3A_148 : memref<10240x64xf32, #tpu.memory_space<vmem_shared>>) offsets(%dma_start3A_145 : memref<128xi32, #tpu.memory_space<vmem>>) semaphore(%arg28 : memref<!tpu.dma_semaphore, #tpu.memory_space<semaphore_mem>>) {add = true}
      %add3A_149 = arith.constant 4 : i32
      %add3A_150 = arith.addi %add3A_136, %add3A_149 : i32
      %lt3A_151 = arith.constant 80 : i32
      %lt3A_152 = arith.cmpi slt, %add3A_150, %lt3A_151 : i32
      %convert_element_type3A_153 = arith.extui %lt3A_152 : i1 to i32
      %cond3A_154 = arith.constant 0 : i32
      %cond3A_155 = arith.cmpi ne, %convert_element_type3A_153, %cond3A_154 : i32
      scf.if %cond3A_155 {
        %ge3A = arith.constant 4 : i32
        %ge3A_261 = arith.cmpi sge, %add3A_136, %ge3A : i32
        %convert_element_type3A_262 = arith.extui %ge3A_261 : i1 to i32
        %cond3A_263 = arith.constant 0 : i32
        %cond3A_264 = arith.cmpi ne, %convert_element_type3A_262, %cond3A_263 : i32
        scf.if %cond3A_264 {
          %sub3A = arith.constant 4 : i32
          %sub3A_273 = arith.subi %add3A_136, %sub3A : i32
          %dma_wait3A_274 = arith.constant 0 : i32
          %dma_wait3A_275 = tpu.memref_slice %arg8[%sub3A_273, %dma_wait3A_274] : memref<80x128xi32, #tpu.memory_space<vmem>> -> memref<1x128xi32, #tpu.memory_space<vmem>>
          %dma_wait3A_276 = tpu.memref_squeeze %dma_wait3A_275 : memref<1x128xi32, #tpu.memory_space<vmem>> -> memref<128xi32, #tpu.memory_space<vmem>>
          %dma_wait3A_277 = arith.constant 0 : i32
          %dma_wait3A_278 = arith.constant 0 : i32
          %dma_wait3A_279 = tpu.memref_slice %arg17[%dma_wait3A_277, %dma_wait3A_278] : memref<10240x64xf32, #tpu.memory_space<vmem_shared>> -> memref<10240x64xf32, #tpu.memory_space<vmem_shared>>
          tpu.wait_indirect_dma semaphore(%arg32 : memref<!tpu.dma_semaphore, #tpu.memory_space<semaphore_mem>>) src(%arg15 : memref<128x64xf32, #tpu.memory_space<vmem>>) dst(%dma_wait3A_279 : memref<10240x64xf32, #tpu.memory_space<vmem_shared>>)
        } else {
        }
        %add3A_265 = arith.constant 4 : i32
        %add3A_266 = arith.addi %add3A_136, %add3A_265 : i32
        %dma_start3A_267 = arith.constant 0 : i32
        %dma_start3A_268 = tpu.memref_slice %arg7[%add3A_266, %dma_start3A_267] : memref<80x128xi32, #tpu.memory_space<vmem>> -> memref<1x128xi32, #tpu.memory_space<vmem>>
        %dma_start3A_269 = tpu.memref_squeeze %dma_start3A_268 : memref<1x128xi32, #tpu.memory_space<vmem>> -> memref<128xi32, #tpu.memory_space<vmem>>
        %dma_start3A_270 = arith.constant 0 : i32
        %dma_start3A_271 = arith.constant 0 : i32
        %dma_start3A_272 = tpu.memref_slice %arg2[%dma_start3A_270, %dma_start3A_271] : memref<180000x64xf32, #tpu.memory_space<hbm>> -> memref<180000x64xf32, #tpu.memory_space<hbm>>
        tpu.enqueue_indirect_dma source(%dma_start3A_272 : memref<180000x64xf32, #tpu.memory_space<hbm>>) target(%arg15 : memref<128x64xf32, #tpu.memory_space<vmem>>) offsets(%dma_start3A_269 : memref<128xi32, #tpu.memory_space<vmem>>) semaphore(%arg24 : memref<!tpu.dma_semaphore, #tpu.memory_space<semaphore_mem>>)
      } else {
      }
      %add3A_156 = arith.constant 3 : i32
      %add3A_157 = arith.addi %mul3A_95, %add3A_156 : i32
      %dma_wait3A_158 = arith.constant 0 : i32
      %dma_wait3A_159 = tpu.memref_slice %arg7[%add3A_157, %dma_wait3A_158] : memref<80x128xi32, #tpu.memory_space<vmem>> -> memref<1x128xi32, #tpu.memory_space<vmem>>
      %dma_wait3A_160 = tpu.memref_squeeze %dma_wait3A_159 : memref<1x128xi32, #tpu.memory_space<vmem>> -> memref<128xi32, #tpu.memory_space<vmem>>
      %dma_wait3A_161 = arith.constant 0 : i32
      %dma_wait3A_162 = arith.constant 0 : i32
      %dma_wait3A_163 = tpu.memref_slice %arg2[%dma_wait3A_161, %dma_wait3A_162] : memref<180000x64xf32, #tpu.memory_space<hbm>> -> memref<180000x64xf32, #tpu.memory_space<hbm>>
      tpu.wait_indirect_dma semaphore(%arg21 : memref<!tpu.dma_semaphore, #tpu.memory_space<semaphore_mem>>) src(%dma_wait3A_163 : memref<180000x64xf32, #tpu.memory_space<hbm>>) dst(%arg12 : memref<128x64xf32, #tpu.memory_space<vmem>>)
      %dma_start3A_164 = arith.constant 0 : i32
      %dma_start3A_165 = tpu.memref_slice %arg8[%add3A_157, %dma_start3A_164] : memref<80x128xi32, #tpu.memory_space<vmem>> -> memref<1x128xi32, #tpu.memory_space<vmem>>
      %dma_start3A_166 = tpu.memref_squeeze %dma_start3A_165 : memref<1x128xi32, #tpu.memory_space<vmem>> -> memref<128xi32, #tpu.memory_space<vmem>>
      %dma_start3A_167 = arith.constant 0 : i32
      %dma_start3A_168 = arith.constant 0 : i32
      %dma_start3A_169 = tpu.memref_slice %arg17[%dma_start3A_167, %dma_start3A_168] : memref<10240x64xf32, #tpu.memory_space<vmem_shared>> -> memref<10240x64xf32, #tpu.memory_space<vmem_shared>>
      tpu.enqueue_indirect_dma source(%arg12 : memref<128x64xf32, #tpu.memory_space<vmem>>) target(%dma_start3A_169 : memref<10240x64xf32, #tpu.memory_space<vmem_shared>>) offsets(%dma_start3A_166 : memref<128xi32, #tpu.memory_space<vmem>>) semaphore(%arg29 : memref<!tpu.dma_semaphore, #tpu.memory_space<semaphore_mem>>) {add = true}
      %add3A_170 = arith.constant 4 : i32
      %add3A_171 = arith.addi %add3A_157, %add3A_170 : i32
      %lt3A_172 = arith.constant 80 : i32
      %lt3A_173 = arith.cmpi slt, %add3A_171, %lt3A_172 : i32
      %convert_element_type3A_174 = arith.extui %lt3A_173 : i1 to i32
      %cond3A_175 = arith.constant 0 : i32
      %cond3A_176 = arith.cmpi ne, %convert_element_type3A_174, %cond3A_175 : i32
      scf.if %cond3A_176 {
        %ge3A = arith.constant 4 : i32
        %ge3A_261 = arith.cmpi sge, %add3A_157, %ge3A : i32
        %convert_element_type3A_262 = arith.extui %ge3A_261 : i1 to i32
        %cond3A_263 = arith.constant 0 : i32
        %cond3A_264 = arith.cmpi ne, %convert_element_type3A_262, %cond3A_263 : i32
        scf.if %cond3A_264 {
          %sub3A = arith.constant 4 : i32
          %sub3A_273 = arith.subi %add3A_157, %sub3A : i32
          %dma_wait3A_274 = arith.constant 0 : i32
          %dma_wait3A_275 = tpu.memref_slice %arg8[%sub3A_273, %dma_wait3A_274] : memref<80x128xi32, #tpu.memory_space<vmem>> -> memref<1x128xi32, #tpu.memory_space<vmem>>
          %dma_wait3A_276 = tpu.memref_squeeze %dma_wait3A_275 : memref<1x128xi32, #tpu.memory_space<vmem>> -> memref<128xi32, #tpu.memory_space<vmem>>
          %dma_wait3A_277 = arith.constant 0 : i32
          %dma_wait3A_278 = arith.constant 0 : i32
          %dma_wait3A_279 = tpu.memref_slice %arg17[%dma_wait3A_277, %dma_wait3A_278] : memref<10240x64xf32, #tpu.memory_space<vmem_shared>> -> memref<10240x64xf32, #tpu.memory_space<vmem_shared>>
          tpu.wait_indirect_dma semaphore(%arg33 : memref<!tpu.dma_semaphore, #tpu.memory_space<semaphore_mem>>) src(%arg16 : memref<128x64xf32, #tpu.memory_space<vmem>>) dst(%dma_wait3A_279 : memref<10240x64xf32, #tpu.memory_space<vmem_shared>>)
        } else {
        }
        %add3A_265 = arith.constant 4 : i32
        %add3A_266 = arith.addi %add3A_157, %add3A_265 : i32
        %dma_start3A_267 = arith.constant 0 : i32
        %dma_start3A_268 = tpu.memref_slice %arg7[%add3A_266, %dma_start3A_267] : memref<80x128xi32, #tpu.memory_space<vmem>> -> memref<1x128xi32, #tpu.memory_space<vmem>>
        %dma_start3A_269 = tpu.memref_squeeze %dma_start3A_268 : memref<1x128xi32, #tpu.memory_space<vmem>> -> memref<128xi32, #tpu.memory_space<vmem>>
        %dma_start3A_270 = arith.constant 0 : i32
        %dma_start3A_271 = arith.constant 0 : i32
        %dma_start3A_272 = tpu.memref_slice %arg2[%dma_start3A_270, %dma_start3A_271] : memref<180000x64xf32, #tpu.memory_space<hbm>> -> memref<180000x64xf32, #tpu.memory_space<hbm>>
        tpu.enqueue_indirect_dma source(%dma_start3A_272 : memref<180000x64xf32, #tpu.memory_space<hbm>>) target(%arg16 : memref<128x64xf32, #tpu.memory_space<vmem>>) offsets(%dma_start3A_269 : memref<128xi32, #tpu.memory_space<vmem>>) semaphore(%arg25 : memref<!tpu.dma_semaphore, #tpu.memory_space<semaphore_mem>>)
      } else {
      }
      %add3A_177 = arith.constant 4 : i32
      %add3A_178 = arith.addi %mul3A_95, %add3A_177 : i32
      %dma_wait3A_179 = arith.constant 0 : i32
      %dma_wait3A_180 = tpu.memref_slice %arg7[%add3A_178, %dma_wait3A_179] : memref<80x128xi32, #tpu.memory_space<vmem>> -> memref<1x128xi32, #tpu.memory_space<vmem>>
      %dma_wait3A_181 = tpu.memref_squeeze %dma_wait3A_180 : memref<1x128xi32, #tpu.memory_space<vmem>> -> memref<128xi32, #tpu.memory_space<vmem>>
      %dma_wait3A_182 = arith.constant 0 : i32
      %dma_wait3A_183 = arith.constant 0 : i32
      %dma_wait3A_184 = tpu.memref_slice %arg2[%dma_wait3A_182, %dma_wait3A_183] : memref<180000x64xf32, #tpu.memory_space<hbm>> -> memref<180000x64xf32, #tpu.memory_space<hbm>>
      tpu.wait_indirect_dma semaphore(%arg22 : memref<!tpu.dma_semaphore, #tpu.memory_space<semaphore_mem>>) src(%dma_wait3A_184 : memref<180000x64xf32, #tpu.memory_space<hbm>>) dst(%arg13 : memref<128x64xf32, #tpu.memory_space<vmem>>)
      %dma_start3A_185 = arith.constant 0 : i32
      %dma_start3A_186 = tpu.memref_slice %arg8[%add3A_178, %dma_start3A_185] : memref<80x128xi32, #tpu.memory_space<vmem>> -> memref<1x128xi32, #tpu.memory_space<vmem>>
      %dma_start3A_187 = tpu.memref_squeeze %dma_start3A_186 : memref<1x128xi32, #tpu.memory_space<vmem>> -> memref<128xi32, #tpu.memory_space<vmem>>
      %dma_start3A_188 = arith.constant 0 : i32
      %dma_start3A_189 = arith.constant 0 : i32
      %dma_start3A_190 = tpu.memref_slice %arg17[%dma_start3A_188, %dma_start3A_189] : memref<10240x64xf32, #tpu.memory_space<vmem_shared>> -> memref<10240x64xf32, #tpu.memory_space<vmem_shared>>
      tpu.enqueue_indirect_dma source(%arg13 : memref<128x64xf32, #tpu.memory_space<vmem>>) target(%dma_start3A_190 : memref<10240x64xf32, #tpu.memory_space<vmem_shared>>) offsets(%dma_start3A_187 : memref<128xi32, #tpu.memory_space<vmem>>) semaphore(%arg30 : memref<!tpu.dma_semaphore, #tpu.memory_space<semaphore_mem>>) {add = true}
      %add3A_191 = arith.constant 4 : i32
      %add3A_192 = arith.addi %add3A_178, %add3A_191 : i32
      %lt3A_193 = arith.constant 80 : i32
      %lt3A_194 = arith.cmpi slt, %add3A_192, %lt3A_193 : i32
      %convert_element_type3A_195 = arith.extui %lt3A_194 : i1 to i32
      %cond3A_196 = arith.constant 0 : i32
      %cond3A_197 = arith.cmpi ne, %convert_element_type3A_195, %cond3A_196 : i32
      scf.if %cond3A_197 {
        %ge3A = arith.constant 4 : i32
        %ge3A_261 = arith.cmpi sge, %add3A_178, %ge3A : i32
        %convert_element_type3A_262 = arith.extui %ge3A_261 : i1 to i32
        %cond3A_263 = arith.constant 0 : i32
        %cond3A_264 = arith.cmpi ne, %convert_element_type3A_262, %cond3A_263 : i32
        scf.if %cond3A_264 {
          %sub3A = arith.constant 4 : i32
          %sub3A_273 = arith.subi %add3A_178, %sub3A : i32
          %dma_wait3A_274 = arith.constant 0 : i32
          %dma_wait3A_275 = tpu.memref_slice %arg8[%sub3A_273, %dma_wait3A_274] : memref<80x128xi32, #tpu.memory_space<vmem>> -> memref<1x128xi32, #tpu.memory_space<vmem>>
          %dma_wait3A_276 = tpu.memref_squeeze %dma_wait3A_275 : memref<1x128xi32, #tpu.memory_space<vmem>> -> memref<128xi32, #tpu.memory_space<vmem>>
          %dma_wait3A_277 = arith.constant 0 : i32
          %dma_wait3A_278 = arith.constant 0 : i32
          %dma_wait3A_279 = tpu.memref_slice %arg17[%dma_wait3A_277, %dma_wait3A_278] : memref<10240x64xf32, #tpu.memory_space<vmem_shared>> -> memref<10240x64xf32, #tpu.memory_space<vmem_shared>>
          tpu.wait_indirect_dma semaphore(%arg26 : memref<!tpu.dma_semaphore, #tpu.memory_space<semaphore_mem>>) src(%arg9 : memref<128x64xf32, #tpu.memory_space<vmem>>) dst(%dma_wait3A_279 : memref<10240x64xf32, #tpu.memory_space<vmem_shared>>)
        } else {
        }
        %add3A_265 = arith.constant 4 : i32
        %add3A_266 = arith.addi %add3A_178, %add3A_265 : i32
        %dma_start3A_267 = arith.constant 0 : i32
        %dma_start3A_268 = tpu.memref_slice %arg7[%add3A_266, %dma_start3A_267] : memref<80x128xi32, #tpu.memory_space<vmem>> -> memref<1x128xi32, #tpu.memory_space<vmem>>
        %dma_start3A_269 = tpu.memref_squeeze %dma_start3A_268 : memref<1x128xi32, #tpu.memory_space<vmem>> -> memref<128xi32, #tpu.memory_space<vmem>>
        %dma_start3A_270 = arith.constant 0 : i32
        %dma_start3A_271 = arith.constant 0 : i32
        %dma_start3A_272 = tpu.memref_slice %arg2[%dma_start3A_270, %dma_start3A_271] : memref<180000x64xf32, #tpu.memory_space<hbm>> -> memref<180000x64xf32, #tpu.memory_space<hbm>>
        tpu.enqueue_indirect_dma source(%dma_start3A_272 : memref<180000x64xf32, #tpu.memory_space<hbm>>) target(%arg9 : memref<128x64xf32, #tpu.memory_space<vmem>>) offsets(%dma_start3A_269 : memref<128xi32, #tpu.memory_space<vmem>>) semaphore(%arg18 : memref<!tpu.dma_semaphore, #tpu.memory_space<semaphore_mem>>)
      } else {
      }
      %add3A_198 = arith.constant 5 : i32
      %add3A_199 = arith.addi %mul3A_95, %add3A_198 : i32
      %dma_wait3A_200 = arith.constant 0 : i32
      %dma_wait3A_201 = tpu.memref_slice %arg7[%add3A_199, %dma_wait3A_200] : memref<80x128xi32, #tpu.memory_space<vmem>> -> memref<1x128xi32, #tpu.memory_space<vmem>>
      %dma_wait3A_202 = tpu.memref_squeeze %dma_wait3A_201 : memref<1x128xi32, #tpu.memory_space<vmem>> -> memref<128xi32, #tpu.memory_space<vmem>>
      %dma_wait3A_203 = arith.constant 0 : i32
      %dma_wait3A_204 = arith.constant 0 : i32
      %dma_wait3A_205 = tpu.memref_slice %arg2[%dma_wait3A_203, %dma_wait3A_204] : memref<180000x64xf32, #tpu.memory_space<hbm>> -> memref<180000x64xf32, #tpu.memory_space<hbm>>
      tpu.wait_indirect_dma semaphore(%arg23 : memref<!tpu.dma_semaphore, #tpu.memory_space<semaphore_mem>>) src(%dma_wait3A_205 : memref<180000x64xf32, #tpu.memory_space<hbm>>) dst(%arg14 : memref<128x64xf32, #tpu.memory_space<vmem>>)
      %dma_start3A_206 = arith.constant 0 : i32
      %dma_start3A_207 = tpu.memref_slice %arg8[%add3A_199, %dma_start3A_206] : memref<80x128xi32, #tpu.memory_space<vmem>> -> memref<1x128xi32, #tpu.memory_space<vmem>>
      %dma_start3A_208 = tpu.memref_squeeze %dma_start3A_207 : memref<1x128xi32, #tpu.memory_space<vmem>> -> memref<128xi32, #tpu.memory_space<vmem>>
      %dma_start3A_209 = arith.constant 0 : i32
      %dma_start3A_210 = arith.constant 0 : i32
      %dma_start3A_211 = tpu.memref_slice %arg17[%dma_start3A_209, %dma_start3A_210] : memref<10240x64xf32, #tpu.memory_space<vmem_shared>> -> memref<10240x64xf32, #tpu.memory_space<vmem_shared>>
      tpu.enqueue_indirect_dma source(%arg14 : memref<128x64xf32, #tpu.memory_space<vmem>>) target(%dma_start3A_211 : memref<10240x64xf32, #tpu.memory_space<vmem_shared>>) offsets(%dma_start3A_208 : memref<128xi32, #tpu.memory_space<vmem>>) semaphore(%arg31 : memref<!tpu.dma_semaphore, #tpu.memory_space<semaphore_mem>>) {add = true}
      %add3A_212 = arith.constant 4 : i32
      %add3A_213 = arith.addi %add3A_199, %add3A_212 : i32
      %lt3A_214 = arith.constant 80 : i32
      %lt3A_215 = arith.cmpi slt, %add3A_213, %lt3A_214 : i32
      %convert_element_type3A_216 = arith.extui %lt3A_215 : i1 to i32
      %cond3A_217 = arith.constant 0 : i32
      %cond3A_218 = arith.cmpi ne, %convert_element_type3A_216, %cond3A_217 : i32
      scf.if %cond3A_218 {
        %ge3A = arith.constant 4 : i32
        %ge3A_261 = arith.cmpi sge, %add3A_199, %ge3A : i32
        %convert_element_type3A_262 = arith.extui %ge3A_261 : i1 to i32
        %cond3A_263 = arith.constant 0 : i32
        %cond3A_264 = arith.cmpi ne, %convert_element_type3A_262, %cond3A_263 : i32
        scf.if %cond3A_264 {
          %sub3A = arith.constant 4 : i32
          %sub3A_273 = arith.subi %add3A_199, %sub3A : i32
          %dma_wait3A_274 = arith.constant 0 : i32
          %dma_wait3A_275 = tpu.memref_slice %arg8[%sub3A_273, %dma_wait3A_274] : memref<80x128xi32, #tpu.memory_space<vmem>> -> memref<1x128xi32, #tpu.memory_space<vmem>>
          %dma_wait3A_276 = tpu.memref_squeeze %dma_wait3A_275 : memref<1x128xi32, #tpu.memory_space<vmem>> -> memref<128xi32, #tpu.memory_space<vmem>>
          %dma_wait3A_277 = arith.constant 0 : i32
          %dma_wait3A_278 = arith.constant 0 : i32
          %dma_wait3A_279 = tpu.memref_slice %arg17[%dma_wait3A_277, %dma_wait3A_278] : memref<10240x64xf32, #tpu.memory_space<vmem_shared>> -> memref<10240x64xf32, #tpu.memory_space<vmem_shared>>
          tpu.wait_indirect_dma semaphore(%arg27 : memref<!tpu.dma_semaphore, #tpu.memory_space<semaphore_mem>>) src(%arg10 : memref<128x64xf32, #tpu.memory_space<vmem>>) dst(%dma_wait3A_279 : memref<10240x64xf32, #tpu.memory_space<vmem_shared>>)
        } else {
        }
        %add3A_265 = arith.constant 4 : i32
        %add3A_266 = arith.addi %add3A_199, %add3A_265 : i32
        %dma_start3A_267 = arith.constant 0 : i32
        %dma_start3A_268 = tpu.memref_slice %arg7[%add3A_266, %dma_start3A_267] : memref<80x128xi32, #tpu.memory_space<vmem>> -> memref<1x128xi32, #tpu.memory_space<vmem>>
        %dma_start3A_269 = tpu.memref_squeeze %dma_start3A_268 : memref<1x128xi32, #tpu.memory_space<vmem>> -> memref<128xi32, #tpu.memory_space<vmem>>
        %dma_start3A_270 = arith.constant 0 : i32
        %dma_start3A_271 = arith.constant 0 : i32
        %dma_start3A_272 = tpu.memref_slice %arg2[%dma_start3A_270, %dma_start3A_271] : memref<180000x64xf32, #tpu.memory_space<hbm>> -> memref<180000x64xf32, #tpu.memory_space<hbm>>
        tpu.enqueue_indirect_dma source(%dma_start3A_272 : memref<180000x64xf32, #tpu.memory_space<hbm>>) target(%arg10 : memref<128x64xf32, #tpu.memory_space<vmem>>) offsets(%dma_start3A_269 : memref<128xi32, #tpu.memory_space<vmem>>) semaphore(%arg19 : memref<!tpu.dma_semaphore, #tpu.memory_space<semaphore_mem>>)
      } else {
      }
      %add3A_219 = arith.constant 6 : i32
      %add3A_220 = arith.addi %mul3A_95, %add3A_219 : i32
      %dma_wait3A_221 = arith.constant 0 : i32
      %dma_wait3A_222 = tpu.memref_slice %arg7[%add3A_220, %dma_wait3A_221] : memref<80x128xi32, #tpu.memory_space<vmem>> -> memref<1x128xi32, #tpu.memory_space<vmem>>
      %dma_wait3A_223 = tpu.memref_squeeze %dma_wait3A_222 : memref<1x128xi32, #tpu.memory_space<vmem>> -> memref<128xi32, #tpu.memory_space<vmem>>
      %dma_wait3A_224 = arith.constant 0 : i32
      %dma_wait3A_225 = arith.constant 0 : i32
      %dma_wait3A_226 = tpu.memref_slice %arg2[%dma_wait3A_224, %dma_wait3A_225] : memref<180000x64xf32, #tpu.memory_space<hbm>> -> memref<180000x64xf32, #tpu.memory_space<hbm>>
      tpu.wait_indirect_dma semaphore(%arg24 : memref<!tpu.dma_semaphore, #tpu.memory_space<semaphore_mem>>) src(%dma_wait3A_226 : memref<180000x64xf32, #tpu.memory_space<hbm>>) dst(%arg15 : memref<128x64xf32, #tpu.memory_space<vmem>>)
      %dma_start3A_227 = arith.constant 0 : i32
      %dma_start3A_228 = tpu.memref_slice %arg8[%add3A_220, %dma_start3A_227] : memref<80x128xi32, #tpu.memory_space<vmem>> -> memref<1x128xi32, #tpu.memory_space<vmem>>
      %dma_start3A_229 = tpu.memref_squeeze %dma_start3A_228 : memref<1x128xi32, #tpu.memory_space<vmem>> -> memref<128xi32, #tpu.memory_space<vmem>>
      %dma_start3A_230 = arith.constant 0 : i32
      %dma_start3A_231 = arith.constant 0 : i32
      %dma_start3A_232 = tpu.memref_slice %arg17[%dma_start3A_230, %dma_start3A_231] : memref<10240x64xf32, #tpu.memory_space<vmem_shared>> -> memref<10240x64xf32, #tpu.memory_space<vmem_shared>>
      tpu.enqueue_indirect_dma source(%arg15 : memref<128x64xf32, #tpu.memory_space<vmem>>) target(%dma_start3A_232 : memref<10240x64xf32, #tpu.memory_space<vmem_shared>>) offsets(%dma_start3A_229 : memref<128xi32, #tpu.memory_space<vmem>>) semaphore(%arg32 : memref<!tpu.dma_semaphore, #tpu.memory_space<semaphore_mem>>) {add = true}
      %add3A_233 = arith.constant 4 : i32
      %add3A_234 = arith.addi %add3A_220, %add3A_233 : i32
      %lt3A_235 = arith.constant 80 : i32
      %lt3A_236 = arith.cmpi slt, %add3A_234, %lt3A_235 : i32
      %convert_element_type3A_237 = arith.extui %lt3A_236 : i1 to i32
      %cond3A_238 = arith.constant 0 : i32
      %cond3A_239 = arith.cmpi ne, %convert_element_type3A_237, %cond3A_238 : i32
      scf.if %cond3A_239 {
        %ge3A = arith.constant 4 : i32
        %ge3A_261 = arith.cmpi sge, %add3A_220, %ge3A : i32
        %convert_element_type3A_262 = arith.extui %ge3A_261 : i1 to i32
        %cond3A_263 = arith.constant 0 : i32
        %cond3A_264 = arith.cmpi ne, %convert_element_type3A_262, %cond3A_263 : i32
        scf.if %cond3A_264 {
          %sub3A = arith.constant 4 : i32
          %sub3A_273 = arith.subi %add3A_220, %sub3A : i32
          %dma_wait3A_274 = arith.constant 0 : i32
          %dma_wait3A_275 = tpu.memref_slice %arg8[%sub3A_273, %dma_wait3A_274] : memref<80x128xi32, #tpu.memory_space<vmem>> -> memref<1x128xi32, #tpu.memory_space<vmem>>
          %dma_wait3A_276 = tpu.memref_squeeze %dma_wait3A_275 : memref<1x128xi32, #tpu.memory_space<vmem>> -> memref<128xi32, #tpu.memory_space<vmem>>
          %dma_wait3A_277 = arith.constant 0 : i32
          %dma_wait3A_278 = arith.constant 0 : i32
          %dma_wait3A_279 = tpu.memref_slice %arg17[%dma_wait3A_277, %dma_wait3A_278] : memref<10240x64xf32, #tpu.memory_space<vmem_shared>> -> memref<10240x64xf32, #tpu.memory_space<vmem_shared>>
          tpu.wait_indirect_dma semaphore(%arg28 : memref<!tpu.dma_semaphore, #tpu.memory_space<semaphore_mem>>) src(%arg11 : memref<128x64xf32, #tpu.memory_space<vmem>>) dst(%dma_wait3A_279 : memref<10240x64xf32, #tpu.memory_space<vmem_shared>>)
        } else {
        }
        %add3A_265 = arith.constant 4 : i32
        %add3A_266 = arith.addi %add3A_220, %add3A_265 : i32
        %dma_start3A_267 = arith.constant 0 : i32
        %dma_start3A_268 = tpu.memref_slice %arg7[%add3A_266, %dma_start3A_267] : memref<80x128xi32, #tpu.memory_space<vmem>> -> memref<1x128xi32, #tpu.memory_space<vmem>>
        %dma_start3A_269 = tpu.memref_squeeze %dma_start3A_268 : memref<1x128xi32, #tpu.memory_space<vmem>> -> memref<128xi32, #tpu.memory_space<vmem>>
        %dma_start3A_270 = arith.constant 0 : i32
        %dma_start3A_271 = arith.constant 0 : i32
        %dma_start3A_272 = tpu.memref_slice %arg2[%dma_start3A_270, %dma_start3A_271] : memref<180000x64xf32, #tpu.memory_space<hbm>> -> memref<180000x64xf32, #tpu.memory_space<hbm>>
        tpu.enqueue_indirect_dma source(%dma_start3A_272 : memref<180000x64xf32, #tpu.memory_space<hbm>>) target(%arg11 : memref<128x64xf32, #tpu.memory_space<vmem>>) offsets(%dma_start3A_269 : memref<128xi32, #tpu.memory_space<vmem>>) semaphore(%arg20 : memref<!tpu.dma_semaphore, #tpu.memory_space<semaphore_mem>>)
      } else {
      }
      %add3A_240 = arith.constant 7 : i32
      %add3A_241 = arith.addi %mul3A_95, %add3A_240 : i32
      %dma_wait3A_242 = arith.constant 0 : i32
      %dma_wait3A_243 = tpu.memref_slice %arg7[%add3A_241, %dma_wait3A_242] : memref<80x128xi32, #tpu.memory_space<vmem>> -> memref<1x128xi32, #tpu.memory_space<vmem>>
      %dma_wait3A_244 = tpu.memref_squeeze %dma_wait3A_243 : memref<1x128xi32, #tpu.memory_space<vmem>> -> memref<128xi32, #tpu.memory_space<vmem>>
      %dma_wait3A_245 = arith.constant 0 : i32
      %dma_wait3A_246 = arith.constant 0 : i32
      %dma_wait3A_247 = tpu.memref_slice %arg2[%dma_wait3A_245, %dma_wait3A_246] : memref<180000x64xf32, #tpu.memory_space<hbm>> -> memref<180000x64xf32, #tpu.memory_space<hbm>>
      tpu.wait_indirect_dma semaphore(%arg25 : memref<!tpu.dma_semaphore, #tpu.memory_space<semaphore_mem>>) src(%dma_wait3A_247 : memref<180000x64xf32, #tpu.memory_space<hbm>>) dst(%arg16 : memref<128x64xf32, #tpu.memory_space<vmem>>)
      %dma_start3A_248 = arith.constant 0 : i32
      %dma_start3A_249 = tpu.memref_slice %arg8[%add3A_241, %dma_start3A_248] : memref<80x128xi32, #tpu.memory_space<vmem>> -> memref<1x128xi32, #tpu.memory_space<vmem>>
      %dma_start3A_250 = tpu.memref_squeeze %dma_start3A_249 : memref<1x128xi32, #tpu.memory_space<vmem>> -> memref<128xi32, #tpu.memory_space<vmem>>
      %dma_start3A_251 = arith.constant 0 : i32
      %dma_start3A_252 = arith.constant 0 : i32
      %dma_start3A_253 = tpu.memref_slice %arg17[%dma_start3A_251, %dma_start3A_252] : memref<10240x64xf32, #tpu.memory_space<vmem_shared>> -> memref<10240x64xf32, #tpu.memory_space<vmem_shared>>
      tpu.enqueue_indirect_dma source(%arg16 : memref<128x64xf32, #tpu.memory_space<vmem>>) target(%dma_start3A_253 : memref<10240x64xf32, #tpu.memory_space<vmem_shared>>) offsets(%dma_start3A_250 : memref<128xi32, #tpu.memory_space<vmem>>) semaphore(%arg33 : memref<!tpu.dma_semaphore, #tpu.memory_space<semaphore_mem>>) {add = true}
      %add3A_254 = arith.constant 4 : i32
      %add3A_255 = arith.addi %add3A_241, %add3A_254 : i32
      %lt3A_256 = arith.constant 80 : i32
      %lt3A_257 = arith.cmpi slt, %add3A_255, %lt3A_256 : i32
      %convert_element_type3A_258 = arith.extui %lt3A_257 : i1 to i32
      %cond3A_259 = arith.constant 0 : i32
      %cond3A_260 = arith.cmpi ne, %convert_element_type3A_258, %cond3A_259 : i32
      scf.if %cond3A_260 {
        %ge3A = arith.constant 4 : i32
        %ge3A_261 = arith.cmpi sge, %add3A_241, %ge3A : i32
        %convert_element_type3A_262 = arith.extui %ge3A_261 : i1 to i32
        %cond3A_263 = arith.constant 0 : i32
        %cond3A_264 = arith.cmpi ne, %convert_element_type3A_262, %cond3A_263 : i32
        scf.if %cond3A_264 {
          %sub3A = arith.constant 4 : i32
          %sub3A_273 = arith.subi %add3A_241, %sub3A : i32
          %dma_wait3A_274 = arith.constant 0 : i32
          %dma_wait3A_275 = tpu.memref_slice %arg8[%sub3A_273, %dma_wait3A_274] : memref<80x128xi32, #tpu.memory_space<vmem>> -> memref<1x128xi32, #tpu.memory_space<vmem>>
          %dma_wait3A_276 = tpu.memref_squeeze %dma_wait3A_275 : memref<1x128xi32, #tpu.memory_space<vmem>> -> memref<128xi32, #tpu.memory_space<vmem>>
          %dma_wait3A_277 = arith.constant 0 : i32
          %dma_wait3A_278 = arith.constant 0 : i32
          %dma_wait3A_279 = tpu.memref_slice %arg17[%dma_wait3A_277, %dma_wait3A_278] : memref<10240x64xf32, #tpu.memory_space<vmem_shared>> -> memref<10240x64xf32, #tpu.memory_space<vmem_shared>>
          tpu.wait_indirect_dma semaphore(%arg29 : memref<!tpu.dma_semaphore, #tpu.memory_space<semaphore_mem>>) src(%arg12 : memref<128x64xf32, #tpu.memory_space<vmem>>) dst(%dma_wait3A_279 : memref<10240x64xf32, #tpu.memory_space<vmem_shared>>)
        } else {
        }
        %add3A_265 = arith.constant 4 : i32
        %add3A_266 = arith.addi %add3A_241, %add3A_265 : i32
        %dma_start3A_267 = arith.constant 0 : i32
        %dma_start3A_268 = tpu.memref_slice %arg7[%add3A_266, %dma_start3A_267] : memref<80x128xi32, #tpu.memory_space<vmem>> -> memref<1x128xi32, #tpu.memory_space<vmem>>
        %dma_start3A_269 = tpu.memref_squeeze %dma_start3A_268 : memref<1x128xi32, #tpu.memory_space<vmem>> -> memref<128xi32, #tpu.memory_space<vmem>>
        %dma_start3A_270 = arith.constant 0 : i32
        %dma_start3A_271 = arith.constant 0 : i32
        %dma_start3A_272 = tpu.memref_slice %arg2[%dma_start3A_270, %dma_start3A_271] : memref<180000x64xf32, #tpu.memory_space<hbm>> -> memref<180000x64xf32, #tpu.memory_space<hbm>>
        tpu.enqueue_indirect_dma source(%dma_start3A_272 : memref<180000x64xf32, #tpu.memory_space<hbm>>) target(%arg12 : memref<128x64xf32, #tpu.memory_space<vmem>>) offsets(%dma_start3A_269 : memref<128xi32, #tpu.memory_space<vmem>>) semaphore(%arg21 : memref<!tpu.dma_semaphore, #tpu.memory_space<semaphore_mem>>)
      } else {
      }
    }
    %scan3A_34 = arith.constant 10 : i32
    %dma_wait3A = arith.constant 72 : i32
    %dma_wait3A_35 = arith.constant 0 : i32
    %dma_wait3A_36 = tpu.memref_slice %arg8[%dma_wait3A, %dma_wait3A_35] : memref<80x128xi32, #tpu.memory_space<vmem>> -> memref<1x128xi32, #tpu.memory_space<vmem>>
    %dma_wait3A_37 = tpu.memref_squeeze %dma_wait3A_36 : memref<1x128xi32, #tpu.memory_space<vmem>> -> memref<128xi32, #tpu.memory_space<vmem>>
    %dma_wait3A_38 = arith.constant 0 : i32
    %dma_wait3A_39 = arith.constant 0 : i32
    %dma_wait3A_40 = tpu.memref_slice %arg17[%dma_wait3A_38, %dma_wait3A_39] : memref<10240x64xf32, #tpu.memory_space<vmem_shared>> -> memref<10240x64xf32, #tpu.memory_space<vmem_shared>>
    tpu.wait_indirect_dma semaphore(%arg26 : memref<!tpu.dma_semaphore, #tpu.memory_space<semaphore_mem>>) src(%arg9 : memref<128x64xf32, #tpu.memory_space<vmem>>) dst(%dma_wait3A_40 : memref<10240x64xf32, #tpu.memory_space<vmem_shared>>)
    %dma_wait3A_41 = arith.constant 73 : i32
    %dma_wait3A_42 = arith.constant 0 : i32
    %dma_wait3A_43 = tpu.memref_slice %arg8[%dma_wait3A_41, %dma_wait3A_42] : memref<80x128xi32, #tpu.memory_space<vmem>> -> memref<1x128xi32, #tpu.memory_space<vmem>>
    %dma_wait3A_44 = tpu.memref_squeeze %dma_wait3A_43 : memref<1x128xi32, #tpu.memory_space<vmem>> -> memref<128xi32, #tpu.memory_space<vmem>>
    %dma_wait3A_45 = arith.constant 0 : i32
    %dma_wait3A_46 = arith.constant 0 : i32
    %dma_wait3A_47 = tpu.memref_slice %arg17[%dma_wait3A_45, %dma_wait3A_46] : memref<10240x64xf32, #tpu.memory_space<vmem_shared>> -> memref<10240x64xf32, #tpu.memory_space<vmem_shared>>
    tpu.wait_indirect_dma semaphore(%arg27 : memref<!tpu.dma_semaphore, #tpu.memory_space<semaphore_mem>>) src(%arg10 : memref<128x64xf32, #tpu.memory_space<vmem>>) dst(%dma_wait3A_47 : memref<10240x64xf32, #tpu.memory_space<vmem_shared>>)
    %dma_wait3A_48 = arith.constant 74 : i32
    %dma_wait3A_49 = arith.constant 0 : i32
    %dma_wait3A_50 = tpu.memref_slice %arg8[%dma_wait3A_48, %dma_wait3A_49] : memref<80x128xi32, #tpu.memory_space<vmem>> -> memref<1x128xi32, #tpu.memory_space<vmem>>
    %dma_wait3A_51 = tpu.memref_squeeze %dma_wait3A_50 : memref<1x128xi32, #tpu.memory_space<vmem>> -> memref<128xi32, #tpu.memory_space<vmem>>
    %dma_wait3A_52 = arith.constant 0 : i32
    %dma_wait3A_53 = arith.constant 0 : i32
    %dma_wait3A_54 = tpu.memref_slice %arg17[%dma_wait3A_52, %dma_wait3A_53] : memref<10240x64xf32, #tpu.memory_space<vmem_shared>> -> memref<10240x64xf32, #tpu.memory_space<vmem_shared>>
    tpu.wait_indirect_dma semaphore(%arg28 : memref<!tpu.dma_semaphore, #tpu.memory_space<semaphore_mem>>) src(%arg11 : memref<128x64xf32, #tpu.memory_space<vmem>>) dst(%dma_wait3A_54 : memref<10240x64xf32, #tpu.memory_space<vmem_shared>>)
    %dma_wait3A_55 = arith.constant 75 : i32
    %dma_wait3A_56 = arith.constant 0 : i32
    %dma_wait3A_57 = tpu.memref_slice %arg8[%dma_wait3A_55, %dma_wait3A_56] : memref<80x128xi32, #tpu.memory_space<vmem>> -> memref<1x128xi32, #tpu.memory_space<vmem>>
    %dma_wait3A_58 = tpu.memref_squeeze %dma_wait3A_57 : memref<1x128xi32, #tpu.memory_space<vmem>> -> memref<128xi32, #tpu.memory_space<vmem>>
    %dma_wait3A_59 = arith.constant 0 : i32
    %dma_wait3A_60 = arith.constant 0 : i32
    %dma_wait3A_61 = tpu.memref_slice %arg17[%dma_wait3A_59, %dma_wait3A_60] : memref<10240x64xf32, #tpu.memory_space<vmem_shared>> -> memref<10240x64xf32, #tpu.memory_space<vmem_shared>>
    tpu.wait_indirect_dma semaphore(%arg29 : memref<!tpu.dma_semaphore, #tpu.memory_space<semaphore_mem>>) src(%arg12 : memref<128x64xf32, #tpu.memory_space<vmem>>) dst(%dma_wait3A_61 : memref<10240x64xf32, #tpu.memory_space<vmem_shared>>)
    %dma_wait3A_62 = arith.constant 76 : i32
    %dma_wait3A_63 = arith.constant 0 : i32
    %dma_wait3A_64 = tpu.memref_slice %arg8[%dma_wait3A_62, %dma_wait3A_63] : memref<80x128xi32, #tpu.memory_space<vmem>> -> memref<1x128xi32, #tpu.memory_space<vmem>>
    %dma_wait3A_65 = tpu.memref_squeeze %dma_wait3A_64 : memref<1x128xi32, #tpu.memory_space<vmem>> -> memref<128xi32, #tpu.memory_space<vmem>>
    %dma_wait3A_66 = arith.constant 0 : i32
    %dma_wait3A_67 = arith.constant 0 : i32
    %dma_wait3A_68 = tpu.memref_slice %arg17[%dma_wait3A_66, %dma_wait3A_67] : memref<10240x64xf32, #tpu.memory_space<vmem_shared>> -> memref<10240x64xf32, #tpu.memory_space<vmem_shared>>
    tpu.wait_indirect_dma semaphore(%arg30 : memref<!tpu.dma_semaphore, #tpu.memory_space<semaphore_mem>>) src(%arg13 : memref<128x64xf32, #tpu.memory_space<vmem>>) dst(%dma_wait3A_68 : memref<10240x64xf32, #tpu.memory_space<vmem_shared>>)
    %dma_wait3A_69 = arith.constant 77 : i32
    %dma_wait3A_70 = arith.constant 0 : i32
    %dma_wait3A_71 = tpu.memref_slice %arg8[%dma_wait3A_69, %dma_wait3A_70] : memref<80x128xi32, #tpu.memory_space<vmem>> -> memref<1x128xi32, #tpu.memory_space<vmem>>
    %dma_wait3A_72 = tpu.memref_squeeze %dma_wait3A_71 : memref<1x128xi32, #tpu.memory_space<vmem>> -> memref<128xi32, #tpu.memory_space<vmem>>
    %dma_wait3A_73 = arith.constant 0 : i32
    %dma_wait3A_74 = arith.constant 0 : i32
    %dma_wait3A_75 = tpu.memref_slice %arg17[%dma_wait3A_73, %dma_wait3A_74] : memref<10240x64xf32, #tpu.memory_space<vmem_shared>> -> memref<10240x64xf32, #tpu.memory_space<vmem_shared>>
    tpu.wait_indirect_dma semaphore(%arg31 : memref<!tpu.dma_semaphore, #tpu.memory_space<semaphore_mem>>) src(%arg14 : memref<128x64xf32, #tpu.memory_space<vmem>>) dst(%dma_wait3A_75 : memref<10240x64xf32, #tpu.memory_space<vmem_shared>>)
    %dma_wait3A_76 = arith.constant 78 : i32
    %dma_wait3A_77 = arith.constant 0 : i32
    %dma_wait3A_78 = tpu.memref_slice %arg8[%dma_wait3A_76, %dma_wait3A_77] : memref<80x128xi32, #tpu.memory_space<vmem>> -> memref<1x128xi32, #tpu.memory_space<vmem>>
    %dma_wait3A_79 = tpu.memref_squeeze %dma_wait3A_78 : memref<1x128xi32, #tpu.memory_space<vmem>> -> memref<128xi32, #tpu.memory_space<vmem>>
    %dma_wait3A_80 = arith.constant 0 : i32
    %dma_wait3A_81 = arith.constant 0 : i32
    %dma_wait3A_82 = tpu.memref_slice %arg17[%dma_wait3A_80, %dma_wait3A_81] : memref<10240x64xf32, #tpu.memory_space<vmem_shared>> -> memref<10240x64xf32, #tpu.memory_space<vmem_shared>>
    tpu.wait_indirect_dma semaphore(%arg32 : memref<!tpu.dma_semaphore, #tpu.memory_space<semaphore_mem>>) src(%arg15 : memref<128x64xf32, #tpu.memory_space<vmem>>) dst(%dma_wait3A_82 : memref<10240x64xf32, #tpu.memory_space<vmem_shared>>)
    %dma_wait3A_83 = arith.constant 79 : i32
    %dma_wait3A_84 = arith.constant 0 : i32
    %dma_wait3A_85 = tpu.memref_slice %arg8[%dma_wait3A_83, %dma_wait3A_84] : memref<80x128xi32, #tpu.memory_space<vmem>> -> memref<1x128xi32, #tpu.memory_space<vmem>>
    %dma_wait3A_86 = tpu.memref_squeeze %dma_wait3A_85 : memref<1x128xi32, #tpu.memory_space<vmem>> -> memref<128xi32, #tpu.memory_space<vmem>>
    %dma_wait3A_87 = arith.constant 0 : i32
    %dma_wait3A_88 = arith.constant 0 : i32
    %dma_wait3A_89 = tpu.memref_slice %arg17[%dma_wait3A_87, %dma_wait3A_88] : memref<10240x64xf32, #tpu.memory_space<vmem_shared>> -> memref<10240x64xf32, #tpu.memory_space<vmem_shared>>
    tpu.wait_indirect_dma semaphore(%arg33 : memref<!tpu.dma_semaphore, #tpu.memory_space<semaphore_mem>>) src(%arg16 : memref<128x64xf32, #tpu.memory_space<vmem>>) dst(%dma_wait3A_89 : memref<10240x64xf32, #tpu.memory_space<vmem_shared>>)
    %barrier3A_90 = arith.constant 0 : index
    tpu.barrier barrier_id(%barrier3A_90)
    %mul3A_91 = arith.constant 640 : i32
    %mul3A_92 = arith.muli %arg1, %mul3A_91 : i32
    "tpu.region"() ({
      %run_scoped3A = tpu.sem_alloc : memref<!tpu.dma_semaphore, #tpu.memory_space<semaphore_mem>>
      %dma_start3A_93 = arith.constant 0 : i32
      %dma_start3A_94 = tpu.memref_slice %arg6[%arg0, %mul3A_92, %dma_start3A_93] : memref<2x10240x64xf32, #tpu.memory_space<hbm>> -> memref<1x640x64xf32, #tpu.memory_space<hbm>>
      %dma_start3A_95 = tpu.memref_squeeze %dma_start3A_94 : memref<1x640x64xf32, #tpu.memory_space<hbm>> -> memref<640x64xf32, #tpu.memory_space<hbm>>
      %dma_start3A_96 = arith.constant 0 : i32
      %dma_start3A_97 = tpu.memref_slice %arg17[%mul3A_92, %dma_start3A_96] : memref<10240x64xf32, #tpu.memory_space<vmem_shared>> -> memref<640x64xf32, #tpu.memory_space<vmem_shared>>
      tpu.enqueue_dma source(%dma_start3A_97 : memref<640x64xf32, #tpu.memory_space<vmem_shared>>) target(%dma_start3A_95 : memref<640x64xf32, #tpu.memory_space<hbm>>) target_semaphore(%run_scoped3A : memref<!tpu.dma_semaphore, #tpu.memory_space<semaphore_mem>>)
      %dma_wait3A_98 = arith.constant 0 : i32
      %dma_wait3A_99 = tpu.memref_slice %arg6[%arg0, %mul3A_92, %dma_wait3A_98] : memref<2x10240x64xf32, #tpu.memory_space<hbm>> -> memref<1x640x64xf32, #tpu.memory_space<hbm>>
      %dma_wait3A_100 = tpu.memref_squeeze %dma_wait3A_99 : memref<1x640x64xf32, #tpu.memory_space<hbm>> -> memref<640x64xf32, #tpu.memory_space<hbm>>
      %dma_wait3A_101 = arith.constant 0 : i32
      %dma_wait3A_102 = tpu.memref_slice %arg17[%mul3A_92, %dma_wait3A_101] : memref<10240x64xf32, #tpu.memory_space<vmem_shared>> -> memref<640x64xf32, #tpu.memory_space<vmem_shared>>
      tpu.wait_dma2 semaphore(%run_scoped3A : memref<!tpu.dma_semaphore, #tpu.memory_space<semaphore_mem>>) src(%dma_wait3A_102 : memref<640x64xf32, #tpu.memory_space<vmem_shared>>) dst(%dma_wait3A_100 : memref<640x64xf32, #tpu.memory_space<hbm>>)
      tpu.yield
    }) : () -> ()
    return
  }
}

#map = affine_map<(d0, d1) -> (0, 0)>
#map1 = affine_map<(d0, d1) -> (0, 0, 0)>
module attributes {stable_mosaic.version = 14 : i64} {
  func.func @_sc_body(%arg0: i32, %arg1: i32, %arg2: memref<180000x64xf32, #tpu.memory_space<hbm>>, %arg3: memref<32x80x128xi32, #tpu.memory_space<hbm>>, %arg4: memref<32x80x128xi32, #tpu.memory_space<hbm>>, %arg5: memref<640x64xf32, #tpu.memory_space<hbm>>, %arg6: memref<2x10240x64xf32, #tpu.memory_space<hbm>>, %arg7: memref<80x128xi32, #tpu.memory_space<vmem>>, %arg8: memref<80x128xi32, #tpu.memory_space<vmem>>, %arg9: memref<128x64xf32, #tpu.memory_space<vmem>>, %arg10: memref<128x64xf32, #tpu.memory_space<vmem>>, %arg11: memref<128x64xf32, #tpu.memory_space<vmem>>, %arg12: memref<128x64xf32, #tpu.memory_space<vmem>>, %arg13: memref<128x64xf32, #tpu.memory_space<vmem>>, %arg14: memref<128x64xf32, #tpu.memory_space<vmem>>, %arg15: memref<128x64xf32, #tpu.memory_space<vmem>>, %arg16: memref<128x64xf32, #tpu.memory_space<vmem>>, %arg17: memref<10240x64xf32, #tpu.memory_space<vmem_shared>>, %arg18: memref<!tpu.dma_semaphore, #tpu.memory_space<semaphore_mem>>, %arg19: memref<!tpu.dma_semaphore, #tpu.memory_space<semaphore_mem>>, %arg20: memref<!tpu.dma_semaphore, #tpu.memory_space<semaphore_mem>>, %arg21: memref<!tpu.dma_semaphore, #tpu.memory_space<semaphore_mem>>, %arg22: memref<!tpu.dma_semaphore, #tpu.memory_space<semaphore_mem>>, %arg23: memref<!tpu.dma_semaphore, #tpu.memory_space<semaphore_mem>>, %arg24: memref<!tpu.dma_semaphore, #tpu.memory_space<semaphore_mem>>, %arg25: memref<!tpu.dma_semaphore, #tpu.memory_space<semaphore_mem>>, %arg26: memref<!tpu.dma_semaphore, #tpu.memory_space<semaphore_mem>>, %arg27: memref<!tpu.dma_semaphore, #tpu.memory_space<semaphore_mem>>, %arg28: memref<!tpu.dma_semaphore, #tpu.memory_space<semaphore_mem>>, %arg29: memref<!tpu.dma_semaphore, #tpu.memory_space<semaphore_mem>>, %arg30: memref<!tpu.dma_semaphore, #tpu.memory_space<semaphore_mem>>, %arg31: memref<!tpu.dma_semaphore, #tpu.memory_space<semaphore_mem>>, %arg32: memref<!tpu.dma_semaphore, #tpu.memory_space<semaphore_mem>>, %arg33: memref<!tpu.dma_semaphore, #tpu.memory_space<semaphore_mem>>) attributes {dimension_semantics = [#tpu.dimension_semantics<core_parallel>, #tpu.dimension_semantics<subcore_parallel>], iteration_bounds = array<i64: 2, 16>, scalar_prefetch = 0 : i64, scratch_operands = 27 : i64, tpu.core_type = #tpu.core_type<sc_vector_subcore>, window_params = [{transform_indices = #map}, {transform_indices = #map1}, {transform_indices = #map1}, {transform_indices = #map}, {transform_indices = #map1}]} {
    %mul3A = arith.constant 2 : i32
    %mul3A_0 = arith.muli %arg1, %mul3A : i32
    %add3A = arith.addi %mul3A_0, %arg0 : i32
    "tpu.region"() ({
      %run_scoped3A = tpu.sem_alloc : memref<!tpu.dma_semaphore, #tpu.memory_space<semaphore_mem>>
      %dma_start3A_93 = arith.constant 0 : i32
      %dma_start3A_94 = arith.constant 0 : i32
      %dma_start3A_95 = tpu.memref_slice %arg3[%add3A, %dma_start3A_93, %dma_start3A_94] : memref<32x80x128xi32, #tpu.memory_space<hbm>> -> memref<1x80x128xi32, #tpu.memory_space<hbm>>
      %dma_start3A_96 = tpu.memref_squeeze %dma_start3A_95 : memref<1x80x128xi32, #tpu.memory_space<hbm>> -> memref<80x128xi32, #tpu.memory_space<hbm>>
      %dma_start3A_97 = arith.constant 0 : i32
      %dma_start3A_98 = arith.constant 0 : i32
      %dma_start3A_99 = tpu.memref_slice %arg3[%add3A, %dma_start3A_97, %dma_start3A_98] : memref<32x80x128xi32, #tpu.memory_space<hbm>> -> memref<1x80x128xi32, #tpu.memory_space<hbm>>
      %dma_start3A_100 = tpu.memref_squeeze %dma_start3A_99 : memref<1x80x128xi32, #tpu.memory_space<hbm>> -> memref<80x128xi32, #tpu.memory_space<hbm>>
      tpu.enqueue_dma source(%dma_start3A_100 : memref<80x128xi32, #tpu.memory_space<hbm>>) target(%arg7 : memref<80x128xi32, #tpu.memory_space<vmem>>) target_semaphore(%run_scoped3A : memref<!tpu.dma_semaphore, #tpu.memory_space<semaphore_mem>>)
      %dma_wait3A_101 = arith.constant 0 : i32
      %dma_wait3A_102 = arith.constant 0 : i32
      %dma_wait3A_103 = tpu.memref_slice %arg3[%add3A, %dma_wait3A_101, %dma_wait3A_102] : memref<32x80x128xi32, #tpu.memory_space<hbm>> -> memref<1x80x128xi32, #tpu.memory_space<hbm>>
      %dma_wait3A_104 = tpu.memref_squeeze %dma_wait3A_103 : memref<1x80x128xi32, #tpu.memory_space<hbm>> -> memref<80x128xi32, #tpu.memory_space<hbm>>
      %dma_wait3A_105 = arith.constant 0 : i32
      %dma_wait3A_106 = arith.constant 0 : i32
      %dma_wait3A_107 = tpu.memref_slice %arg3[%add3A, %dma_wait3A_105, %dma_wait3A_106] : memref<32x80x128xi32, #tpu.memory_space<hbm>> -> memref<1x80x128xi32, #tpu.memory_space<hbm>>
      %dma_wait3A_108 = tpu.memref_squeeze %dma_wait3A_107 : memref<1x80x128xi32, #tpu.memory_space<hbm>> -> memref<80x128xi32, #tpu.memory_space<hbm>>
      tpu.wait_dma2 semaphore(%run_scoped3A : memref<!tpu.dma_semaphore, #tpu.memory_space<semaphore_mem>>) src(%dma_wait3A_108 : memref<80x128xi32, #tpu.memory_space<hbm>>) dst(%arg7 : memref<80x128xi32, #tpu.memory_space<vmem>>)
      tpu.yield
    }) : () -> ()
    "tpu.region"() ({
      %run_scoped3A = tpu.sem_alloc : memref<!tpu.dma_semaphore, #tpu.memory_space<semaphore_mem>>
      %dma_start3A_93 = arith.constant 0 : i32
      %dma_start3A_94 = arith.constant 0 : i32
      %dma_start3A_95 = tpu.memref_slice %arg4[%add3A, %dma_start3A_93, %dma_start3A_94] : memref<32x80x128xi32, #tpu.memory_space<hbm>> -> memref<1x80x128xi32, #tpu.memory_space<hbm>>
      %dma_start3A_96 = tpu.memref_squeeze %dma_start3A_95 : memref<1x80x128xi32, #tpu.memory_space<hbm>> -> memref<80x128xi32, #tpu.memory_space<hbm>>
      %dma_start3A_97 = arith.constant 0 : i32
      %dma_start3A_98 = arith.constant 0 : i32
      %dma_start3A_99 = tpu.memref_slice %arg4[%add3A, %dma_start3A_97, %dma_start3A_98] : memref<32x80x128xi32, #tpu.memory_space<hbm>> -> memref<1x80x128xi32, #tpu.memory_space<hbm>>
      %dma_start3A_100 = tpu.memref_squeeze %dma_start3A_99 : memref<1x80x128xi32, #tpu.memory_space<hbm>> -> memref<80x128xi32, #tpu.memory_space<hbm>>
      tpu.enqueue_dma source(%dma_start3A_100 : memref<80x128xi32, #tpu.memory_space<hbm>>) target(%arg8 : memref<80x128xi32, #tpu.memory_space<vmem>>) target_semaphore(%run_scoped3A : memref<!tpu.dma_semaphore, #tpu.memory_space<semaphore_mem>>)
      %dma_wait3A_101 = arith.constant 0 : i32
      %dma_wait3A_102 = arith.constant 0 : i32
      %dma_wait3A_103 = tpu.memref_slice %arg4[%add3A, %dma_wait3A_101, %dma_wait3A_102] : memref<32x80x128xi32, #tpu.memory_space<hbm>> -> memref<1x80x128xi32, #tpu.memory_space<hbm>>
      %dma_wait3A_104 = tpu.memref_squeeze %dma_wait3A_103 : memref<1x80x128xi32, #tpu.memory_space<hbm>> -> memref<80x128xi32, #tpu.memory_space<hbm>>
      %dma_wait3A_105 = arith.constant 0 : i32
      %dma_wait3A_106 = arith.constant 0 : i32
      %dma_wait3A_107 = tpu.memref_slice %arg4[%add3A, %dma_wait3A_105, %dma_wait3A_106] : memref<32x80x128xi32, #tpu.memory_space<hbm>> -> memref<1x80x128xi32, #tpu.memory_space<hbm>>
      %dma_wait3A_108 = tpu.memref_squeeze %dma_wait3A_107 : memref<1x80x128xi32, #tpu.memory_space<hbm>> -> memref<80x128xi32, #tpu.memory_space<hbm>>
      tpu.wait_dma2 semaphore(%run_scoped3A : memref<!tpu.dma_semaphore, #tpu.memory_space<semaphore_mem>>) src(%dma_wait3A_108 : memref<80x128xi32, #tpu.memory_space<hbm>>) dst(%arg8 : memref<80x128xi32, #tpu.memory_space<vmem>>)
      tpu.yield
    }) : () -> ()
    %mul3A_1 = arith.constant 640 : i32
    %mul3A_2 = arith.muli %arg1, %mul3A_1 : i32
    "tpu.region"() ({
      %run_scoped3A = tpu.sem_alloc : memref<!tpu.dma_semaphore, #tpu.memory_space<semaphore_mem>>
      %dma_start3A_93 = arith.constant 0 : i32
      %dma_start3A_94 = tpu.memref_slice %arg17[%mul3A_2, %dma_start3A_93] : memref<10240x64xf32, #tpu.memory_space<vmem_shared>> -> memref<640x64xf32, #tpu.memory_space<vmem_shared>>
      tpu.enqueue_dma source(%arg5 : memref<640x64xf32, #tpu.memory_space<hbm>>) target(%dma_start3A_94 : memref<640x64xf32, #tpu.memory_space<vmem_shared>>) target_semaphore(%run_scoped3A : memref<!tpu.dma_semaphore, #tpu.memory_space<semaphore_mem>>)
      %dma_wait3A_95 = arith.constant 0 : i32
      %dma_wait3A_96 = tpu.memref_slice %arg17[%mul3A_2, %dma_wait3A_95] : memref<10240x64xf32, #tpu.memory_space<vmem_shared>> -> memref<640x64xf32, #tpu.memory_space<vmem_shared>>
      tpu.wait_dma2 semaphore(%run_scoped3A : memref<!tpu.dma_semaphore, #tpu.memory_space<semaphore_mem>>) src(%arg5 : memref<640x64xf32, #tpu.memory_space<hbm>>) dst(%dma_wait3A_96 : memref<640x64xf32, #tpu.memory_space<vmem_shared>>)
      tpu.yield
    }) : () -> ()
    %barrier3A = arith.constant 0 : index
    tpu.barrier barrier_id(%barrier3A)
    %dma_start3A = arith.constant 0 : i32
    %dma_start3A_3 = arith.constant 0 : i32
    %dma_start3A_4 = tpu.memref_slice %arg7[%dma_start3A, %dma_start3A_3] : memref<80x128xi32, #tpu.memory_space<vmem>> -> memref<1x128xi32, #tpu.memory_space<vmem>>
    %dma_start3A_5 = tpu.memref_squeeze %dma_start3A_4 : memref<1x128xi32, #tpu.memory_space<vmem>> -> memref<128xi32, #tpu.memory_space<vmem>>
    %dma_start3A_6 = arith.constant 0 : i32
    %dma_start3A_7 = arith.constant 0 : i32
    %dma_start3A_8 = tpu.memref_slice %arg2[%dma_start3A_6, %dma_start3A_7] : memref<180000x64xf32, #tpu.memory_space<hbm>> -> memref<180000x64xf32, #tpu.memory_space<hbm>>
    tpu.enqueue_indirect_dma source(%dma_start3A_8 : memref<180000x64xf32, #tpu.memory_space<hbm>>) target(%arg9 : memref<128x64xf32, #tpu.memory_space<vmem>>) offsets(%dma_start3A_5 : memref<128xi32, #tpu.memory_space<vmem>>) semaphore(%arg18 : memref<!tpu.dma_semaphore, #tpu.memory_space<semaphore_mem>>)
    %dma_start3A_9 = arith.constant 1 : i32
    %dma_start3A_10 = arith.constant 0 : i32
    %dma_start3A_11 = tpu.memref_slice %arg7[%dma_start3A_9, %dma_start3A_10] : memref<80x128xi32, #tpu.memory_space<vmem>> -> memref<1x128xi32, #tpu.memory_space<vmem>>
    %dma_start3A_12 = tpu.memref_squeeze %dma_start3A_11 : memref<1x128xi32, #tpu.memory_space<vmem>> -> memref<128xi32, #tpu.memory_space<vmem>>
    %dma_start3A_13 = arith.constant 0 : i32
    %dma_start3A_14 = arith.constant 0 : i32
    %dma_start3A_15 = tpu.memref_slice %arg2[%dma_start3A_13, %dma_start3A_14] : memref<180000x64xf32, #tpu.memory_space<hbm>> -> memref<180000x64xf32, #tpu.memory_space<hbm>>
    tpu.enqueue_indirect_dma source(%dma_start3A_15 : memref<180000x64xf32, #tpu.memory_space<hbm>>) target(%arg10 : memref<128x64xf32, #tpu.memory_space<vmem>>) offsets(%dma_start3A_12 : memref<128xi32, #tpu.memory_space<vmem>>) semaphore(%arg19 : memref<!tpu.dma_semaphore, #tpu.memory_space<semaphore_mem>>)
    %dma_start3A_16 = arith.constant 2 : i32
    %dma_start3A_17 = arith.constant 0 : i32
    %dma_start3A_18 = tpu.memref_slice %arg7[%dma_start3A_16, %dma_start3A_17] : memref<80x128xi32, #tpu.memory_space<vmem>> -> memref<1x128xi32, #tpu.memory_space<vmem>>
    %dma_start3A_19 = tpu.memref_squeeze %dma_start3A_18 : memref<1x128xi32, #tpu.memory_space<vmem>> -> memref<128xi32, #tpu.memory_space<vmem>>
    %dma_start3A_20 = arith.constant 0 : i32
    %dma_start3A_21 = arith.constant 0 : i32
    %dma_start3A_22 = tpu.memref_slice %arg2[%dma_start3A_20, %dma_start3A_21] : memref<180000x64xf32, #tpu.memory_space<hbm>> -> memref<180000x64xf32, #tpu.memory_space<hbm>>
    tpu.enqueue_indirect_dma source(%dma_start3A_22 : memref<180000x64xf32, #tpu.memory_space<hbm>>) target(%arg11 : memref<128x64xf32, #tpu.memory_space<vmem>>) offsets(%dma_start3A_19 : memref<128xi32, #tpu.memory_space<vmem>>) semaphore(%arg20 : memref<!tpu.dma_semaphore, #tpu.memory_space<semaphore_mem>>)
    %dma_start3A_23 = arith.constant 3 : i32
    %dma_start3A_24 = arith.constant 0 : i32
    %dma_start3A_25 = tpu.memref_slice %arg7[%dma_start3A_23, %dma_start3A_24] : memref<80x128xi32, #tpu.memory_space<vmem>> -> memref<1x128xi32, #tpu.memory_space<vmem>>
    %dma_start3A_26 = tpu.memref_squeeze %dma_start3A_25 : memref<1x128xi32, #tpu.memory_space<vmem>> -> memref<128xi32, #tpu.memory_space<vmem>>
    %dma_start3A_27 = arith.constant 0 : i32
    %dma_start3A_28 = arith.constant 0 : i32
    %dma_start3A_29 = tpu.memref_slice %arg2[%dma_start3A_27, %dma_start3A_28] : memref<180000x64xf32, #tpu.memory_space<hbm>> -> memref<180000x64xf32, #tpu.memory_space<hbm>>
    tpu.enqueue_indirect_dma source(%dma_start3A_29 : memref<180000x64xf32, #tpu.memory_space<hbm>>) target(%arg12 : memref<128x64xf32, #tpu.memory_space<vmem>>) offsets(%dma_start3A_26 : memref<128xi32, #tpu.memory_space<vmem>>) semaphore(%arg21 : memref<!tpu.dma_semaphore, #tpu.memory_space<semaphore_mem>>)
    %scan3A = arith.constant 0 : i32
    %scan3A_30 = arith.constant 0 : i32
    %scan3A_31 = arith.constant 10 : i32
    %scan3A_32 = arith.addi %scan3A_30, %scan3A_31 : i32
    %scan3A_33 = arith.constant 1 : i32
    scf.for %scan3A_93 = %scan3A_30 to %scan3A_32 step %scan3A_33  : i32 {
      %mul3A_94 = arith.constant 8 : i32
      %mul3A_95 = arith.muli %scan3A_93, %mul3A_94 : i32
      %add3A_96 = arith.constant 0 : i32
      %add3A_97 = arith.addi %mul3A_95, %add3A_96 : i32
      %dma_wait3A_98 = arith.constant 0 : i32
      %dma_wait3A_99 = tpu.memref_slice %arg7[%add3A_97, %dma_wait3A_98] : memref<80x128xi32, #tpu.memory_space<vmem>> -> memref<1x128xi32, #tpu.memory_space<vmem>>
      %dma_wait3A_100 = tpu.memref_squeeze %dma_wait3A_99 : memref<1x128xi32, #tpu.memory_space<vmem>> -> memref<128xi32, #tpu.memory_space<vmem>>
      %dma_wait3A_101 = arith.constant 0 : i32
      %dma_wait3A_102 = arith.constant 0 : i32
      %dma_wait3A_103 = tpu.memref_slice %arg2[%dma_wait3A_101, %dma_wait3A_102] : memref<180000x64xf32, #tpu.memory_space<hbm>> -> memref<180000x64xf32, #tpu.memory_space<hbm>>
      tpu.wait_indirect_dma semaphore(%arg18 : memref<!tpu.dma_semaphore, #tpu.memory_space<semaphore_mem>>) src(%dma_wait3A_103 : memref<180000x64xf32, #tpu.memory_space<hbm>>) dst(%arg9 : memref<128x64xf32, #tpu.memory_space<vmem>>)
      %dma_start3A_104 = arith.constant 0 : i32
      %dma_start3A_105 = tpu.memref_slice %arg8[%add3A_97, %dma_start3A_104] : memref<80x128xi32, #tpu.memory_space<vmem>> -> memref<1x128xi32, #tpu.memory_space<vmem>>
      %dma_start3A_106 = tpu.memref_squeeze %dma_start3A_105 : memref<1x128xi32, #tpu.memory_space<vmem>> -> memref<128xi32, #tpu.memory_space<vmem>>
      %dma_start3A_107 = arith.constant 0 : i32
      %dma_start3A_108 = arith.constant 0 : i32
      %dma_start3A_109 = tpu.memref_slice %arg17[%dma_start3A_107, %dma_start3A_108] : memref<10240x64xf32, #tpu.memory_space<vmem_shared>> -> memref<10240x64xf32, #tpu.memory_space<vmem_shared>>
      tpu.enqueue_indirect_dma source(%arg9 : memref<128x64xf32, #tpu.memory_space<vmem>>) target(%dma_start3A_109 : memref<10240x64xf32, #tpu.memory_space<vmem_shared>>) offsets(%dma_start3A_106 : memref<128xi32, #tpu.memory_space<vmem>>) semaphore(%arg26 : memref<!tpu.dma_semaphore, #tpu.memory_space<semaphore_mem>>) {add = true}
      %add3A_110 = arith.constant 4 : i32
      %add3A_111 = arith.addi %add3A_97, %add3A_110 : i32
      %lt3A = arith.constant 80 : i32
      %lt3A_112 = arith.cmpi slt, %add3A_111, %lt3A : i32
      %convert_element_type3A = arith.extui %lt3A_112 : i1 to i32
      %cond3A = arith.constant 0 : i32
      %cond3A_113 = arith.cmpi ne, %convert_element_type3A, %cond3A : i32
      scf.if %cond3A_113 {
        %ge3A = arith.constant 4 : i32
        %ge3A_261 = arith.cmpi sge, %add3A_97, %ge3A : i32
        %convert_element_type3A_262 = arith.extui %ge3A_261 : i1 to i32
        %cond3A_263 = arith.constant 0 : i32
        %cond3A_264 = arith.cmpi ne, %convert_element_type3A_262, %cond3A_263 : i32
        scf.if %cond3A_264 {
          %sub3A = arith.constant 4 : i32
          %sub3A_273 = arith.subi %add3A_97, %sub3A : i32
          %dma_wait3A_274 = arith.constant 0 : i32
          %dma_wait3A_275 = tpu.memref_slice %arg8[%sub3A_273, %dma_wait3A_274] : memref<80x128xi32, #tpu.memory_space<vmem>> -> memref<1x128xi32, #tpu.memory_space<vmem>>
          %dma_wait3A_276 = tpu.memref_squeeze %dma_wait3A_275 : memref<1x128xi32, #tpu.memory_space<vmem>> -> memref<128xi32, #tpu.memory_space<vmem>>
          %dma_wait3A_277 = arith.constant 0 : i32
          %dma_wait3A_278 = arith.constant 0 : i32
          %dma_wait3A_279 = tpu.memref_slice %arg17[%dma_wait3A_277, %dma_wait3A_278] : memref<10240x64xf32, #tpu.memory_space<vmem_shared>> -> memref<10240x64xf32, #tpu.memory_space<vmem_shared>>
          tpu.wait_indirect_dma semaphore(%arg30 : memref<!tpu.dma_semaphore, #tpu.memory_space<semaphore_mem>>) src(%arg13 : memref<128x64xf32, #tpu.memory_space<vmem>>) dst(%dma_wait3A_279 : memref<10240x64xf32, #tpu.memory_space<vmem_shared>>)
        } else {
        }
        %add3A_265 = arith.constant 4 : i32
        %add3A_266 = arith.addi %add3A_97, %add3A_265 : i32
        %dma_start3A_267 = arith.constant 0 : i32
        %dma_start3A_268 = tpu.memref_slice %arg7[%add3A_266, %dma_start3A_267] : memref<80x128xi32, #tpu.memory_space<vmem>> -> memref<1x128xi32, #tpu.memory_space<vmem>>
        %dma_start3A_269 = tpu.memref_squeeze %dma_start3A_268 : memref<1x128xi32, #tpu.memory_space<vmem>> -> memref<128xi32, #tpu.memory_space<vmem>>
        %dma_start3A_270 = arith.constant 0 : i32
        %dma_start3A_271 = arith.constant 0 : i32
        %dma_start3A_272 = tpu.memref_slice %arg2[%dma_start3A_270, %dma_start3A_271] : memref<180000x64xf32, #tpu.memory_space<hbm>> -> memref<180000x64xf32, #tpu.memory_space<hbm>>
        tpu.enqueue_indirect_dma source(%dma_start3A_272 : memref<180000x64xf32, #tpu.memory_space<hbm>>) target(%arg13 : memref<128x64xf32, #tpu.memory_space<vmem>>) offsets(%dma_start3A_269 : memref<128xi32, #tpu.memory_space<vmem>>) semaphore(%arg22 : memref<!tpu.dma_semaphore, #tpu.memory_space<semaphore_mem>>)
      } else {
      }
      %add3A_114 = arith.constant 1 : i32
      %add3A_115 = arith.addi %mul3A_95, %add3A_114 : i32
      %dma_wait3A_116 = arith.constant 0 : i32
      %dma_wait3A_117 = tpu.memref_slice %arg7[%add3A_115, %dma_wait3A_116] : memref<80x128xi32, #tpu.memory_space<vmem>> -> memref<1x128xi32, #tpu.memory_space<vmem>>
      %dma_wait3A_118 = tpu.memref_squeeze %dma_wait3A_117 : memref<1x128xi32, #tpu.memory_space<vmem>> -> memref<128xi32, #tpu.memory_space<vmem>>
      %dma_wait3A_119 = arith.constant 0 : i32
      %dma_wait3A_120 = arith.constant 0 : i32
      %dma_wait3A_121 = tpu.memref_slice %arg2[%dma_wait3A_119, %dma_wait3A_120] : memref<180000x64xf32, #tpu.memory_space<hbm>> -> memref<180000x64xf32, #tpu.memory_space<hbm>>
      tpu.wait_indirect_dma semaphore(%arg19 : memref<!tpu.dma_semaphore, #tpu.memory_space<semaphore_mem>>) src(%dma_wait3A_121 : memref<180000x64xf32, #tpu.memory_space<hbm>>) dst(%arg10 : memref<128x64xf32, #tpu.memory_space<vmem>>)
      %dma_start3A_122 = arith.constant 0 : i32
      %dma_start3A_123 = tpu.memref_slice %arg8[%add3A_115, %dma_start3A_122] : memref<80x128xi32, #tpu.memory_space<vmem>> -> memref<1x128xi32, #tpu.memory_space<vmem>>
      %dma_start3A_124 = tpu.memref_squeeze %dma_start3A_123 : memref<1x128xi32, #tpu.memory_space<vmem>> -> memref<128xi32, #tpu.memory_space<vmem>>
      %dma_start3A_125 = arith.constant 0 : i32
      %dma_start3A_126 = arith.constant 0 : i32
      %dma_start3A_127 = tpu.memref_slice %arg17[%dma_start3A_125, %dma_start3A_126] : memref<10240x64xf32, #tpu.memory_space<vmem_shared>> -> memref<10240x64xf32, #tpu.memory_space<vmem_shared>>
      tpu.enqueue_indirect_dma source(%arg10 : memref<128x64xf32, #tpu.memory_space<vmem>>) target(%dma_start3A_127 : memref<10240x64xf32, #tpu.memory_space<vmem_shared>>) offsets(%dma_start3A_124 : memref<128xi32, #tpu.memory_space<vmem>>) semaphore(%arg27 : memref<!tpu.dma_semaphore, #tpu.memory_space<semaphore_mem>>) {add = true}
      %add3A_128 = arith.constant 4 : i32
      %add3A_129 = arith.addi %add3A_115, %add3A_128 : i32
      %lt3A_130 = arith.constant 80 : i32
      %lt3A_131 = arith.cmpi slt, %add3A_129, %lt3A_130 : i32
      %convert_element_type3A_132 = arith.extui %lt3A_131 : i1 to i32
      %cond3A_133 = arith.constant 0 : i32
      %cond3A_134 = arith.cmpi ne, %convert_element_type3A_132, %cond3A_133 : i32
      scf.if %cond3A_134 {
        %ge3A = arith.constant 4 : i32
        %ge3A_261 = arith.cmpi sge, %add3A_115, %ge3A : i32
        %convert_element_type3A_262 = arith.extui %ge3A_261 : i1 to i32
        %cond3A_263 = arith.constant 0 : i32
        %cond3A_264 = arith.cmpi ne, %convert_element_type3A_262, %cond3A_263 : i32
        scf.if %cond3A_264 {
          %sub3A = arith.constant 4 : i32
          %sub3A_273 = arith.subi %add3A_115, %sub3A : i32
          %dma_wait3A_274 = arith.constant 0 : i32
          %dma_wait3A_275 = tpu.memref_slice %arg8[%sub3A_273, %dma_wait3A_274] : memref<80x128xi32, #tpu.memory_space<vmem>> -> memref<1x128xi32, #tpu.memory_space<vmem>>
          %dma_wait3A_276 = tpu.memref_squeeze %dma_wait3A_275 : memref<1x128xi32, #tpu.memory_space<vmem>> -> memref<128xi32, #tpu.memory_space<vmem>>
          %dma_wait3A_277 = arith.constant 0 : i32
          %dma_wait3A_278 = arith.constant 0 : i32
          %dma_wait3A_279 = tpu.memref_slice %arg17[%dma_wait3A_277, %dma_wait3A_278] : memref<10240x64xf32, #tpu.memory_space<vmem_shared>> -> memref<10240x64xf32, #tpu.memory_space<vmem_shared>>
          tpu.wait_indirect_dma semaphore(%arg31 : memref<!tpu.dma_semaphore, #tpu.memory_space<semaphore_mem>>) src(%arg14 : memref<128x64xf32, #tpu.memory_space<vmem>>) dst(%dma_wait3A_279 : memref<10240x64xf32, #tpu.memory_space<vmem_shared>>)
        } else {
        }
        %add3A_265 = arith.constant 4 : i32
        %add3A_266 = arith.addi %add3A_115, %add3A_265 : i32
        %dma_start3A_267 = arith.constant 0 : i32
        %dma_start3A_268 = tpu.memref_slice %arg7[%add3A_266, %dma_start3A_267] : memref<80x128xi32, #tpu.memory_space<vmem>> -> memref<1x128xi32, #tpu.memory_space<vmem>>
        %dma_start3A_269 = tpu.memref_squeeze %dma_start3A_268 : memref<1x128xi32, #tpu.memory_space<vmem>> -> memref<128xi32, #tpu.memory_space<vmem>>
        %dma_start3A_270 = arith.constant 0 : i32
        %dma_start3A_271 = arith.constant 0 : i32
        %dma_start3A_272 = tpu.memref_slice %arg2[%dma_start3A_270, %dma_start3A_271] : memref<180000x64xf32, #tpu.memory_space<hbm>> -> memref<180000x64xf32, #tpu.memory_space<hbm>>
        tpu.enqueue_indirect_dma source(%dma_start3A_272 : memref<180000x64xf32, #tpu.memory_space<hbm>>) target(%arg14 : memref<128x64xf32, #tpu.memory_space<vmem>>) offsets(%dma_start3A_269 : memref<128xi32, #tpu.memory_space<vmem>>) semaphore(%arg23 : memref<!tpu.dma_semaphore, #tpu.memory_space<semaphore_mem>>)
      } else {
      }
      %add3A_135 = arith.constant 2 : i32
      %add3A_136 = arith.addi %mul3A_95, %add3A_135 : i32
      %dma_wait3A_137 = arith.constant 0 : i32
      %dma_wait3A_138 = tpu.memref_slice %arg7[%add3A_136, %dma_wait3A_137] : memref<80x128xi32, #tpu.memory_space<vmem>> -> memref<1x128xi32, #tpu.memory_space<vmem>>
      %dma_wait3A_139 = tpu.memref_squeeze %dma_wait3A_138 : memref<1x128xi32, #tpu.memory_space<vmem>> -> memref<128xi32, #tpu.memory_space<vmem>>
      %dma_wait3A_140 = arith.constant 0 : i32
      %dma_wait3A_141 = arith.constant 0 : i32
      %dma_wait3A_142 = tpu.memref_slice %arg2[%dma_wait3A_140, %dma_wait3A_141] : memref<180000x64xf32, #tpu.memory_space<hbm>> -> memref<180000x64xf32, #tpu.memory_space<hbm>>
      tpu.wait_indirect_dma semaphore(%arg20 : memref<!tpu.dma_semaphore, #tpu.memory_space<semaphore_mem>>) src(%dma_wait3A_142 : memref<180000x64xf32, #tpu.memory_space<hbm>>) dst(%arg11 : memref<128x64xf32, #tpu.memory_space<vmem>>)
      %dma_start3A_143 = arith.constant 0 : i32
      %dma_start3A_144 = tpu.memref_slice %arg8[%add3A_136, %dma_start3A_143] : memref<80x128xi32, #tpu.memory_space<vmem>> -> memref<1x128xi32, #tpu.memory_space<vmem>>
      %dma_start3A_145 = tpu.memref_squeeze %dma_start3A_144 : memref<1x128xi32, #tpu.memory_space<vmem>> -> memref<128xi32, #tpu.memory_space<vmem>>
      %dma_start3A_146 = arith.constant 0 : i32
      %dma_start3A_147 = arith.constant 0 : i32
      %dma_start3A_148 = tpu.memref_slice %arg17[%dma_start3A_146, %dma_start3A_147] : memref<10240x64xf32, #tpu.memory_space<vmem_shared>> -> memref<10240x64xf32, #tpu.memory_space<vmem_shared>>
      tpu.enqueue_indirect_dma source(%arg11 : memref<128x64xf32, #tpu.memory_space<vmem>>) target(%dma_start3A_148 : memref<10240x64xf32, #tpu.memory_space<vmem_shared>>) offsets(%dma_start3A_145 : memref<128xi32, #tpu.memory_space<vmem>>) semaphore(%arg28 : memref<!tpu.dma_semaphore, #tpu.memory_space<semaphore_mem>>) {add = true}
      %add3A_149 = arith.constant 4 : i32
      %add3A_150 = arith.addi %add3A_136, %add3A_149 : i32
      %lt3A_151 = arith.constant 80 : i32
      %lt3A_152 = arith.cmpi slt, %add3A_150, %lt3A_151 : i32
      %convert_element_type3A_153 = arith.extui %lt3A_152 : i1 to i32
      %cond3A_154 = arith.constant 0 : i32
      %cond3A_155 = arith.cmpi ne, %convert_element_type3A_153, %cond3A_154 : i32
      scf.if %cond3A_155 {
        %ge3A = arith.constant 4 : i32
        %ge3A_261 = arith.cmpi sge, %add3A_136, %ge3A : i32
        %convert_element_type3A_262 = arith.extui %ge3A_261 : i1 to i32
        %cond3A_263 = arith.constant 0 : i32
        %cond3A_264 = arith.cmpi ne, %convert_element_type3A_262, %cond3A_263 : i32
        scf.if %cond3A_264 {
          %sub3A = arith.constant 4 : i32
          %sub3A_273 = arith.subi %add3A_136, %sub3A : i32
          %dma_wait3A_274 = arith.constant 0 : i32
          %dma_wait3A_275 = tpu.memref_slice %arg8[%sub3A_273, %dma_wait3A_274] : memref<80x128xi32, #tpu.memory_space<vmem>> -> memref<1x128xi32, #tpu.memory_space<vmem>>
          %dma_wait3A_276 = tpu.memref_squeeze %dma_wait3A_275 : memref<1x128xi32, #tpu.memory_space<vmem>> -> memref<128xi32, #tpu.memory_space<vmem>>
          %dma_wait3A_277 = arith.constant 0 : i32
          %dma_wait3A_278 = arith.constant 0 : i32
          %dma_wait3A_279 = tpu.memref_slice %arg17[%dma_wait3A_277, %dma_wait3A_278] : memref<10240x64xf32, #tpu.memory_space<vmem_shared>> -> memref<10240x64xf32, #tpu.memory_space<vmem_shared>>
          tpu.wait_indirect_dma semaphore(%arg32 : memref<!tpu.dma_semaphore, #tpu.memory_space<semaphore_mem>>) src(%arg15 : memref<128x64xf32, #tpu.memory_space<vmem>>) dst(%dma_wait3A_279 : memref<10240x64xf32, #tpu.memory_space<vmem_shared>>)
        } else {
        }
        %add3A_265 = arith.constant 4 : i32
        %add3A_266 = arith.addi %add3A_136, %add3A_265 : i32
        %dma_start3A_267 = arith.constant 0 : i32
        %dma_start3A_268 = tpu.memref_slice %arg7[%add3A_266, %dma_start3A_267] : memref<80x128xi32, #tpu.memory_space<vmem>> -> memref<1x128xi32, #tpu.memory_space<vmem>>
        %dma_start3A_269 = tpu.memref_squeeze %dma_start3A_268 : memref<1x128xi32, #tpu.memory_space<vmem>> -> memref<128xi32, #tpu.memory_space<vmem>>
        %dma_start3A_270 = arith.constant 0 : i32
        %dma_start3A_271 = arith.constant 0 : i32
        %dma_start3A_272 = tpu.memref_slice %arg2[%dma_start3A_270, %dma_start3A_271] : memref<180000x64xf32, #tpu.memory_space<hbm>> -> memref<180000x64xf32, #tpu.memory_space<hbm>>
        tpu.enqueue_indirect_dma source(%dma_start3A_272 : memref<180000x64xf32, #tpu.memory_space<hbm>>) target(%arg15 : memref<128x64xf32, #tpu.memory_space<vmem>>) offsets(%dma_start3A_269 : memref<128xi32, #tpu.memory_space<vmem>>) semaphore(%arg24 : memref<!tpu.dma_semaphore, #tpu.memory_space<semaphore_mem>>)
      } else {
      }
      %add3A_156 = arith.constant 3 : i32
      %add3A_157 = arith.addi %mul3A_95, %add3A_156 : i32
      %dma_wait3A_158 = arith.constant 0 : i32
      %dma_wait3A_159 = tpu.memref_slice %arg7[%add3A_157, %dma_wait3A_158] : memref<80x128xi32, #tpu.memory_space<vmem>> -> memref<1x128xi32, #tpu.memory_space<vmem>>
      %dma_wait3A_160 = tpu.memref_squeeze %dma_wait3A_159 : memref<1x128xi32, #tpu.memory_space<vmem>> -> memref<128xi32, #tpu.memory_space<vmem>>
      %dma_wait3A_161 = arith.constant 0 : i32
      %dma_wait3A_162 = arith.constant 0 : i32
      %dma_wait3A_163 = tpu.memref_slice %arg2[%dma_wait3A_161, %dma_wait3A_162] : memref<180000x64xf32, #tpu.memory_space<hbm>> -> memref<180000x64xf32, #tpu.memory_space<hbm>>
      tpu.wait_indirect_dma semaphore(%arg21 : memref<!tpu.dma_semaphore, #tpu.memory_space<semaphore_mem>>) src(%dma_wait3A_163 : memref<180000x64xf32, #tpu.memory_space<hbm>>) dst(%arg12 : memref<128x64xf32, #tpu.memory_space<vmem>>)
      %dma_start3A_164 = arith.constant 0 : i32
      %dma_start3A_165 = tpu.memref_slice %arg8[%add3A_157, %dma_start3A_164] : memref<80x128xi32, #tpu.memory_space<vmem>> -> memref<1x128xi32, #tpu.memory_space<vmem>>
      %dma_start3A_166 = tpu.memref_squeeze %dma_start3A_165 : memref<1x128xi32, #tpu.memory_space<vmem>> -> memref<128xi32, #tpu.memory_space<vmem>>
      %dma_start3A_167 = arith.constant 0 : i32
      %dma_start3A_168 = arith.constant 0 : i32
      %dma_start3A_169 = tpu.memref_slice %arg17[%dma_start3A_167, %dma_start3A_168] : memref<10240x64xf32, #tpu.memory_space<vmem_shared>> -> memref<10240x64xf32, #tpu.memory_space<vmem_shared>>
      tpu.enqueue_indirect_dma source(%arg12 : memref<128x64xf32, #tpu.memory_space<vmem>>) target(%dma_start3A_169 : memref<10240x64xf32, #tpu.memory_space<vmem_shared>>) offsets(%dma_start3A_166 : memref<128xi32, #tpu.memory_space<vmem>>) semaphore(%arg29 : memref<!tpu.dma_semaphore, #tpu.memory_space<semaphore_mem>>) {add = true}
      %add3A_170 = arith.constant 4 : i32
      %add3A_171 = arith.addi %add3A_157, %add3A_170 : i32
      %lt3A_172 = arith.constant 80 : i32
      %lt3A_173 = arith.cmpi slt, %add3A_171, %lt3A_172 : i32
      %convert_element_type3A_174 = arith.extui %lt3A_173 : i1 to i32
      %cond3A_175 = arith.constant 0 : i32
      %cond3A_176 = arith.cmpi ne, %convert_element_type3A_174, %cond3A_175 : i32
      scf.if %cond3A_176 {
        %ge3A = arith.constant 4 : i32
        %ge3A_261 = arith.cmpi sge, %add3A_157, %ge3A : i32
        %convert_element_type3A_262 = arith.extui %ge3A_261 : i1 to i32
        %cond3A_263 = arith.constant 0 : i32
        %cond3A_264 = arith.cmpi ne, %convert_element_type3A_262, %cond3A_263 : i32
        scf.if %cond3A_264 {
          %sub3A = arith.constant 4 : i32
          %sub3A_273 = arith.subi %add3A_157, %sub3A : i32
          %dma_wait3A_274 = arith.constant 0 : i32
          %dma_wait3A_275 = tpu.memref_slice %arg8[%sub3A_273, %dma_wait3A_274] : memref<80x128xi32, #tpu.memory_space<vmem>> -> memref<1x128xi32, #tpu.memory_space<vmem>>
          %dma_wait3A_276 = tpu.memref_squeeze %dma_wait3A_275 : memref<1x128xi32, #tpu.memory_space<vmem>> -> memref<128xi32, #tpu.memory_space<vmem>>
          %dma_wait3A_277 = arith.constant 0 : i32
          %dma_wait3A_278 = arith.constant 0 : i32
          %dma_wait3A_279 = tpu.memref_slice %arg17[%dma_wait3A_277, %dma_wait3A_278] : memref<10240x64xf32, #tpu.memory_space<vmem_shared>> -> memref<10240x64xf32, #tpu.memory_space<vmem_shared>>
          tpu.wait_indirect_dma semaphore(%arg33 : memref<!tpu.dma_semaphore, #tpu.memory_space<semaphore_mem>>) src(%arg16 : memref<128x64xf32, #tpu.memory_space<vmem>>) dst(%dma_wait3A_279 : memref<10240x64xf32, #tpu.memory_space<vmem_shared>>)
        } else {
        }
        %add3A_265 = arith.constant 4 : i32
        %add3A_266 = arith.addi %add3A_157, %add3A_265 : i32
        %dma_start3A_267 = arith.constant 0 : i32
        %dma_start3A_268 = tpu.memref_slice %arg7[%add3A_266, %dma_start3A_267] : memref<80x128xi32, #tpu.memory_space<vmem>> -> memref<1x128xi32, #tpu.memory_space<vmem>>
        %dma_start3A_269 = tpu.memref_squeeze %dma_start3A_268 : memref<1x128xi32, #tpu.memory_space<vmem>> -> memref<128xi32, #tpu.memory_space<vmem>>
        %dma_start3A_270 = arith.constant 0 : i32
        %dma_start3A_271 = arith.constant 0 : i32
        %dma_start3A_272 = tpu.memref_slice %arg2[%dma_start3A_270, %dma_start3A_271] : memref<180000x64xf32, #tpu.memory_space<hbm>> -> memref<180000x64xf32, #tpu.memory_space<hbm>>
        tpu.enqueue_indirect_dma source(%dma_start3A_272 : memref<180000x64xf32, #tpu.memory_space<hbm>>) target(%arg16 : memref<128x64xf32, #tpu.memory_space<vmem>>) offsets(%dma_start3A_269 : memref<128xi32, #tpu.memory_space<vmem>>) semaphore(%arg25 : memref<!tpu.dma_semaphore, #tpu.memory_space<semaphore_mem>>)
      } else {
      }
      %add3A_177 = arith.constant 4 : i32
      %add3A_178 = arith.addi %mul3A_95, %add3A_177 : i32
      %dma_wait3A_179 = arith.constant 0 : i32
      %dma_wait3A_180 = tpu.memref_slice %arg7[%add3A_178, %dma_wait3A_179] : memref<80x128xi32, #tpu.memory_space<vmem>> -> memref<1x128xi32, #tpu.memory_space<vmem>>
      %dma_wait3A_181 = tpu.memref_squeeze %dma_wait3A_180 : memref<1x128xi32, #tpu.memory_space<vmem>> -> memref<128xi32, #tpu.memory_space<vmem>>
      %dma_wait3A_182 = arith.constant 0 : i32
      %dma_wait3A_183 = arith.constant 0 : i32
      %dma_wait3A_184 = tpu.memref_slice %arg2[%dma_wait3A_182, %dma_wait3A_183] : memref<180000x64xf32, #tpu.memory_space<hbm>> -> memref<180000x64xf32, #tpu.memory_space<hbm>>
      tpu.wait_indirect_dma semaphore(%arg22 : memref<!tpu.dma_semaphore, #tpu.memory_space<semaphore_mem>>) src(%dma_wait3A_184 : memref<180000x64xf32, #tpu.memory_space<hbm>>) dst(%arg13 : memref<128x64xf32, #tpu.memory_space<vmem>>)
      %dma_start3A_185 = arith.constant 0 : i32
      %dma_start3A_186 = tpu.memref_slice %arg8[%add3A_178, %dma_start3A_185] : memref<80x128xi32, #tpu.memory_space<vmem>> -> memref<1x128xi32, #tpu.memory_space<vmem>>
      %dma_start3A_187 = tpu.memref_squeeze %dma_start3A_186 : memref<1x128xi32, #tpu.memory_space<vmem>> -> memref<128xi32, #tpu.memory_space<vmem>>
      %dma_start3A_188 = arith.constant 0 : i32
      %dma_start3A_189 = arith.constant 0 : i32
      %dma_start3A_190 = tpu.memref_slice %arg17[%dma_start3A_188, %dma_start3A_189] : memref<10240x64xf32, #tpu.memory_space<vmem_shared>> -> memref<10240x64xf32, #tpu.memory_space<vmem_shared>>
      tpu.enqueue_indirect_dma source(%arg13 : memref<128x64xf32, #tpu.memory_space<vmem>>) target(%dma_start3A_190 : memref<10240x64xf32, #tpu.memory_space<vmem_shared>>) offsets(%dma_start3A_187 : memref<128xi32, #tpu.memory_space<vmem>>) semaphore(%arg30 : memref<!tpu.dma_semaphore, #tpu.memory_space<semaphore_mem>>) {add = true}
      %add3A_191 = arith.constant 4 : i32
      %add3A_192 = arith.addi %add3A_178, %add3A_191 : i32
      %lt3A_193 = arith.constant 80 : i32
      %lt3A_194 = arith.cmpi slt, %add3A_192, %lt3A_193 : i32
      %convert_element_type3A_195 = arith.extui %lt3A_194 : i1 to i32
      %cond3A_196 = arith.constant 0 : i32
      %cond3A_197 = arith.cmpi ne, %convert_element_type3A_195, %cond3A_196 : i32
      scf.if %cond3A_197 {
        %ge3A = arith.constant 4 : i32
        %ge3A_261 = arith.cmpi sge, %add3A_178, %ge3A : i32
        %convert_element_type3A_262 = arith.extui %ge3A_261 : i1 to i32
        %cond3A_263 = arith.constant 0 : i32
        %cond3A_264 = arith.cmpi ne, %convert_element_type3A_262, %cond3A_263 : i32
        scf.if %cond3A_264 {
          %sub3A = arith.constant 4 : i32
          %sub3A_273 = arith.subi %add3A_178, %sub3A : i32
          %dma_wait3A_274 = arith.constant 0 : i32
          %dma_wait3A_275 = tpu.memref_slice %arg8[%sub3A_273, %dma_wait3A_274] : memref<80x128xi32, #tpu.memory_space<vmem>> -> memref<1x128xi32, #tpu.memory_space<vmem>>
          %dma_wait3A_276 = tpu.memref_squeeze %dma_wait3A_275 : memref<1x128xi32, #tpu.memory_space<vmem>> -> memref<128xi32, #tpu.memory_space<vmem>>
          %dma_wait3A_277 = arith.constant 0 : i32
          %dma_wait3A_278 = arith.constant 0 : i32
          %dma_wait3A_279 = tpu.memref_slice %arg17[%dma_wait3A_277, %dma_wait3A_278] : memref<10240x64xf32, #tpu.memory_space<vmem_shared>> -> memref<10240x64xf32, #tpu.memory_space<vmem_shared>>
          tpu.wait_indirect_dma semaphore(%arg26 : memref<!tpu.dma_semaphore, #tpu.memory_space<semaphore_mem>>) src(%arg9 : memref<128x64xf32, #tpu.memory_space<vmem>>) dst(%dma_wait3A_279 : memref<10240x64xf32, #tpu.memory_space<vmem_shared>>)
        } else {
        }
        %add3A_265 = arith.constant 4 : i32
        %add3A_266 = arith.addi %add3A_178, %add3A_265 : i32
        %dma_start3A_267 = arith.constant 0 : i32
        %dma_start3A_268 = tpu.memref_slice %arg7[%add3A_266, %dma_start3A_267] : memref<80x128xi32, #tpu.memory_space<vmem>> -> memref<1x128xi32, #tpu.memory_space<vmem>>
        %dma_start3A_269 = tpu.memref_squeeze %dma_start3A_268 : memref<1x128xi32, #tpu.memory_space<vmem>> -> memref<128xi32, #tpu.memory_space<vmem>>
        %dma_start3A_270 = arith.constant 0 : i32
        %dma_start3A_271 = arith.constant 0 : i32
        %dma_start3A_272 = tpu.memref_slice %arg2[%dma_start3A_270, %dma_start3A_271] : memref<180000x64xf32, #tpu.memory_space<hbm>> -> memref<180000x64xf32, #tpu.memory_space<hbm>>
        tpu.enqueue_indirect_dma source(%dma_start3A_272 : memref<180000x64xf32, #tpu.memory_space<hbm>>) target(%arg9 : memref<128x64xf32, #tpu.memory_space<vmem>>) offsets(%dma_start3A_269 : memref<128xi32, #tpu.memory_space<vmem>>) semaphore(%arg18 : memref<!tpu.dma_semaphore, #tpu.memory_space<semaphore_mem>>)
      } else {
      }
      %add3A_198 = arith.constant 5 : i32
      %add3A_199 = arith.addi %mul3A_95, %add3A_198 : i32
      %dma_wait3A_200 = arith.constant 0 : i32
      %dma_wait3A_201 = tpu.memref_slice %arg7[%add3A_199, %dma_wait3A_200] : memref<80x128xi32, #tpu.memory_space<vmem>> -> memref<1x128xi32, #tpu.memory_space<vmem>>
      %dma_wait3A_202 = tpu.memref_squeeze %dma_wait3A_201 : memref<1x128xi32, #tpu.memory_space<vmem>> -> memref<128xi32, #tpu.memory_space<vmem>>
      %dma_wait3A_203 = arith.constant 0 : i32
      %dma_wait3A_204 = arith.constant 0 : i32
      %dma_wait3A_205 = tpu.memref_slice %arg2[%dma_wait3A_203, %dma_wait3A_204] : memref<180000x64xf32, #tpu.memory_space<hbm>> -> memref<180000x64xf32, #tpu.memory_space<hbm>>
      tpu.wait_indirect_dma semaphore(%arg23 : memref<!tpu.dma_semaphore, #tpu.memory_space<semaphore_mem>>) src(%dma_wait3A_205 : memref<180000x64xf32, #tpu.memory_space<hbm>>) dst(%arg14 : memref<128x64xf32, #tpu.memory_space<vmem>>)
      %dma_start3A_206 = arith.constant 0 : i32
      %dma_start3A_207 = tpu.memref_slice %arg8[%add3A_199, %dma_start3A_206] : memref<80x128xi32, #tpu.memory_space<vmem>> -> memref<1x128xi32, #tpu.memory_space<vmem>>
      %dma_start3A_208 = tpu.memref_squeeze %dma_start3A_207 : memref<1x128xi32, #tpu.memory_space<vmem>> -> memref<128xi32, #tpu.memory_space<vmem>>
      %dma_start3A_209 = arith.constant 0 : i32
      %dma_start3A_210 = arith.constant 0 : i32
      %dma_start3A_211 = tpu.memref_slice %arg17[%dma_start3A_209, %dma_start3A_210] : memref<10240x64xf32, #tpu.memory_space<vmem_shared>> -> memref<10240x64xf32, #tpu.memory_space<vmem_shared>>
      tpu.enqueue_indirect_dma source(%arg14 : memref<128x64xf32, #tpu.memory_space<vmem>>) target(%dma_start3A_211 : memref<10240x64xf32, #tpu.memory_space<vmem_shared>>) offsets(%dma_start3A_208 : memref<128xi32, #tpu.memory_space<vmem>>) semaphore(%arg31 : memref<!tpu.dma_semaphore, #tpu.memory_space<semaphore_mem>>) {add = true}
      %add3A_212 = arith.constant 4 : i32
      %add3A_213 = arith.addi %add3A_199, %add3A_212 : i32
      %lt3A_214 = arith.constant 80 : i32
      %lt3A_215 = arith.cmpi slt, %add3A_213, %lt3A_214 : i32
      %convert_element_type3A_216 = arith.extui %lt3A_215 : i1 to i32
      %cond3A_217 = arith.constant 0 : i32
      %cond3A_218 = arith.cmpi ne, %convert_element_type3A_216, %cond3A_217 : i32
      scf.if %cond3A_218 {
        %ge3A = arith.constant 4 : i32
        %ge3A_261 = arith.cmpi sge, %add3A_199, %ge3A : i32
        %convert_element_type3A_262 = arith.extui %ge3A_261 : i1 to i32
        %cond3A_263 = arith.constant 0 : i32
        %cond3A_264 = arith.cmpi ne, %convert_element_type3A_262, %cond3A_263 : i32
        scf.if %cond3A_264 {
          %sub3A = arith.constant 4 : i32
          %sub3A_273 = arith.subi %add3A_199, %sub3A : i32
          %dma_wait3A_274 = arith.constant 0 : i32
          %dma_wait3A_275 = tpu.memref_slice %arg8[%sub3A_273, %dma_wait3A_274] : memref<80x128xi32, #tpu.memory_space<vmem>> -> memref<1x128xi32, #tpu.memory_space<vmem>>
          %dma_wait3A_276 = tpu.memref_squeeze %dma_wait3A_275 : memref<1x128xi32, #tpu.memory_space<vmem>> -> memref<128xi32, #tpu.memory_space<vmem>>
          %dma_wait3A_277 = arith.constant 0 : i32
          %dma_wait3A_278 = arith.constant 0 : i32
          %dma_wait3A_279 = tpu.memref_slice %arg17[%dma_wait3A_277, %dma_wait3A_278] : memref<10240x64xf32, #tpu.memory_space<vmem_shared>> -> memref<10240x64xf32, #tpu.memory_space<vmem_shared>>
          tpu.wait_indirect_dma semaphore(%arg27 : memref<!tpu.dma_semaphore, #tpu.memory_space<semaphore_mem>>) src(%arg10 : memref<128x64xf32, #tpu.memory_space<vmem>>) dst(%dma_wait3A_279 : memref<10240x64xf32, #tpu.memory_space<vmem_shared>>)
        } else {
        }
        %add3A_265 = arith.constant 4 : i32
        %add3A_266 = arith.addi %add3A_199, %add3A_265 : i32
        %dma_start3A_267 = arith.constant 0 : i32
        %dma_start3A_268 = tpu.memref_slice %arg7[%add3A_266, %dma_start3A_267] : memref<80x128xi32, #tpu.memory_space<vmem>> -> memref<1x128xi32, #tpu.memory_space<vmem>>
        %dma_start3A_269 = tpu.memref_squeeze %dma_start3A_268 : memref<1x128xi32, #tpu.memory_space<vmem>> -> memref<128xi32, #tpu.memory_space<vmem>>
        %dma_start3A_270 = arith.constant 0 : i32
        %dma_start3A_271 = arith.constant 0 : i32
        %dma_start3A_272 = tpu.memref_slice %arg2[%dma_start3A_270, %dma_start3A_271] : memref<180000x64xf32, #tpu.memory_space<hbm>> -> memref<180000x64xf32, #tpu.memory_space<hbm>>
        tpu.enqueue_indirect_dma source(%dma_start3A_272 : memref<180000x64xf32, #tpu.memory_space<hbm>>) target(%arg10 : memref<128x64xf32, #tpu.memory_space<vmem>>) offsets(%dma_start3A_269 : memref<128xi32, #tpu.memory_space<vmem>>) semaphore(%arg19 : memref<!tpu.dma_semaphore, #tpu.memory_space<semaphore_mem>>)
      } else {
      }
      %add3A_219 = arith.constant 6 : i32
      %add3A_220 = arith.addi %mul3A_95, %add3A_219 : i32
      %dma_wait3A_221 = arith.constant 0 : i32
      %dma_wait3A_222 = tpu.memref_slice %arg7[%add3A_220, %dma_wait3A_221] : memref<80x128xi32, #tpu.memory_space<vmem>> -> memref<1x128xi32, #tpu.memory_space<vmem>>
      %dma_wait3A_223 = tpu.memref_squeeze %dma_wait3A_222 : memref<1x128xi32, #tpu.memory_space<vmem>> -> memref<128xi32, #tpu.memory_space<vmem>>
      %dma_wait3A_224 = arith.constant 0 : i32
      %dma_wait3A_225 = arith.constant 0 : i32
      %dma_wait3A_226 = tpu.memref_slice %arg2[%dma_wait3A_224, %dma_wait3A_225] : memref<180000x64xf32, #tpu.memory_space<hbm>> -> memref<180000x64xf32, #tpu.memory_space<hbm>>
      tpu.wait_indirect_dma semaphore(%arg24 : memref<!tpu.dma_semaphore, #tpu.memory_space<semaphore_mem>>) src(%dma_wait3A_226 : memref<180000x64xf32, #tpu.memory_space<hbm>>) dst(%arg15 : memref<128x64xf32, #tpu.memory_space<vmem>>)
      %dma_start3A_227 = arith.constant 0 : i32
      %dma_start3A_228 = tpu.memref_slice %arg8[%add3A_220, %dma_start3A_227] : memref<80x128xi32, #tpu.memory_space<vmem>> -> memref<1x128xi32, #tpu.memory_space<vmem>>
      %dma_start3A_229 = tpu.memref_squeeze %dma_start3A_228 : memref<1x128xi32, #tpu.memory_space<vmem>> -> memref<128xi32, #tpu.memory_space<vmem>>
      %dma_start3A_230 = arith.constant 0 : i32
      %dma_start3A_231 = arith.constant 0 : i32
      %dma_start3A_232 = tpu.memref_slice %arg17[%dma_start3A_230, %dma_start3A_231] : memref<10240x64xf32, #tpu.memory_space<vmem_shared>> -> memref<10240x64xf32, #tpu.memory_space<vmem_shared>>
      tpu.enqueue_indirect_dma source(%arg15 : memref<128x64xf32, #tpu.memory_space<vmem>>) target(%dma_start3A_232 : memref<10240x64xf32, #tpu.memory_space<vmem_shared>>) offsets(%dma_start3A_229 : memref<128xi32, #tpu.memory_space<vmem>>) semaphore(%arg32 : memref<!tpu.dma_semaphore, #tpu.memory_space<semaphore_mem>>) {add = true}
      %add3A_233 = arith.constant 4 : i32
      %add3A_234 = arith.addi %add3A_220, %add3A_233 : i32
      %lt3A_235 = arith.constant 80 : i32
      %lt3A_236 = arith.cmpi slt, %add3A_234, %lt3A_235 : i32
      %convert_element_type3A_237 = arith.extui %lt3A_236 : i1 to i32
      %cond3A_238 = arith.constant 0 : i32
      %cond3A_239 = arith.cmpi ne, %convert_element_type3A_237, %cond3A_238 : i32
      scf.if %cond3A_239 {
        %ge3A = arith.constant 4 : i32
        %ge3A_261 = arith.cmpi sge, %add3A_220, %ge3A : i32
        %convert_element_type3A_262 = arith.extui %ge3A_261 : i1 to i32
        %cond3A_263 = arith.constant 0 : i32
        %cond3A_264 = arith.cmpi ne, %convert_element_type3A_262, %cond3A_263 : i32
        scf.if %cond3A_264 {
          %sub3A = arith.constant 4 : i32
          %sub3A_273 = arith.subi %add3A_220, %sub3A : i32
          %dma_wait3A_274 = arith.constant 0 : i32
          %dma_wait3A_275 = tpu.memref_slice %arg8[%sub3A_273, %dma_wait3A_274] : memref<80x128xi32, #tpu.memory_space<vmem>> -> memref<1x128xi32, #tpu.memory_space<vmem>>
          %dma_wait3A_276 = tpu.memref_squeeze %dma_wait3A_275 : memref<1x128xi32, #tpu.memory_space<vmem>> -> memref<128xi32, #tpu.memory_space<vmem>>
          %dma_wait3A_277 = arith.constant 0 : i32
          %dma_wait3A_278 = arith.constant 0 : i32
          %dma_wait3A_279 = tpu.memref_slice %arg17[%dma_wait3A_277, %dma_wait3A_278] : memref<10240x64xf32, #tpu.memory_space<vmem_shared>> -> memref<10240x64xf32, #tpu.memory_space<vmem_shared>>
          tpu.wait_indirect_dma semaphore(%arg28 : memref<!tpu.dma_semaphore, #tpu.memory_space<semaphore_mem>>) src(%arg11 : memref<128x64xf32, #tpu.memory_space<vmem>>) dst(%dma_wait3A_279 : memref<10240x64xf32, #tpu.memory_space<vmem_shared>>)
        } else {
        }
        %add3A_265 = arith.constant 4 : i32
        %add3A_266 = arith.addi %add3A_220, %add3A_265 : i32
        %dma_start3A_267 = arith.constant 0 : i32
        %dma_start3A_268 = tpu.memref_slice %arg7[%add3A_266, %dma_start3A_267] : memref<80x128xi32, #tpu.memory_space<vmem>> -> memref<1x128xi32, #tpu.memory_space<vmem>>
        %dma_start3A_269 = tpu.memref_squeeze %dma_start3A_268 : memref<1x128xi32, #tpu.memory_space<vmem>> -> memref<128xi32, #tpu.memory_space<vmem>>
        %dma_start3A_270 = arith.constant 0 : i32
        %dma_start3A_271 = arith.constant 0 : i32
        %dma_start3A_272 = tpu.memref_slice %arg2[%dma_start3A_270, %dma_start3A_271] : memref<180000x64xf32, #tpu.memory_space<hbm>> -> memref<180000x64xf32, #tpu.memory_space<hbm>>
        tpu.enqueue_indirect_dma source(%dma_start3A_272 : memref<180000x64xf32, #tpu.memory_space<hbm>>) target(%arg11 : memref<128x64xf32, #tpu.memory_space<vmem>>) offsets(%dma_start3A_269 : memref<128xi32, #tpu.memory_space<vmem>>) semaphore(%arg20 : memref<!tpu.dma_semaphore, #tpu.memory_space<semaphore_mem>>)
      } else {
      }
      %add3A_240 = arith.constant 7 : i32
      %add3A_241 = arith.addi %mul3A_95, %add3A_240 : i32
      %dma_wait3A_242 = arith.constant 0 : i32
      %dma_wait3A_243 = tpu.memref_slice %arg7[%add3A_241, %dma_wait3A_242] : memref<80x128xi32, #tpu.memory_space<vmem>> -> memref<1x128xi32, #tpu.memory_space<vmem>>
      %dma_wait3A_244 = tpu.memref_squeeze %dma_wait3A_243 : memref<1x128xi32, #tpu.memory_space<vmem>> -> memref<128xi32, #tpu.memory_space<vmem>>
      %dma_wait3A_245 = arith.constant 0 : i32
      %dma_wait3A_246 = arith.constant 0 : i32
      %dma_wait3A_247 = tpu.memref_slice %arg2[%dma_wait3A_245, %dma_wait3A_246] : memref<180000x64xf32, #tpu.memory_space<hbm>> -> memref<180000x64xf32, #tpu.memory_space<hbm>>
      tpu.wait_indirect_dma semaphore(%arg25 : memref<!tpu.dma_semaphore, #tpu.memory_space<semaphore_mem>>) src(%dma_wait3A_247 : memref<180000x64xf32, #tpu.memory_space<hbm>>) dst(%arg16 : memref<128x64xf32, #tpu.memory_space<vmem>>)
      %dma_start3A_248 = arith.constant 0 : i32
      %dma_start3A_249 = tpu.memref_slice %arg8[%add3A_241, %dma_start3A_248] : memref<80x128xi32, #tpu.memory_space<vmem>> -> memref<1x128xi32, #tpu.memory_space<vmem>>
      %dma_start3A_250 = tpu.memref_squeeze %dma_start3A_249 : memref<1x128xi32, #tpu.memory_space<vmem>> -> memref<128xi32, #tpu.memory_space<vmem>>
      %dma_start3A_251 = arith.constant 0 : i32
      %dma_start3A_252 = arith.constant 0 : i32
      %dma_start3A_253 = tpu.memref_slice %arg17[%dma_start3A_251, %dma_start3A_252] : memref<10240x64xf32, #tpu.memory_space<vmem_shared>> -> memref<10240x64xf32, #tpu.memory_space<vmem_shared>>
      tpu.enqueue_indirect_dma source(%arg16 : memref<128x64xf32, #tpu.memory_space<vmem>>) target(%dma_start3A_253 : memref<10240x64xf32, #tpu.memory_space<vmem_shared>>) offsets(%dma_start3A_250 : memref<128xi32, #tpu.memory_space<vmem>>) semaphore(%arg33 : memref<!tpu.dma_semaphore, #tpu.memory_space<semaphore_mem>>) {add = true}
      %add3A_254 = arith.constant 4 : i32
      %add3A_255 = arith.addi %add3A_241, %add3A_254 : i32
      %lt3A_256 = arith.constant 80 : i32
      %lt3A_257 = arith.cmpi slt, %add3A_255, %lt3A_256 : i32
      %convert_element_type3A_258 = arith.extui %lt3A_257 : i1 to i32
      %cond3A_259 = arith.constant 0 : i32
      %cond3A_260 = arith.cmpi ne, %convert_element_type3A_258, %cond3A_259 : i32
      scf.if %cond3A_260 {
        %ge3A = arith.constant 4 : i32
        %ge3A_261 = arith.cmpi sge, %add3A_241, %ge3A : i32
        %convert_element_type3A_262 = arith.extui %ge3A_261 : i1 to i32
        %cond3A_263 = arith.constant 0 : i32
        %cond3A_264 = arith.cmpi ne, %convert_element_type3A_262, %cond3A_263 : i32
        scf.if %cond3A_264 {
          %sub3A = arith.constant 4 : i32
          %sub3A_273 = arith.subi %add3A_241, %sub3A : i32
          %dma_wait3A_274 = arith.constant 0 : i32
          %dma_wait3A_275 = tpu.memref_slice %arg8[%sub3A_273, %dma_wait3A_274] : memref<80x128xi32, #tpu.memory_space<vmem>> -> memref<1x128xi32, #tpu.memory_space<vmem>>
          %dma_wait3A_276 = tpu.memref_squeeze %dma_wait3A_275 : memref<1x128xi32, #tpu.memory_space<vmem>> -> memref<128xi32, #tpu.memory_space<vmem>>
          %dma_wait3A_277 = arith.constant 0 : i32
          %dma_wait3A_278 = arith.constant 0 : i32
          %dma_wait3A_279 = tpu.memref_slice %arg17[%dma_wait3A_277, %dma_wait3A_278] : memref<10240x64xf32, #tpu.memory_space<vmem_shared>> -> memref<10240x64xf32, #tpu.memory_space<vmem_shared>>
          tpu.wait_indirect_dma semaphore(%arg29 : memref<!tpu.dma_semaphore, #tpu.memory_space<semaphore_mem>>) src(%arg12 : memref<128x64xf32, #tpu.memory_space<vmem>>) dst(%dma_wait3A_279 : memref<10240x64xf32, #tpu.memory_space<vmem_shared>>)
        } else {
        }
        %add3A_265 = arith.constant 4 : i32
        %add3A_266 = arith.addi %add3A_241, %add3A_265 : i32
        %dma_start3A_267 = arith.constant 0 : i32
        %dma_start3A_268 = tpu.memref_slice %arg7[%add3A_266, %dma_start3A_267] : memref<80x128xi32, #tpu.memory_space<vmem>> -> memref<1x128xi32, #tpu.memory_space<vmem>>
        %dma_start3A_269 = tpu.memref_squeeze %dma_start3A_268 : memref<1x128xi32, #tpu.memory_space<vmem>> -> memref<128xi32, #tpu.memory_space<vmem>>
        %dma_start3A_270 = arith.constant 0 : i32
        %dma_start3A_271 = arith.constant 0 : i32
        %dma_start3A_272 = tpu.memref_slice %arg2[%dma_start3A_270, %dma_start3A_271] : memref<180000x64xf32, #tpu.memory_space<hbm>> -> memref<180000x64xf32, #tpu.memory_space<hbm>>
        tpu.enqueue_indirect_dma source(%dma_start3A_272 : memref<180000x64xf32, #tpu.memory_space<hbm>>) target(%arg12 : memref<128x64xf32, #tpu.memory_space<vmem>>) offsets(%dma_start3A_269 : memref<128xi32, #tpu.memory_space<vmem>>) semaphore(%arg21 : memref<!tpu.dma_semaphore, #tpu.memory_space<semaphore_mem>>)
      } else {
      }
    }
    %scan3A_34 = arith.constant 10 : i32
    %dma_wait3A = arith.constant 72 : i32
    %dma_wait3A_35 = arith.constant 0 : i32
    %dma_wait3A_36 = tpu.memref_slice %arg8[%dma_wait3A, %dma_wait3A_35] : memref<80x128xi32, #tpu.memory_space<vmem>> -> memref<1x128xi32, #tpu.memory_space<vmem>>
    %dma_wait3A_37 = tpu.memref_squeeze %dma_wait3A_36 : memref<1x128xi32, #tpu.memory_space<vmem>> -> memref<128xi32, #tpu.memory_space<vmem>>
    %dma_wait3A_38 = arith.constant 0 : i32
    %dma_wait3A_39 = arith.constant 0 : i32
    %dma_wait3A_40 = tpu.memref_slice %arg17[%dma_wait3A_38, %dma_wait3A_39] : memref<10240x64xf32, #tpu.memory_space<vmem_shared>> -> memref<10240x64xf32, #tpu.memory_space<vmem_shared>>
    tpu.wait_indirect_dma semaphore(%arg26 : memref<!tpu.dma_semaphore, #tpu.memory_space<semaphore_mem>>) src(%arg9 : memref<128x64xf32, #tpu.memory_space<vmem>>) dst(%dma_wait3A_40 : memref<10240x64xf32, #tpu.memory_space<vmem_shared>>)
    %dma_wait3A_41 = arith.constant 73 : i32
    %dma_wait3A_42 = arith.constant 0 : i32
    %dma_wait3A_43 = tpu.memref_slice %arg8[%dma_wait3A_41, %dma_wait3A_42] : memref<80x128xi32, #tpu.memory_space<vmem>> -> memref<1x128xi32, #tpu.memory_space<vmem>>
    %dma_wait3A_44 = tpu.memref_squeeze %dma_wait3A_43 : memref<1x128xi32, #tpu.memory_space<vmem>> -> memref<128xi32, #tpu.memory_space<vmem>>
    %dma_wait3A_45 = arith.constant 0 : i32
    %dma_wait3A_46 = arith.constant 0 : i32
    %dma_wait3A_47 = tpu.memref_slice %arg17[%dma_wait3A_45, %dma_wait3A_46] : memref<10240x64xf32, #tpu.memory_space<vmem_shared>> -> memref<10240x64xf32, #tpu.memory_space<vmem_shared>>
    tpu.wait_indirect_dma semaphore(%arg27 : memref<!tpu.dma_semaphore, #tpu.memory_space<semaphore_mem>>) src(%arg10 : memref<128x64xf32, #tpu.memory_space<vmem>>) dst(%dma_wait3A_47 : memref<10240x64xf32, #tpu.memory_space<vmem_shared>>)
    %dma_wait3A_48 = arith.constant 74 : i32
    %dma_wait3A_49 = arith.constant 0 : i32
    %dma_wait3A_50 = tpu.memref_slice %arg8[%dma_wait3A_48, %dma_wait3A_49] : memref<80x128xi32, #tpu.memory_space<vmem>> -> memref<1x128xi32, #tpu.memory_space<vmem>>
    %dma_wait3A_51 = tpu.memref_squeeze %dma_wait3A_50 : memref<1x128xi32, #tpu.memory_space<vmem>> -> memref<128xi32, #tpu.memory_space<vmem>>
    %dma_wait3A_52 = arith.constant 0 : i32
    %dma_wait3A_53 = arith.constant 0 : i32
    %dma_wait3A_54 = tpu.memref_slice %arg17[%dma_wait3A_52, %dma_wait3A_53] : memref<10240x64xf32, #tpu.memory_space<vmem_shared>> -> memref<10240x64xf32, #tpu.memory_space<vmem_shared>>
    tpu.wait_indirect_dma semaphore(%arg28 : memref<!tpu.dma_semaphore, #tpu.memory_space<semaphore_mem>>) src(%arg11 : memref<128x64xf32, #tpu.memory_space<vmem>>) dst(%dma_wait3A_54 : memref<10240x64xf32, #tpu.memory_space<vmem_shared>>)
    %dma_wait3A_55 = arith.constant 75 : i32
    %dma_wait3A_56 = arith.constant 0 : i32
    %dma_wait3A_57 = tpu.memref_slice %arg8[%dma_wait3A_55, %dma_wait3A_56] : memref<80x128xi32, #tpu.memory_space<vmem>> -> memref<1x128xi32, #tpu.memory_space<vmem>>
    %dma_wait3A_58 = tpu.memref_squeeze %dma_wait3A_57 : memref<1x128xi32, #tpu.memory_space<vmem>> -> memref<128xi32, #tpu.memory_space<vmem>>
    %dma_wait3A_59 = arith.constant 0 : i32
    %dma_wait3A_60 = arith.constant 0 : i32
    %dma_wait3A_61 = tpu.memref_slice %arg17[%dma_wait3A_59, %dma_wait3A_60] : memref<10240x64xf32, #tpu.memory_space<vmem_shared>> -> memref<10240x64xf32, #tpu.memory_space<vmem_shared>>
    tpu.wait_indirect_dma semaphore(%arg29 : memref<!tpu.dma_semaphore, #tpu.memory_space<semaphore_mem>>) src(%arg12 : memref<128x64xf32, #tpu.memory_space<vmem>>) dst(%dma_wait3A_61 : memref<10240x64xf32, #tpu.memory_space<vmem_shared>>)
    %dma_wait3A_62 = arith.constant 76 : i32
    %dma_wait3A_63 = arith.constant 0 : i32
    %dma_wait3A_64 = tpu.memref_slice %arg8[%dma_wait3A_62, %dma_wait3A_63] : memref<80x128xi32, #tpu.memory_space<vmem>> -> memref<1x128xi32, #tpu.memory_space<vmem>>
    %dma_wait3A_65 = tpu.memref_squeeze %dma_wait3A_64 : memref<1x128xi32, #tpu.memory_space<vmem>> -> memref<128xi32, #tpu.memory_space<vmem>>
    %dma_wait3A_66 = arith.constant 0 : i32
    %dma_wait3A_67 = arith.constant 0 : i32
    %dma_wait3A_68 = tpu.memref_slice %arg17[%dma_wait3A_66, %dma_wait3A_67] : memref<10240x64xf32, #tpu.memory_space<vmem_shared>> -> memref<10240x64xf32, #tpu.memory_space<vmem_shared>>
    tpu.wait_indirect_dma semaphore(%arg30 : memref<!tpu.dma_semaphore, #tpu.memory_space<semaphore_mem>>) src(%arg13 : memref<128x64xf32, #tpu.memory_space<vmem>>) dst(%dma_wait3A_68 : memref<10240x64xf32, #tpu.memory_space<vmem_shared>>)
    %dma_wait3A_69 = arith.constant 77 : i32
    %dma_wait3A_70 = arith.constant 0 : i32
    %dma_wait3A_71 = tpu.memref_slice %arg8[%dma_wait3A_69, %dma_wait3A_70] : memref<80x128xi32, #tpu.memory_space<vmem>> -> memref<1x128xi32, #tpu.memory_space<vmem>>
    %dma_wait3A_72 = tpu.memref_squeeze %dma_wait3A_71 : memref<1x128xi32, #tpu.memory_space<vmem>> -> memref<128xi32, #tpu.memory_space<vmem>>
    %dma_wait3A_73 = arith.constant 0 : i32
    %dma_wait3A_74 = arith.constant 0 : i32
    %dma_wait3A_75 = tpu.memref_slice %arg17[%dma_wait3A_73, %dma_wait3A_74] : memref<10240x64xf32, #tpu.memory_space<vmem_shared>> -> memref<10240x64xf32, #tpu.memory_space<vmem_shared>>
    tpu.wait_indirect_dma semaphore(%arg31 : memref<!tpu.dma_semaphore, #tpu.memory_space<semaphore_mem>>) src(%arg14 : memref<128x64xf32, #tpu.memory_space<vmem>>) dst(%dma_wait3A_75 : memref<10240x64xf32, #tpu.memory_space<vmem_shared>>)
    %dma_wait3A_76 = arith.constant 78 : i32
    %dma_wait3A_77 = arith.constant 0 : i32
    %dma_wait3A_78 = tpu.memref_slice %arg8[%dma_wait3A_76, %dma_wait3A_77] : memref<80x128xi32, #tpu.memory_space<vmem>> -> memref<1x128xi32, #tpu.memory_space<vmem>>
    %dma_wait3A_79 = tpu.memref_squeeze %dma_wait3A_78 : memref<1x128xi32, #tpu.memory_space<vmem>> -> memref<128xi32, #tpu.memory_space<vmem>>
    %dma_wait3A_80 = arith.constant 0 : i32
    %dma_wait3A_81 = arith.constant 0 : i32
    %dma_wait3A_82 = tpu.memref_slice %arg17[%dma_wait3A_80, %dma_wait3A_81] : memref<10240x64xf32, #tpu.memory_space<vmem_shared>> -> memref<10240x64xf32, #tpu.memory_space<vmem_shared>>
    tpu.wait_indirect_dma semaphore(%arg32 : memref<!tpu.dma_semaphore, #tpu.memory_space<semaphore_mem>>) src(%arg15 : memref<128x64xf32, #tpu.memory_space<vmem>>) dst(%dma_wait3A_82 : memref<10240x64xf32, #tpu.memory_space<vmem_shared>>)
    %dma_wait3A_83 = arith.constant 79 : i32
    %dma_wait3A_84 = arith.constant 0 : i32
    %dma_wait3A_85 = tpu.memref_slice %arg8[%dma_wait3A_83, %dma_wait3A_84] : memref<80x128xi32, #tpu.memory_space<vmem>> -> memref<1x128xi32, #tpu.memory_space<vmem>>
    %dma_wait3A_86 = tpu.memref_squeeze %dma_wait3A_85 : memref<1x128xi32, #tpu.memory_space<vmem>> -> memref<128xi32, #tpu.memory_space<vmem>>
    %dma_wait3A_87 = arith.constant 0 : i32
    %dma_wait3A_88 = arith.constant 0 : i32
    %dma_wait3A_89 = tpu.memref_slice %arg17[%dma_wait3A_87, %dma_wait3A_88] : memref<10240x64xf32, #tpu.memory_space<vmem_shared>> -> memref<10240x64xf32, #tpu.memory_space<vmem_shared>>
    tpu.wait_indirect_dma semaphore(%arg33 : memref<!tpu.dma_semaphore, #tpu.memory_space<semaphore_mem>>) src(%arg16 : memref<128x64xf32, #tpu.memory_space<vmem>>) dst(%dma_wait3A_89 : memref<10240x64xf32, #tpu.memory_space<vmem_shared>>)
    %barrier3A_90 = arith.constant 0 : index
    tpu.barrier barrier_id(%barrier3A_90)
    %mul3A_91 = arith.constant 640 : i32
    %mul3A_92 = arith.muli %arg1, %mul3A_91 : i32
    "tpu.region"() ({
      %run_scoped3A = tpu.sem_alloc : memref<!tpu.dma_semaphore, #tpu.memory_space<semaphore_mem>>
      %dma_start3A_93 = arith.constant 0 : i32
      %dma_start3A_94 = tpu.memref_slice %arg6[%arg0, %mul3A_92, %dma_start3A_93] : memref<2x10240x64xf32, #tpu.memory_space<hbm>> -> memref<1x640x64xf32, #tpu.memory_space<hbm>>
      %dma_start3A_95 = tpu.memref_squeeze %dma_start3A_94 : memref<1x640x64xf32, #tpu.memory_space<hbm>> -> memref<640x64xf32, #tpu.memory_space<hbm>>
      %dma_start3A_96 = arith.constant 0 : i32
      %dma_start3A_97 = tpu.memref_slice %arg17[%mul3A_92, %dma_start3A_96] : memref<10240x64xf32, #tpu.memory_space<vmem_shared>> -> memref<640x64xf32, #tpu.memory_space<vmem_shared>>
      tpu.enqueue_dma source(%dma_start3A_97 : memref<640x64xf32, #tpu.memory_space<vmem_shared>>) target(%dma_start3A_95 : memref<640x64xf32, #tpu.memory_space<hbm>>) target_semaphore(%run_scoped3A : memref<!tpu.dma_semaphore, #tpu.memory_space<semaphore_mem>>)
      %dma_wait3A_98 = arith.constant 0 : i32
      %dma_wait3A_99 = tpu.memref_slice %arg6[%arg0, %mul3A_92, %dma_wait3A_98] : memref<2x10240x64xf32, #tpu.memory_space<hbm>> -> memref<1x640x64xf32, #tpu.memory_space<hbm>>
      %dma_wait3A_100 = tpu.memref_squeeze %dma_wait3A_99 : memref<1x640x64xf32, #tpu.memory_space<hbm>> -> memref<640x64xf32, #tpu.memory_space<hbm>>
      %dma_wait3A_101 = arith.constant 0 : i32
      %dma_wait3A_102 = tpu.memref_slice %arg17[%mul3A_92, %dma_wait3A_101] : memref<10240x64xf32, #tpu.memory_space<vmem_shared>> -> memref<640x64xf32, #tpu.memory_space<vmem_shared>>
      tpu.wait_dma2 semaphore(%run_scoped3A : memref<!tpu.dma_semaphore, #tpu.memory_space<semaphore_mem>>) src(%dma_wait3A_102 : memref<640x64xf32, #tpu.memory_space<vmem_shared>>) dst(%dma_wait3A_100 : memref<640x64xf32, #tpu.memory_space<hbm>>)
      tpu.yield
    }) : () -> ()
    return
  }
}

module attributes {stable_mosaic.version = 14 : i64} {
  func.func @_tables_body(%arg0: i32, %arg1: i32, %arg2: memref<2000x128xf32, #tpu.memory_space<vmem>>, %arg3: memref<1x128x128xf32, #tpu.memory_space<vmem>>, %arg4: memref<1x1x128xf32, #tpu.memory_space<vmem>>, %arg5: memref<1x2000x128xf32, #tpu.memory_space<vmem>>) attributes {dimension_semantics = [#tpu.dimension_semantics<arbitrary>, #tpu.dimension_semantics<arbitrary>], iteration_bounds = array<i64: 5, 9>, scalar_prefetch = 0 : i64, scratch_operands = 0 : i64, tpu.core_type = #tpu.core_type<tc>, window_params = [{transform_indices = @transform_0, window_bounds = array<i64: 2000, 128>}, {transform_indices = @transform_1, window_bounds = array<i64: 1, 128, 128>}, {transform_indices = @transform_2, window_bounds = array<i64: 1, 1, 128>}, {transform_indices = @transform_3, window_bounds = array<i64: 1, 2000, 128>}]} {
    %get3A = arith.constant 0 : index
    %get3A_0 = arith.constant 0 : index
    %get3A_1 = vector.load %arg2[%get3A, %get3A_0] : memref<2000x128xf32, #tpu.memory_space<vmem>>, vector<2000x128xf32>
    %get3A_2 = arith.constant 0 : index
    %get3A_3 = arith.constant 0 : index
    %get3A_4 = arith.constant 0 : index
    %get3A_5 = vector.load %arg3[%get3A_2, %get3A_3, %get3A_4] : memref<1x128x128xf32, #tpu.memory_space<vmem>>, vector<1x128x128xf32>
    %get3A_6 = vector.shape_cast %get3A_5 : vector<1x128x128xf32> to vector<128x128xf32>
    %dot_general3A = arith.constant dense<0.000000e+00> : vector<2000x128xf32>
    %dot_general3A_7 = tpu.matmul %get3A_1, %get3A_6, %dot_general3A {dimension_numbers = #tpu.dot_dimension_numbers<[1], [0], [0], [1], [0, 0, 1, 1], [], []>, transpose_lhs_hint = false} : vector<2000x128xf32>, vector<128x128xf32>, vector<2000x128xf32> -> vector<2000x128xf32>
    %get3A_8 = arith.constant 0 : index
    %get3A_9 = arith.constant 0 : index
    %get3A_10 = arith.constant 0 : index
    %get3A_11 = vector.load %arg4[%get3A_8, %get3A_9, %get3A_10] : memref<1x1x128xf32, #tpu.memory_space<vmem>>, vector<1x1x128xf32>
    %get3A_12 = vector.shape_cast %get3A_11 : vector<1x1x128xf32> to vector<1x128xf32>
    %add3A = vector.broadcast %get3A_12 : vector<1x128xf32> to vector<2000x128xf32>
    %add3A_13 = arith.addf %dot_general3A_7, %add3A : vector<2000x128xf32>
    %swap3A = arith.constant 0 : index
    %swap3A_14 = arith.constant 0 : index
    %swap3A_15 = arith.constant 0 : index
    %swap3A_16 = vector.load %arg5[%swap3A, %swap3A_14, %swap3A_15] : memref<1x2000x128xf32, #tpu.memory_space<vmem>>, vector<1x2000x128xf32>
    %swap3A_17 = vector.shape_cast %swap3A_16 : vector<1x2000x128xf32> to vector<2000x128xf32>
    %swap3A_18 = vector.shape_cast %add3A_13 : vector<2000x128xf32> to vector<1x2000x128xf32>
    tpu.vector_store %arg5[%swap3A, %swap3A_14, %swap3A_15], %swap3A_18 {strides = array<i32>} : memref<1x2000x128xf32, #tpu.memory_space<vmem>>, vector<1x2000x128xf32>,
    return
  }
  func.func @transform_0(%arg0: i32, %arg1: i32) -> (i32, i32) {
    %c0_i32 = arith.constant 0 : i32
    %c0_i32_0 = arith.constant 0 : i32
    return %arg0, %c0_i32 : i32, i32
  }
  func.func @transform_1(%arg0: i32, %arg1: i32) -> (i32, i32, i32) {
    %c0_i32 = arith.constant 0 : i32
    %c0_i32_0 = arith.constant 0 : i32
    %c0_i32_1 = arith.constant 0 : i32
    return %arg1, %c0_i32, %c0_i32_0 : i32, i32, i32
  }
  func.func @transform_2(%arg0: i32, %arg1: i32) -> (i32, i32, i32) {
    %c0_i32 = arith.constant 0 : i32
    %c0_i32_0 = arith.constant 0 : i32
    %c0_i32_1 = arith.constant 0 : i32
    return %arg1, %c0_i32, %c0_i32_0 : i32, i32, i32
  }
  func.func @transform_3(%arg0: i32, %arg1: i32) -> (i32, i32, i32) {
    %c0_i32 = arith.constant 0 : i32
    %c0_i32_0 = arith.constant 0 : i32
    return %arg1, %arg0, %c0_i32 : i32, i32, i32
  }
}

module attributes {stable_mosaic.version = 14 : i64} {
  func.func @_combine_tables_body(%arg0: i32, %arg1: i32, %arg2: memref<2x2000x64xf32, #tpu.memory_space<vmem>>, %arg3: memref<2x2000x64xf32, #tpu.memory_space<vmem>>, %arg4: memref<1x2000x128xf32, #tpu.memory_space<vmem>>, %arg5: memref<1x128x128xf32, #tpu.memory_space<vmem>>, %arg6: memref<1x1x128xf32, #tpu.memory_space<vmem>>, %arg7: memref<1x2000x128xf32, #tpu.memory_space<vmem>>) attributes {dimension_semantics = [#tpu.dimension_semantics<arbitrary>, #tpu.dimension_semantics<arbitrary>], iteration_bounds = array<i64: 5, 9>, scalar_prefetch = 0 : i64, scratch_operands = 0 : i64, tpu.core_type = #tpu.core_type<tc>, window_params = [{transform_indices = @transform_0, window_bounds = array<i64: 2, 2000, 64>}, {transform_indices = @transform_1, window_bounds = array<i64: 2, 2000, 64>}, {transform_indices = @transform_2, window_bounds = array<i64: 1, 2000, 128>}, {transform_indices = @transform_3, window_bounds = array<i64: 1, 128, 128>}, {transform_indices = @transform_4, window_bounds = array<i64: 1, 1, 128>}, {transform_indices = @transform_5, window_bounds = array<i64: 1, 2000, 128>}]} {
    %get3A = arith.constant 0 : index
    %get3A_0 = arith.constant 0 : index
    %get3A_1 = arith.constant 0 : index
    %get3A_2 = vector.load %arg2[%get3A, %get3A_0, %get3A_1] : memref<2x2000x64xf32, #tpu.memory_space<vmem>>, vector<1x2000x64xf32>
    %get3A_3 = vector.shape_cast %get3A_2 : vector<1x2000x64xf32> to vector<2000x64xf32>
    %get3A_4 = arith.constant 1 : index
    %get3A_5 = arith.constant 0 : index
    %get3A_6 = arith.constant 0 : index
    %get3A_7 = vector.load %arg2[%get3A_4, %get3A_5, %get3A_6] : memref<2x2000x64xf32, #tpu.memory_space<vmem>>, vector<1x2000x64xf32>
    %get3A_8 = vector.shape_cast %get3A_7 : vector<1x2000x64xf32> to vector<2000x64xf32>
    %add3A = arith.addf %get3A_3, %get3A_8 : vector<2000x64xf32>
    %get3A_9 = arith.constant 0 : index
    %get3A_10 = arith.constant 0 : index
    %get3A_11 = arith.constant 0 : index
    %get3A_12 = vector.load %arg3[%get3A_9, %get3A_10, %get3A_11] : memref<2x2000x64xf32, #tpu.memory_space<vmem>>, vector<1x2000x64xf32>
    %get3A_13 = vector.shape_cast %get3A_12 : vector<1x2000x64xf32> to vector<2000x64xf32>
    %get3A_14 = arith.constant 1 : index
    %get3A_15 = arith.constant 0 : index
    %get3A_16 = arith.constant 0 : index
    %get3A_17 = vector.load %arg3[%get3A_14, %get3A_15, %get3A_16] : memref<2x2000x64xf32, #tpu.memory_space<vmem>>, vector<1x2000x64xf32>
    %get3A_18 = vector.shape_cast %get3A_17 : vector<1x2000x64xf32> to vector<2000x64xf32>
    %add3A_19 = arith.addf %get3A_13, %get3A_18 : vector<2000x64xf32>
    %concatenate3A = tpu.concatenate %add3A, %add3A_19 in 1 : vector<2000x64xf32>, vector<2000x64xf32> -> vector<2000x128xf32>
    %get3A_20 = arith.constant 0 : index
    %get3A_21 = arith.constant 0 : index
    %get3A_22 = arith.constant 0 : index
    %get3A_23 = vector.load %arg4[%get3A_20, %get3A_21, %get3A_22] : memref<1x2000x128xf32, #tpu.memory_space<vmem>>, vector<1x2000x128xf32>
    %get3A_24 = vector.shape_cast %get3A_23 : vector<1x2000x128xf32> to vector<2000x128xf32>
    %add3A_25 = arith.addf %concatenate3A, %get3A_24 : vector<2000x128xf32>
    %max3A = arith.constant 0.000000e+00 : f32
    %max3A_26 = vector.broadcast %max3A : f32 to vector<2000x128xf32>
    %max3A_27 = arith.maximumf %add3A_25, %max3A_26 : vector<2000x128xf32>
    %get3A_28 = arith.constant 0 : index
    %get3A_29 = arith.constant 0 : index
    %get3A_30 = arith.constant 0 : index
    %get3A_31 = vector.load %arg5[%get3A_28, %get3A_29, %get3A_30] : memref<1x128x128xf32, #tpu.memory_space<vmem>>, vector<1x128x128xf32>
    %get3A_32 = vector.shape_cast %get3A_31 : vector<1x128x128xf32> to vector<128x128xf32>
    %dot_general3A = arith.constant dense<0.000000e+00> : vector<2000x128xf32>
    %dot_general3A_33 = tpu.matmul %max3A_27, %get3A_32, %dot_general3A {dimension_numbers = #tpu.dot_dimension_numbers<[1], [0], [0], [1], [0, 0, 1, 1], [], []>, transpose_lhs_hint = false} : vector<2000x128xf32>, vector<128x128xf32>, vector<2000x128xf32> -> vector<2000x128xf32>
    %get3A_34 = arith.constant 0 : index
    %get3A_35 = arith.constant 0 : index
    %get3A_36 = arith.constant 0 : index
    %get3A_37 = vector.load %arg6[%get3A_34, %get3A_35, %get3A_36] : memref<1x1x128xf32, #tpu.memory_space<vmem>>, vector<1x1x128xf32>
    %get3A_38 = vector.shape_cast %get3A_37 : vector<1x1x128xf32> to vector<1x128xf32>
    %add3A_39 = vector.broadcast %get3A_38 : vector<1x128xf32> to vector<2000x128xf32>
    %add3A_40 = arith.addf %dot_general3A_33, %add3A_39 : vector<2000x128xf32>
    %swap3A = arith.constant 0 : index
    %swap3A_41 = arith.constant 0 : index
    %swap3A_42 = arith.constant 0 : index
    %swap3A_43 = vector.load %arg7[%swap3A, %swap3A_41, %swap3A_42] : memref<1x2000x128xf32, #tpu.memory_space<vmem>>, vector<1x2000x128xf32>
    %swap3A_44 = vector.shape_cast %swap3A_43 : vector<1x2000x128xf32> to vector<2000x128xf32>
    %swap3A_45 = vector.shape_cast %add3A_40 : vector<2000x128xf32> to vector<1x2000x128xf32>
    tpu.vector_store %arg7[%swap3A, %swap3A_41, %swap3A_42], %swap3A_45 {strides = array<i32>} : memref<1x2000x128xf32, #tpu.memory_space<vmem>>, vector<1x2000x128xf32>,
    return
  }
  func.func @transform_0(%arg0: i32, %arg1: i32) -> (i32, i32, i32) {
    %c0_i32 = arith.constant 0 : i32
    %c0_i32_0 = arith.constant 0 : i32
    %c0_i32_1 = arith.constant 0 : i32
    return %c0_i32, %arg0, %c0_i32_0 : i32, i32, i32
  }
  func.func @transform_1(%arg0: i32, %arg1: i32) -> (i32, i32, i32) {
    %c0_i32 = arith.constant 0 : i32
    %c0_i32_0 = arith.constant 0 : i32
    %c0_i32_1 = arith.constant 0 : i32
    return %c0_i32, %arg0, %c0_i32_0 : i32, i32, i32
  }
  func.func @transform_2(%arg0: i32, %arg1: i32) -> (i32, i32, i32) {
    %c8_i32 = arith.constant 8 : i32
    %c0_i32 = arith.constant 0 : i32
    %c0_i32_0 = arith.constant 0 : i32
    return %c8_i32, %arg0, %c0_i32 : i32, i32, i32
  }
  func.func @transform_3(%arg0: i32, %arg1: i32) -> (i32, i32, i32) {
    %c0_i32 = arith.constant 0 : i32
    %c0_i32_0 = arith.constant 0 : i32
    %c0_i32_1 = arith.constant 0 : i32
    return %arg1, %c0_i32, %c0_i32_0 : i32, i32, i32
  }
  func.func @transform_4(%arg0: i32, %arg1: i32) -> (i32, i32, i32) {
    %c0_i32 = arith.constant 0 : i32
    %c0_i32_0 = arith.constant 0 : i32
    %c0_i32_1 = arith.constant 0 : i32
    return %arg1, %c0_i32, %c0_i32_0 : i32, i32, i32
  }
  func.func @transform_5(%arg0: i32, %arg1: i32) -> (i32, i32, i32) {
    %c0_i32 = arith.constant 0 : i32
    %c0_i32_0 = arith.constant 0 : i32
    return %arg1, %arg0, %c0_i32 : i32, i32, i32
  }
}

module attributes {stable_mosaic.version = 14 : i64} {
  func.func @_final_body(%arg0: i32, %arg1: memref<2x2000x64xf32, #tpu.memory_space<vmem>>, %arg2: memref<2x2000x64xf32, #tpu.memory_space<vmem>>, %arg3: memref<1x2000x128xf32, #tpu.memory_space<vmem>>, %arg4: memref<128x16xf32, #tpu.memory_space<vmem>>, %arg5: memref<1x16xf32, #tpu.memory_space<vmem>>, %arg6: memref<1x16xf32, #tpu.memory_space<vmem>>, %arg7: memref<1x128xf32, #tpu.memory_space<vmem>>) attributes {dimension_semantics = [#tpu.dimension_semantics<arbitrary>], iteration_bounds = array<i64: 5>, scalar_prefetch = 0 : i64, scratch_operands = 1 : i64, tpu.core_type = #tpu.core_type<tc>, window_params = [{transform_indices = @transform_0, window_bounds = array<i64: 2, 2000, 64>}, {transform_indices = @transform_1, window_bounds = array<i64: 2, 2000, 64>}, {transform_indices = @transform_2, window_bounds = array<i64: 1, 2000, 128>}, {pipeline_mode = #tpu.pipeline_mode<synchronous>, transform_indices = @transform_3, window_bounds = array<i64: 128, 16>}, {pipeline_mode = #tpu.pipeline_mode<synchronous>, transform_indices = @transform_4, window_bounds = array<i64: 1, 16>}, {pipeline_mode = #tpu.pipeline_mode<synchronous>, transform_indices = @transform_5, window_bounds = array<i64: 1, 16>}]} {
    %eq3A = arith.constant 0 : i32
    %eq3A_0 = arith.cmpi eq, %arg0, %eq3A : i32
    %convert_element_type3A = arith.extui %eq3A_0 : i1 to i32
    %cond3A = arith.constant 0 : i32
    %cond3A_1 = arith.cmpi ne, %convert_element_type3A, %cond3A : i32
    scf.if %cond3A_1 {
      %broadcast_in_dim3A_42 = arith.constant 0.000000e+00 : f32
      %broadcast_in_dim3A_43 = vector.broadcast %broadcast_in_dim3A_42 : f32 to vector<1x128xf32>
      %swap3A_44 = arith.constant 0 : index
      %swap3A_45 = arith.constant 0 : index
      %swap3A_46 = vector.load %arg7[%swap3A_44, %swap3A_45] : memref<1x128xf32, #tpu.memory_space<vmem>>, vector<1x128xf32>
      tpu.vector_store %arg7[%swap3A_44, %swap3A_45], %broadcast_in_dim3A_43 {strides = array<i32>} : memref<1x128xf32, #tpu.memory_space<vmem>>, vector<1x128xf32>,
    } else {
    }
    %get3A = arith.constant 0 : index
    %get3A_2 = arith.constant 0 : index
    %get3A_3 = arith.constant 0 : index
    %get3A_4 = vector.load %arg1[%get3A, %get3A_2, %get3A_3] : memref<2x2000x64xf32, #tpu.memory_space<vmem>>, vector<1x2000x64xf32>
    %get3A_5 = vector.shape_cast %get3A_4 : vector<1x2000x64xf32> to vector<2000x64xf32>
    %get3A_6 = arith.constant 1 : index
    %get3A_7 = arith.constant 0 : index
    %get3A_8 = arith.constant 0 : index
    %get3A_9 = vector.load %arg1[%get3A_6, %get3A_7, %get3A_8] : memref<2x2000x64xf32, #tpu.memory_space<vmem>>, vector<1x2000x64xf32>
    %get3A_10 = vector.shape_cast %get3A_9 : vector<1x2000x64xf32> to vector<2000x64xf32>
    %add3A = arith.addf %get3A_5, %get3A_10 : vector<2000x64xf32>
    %get3A_11 = arith.constant 0 : index
    %get3A_12 = arith.constant 0 : index
    %get3A_13 = arith.constant 0 : index
    %get3A_14 = vector.load %arg2[%get3A_11, %get3A_12, %get3A_13] : memref<2x2000x64xf32, #tpu.memory_space<vmem>>, vector<1x2000x64xf32>
    %get3A_15 = vector.shape_cast %get3A_14 : vector<1x2000x64xf32> to vector<2000x64xf32>
    %get3A_16 = arith.constant 1 : index
    %get3A_17 = arith.constant 0 : index
    %get3A_18 = arith.constant 0 : index
    %get3A_19 = vector.load %arg2[%get3A_16, %get3A_17, %get3A_18] : memref<2x2000x64xf32, #tpu.memory_space<vmem>>, vector<1x2000x64xf32>
    %get3A_20 = vector.shape_cast %get3A_19 : vector<1x2000x64xf32> to vector<2000x64xf32>
    %add3A_21 = arith.addf %get3A_15, %get3A_20 : vector<2000x64xf32>
    %concatenate3A = tpu.concatenate %add3A, %add3A_21 in 1 : vector<2000x64xf32>, vector<2000x64xf32> -> vector<2000x128xf32>
    %get3A_22 = arith.constant 0 : index
    %get3A_23 = arith.constant 0 : index
    %get3A_24 = arith.constant 0 : index
    %get3A_25 = vector.load %arg3[%get3A_22, %get3A_23, %get3A_24] : memref<1x2000x128xf32, #tpu.memory_space<vmem>>, vector<1x2000x128xf32>
    %get3A_26 = vector.shape_cast %get3A_25 : vector<1x2000x128xf32> to vector<2000x128xf32>
    %add3A_27 = arith.addf %concatenate3A, %get3A_26 : vector<2000x128xf32>
    %max3A = arith.constant 0.000000e+00 : f32
    %max3A_28 = vector.broadcast %max3A : f32 to vector<2000x128xf32>
    %max3A_29 = arith.maximumf %add3A_27, %max3A_28 : vector<2000x128xf32>
    %get3A_30 = arith.constant 0 : index
    %get3A_31 = arith.constant 0 : index
    %get3A_32 = vector.load %arg7[%get3A_30, %get3A_31] : memref<1x128xf32, #tpu.memory_space<vmem>>, vector<1x128xf32>
    %reduce_sum3A = arith.constant dense<0.000000e+00> : vector<128xf32>
    %reduce_sum3A_33 = vector.multi_reduction <add>, %max3A_29, %reduce_sum3A [0] : vector<2000x128xf32> to vector<128xf32>
    %broadcast_in_dim3A = vector.shape_cast %reduce_sum3A_33 : vector<128xf32> to vector<1x128xf32>
    %add3A_34 = arith.addf %get3A_32, %broadcast_in_dim3A : vector<1x128xf32>
    %swap3A = arith.constant 0 : index
    %swap3A_35 = arith.constant 0 : index
    %swap3A_36 = vector.load %arg7[%swap3A, %swap3A_35] : memref<1x128xf32, #tpu.memory_space<vmem>>, vector<1x128xf32>
    tpu.vector_store %arg7[%swap3A, %swap3A_35], %add3A_34 {strides = array<i32>} : memref<1x128xf32, #tpu.memory_space<vmem>>, vector<1x128xf32>,
    %eq3A_37 = arith.constant 4 : i32
    %eq3A_38 = arith.cmpi eq, %arg0, %eq3A_37 : i32
    %convert_element_type3A_39 = arith.extui %eq3A_38 : i1 to i32
    %cond3A_40 = arith.constant 0 : i32
    %cond3A_41 = arith.cmpi ne, %convert_element_type3A_39, %cond3A_40 : i32
    scf.if %cond3A_41 {
      %get3A_42 = arith.constant 0 : index
      %get3A_43 = arith.constant 0 : index
      %get3A_44 = vector.load %arg7[%get3A_42, %get3A_43] : memref<1x128xf32, #tpu.memory_space<vmem>>, vector<1x128xf32>
      %mul3A = arith.constant 9.99999974E-5 : f32
      %mul3A_45 = vector.broadcast %mul3A : f32 to vector<1x128xf32>
      %mul3A_46 = arith.mulf %get3A_44, %mul3A_45 : vector<1x128xf32>
      %get3A_47 = arith.constant 0 : index
      %get3A_48 = arith.constant 0 : index
      %get3A_49 = vector.load %arg4[%get3A_47, %get3A_48] : memref<128x16xf32, #tpu.memory_space<vmem>>, vector<128x16xf32>
      %dot_general3A = arith.constant dense<0.000000e+00> : vector<1x16xf32>
      %dot_general3A_50 = tpu.matmul %mul3A_46, %get3A_49, %dot_general3A {dimension_numbers = #tpu.dot_dimension_numbers<[1], [0], [0], [1], [0, 0, 1, 1], [], []>, transpose_lhs_hint = false} : vector<1x128xf32>, vector<128x16xf32>, vector<1x16xf32> -> vector<1x16xf32>
      %get3A_51 = arith.constant 0 : index
      %get3A_52 = arith.constant 0 : index
      %get3A_53 = vector.load %arg5[%get3A_51, %get3A_52] : memref<1x16xf32, #tpu.memory_space<vmem>>, vector<1x16xf32>
      %add3A_54 = arith.addf %dot_general3A_50, %get3A_53 : vector<1x16xf32>
      %reduce_max3A = arith.constant dense<0xFF800000> : vector<1xf32>
      %reduce_max3A_55 = vector.multi_reduction <maximumf>, %add3A_54, %reduce_max3A [1] : vector<1x16xf32> to vector<1xf32>
      %broadcast_in_dim3A_56 = vector.shape_cast %reduce_max3A_55 : vector<1xf32> to vector<1x1xf32>
      %sub3A = vector.broadcast %broadcast_in_dim3A_56 : vector<1x1xf32> to vector<1x16xf32>
      %sub3A_57 = arith.subf %add3A_54, %sub3A : vector<1x16xf32>
      %exp3A = math.exp %sub3A_57 : vector<1x16xf32>
      %reduce_sum3A_58 = arith.constant dense<0.000000e+00> : vector<1xf32>
      %reduce_sum3A_59 = vector.multi_reduction <add>, %exp3A, %reduce_sum3A_58 [1] : vector<1x16xf32> to vector<1xf32>
      %broadcast_in_dim3A_60 = vector.shape_cast %reduce_sum3A_59 : vector<1xf32> to vector<1x1xf32>
      %div3A = vector.broadcast %broadcast_in_dim3A_60 : vector<1x1xf32> to vector<1x16xf32>
      %div3A_61 = arith.divf %exp3A, %div3A : vector<1x16xf32>
      %swap3A_62 = arith.constant 0 : index
      %swap3A_63 = arith.constant 0 : index
      %swap3A_64 = vector.load %arg6[%swap3A_62, %swap3A_63] : memref<1x16xf32, #tpu.memory_space<vmem>>, vector<1x16xf32>
      tpu.vector_store %arg6[%swap3A_62, %swap3A_63], %div3A_61 {strides = array<i32>} : memref<1x16xf32, #tpu.memory_space<vmem>>, vector<1x16xf32>,
    } else {
    }
    return
  }
  func.func @transform_0(%arg0: i32) -> (i32, i32, i32) {
    %c0_i32 = arith.constant 0 : i32
    %c0_i32_0 = arith.constant 0 : i32
    %c0_i32_1 = arith.constant 0 : i32
    return %c0_i32, %arg0, %c0_i32_0 : i32, i32, i32
  }
  func.func @transform_1(%arg0: i32) -> (i32, i32, i32) {
    %c0_i32 = arith.constant 0 : i32
    %c0_i32_0 = arith.constant 0 : i32
    %c0_i32_1 = arith.constant 0 : i32
    return %c0_i32, %arg0, %c0_i32_0 : i32, i32, i32
  }
  func.func @transform_2(%arg0: i32) -> (i32, i32, i32) {
    %c8_i32 = arith.constant 8 : i32
    %c0_i32 = arith.constant 0 : i32
    %c0_i32_0 = arith.constant 0 : i32
    return %c8_i32, %arg0, %c0_i32 : i32, i32, i32
  }
  func.func @transform_3(%arg0: i32) -> (i32, i32) {
    %c0_i32 = arith.constant 0 : i32
    %c0_i32_0 = arith.constant 0 : i32
    %c0_i32_1 = arith.constant 0 : i32
    return %c0_i32, %c0_i32_0 : i32, i32
  }
  func.func @transform_4(%arg0: i32) -> (i32, i32) {
    %c0_i32 = arith.constant 0 : i32
    %c0_i32_0 = arith.constant 0 : i32
    %c0_i32_1 = arith.constant 0 : i32
    return %c0_i32, %c0_i32_0 : i32, i32
  }
  func.func @transform_5(%arg0: i32) -> (i32, i32) {
    %c0_i32 = arith.constant 0 : i32
    %c0_i32_0 = arith.constant 0 : i32
    %c0_i32_1 = arith.constant 0 : i32
    return %c0_i32, %c0_i32_0 : i32, i32
  }
}

</mosaic_0001>

<sc_bundles>
// kernel: kernel.12.cloned.1.call-start
scs
__scs_entry_jumppad:
0x0: {  	(pc) =	sbr.rel $0x88, $3  }
0x1: {  	(tag) =	ssettag $0x0;
	lr =	simm.s32 $0x1  }
0x2: {  	[smem:$0x3F96] =	sst lr;
	_ =	strace $0xD0000000  }
0x3: {  	_ = 	snop  }
0x4: {  	_ = 	snop  }
0x5: {  	_ = 	snop  }
0x6: {  	_ = 	snop  }
0x7: {  	_ = 	snop  }
__scs_overlays_trampoline_lowered:
0x8: {  	[smem:$0x3FA5] =	sst s0  }
0x9: {  	[smem:$0x3FA6] =	sst s1  }
0xa: {  	[smem:$0x3FA7] =	sst s2  }
0xb: {  	[smem:$0x3FA8] =	sst s3  }
0xc: {  	[smem:$0x3FA9] =	sst s4  }
0xd: {  	[smem:$0x3FAA] =	sst s5  }
0xe: {  	[smem:$0x3FAB] =	sst s6  }
0xf: {  	[smem:$0x3FAC] =	sst s7  }
0x10: {  	[smem:$0x3FAD] =	sst s8  }
0x11: {  	[smem:$0x3FAE] =	sst s9;
	s0 =	simm.s32 @!p0 $0x0  }
0x12: {  	s1 =	sld [smem:$0x3F94];
	s0 =	simm.s32 @p0 $0x1  }
0x13: {  	[smem:$0x3FAF] =	sst s0;
	s0 =	simm.s32 @!p1 $0x0  }
0x14: {  	s2 =	sld [smem:$0x3F93];
	s0 =	simm.s32 @p1 $0x1  }
0x15: {  	[smem:$0x3FB0] =	sst s0;
	s0 =	simm.s32 @!p2 $0x0  }
0x16: {  	s3 =	sld [smem:$0x3FDB];
	s0 =	simm.s32 @p2 $0x1  }
0x17: {  	s4 =	simm.s32 $0x1BF5;
	[smem:$0x3FB2] =	sst s0  }
0x18: {  	s0 =	sld [smem:$0x3F95];
	_ =	swait.ge [sflag:s4], $0x0  }
0x19: {  	s7 =	sld [smem:$0x3F96]  }
0x1a: {  	s8 =	sadd.s32 $0xFFFFE003, lr  }
0x1b: {  	s9 =	sadd.s32 $0xFFFFFEF7, lr;
	s5 =	simm.s32 $0xFFFFFFFF;
	p2 =	slt.u32 s8, $0xFFFFF086  }
0x1c: {  	p1 =	slt.u32 s9, $0xF7A;
	s5 =	simm.s32 @!p2 $0x0  }
0x1d: {  	s5 =	simm.s32 @p1 $0x1;
	p0 =	seq.s32 s7, s2  }
0x1e: {  	s7 =	smul.u32 @!p0 $0xF7A, s2;
	p2 =	seq.s32 @!p0 s5, $0x0  }
0x1f: {  	s9 =	smul.u32 $0xF7A, s1;
	s8 =	simm.s32 @!p0 $0x1BF5;
	p2 =	por !p2, p0  }
0x20: {  	[sflag:s8] =	ssyncset.s32 @!p0 $0xFFFFF086;
	s6 =	sadd.s32 @!p0 s3, s7;
	s7 =	simm.s32 @!p0 $0x108  }
0x21: {  	s3 =	sadd.s32 s3, s9;
	s6 =	sadd.s32 @!p0 $0x88, s6;
	s7 =	simm.s32 @p2 $0x1082  }
0x22: {  	[simem:s7], [sflag:s8] =	dma.local @!p0 [hbm:s6], $0xF7A  }
0x23: {  	s9 =	sor.u32 $0xD0000000, s2;
	s6 =	simm.s32 $0x108;
	_ =	swait.ge @!p0 [sflag:s8], $0x0  }
0x24: {  	s3 =	sadd.s32 $0x88, s3;
	s6 =	simm.s32 @!p1 $0x1082;
	[sflag:s4] =	ssyncset.s32 $0xFFFFF086  }
0x25: {  	[simem:s6], [sflag:s4] =	dma.local [hbm:s3], $0xF7A  }
0x26: {  	[smem:$0x3F96] =	sst s1;
	(tag) =	ssettag s2;
	_ =	strace s9  }
0x27: {  	s1 =	sld [smem:$0x3FA6]  }
0x28: {  	s2 =	sld [smem:$0x3FA7]  }
0x29: {  	s4 =	sld [smem:$0x3FA9]  }
0x2a: {  	p0 =	seq.s32 s5, $0x0;
	s5 =	sld [smem:$0x3FAA]  }
0x2b: {  	s6 =	sld [smem:$0x3FAB]  }
0x2c: {  	s7 =	sld [smem:$0x3FAC]  }
0x2d: {  	s3 =	simm.s32 $0x108;
	s8 =	sld [smem:$0x3FAD]  }
0x2e: {  	s3 =	simm.s32 @!p0 $0x1082;
	s9 =	sld [smem:$0x3FAE]  }
0x2f: {  	lr =	sadd.s32 s0, s3;
	s0 =	sld [smem:$0x3FA5]  }
0x30: {  	s3 =	sld [smem:$0x3FA8]  }
0x31: {  	[smem:$0x3FB1] =	sst s10  }
0x32: {  	s10 =	sld [smem:$0x3FAF];
	_ =	sdelay $0x3  }
0x33: {  	p0 =	seq.s32 s10, $0x1;
	s10 =	sld [smem:$0x3FB1];
	_ =	sdelay $0x3  }
0x34: {  	[smem:$0x3FB1] =	sst s10  }
0x35: {  	s10 =	sld [smem:$0x3FB0];
	_ =	sdelay $0x3  }
0x36: {  	p1 =	seq.s32 s10, $0x1;
	s10 =	sld [smem:$0x3FB1];
	_ =	sdelay $0x3  }
0x37: {  	[smem:$0x3FB1] =	sst s10  }
0x38: {  	s10 =	sld [smem:$0x3FB2]  }
0x39: {  	_ = 	snop;
	(pc) =	sbr.ind lr, $3  }
0x3a: {  	_ = 	snop  }
0x3b: {  	_ = 	snop  }
0x3c: {  	p2 =	seq.s32 s10, $0x1;
	s10 =	sld [smem:$0x3FB1]  }
0x3d: {  	_ =	shalt  }
0x3e: {  	_ =	shalt  }
0x3f: {  	_ =	shalt  }
0x40: {  	_ =	shalt  }
0x41: {  	_ =	shalt  }
0x42: {  	_ =	shalt  }
0x43: {  	_ =	shalt  }
0x44: {  	_ =	shalt  }
0x45: {  	_ =	shalt  }
0x46: {  	_ =	shalt  }
0x47: {  	_ =	shalt  }
0x48: {  	_ =	shalt  }
0x49: {  	_ =	shalt  }
0x4a: {  	_ =	shalt  }
0x4b: {  	_ =	shalt  }
0x4c: {  	_ =	shalt  }
0x4d: {  	_ =	shalt  }
0x4e: {  	_ =	shalt  }
0x4f: {  	_ =	shalt  }
0x50: {  	_ =	shalt  }
0x51: {  	_ =	shalt  }
0x52: {  	_ =	shalt  }
0x53: {  	_ =	shalt  }
0x54: {  	_ =	shalt  }
0x55: {  	_ =	shalt  }
0x56: {  	_ =	shalt  }
0x57: {  	_ =	shalt  }
0x58: {  	_ =	shalt  }
0x59: {  	_ =	shalt  }
0x5a: {  	_ =	shalt  }
0x5b: {  	_ =	shalt  }
0x5c: {  	_ =	shalt  }
0x5d: {  	_ =	shalt  }
0x5e: {  	_ =	shalt  }
0x5f: {  	_ =	shalt  }
0x60: {  	_ =	shalt  }
0x61: {  	_ =	shalt  }
0x62: {  	_ =	shalt  }
0x63: {  	_ =	shalt  }
0x64: {  	_ =	shalt  }
0x65: {  	_ =	shalt  }
0x66: {  	_ =	shalt  }
0x67: {  	_ =	shalt  }
0x68: {  	_ =	shalt  }
0x69: {  	_ =	shalt  }
0x6a: {  	_ =	shalt  }
0x6b: {  	_ =	shalt  }
0x6c: {  	_ =	shalt  }
0x6d: {  	_ =	shalt  }
0x6e: {  	_ =	shalt  }
0x6f: {  	_ =	shalt  }
0x70: {  	_ =	shalt  }
0x71: {  	_ =	shalt  }
0x72: {  	_ =	shalt  }
0x73: {  	_ =	shalt  }
0x74: {  	_ =	shalt  }
0x75: {  	_ =	shalt  }
0x76: {  	_ =	shalt  }
0x77: {  	_ =	shalt  }
0x78: {  	_ =	shalt  }
0x79: {  	_ =	shalt  }
0x7a: {  	_ =	shalt  }
0x7b: {  	_ =	shalt  }
0x7c: {  	_ =	shalt  }
0x7d: {  	_ =	shalt  }
0x7e: {  	_ =	shalt  }
0x7f: {  	_ =	shalt  }
0x80: {  	_ =	shalt  }
0x81: {  	_ =	shalt  }
0x82: {  	_ =	shalt  }
0x83: {  	_ =	shalt  }
0x84: {  	_ =	shalt  }
0x85: {  	_ =	shalt  }
0x86: {  	_ =	shalt  }
0x87: {  	_ =	shalt  }
.Lfunc_end0:
.L_simem_size_0:
called_computation.1_lowered:
.L_overlay_start_0:
0x88: {  	s2 =	sld [smem:$0x3FD9]  }
0x89: {  	s3 =	sld [smem:$0x3FFE];
	_ =	sdelay $0x1  }
0x8a: {  	s1 =	srdreg.scid  }
0x8b: {  	s0 =	sand.u32 $0x1, s1  }
0x8c: {  	s16 =	sshll.u32 s0, $0xA;
	s2 =	sadd.s32 s3, s2  }
0x8d: {  	s2 =	sadd.s32 s2, s16  }
0x8e: {  	[smem:$0x3FBD] =	sst s2  }
0x8f: {  	_ = 	snop  }
0x90: {  	(tm) =	ssettm $0x1  }
0x91: {  	s17 =	sld [smem:$0x3FFB];
	_ =	sdelay $0x3  }
0x92: {  	_ =	strace s17  }
0x93: {  	s2 =	sld [smem:$0x3FFC];
	_ =	sdelay $0x3  }
0x94: {  	_ =	strace s2  }
0x95: {  	s2 =	sld [smem:$0x3FFD];
	_ =	sdelay $0x3  }
0x96: {  	_ =	strace s2  }
0x97: {  	_ =	strace $0x8FFFFFFF  }
0x98: {  	s18 =	sld [smem:$0x3FDB];
	_ =	sdelay $0x1  }
0x99: {  	s19 =	simm.s32 $_scs_section_size  }
0x9a: {  	s4 =	simm.s32 $_size__tile_overlayer_lowered;
	s5 =	simm.s32 $_tile_overlayer_lowered  }
0x9b: {  	s22 =	simm.s32 $0x1BFF;
	s21 =	sshll.u32 s5, $0x1;
	s2 =	sadd.s32 s19, s18  }
0x9c: {  	s6 =	simm.s32 $0x0;
	s20 =	sshll.u32 s4, $0x1;
	s4 =	sadd.s32 s21, s2  }
0x9d: {  	[timem:s6], [sflag:s22] =	dma.local [hbm:s4], s20  }
0x9e: {  	_ =	swait.ge [sflag:s22], s20  }
0x9f: {  	s3 =	ssub.s32 $0x0, s20;
	[sflag:s22] =	ssyncset.done $0x0  }
0xa0: {  	[sflag:s22] =	ssyncadd.s32 s3;
	_ =	sdelay $0x1  }
0xa1: {  	s23 =	simm.s32 $0x1B8B  }
0xa2: {  	_ =	swait.ge [sflag:s23], $0x1  }
0xa3: {  	[sflag:s23] =	ssyncset.done $0x0  }
0xa4: {  	s25 =	simm.s32 $0x1B8E;
	s24 =	sld [smem:$0x3FFE];
	[sflag:s23] =	ssyncadd.s32 $0xFFFFFFFF  }
0xa5: {  	s26 =	simm.s32 $execute0_lowered;
	[smem:$0x3FD2] =	sst s25  }
0xa6: {  	s4 =	sshll.u32 s26, $0x1;
	_ =	strace $0x80000046;
	[dreg:$0x1] =	wrdreg $0xFFFFFFFF  }
0xa7: {  	s28 =	simm.s32 $_size_execute0_lowered;
	s2 =	sadd.s32 s2, s4;
	[dreg:$0x0] =	wrdreg $0x0  }
0xa8: {  	s4 =	sshll.u32 s28, $0x1;
	[dreg:$0x2] =	wrdreg s2  }
0xa9: {  	[dreg:$0x3] =	wrdreg s4  }
0xaa: {  	[dreg:$0x4] =	wrdreg $0xC0  }
0xab: {  	_ =	task [dreg:s6], $0x5FFFF  }
0xac: {  	[dreg:$0x1] =	wrdreg $0xFFFFFFFF  }
0xad: {  	[dreg:$0x0] =	wrdreg $0x60  }
0xae: {  	[dreg:$0x2] =	wrdreg s24  }
0xaf: {  	[dreg:$0x3] =	wrdreg $0x150000  }
0xb0: {  	[dreg:$0x4] =	wrdreg $0xA  }
0xb1: {  	_ =	task.clear_ibuf [dreg:s6], $0x5FFFF;
	_ =	strace $0x90000046  }
0xb2: {  	s29 =	simm.s32 $0xA;
	_ =	strace $0x80000048  }
0xb3: {  	_ =	swait.ge [sflag:s29], $0x1  }
0xb4: {  	[sflag:s29] =	ssyncadd.s32 $0xFFFFFFFF  }
0xb5: {  	_ =	strace $0x90000048  }
0xb6: {  	_ =	sfence  }
0xb7: {  	s30 =	sld [smem:$0x0];
	_ =	sdelay $0x2  }
0xb8: {  	s31 =	sshll.u32 s1, $0xD;
	s1 =	sshrl.u32 s1, $0x2  }
0xb9: {  	s3 =	sand.u32 $0x4000, s31;
	s1 =	sadd.s32 s1, s30  }
0xba: {  	s0 =	sor.u32 s3, s0;
	s1 =	sshll.u32 s1, $0x11  }
0xbb: {  	s0 =	sor.u32 s1, s0  }
0xbc: {  	s0 =	sadd.s32 $0x8F2B, s0  }
0xbd: {  	[sflag:s0] =	ssyncadd.remote.s32 $0x1  }
0xbe: {  	_ =	sfence.sel $0xFFFF  }
0xbf: {  	[dreg:$0x0] =	wrdreg $0xFFFFFFFF;
	(pc) =	sbr.abs _section_cstart, $3  }
0xc0: {  	[dreg:$0x1] =	wrdreg $0xFFFFFFFF  }
0xc1: {  	_ =	task.clear_ibuf [dreg:s6], $0x2FFFF;
	_ =	strace $0x9FFFFFFF  }
0xc2: {  	(tm) =	ssettm $0x7FFFFFFF  }
0xc3: {  	_ =	shalt  }
tec
execute0_lowered:
.L_overlay_start_1:
0x0: {  	(tag) =	ssettag $0x1  }
0x1: {  	s0 =	srdreg.scid  }
0x2: {  	s8 =	stileid.u32;
	s3 =	rddreg [dreg:$0x0]  }
0x3: {  	s2 =	rddreg [dreg:$0x1];
	s4 =	simm.s32 $0x0;
	s10 =	simm.s32 $0x11  }
0x4: {  	s14 =	simm.s32 $0x80;
	s15 =	simm.s32 $0x5000;
	s16 =	simm.s32 $0x7000  }
0x5: {  	s18 =	simm.s32 $0x9000;
	s20 =	simm.s32 $0xB000;
	s21 =	simm.s32 $0x1  }
0x6: {  	s22 =	simm.s32 $0xD000;
	s28 =	simm.s32 $0x4;
	s29 =	simm.s32 $0x13000  }
0x7: {  	s30 =	simm.s32 $0x5;
	s31 =	simm.s32 $0x7;
	s17 =	simm.s32 $0xB  }
0x8: {  	s19 =	simm.s32 $0xC;
	s9 =	simm.s32 $0x0;
	s0 =	sand.u32 $0x1, s0  }
0x9: {  	s1 =	sshll.u32 s8, $0x1;
	s5 =	smul.u32 $0xA000, s8;
	[smem:$0x7FF] =	sst s4  }
0xa: {  	s4 =	sadd.s32 $0x16400, s3;
	s7 =	sadd.s32 $0x175E00, s3;
	s26 =	sshll.u32 s8, $0x6  }
0xb: {  	s8 =	simm.s32 $0x10;
	s1 =	sor.u32 s0, s1;
	s6 =	smul.u32 $0xA0000, s0  }
0xc: {  	_ =	strace $0x80000047;
	s0 =	ssub.s32 $0x2, s0;
	[dreg:$0x3] =	wrdreg s7  }
0xd: {  	s12 =	sor.u32 $0x1C11, s26;
	s26 =	simm.s32 $0x11000;
	s1 =	smul.u32 $0x500, s1  }
0xe: {  	s23 =	sshrl.u32 s0, $0x1;
	s25 =	sadd.s32 s5, s2;
	s6 =	sadd.s32 s5, s6  }
0xf: {  	s0 =	ssub.s32 s0, s23;
	s13 =	sshrl.u32 s25, $0x3;
	s23 =	simm.s32 $0x2  }
.Ltmp0:
0x10: {  	s1 =	sadd.s32 s1, s3;
	s0 =	smax.u32 s0, $0x1;
	(pc) =	sbr.rel .LBB2_1-.Ltmp0, $4  }
0x11: {  	s6 =	sshrl.u32 s6, $0x3;
	s24 =	sadd.s32 $0xC400, s1;
	[dreg:$0x7] =	wrdreg s0  }
0x12: {  	s3 =	sadd.s32 s6, s3;
	s1 =	sadd.s32 $0x2400, s1;
	[dreg:$0x4] =	wrdreg s24  }
0x13: {  	s25 =	simm.s32 $0x3;
	[dreg:$0x5] =	wrdreg s1;
	s3 =	sadd.s32 $0x177200, s3  }
0x14: {  	s24 =	simm.s32 $0xF000;
	s1 =	simm.s32 $0x8;
	[dreg:$0x6] =	wrdreg s3  }
.LBB2_4:
0x15: {  	_ =	swait.ge [sflag:s1], $0x2000  }
0x16: {  	[sflag:s1] =	ssyncset.done $0x0  }
0x17: {  	s0 =	simm.s32 $0x9;
	[sflag:s1] =	ssyncadd.s32 $0xFFFFE000  }
0x18: {  	[spmem:s2] =	stream.indirect.scatter.add.f32 [tilespmem:s29], [sflag:$0x10], $0x40, s11, s14, $0xb8;
	[tilespmem:$0x1F000] =	vst v63  }
0x19: {  	_ =	swait.ge [sflag:s0], $0x2000  }
0x1a: {  	[sflag:s0] =	ssyncset.done $0x0  }
0x1b: {  	s11 =	simm.s32 $0xA;
	[sflag:s0] =	ssyncadd.s32 $0xFFFFE000  }
0x1c: {  	_ =	swait.ge [sflag:s11], $0x2000  }
0x1d: {  	[sflag:s11] =	ssyncset.done $0x0  }
0x1e: {  	[sflag:s11] =	ssyncadd.s32 $0xFFFFE000  }
0x1f: {  	_ =	swait.ge [sflag:s17], $0x2000  }
0x20: {  	[sflag:s17] =	ssyncset.done $0x0  }
0x21: {  	[sflag:s17] =	ssyncadd.s32 $0xFFFFE000  }
0x22: {  	_ =	swait.ge [sflag:s19], $0x2000  }
0x23: {  	[sflag:s19] =	ssyncset.done $0x0  }
0x24: {  	s3 =	simm.s32 $0xD;
	[sflag:s19] =	ssyncadd.s32 $0xFFFFE000  }
0x25: {  	_ =	swait.ge [sflag:s3], $0x2000  }
0x26: {  	[sflag:s3] =	ssyncset.done $0x0  }
0x27: {  	s5 =	simm.s32 $0xE;
	[sflag:s3] =	ssyncadd.s32 $0xFFFFE000  }
0x28: {  	_ =	swait.ge [sflag:s5], $0x2000  }
0x29: {  	[sflag:s5] =	ssyncset.done $0x0  }
0x2a: {  	s6 =	simm.s32 $0xF;
	[sflag:s5] =	ssyncadd.s32 $0xFFFFE000  }
0x2b: {  	_ =	swait.ge [sflag:s6], $0x2000  }
0x2c: {  	[sflag:s6] =	ssyncset.done $0x0  }
0x2d: {  	[sflag:s6] =	ssyncadd.s32 $0xFFFFE000  }
0x2e: {  	_ =	swait.ge [sflag:s8], $0x2000  }
0x2f: {  	[sflag:s8] =	ssyncset.done $0x0  }
0x30: {  	[sflag:s8] =	ssyncadd.s32 $0xFFFFE000  }
0x31: {  	[bflag:$0x0] =	sbarrier.arrive $0xFFFF  }
0x32: {  	s7 =	rddreg [dreg:$0x6]  }
0x33: {  	[hbm:s7], [sflag:s12] =	dma.local [spmem:s13], $0x1400  }
0x34: {  	_ =	swait.ge [sflag:s10], $0x1400  }
0x35: {  	s9 =	sadd.s32 $0x1, s9;
	s11 =	rddreg [dreg:$0x7]  }
0x36: {  	p0 =	sne.s32 s9, s11  }
.Ltmp1:
0x37: {  	_ = 	snop;
	(pc) =	sbr.rel @!p0 .LBB2_5-.Ltmp1, $3  }
0x38: {  	_ =	sdelay $0x1  }
0x39: {  	[sflag:s10] =	ssyncset.done $0x0  }
0x3a: {  	[sflag:s10] =	ssyncadd.s32 $0xFFFFEC00  }
.LBB2_1:
0x3b: {  	s0 =	simm.s32 $0x0;
	s3 =	rddreg [dreg:$0x4]  }
0x3c: {  	[tilespmem:s0], [sflag:$0x11] =	stream.linear.gather [hbm4b:s3+s0], $0x2800, $0x38;
	[tilespmem:$0x1F000] =	vst v63  }
0x3d: {  	_ =	swait.ge [sflag:s10], $0x2800  }
0x3e: {  	[sflag:s10] =	ssyncset.done $0x0  }
0x3f: {  	s5 =	simm.s32 $0x2800;
	s11 =	rddreg [dreg:$0x5];
	[sflag:s10] =	ssyncadd.s32 $0xFFFFD800  }
0x40: {  	[tilespmem:s5], [sflag:$0x11] =	stream.linear.gather [hbm4b:s11+s0], $0x2800, $0x38;
	[tilespmem:$0x1F000] =	vst v63  }
0x41: {  	_ =	swait.ge [sflag:s10], $0x2800  }
0x42: {  	[sflag:s10] =	ssyncset.done $0x0  }
0x43: {  	s6 =	rddreg [dreg:$0x3];
	[sflag:s10] =	ssyncadd.s32 $0xFFFFD800  }
0x44: {  	[spmem:s13], [sflag:s12] =	dma.local [hbm:s6], $0x1400  }
0x45: {  	_ =	swait.ge [sflag:s10], $0x1400  }
0x46: {  	[sflag:s10] =	ssyncset.done $0x0  }
0x47: {  	[sflag:s10] =	ssyncadd.s32 $0xFFFFEC00  }
0x48: {  	[bflag:$0x0] =	sbarrier.arrive $0xFFFF  }
0x49: {  	[tilespmem:s15], [sflag:$0x1] =	stream.indirect.gather [hbm4b:s4+s14], $0x40, s0, s14, $0xb8;
	[tilespmem:$0x1F000] =	vst v63  }
0x4a: {  	_ = 	snop  }
0x4b: {  	[tilespmem:s16], [sflag:$0x2] =	stream.indirect.gather [hbm4b:s4+s14], $0x40, s14, s14, $0xb8;
	[tilespmem:$0x1F000] =	vst v63  }
0x4c: {  	s7 =	simm.s32 $0x100  }
0x4d: {  	[tilespmem:s18], [sflag:$0x3] =	stream.indirect.gather [hbm4b:s4+s14], $0x40, s7, s14, $0xb8;
	[tilespmem:$0x1F000] =	vst v63  }
0x4e: {  	s3 =	simm.s32 $0x0;
	s11 =	simm.s32 $0x180  }
0x4f: {  	[tilespmem:s20], [sflag:$0x4] =	stream.indirect.gather [hbm4b:s4+s14], $0x40, s11, s14, $0xb8;
	[tilespmem:$0x1F000] =	vst v63  }
.LBB2_2:
0x50: {  	_ =	swait.ge [sflag:s21], $0x2000  }
0x51: {  	s0 =	sshra.s32 s3, $0x2;
	[sflag:s21] =	ssyncset.done $0x0  }
0x52: {  	p0 =	seq.s32 s3, $0x0;
	s11 =	sadd.s32 $0x2800, s0;
	[sflag:s21] =	ssyncadd.s32 $0xFFFFE000  }
0x53: {  	[spmem:s2] =	stream.indirect.scatter.add.f32 [tilespmem:s15], [sflag:$0x9], $0x40, s11, s14, $0xb8;
	[tilespmem:$0x1F000] =	vst v63  }
0x54: {  	s11 =	simm.s32 @!p0 $0xD  }
0x55: {  	_ =	swait.ge @!p0 [sflag:s11], $0x2000  }
0x56: {  	[sflag:s11] =	ssyncset.done @!p0 $0x0  }
0x57: {  	s6 =	sadd.s32 $0x200, s0;
	[sflag:s11] =	ssyncadd.s32 @!p0 $0xFFFFE000  }
0x58: {  	[tilespmem:s22], [sflag:$0x5] =	stream.indirect.gather [hbm4b:s4+s14], $0x40, s6, s14, $0xb8;
	[tilespmem:$0x1F000] =	vst v63  }
0x59: {  	_ =	swait.ge [sflag:s23], $0x2000  }
0x5a: {  	[sflag:s23] =	ssyncset.done $0x0  }
0x5b: {  	s7 =	sadd.s32 $0x2880, s0;
	s11 =	simm.s32 @!p0 $0xE;
	[sflag:s23] =	ssyncadd.s32 $0xFFFFE000  }
0x5c: {  	[spmem:s2] =	stream.indirect.scatter.add.f32 [tilespmem:s16], [sflag:$0xA], $0x40, s7, s14, $0xb8;
	[tilespmem:$0x1F000] =	vst v63  }
0x5d: {  	_ =	swait.ge @!p0 [sflag:s11], $0x2000  }
0x5e: {  	[sflag:s11] =	ssyncset.done @!p0 $0x0  }
0x5f: {  	s5 =	sadd.s32 $0x280, s0;
	[sflag:s11] =	ssyncadd.s32 @!p0 $0xFFFFE000  }
0x60: {  	[tilespmem:s24], [sflag:$0x6] =	stream.indirect.gather [hbm4b:s4+s14], $0x40, s5, s14, $0xb8;
	[tilespmem:$0x1F000] =	vst v63  }
0x61: {  	_ =	swait.ge [sflag:s25], $0x2000  }
0x62: {  	[sflag:s25] =	ssyncset.done $0x0  }
0x63: {  	s6 =	sadd.s32 $0x2900, s0;
	s11 =	simm.s32 @!p0 $0xF;
	[sflag:s25] =	ssyncadd.s32 $0xFFFFE000  }
0x64: {  	[spmem:s2] =	stream.indirect.scatter.add.f32 [tilespmem:s18], [sflag:$0xB], $0x40, s6, s14, $0xb8;
	[tilespmem:$0x1F000] =	vst v63  }
0x65: {  	_ =	swait.ge @!p0 [sflag:s11], $0x2000  }
0x66: {  	[sflag:s11] =	ssyncset.done @!p0 $0x0  }
0x67: {  	s7 =	sadd.s32 $0x300, s0;
	[sflag:s11] =	ssyncadd.s32 @!p0 $0xFFFFE000  }
0x68: {  	[tilespmem:s26], [sflag:$0x7] =	stream.indirect.gather [hbm4b:s4+s14], $0x40, s7, s14, $0xb8;
	[tilespmem:$0x1F000] =	vst v63  }
0x69: {  	_ =	swait.ge [sflag:s28], $0x2000  }
0x6a: {  	[sflag:s28] =	ssyncset.done $0x0  }
0x6b: {  	s5 =	sadd.s32 $0x2980, s0;
	s11 =	simm.s32 @!p0 $0x10;
	[sflag:s28] =	ssyncadd.s32 $0xFFFFE000  }
0x6c: {  	[spmem:s2] =	stream.indirect.scatter.add.f32 [tilespmem:s20], [sflag:$0xC], $0x40, s5, s14, $0xb8;
	[tilespmem:$0x1F000] =	vst v63  }
0x6d: {  	_ =	swait.ge @!p0 [sflag:s11], $0x2000  }
0x6e: {  	[sflag:s11] =	ssyncset.done @!p0 $0x0  }
0x6f: {  	s6 =	sadd.s32 $0x380, s0;
	[sflag:s11] =	ssyncadd.s32 @!p0 $0xFFFFE000  }
0x70: {  	[tilespmem:s29], [sflag:$0x8] =	stream.indirect.gather [hbm4b:s4+s14], $0x40, s6, s14, $0xb8;
	[tilespmem:$0x1F000] =	vst v63  }
0x71: {  	_ =	swait.ge [sflag:s30], $0x2000  }
0x72: {  	p0 =	seq.s32 s3, $0x9000;
	[sflag:s30] =	ssyncset.done $0x0  }
0x73: {  	s7 =	sadd.s32 $0x2A00, s0;
	s11 =	simm.s32 @p0 $0x6;
	[sflag:s30] =	ssyncadd.s32 $0xFFFFE000  }
0x74: {  	[spmem:s2] =	stream.indirect.scatter.add.f32 [tilespmem:s22], [sflag:$0xD], $0x40, s7, s14, $0xb8;
	[tilespmem:$0x1F000] =	vst v63  }
0x75: {  	_ =	swait.ge @p0 [sflag:s11], $0x2000  }
0x76: {  	[sflag:s11] =	ssyncset.done @p0 $0x0  }
0x77: {  	[sflag:s11] =	ssyncadd.s32 @p0 $0xFFFFE000;
	s11 =	sshra.s32 @p0 s3, $0x2  }
0x78: {  	s5 =	simm.s32 @p0 $0x80;
	s6 =	simm.s32 @p0 $0xF000;
	s11 =	sadd.s32 @p0 $0x2A80, s11  }
0x79: {  	[spmem:s2] =	stream.indirect.scatter.add.f32 @p0 [tilespmem:s6], [sflag:$0xE], $0x40, s11, s5, $0xb8;
	[tilespmem:$0x1F000] =	vst v63  }
0x7a: {  	s5 =	simm.s32 @!p0 $0x9  }
0x7b: {  	_ =	swait.ge @!p0 [sflag:s5], $0x2000  }
0x7c: {  	[sflag:s5] =	ssyncset.done @!p0 $0x0  }
0x7d: {  	[sflag:s5] =	ssyncadd.s32 @!p0 $0xFFFFE000;
	s5 =	sshra.s32 @!p0 s3, $0x2  }
0x7e: {  	s7 =	simm.s32 @!p0 $0x5000;
	s11 =	simm.s32 @!p0 $0x80;
	s6 =	sadd.s32 @!p0 $0x400, s5  }
0x7f: {  	[tilespmem:s7], [sflag:$0x1] =	stream.indirect.gather @!p0 [hbm4b:s4+s11], $0x40, s6, s11, $0xb8;
	[tilespmem:$0x1F000] =	vst v63  }
0x80: {  	s6 =	simm.s32 @!p0 $0x6  }
0x81: {  	_ =	swait.ge @!p0 [sflag:s6], $0x2000  }
0x82: {  	[sflag:s6] =	ssyncset.done @!p0 $0x0  }
0x83: {  	s7 =	simm.s32 @!p0 $0xF000;
	[sflag:s6] =	ssyncadd.s32 @!p0 $0xFFFFE000;
	s6 =	sadd.s32 @!p0 $0x2A80, s5  }
0x84: {  	[spmem:s2] =	stream.indirect.scatter.add.f32 @!p0 [tilespmem:s7], [sflag:$0xE], $0x40, s6, s11, $0xb8;
	[tilespmem:$0x1F000] =	vst v63  }
0x85: {  	s6 =	simm.s32 @!p0 $0xA  }
0x86: {  	_ =	swait.ge @!p0 [sflag:s6], $0x2000  }
0x87: {  	[sflag:s6] =	ssyncset.done @!p0 $0x0  }
0x88: {  	s5 =	sadd.s32 @!p0 $0x480, s5;
	[sflag:s6] =	ssyncadd.s32 @!p0 $0xFFFFE000;
	s6 =	simm.s32 @!p0 $0x7000  }
0x89: {  	[tilespmem:s6], [sflag:$0x2] =	stream.indirect.gather @!p0 [hbm4b:s4+s11], $0x40, s5, s11, $0xb8;
	[tilespmem:$0x1F000] =	vst v63  }
.Ltmp2:
0x8a: {  	_ =	swait.ge [sflag:s31], $0x2000;
	(pc) =	sbr.rel @p0 .LBB2_4-.Ltmp2, $4  }
0x8b: {  	[sflag:s31] =	ssyncset.done $0x0  }
0x8c: {  	s11 =	sadd.s32 $0x2B00, s0;
	[sflag:s31] =	ssyncadd.s32 $0xFFFFE000  }
0x8d: {  	[spmem:s2] =	stream.indirect.scatter.add.f32 [tilespmem:s26], [sflag:$0xF], $0x40, s11, s14, $0xb8;
	[tilespmem:$0x1F000] =	vst v63  }
0x8e: {  	s11 =	sadd.s32 $0x2B80, s0  }
0x8f: {  	_ =	swait.ge [sflag:s17], $0x2000  }
0x90: {  	[sflag:s17] =	ssyncset.done $0x0  }
0x91: {  	s5 =	sadd.s32 $0x500, s0;
	[sflag:s17] =	ssyncadd.s32 $0xFFFFE000  }
0x92: {  	[tilespmem:s18], [sflag:$0x3] =	stream.indirect.gather [hbm4b:s4+s14], $0x40, s5, s14, $0xb8;
	[tilespmem:$0x1F000] =	vst v63  }
0x93: {  	_ =	swait.ge [sflag:s1], $0x2000  }
0x94: {  	[sflag:s1] =	ssyncset.done $0x0  }
0x95: {  	[sflag:s1] =	ssyncadd.s32 $0xFFFFE000  }
0x96: {  	[spmem:s2] =	stream.indirect.scatter.add.f32 [tilespmem:s29], [sflag:$0x10], $0x40, s11, s14, $0xb8;
	[tilespmem:$0x1F000] =	vst v63  }
.Ltmp3:
0x97: {  	_ = 	snop;
	(pc) =	sbr.rel .LBB2_2-.Ltmp3, $4  }
0x98: {  	_ =	swait.ge [sflag:s19], $0x2000  }
0x99: {  	[sflag:s19] =	ssyncset.done $0x0  }
0x9a: {  	s3 =	sadd.s32 $0x1000, s3;
	s11 =	sadd.s32 $0x580, s0;
	[sflag:s19] =	ssyncadd.s32 $0xFFFFE000  }
0x9b: {  	[tilespmem:s20], [sflag:$0x4] =	stream.indirect.gather [hbm4b:s4+s14], $0x40, s11, s14, $0xb8;
	[tilespmem:$0x1F000] =	vst v63  }
.LBB2_5:
0x9c: {  	_ =	sfence.sel $0x180000  }
0x9d: {  	[bflag:$0x0] =	sbarrier.arrive $0xFFFF  }
0x9e: {  	_ =	strace $0x90000047  }
0x9f: {  	s0 =	stileid.u32;
	[bflag:$0x2] =	sbarrier.arrive $0xFFFF  }
0xa0: {  	p0 =	sne.s32 s0, $0x0;
	s0 =	rddreg [dreg:$0x2]  }
0xa1: {  	s0 =	sadd.s32 @!p0 $0x100000, s0  }
0xa2: {  	[sflag:s0] =	ssyncadd.tile.s32 @!p0 $0x1;
	_ =	shalt  }
.Lfunc_end2:
_tile_overlayer_lowered:
.L_overlay_start_2:
0xa3: {  	(tag) =	ssettag $0x2  }
0xa4: {  	s0 =	rddreg [dreg:$0x0];
	s2 =	stileid.u32  }
0xa5: {  	s1 =	rddreg [dreg:$0x1];
	p0 =	sne.s32 s2, $0x0  }
0xa6: {  	s3 =	rddreg [dreg:$0x2];
	[bflag:$0x3] =	sbarrier.arrive $0xFFFF;
	s2 =	simm.s32 @!p0 $0x1C11  }
0xa7: {  	[timem:s3], [sflag:s2] =	dma.local @!p0 [hbm:s0], s1  }
0xa8: {  	s0 =	simm.s32 @!p0 $0x11  }
0xa9: {  	_ =	swait.ge @!p0 [sflag:s0], s1  }
0xaa: {  	s1 =	ssub.s32 @!p0 $0x0, s1;
	[sflag:s0] =	ssyncset.done @!p0 $0x0  }
0xab: {  	[sflag:s0] =	ssyncadd.s32 @!p0 s1  }
0xac: {  	[bflag:$0x3] =	sbarrier.arrive $0xFFFF  }
0xad: {  	_ =	shalt  }

// kernel: kernel.15.cloned.1.call-start
scs
__scs_entry_jumppad:
0x0: {  	(pc) =	sbr.rel $0x88, $3  }
0x1: {  	(tag) =	ssettag $0x0;
	lr =	simm.s32 $0x1  }
0x2: {  	[smem:$0x3F96] =	sst lr;
	_ =	strace $0xD0000000  }
0x3: {  	_ = 	snop  }
0x4: {  	_ = 	snop  }
0x5: {  	_ = 	snop  }
0x6: {  	_ = 	snop  }
0x7: {  	_ = 	snop  }
__scs_overlays_trampoline_lowered:
0x8: {  	[smem:$0x3FA5] =	sst s0  }
0x9: {  	[smem:$0x3FA6] =	sst s1  }
0xa: {  	[smem:$0x3FA7] =	sst s2  }
0xb: {  	[smem:$0x3FA8] =	sst s3  }
0xc: {  	[smem:$0x3FA9] =	sst s4  }
0xd: {  	[smem:$0x3FAA] =	sst s5  }
0xe: {  	[smem:$0x3FAB] =	sst s6  }
0xf: {  	[smem:$0x3FAC] =	sst s7  }
0x10: {  	[smem:$0x3FAD] =	sst s8  }
0x11: {  	[smem:$0x3FAE] =	sst s9;
	s0 =	simm.s32 @!p0 $0x0  }
0x12: {  	s1 =	sld [smem:$0x3F94];
	s0 =	simm.s32 @p0 $0x1  }
0x13: {  	[smem:$0x3FAF] =	sst s0;
	s0 =	simm.s32 @!p1 $0x0  }
0x14: {  	s2 =	sld [smem:$0x3F93];
	s0 =	simm.s32 @p1 $0x1  }
0x15: {  	[smem:$0x3FB0] =	sst s0;
	s0 =	simm.s32 @!p2 $0x0  }
0x16: {  	s3 =	sld [smem:$0x3FDB];
	s0 =	simm.s32 @p2 $0x1  }
0x17: {  	s4 =	simm.s32 $0x1BF5;
	[smem:$0x3FB2] =	sst s0  }
0x18: {  	s0 =	sld [smem:$0x3F95];
	_ =	swait.ge [sflag:s4], $0x0  }
0x19: {  	s7 =	sld [smem:$0x3F96]  }
0x1a: {  	s8 =	sadd.s32 $0xFFFFE003, lr  }
0x1b: {  	s9 =	sadd.s32 $0xFFFFFEF7, lr;
	s5 =	simm.s32 $0xFFFFFFFF;
	p2 =	slt.u32 s8, $0xFFFFF086  }
0x1c: {  	p1 =	slt.u32 s9, $0xF7A;
	s5 =	simm.s32 @!p2 $0x0  }
0x1d: {  	s5 =	simm.s32 @p1 $0x1;
	p0 =	seq.s32 s7, s2  }
0x1e: {  	s7 =	smul.u32 @!p0 $0xF7A, s2;
	p2 =	seq.s32 @!p0 s5, $0x0  }
0x1f: {  	s9 =	smul.u32 $0xF7A, s1;
	s8 =	simm.s32 @!p0 $0x1BF5;
	p2 =	por !p2, p0  }
0x20: {  	[sflag:s8] =	ssyncset.s32 @!p0 $0xFFFFF086;
	s6 =	sadd.s32 @!p0 s3, s7;
	s7 =	simm.s32 @!p0 $0x108  }
0x21: {  	s3 =	sadd.s32 s3, s9;
	s6 =	sadd.s32 @!p0 $0x88, s6;
	s7 =	simm.s32 @p2 $0x1082  }
0x22: {  	[simem:s7], [sflag:s8] =	dma.local @!p0 [hbm:s6], $0xF7A  }
0x23: {  	s9 =	sor.u32 $0xD0000000, s2;
	s6 =	simm.s32 $0x108;
	_ =	swait.ge @!p0 [sflag:s8], $0x0  }
0x24: {  	s3 =	sadd.s32 $0x88, s3;
	s6 =	simm.s32 @!p1 $0x1082;
	[sflag:s4] =	ssyncset.s32 $0xFFFFF086  }
0x25: {  	[simem:s6], [sflag:s4] =	dma.local [hbm:s3], $0xF7A  }
0x26: {  	[smem:$0x3F96] =	sst s1;
	(tag) =	ssettag s2;
	_ =	strace s9  }
0x27: {  	s1 =	sld [smem:$0x3FA6]  }
0x28: {  	s2 =	sld [smem:$0x3FA7]  }
0x29: {  	s4 =	sld [smem:$0x3FA9]  }
0x2a: {  	p0 =	seq.s32 s5, $0x0;
	s5 =	sld [smem:$0x3FAA]  }
0x2b: {  	s6 =	sld [smem:$0x3FAB]  }
0x2c: {  	s7 =	sld [smem:$0x3FAC]  }
0x2d: {  	s3 =	simm.s32 $0x108;
	s8 =	sld [smem:$0x3FAD]  }
0x2e: {  	s3 =	simm.s32 @!p0 $0x1082;
	s9 =	sld [smem:$0x3FAE]  }
0x2f: {  	lr =	sadd.s32 s0, s3;
	s0 =	sld [smem:$0x3FA5]  }
0x30: {  	s3 =	sld [smem:$0x3FA8]  }
0x31: {  	[smem:$0x3FB1] =	sst s10  }
0x32: {  	s10 =	sld [smem:$0x3FAF];
	_ =	sdelay $0x3  }
0x33: {  	p0 =	seq.s32 s10, $0x1;
	s10 =	sld [smem:$0x3FB1];
	_ =	sdelay $0x3  }
0x34: {  	[smem:$0x3FB1] =	sst s10  }
0x35: {  	s10 =	sld [smem:$0x3FB0];
	_ =	sdelay $0x3  }
0x36: {  	p1 =	seq.s32 s10, $0x1;
	s10 =	sld [smem:$0x3FB1];
	_ =	sdelay $0x3  }
0x37: {  	[smem:$0x3FB1] =	sst s10  }
0x38: {  	s10 =	sld [smem:$0x3FB2]  }
0x39: {  	_ = 	snop;
	(pc) =	sbr.ind lr, $3  }
0x3a: {  	_ = 	snop  }
0x3b: {  	_ = 	snop  }
0x3c: {  	p2 =	seq.s32 s10, $0x1;
	s10 =	sld [smem:$0x3FB1]  }
0x3d: {  	_ =	shalt  }
0x3e: {  	_ =	shalt  }
0x3f: {  	_ =	shalt  }
0x40: {  	_ =	shalt  }
0x41: {  	_ =	shalt  }
0x42: {  	_ =	shalt  }
0x43: {  	_ =	shalt  }
0x44: {  	_ =	shalt  }
0x45: {  	_ =	shalt  }
0x46: {  	_ =	shalt  }
0x47: {  	_ =	shalt  }
0x48: {  	_ =	shalt  }
0x49: {  	_ =	shalt  }
0x4a: {  	_ =	shalt  }
0x4b: {  	_ =	shalt  }
0x4c: {  	_ =	shalt  }
0x4d: {  	_ =	shalt  }
0x4e: {  	_ =	shalt  }
0x4f: {  	_ =	shalt  }
0x50: {  	_ =	shalt  }
0x51: {  	_ =	shalt  }
0x52: {  	_ =	shalt  }
0x53: {  	_ =	shalt  }
0x54: {  	_ =	shalt  }
0x55: {  	_ =	shalt  }
0x56: {  	_ =	shalt  }
0x57: {  	_ =	shalt  }
0x58: {  	_ =	shalt  }
0x59: {  	_ =	shalt  }
0x5a: {  	_ =	shalt  }
0x5b: {  	_ =	shalt  }
0x5c: {  	_ =	shalt  }
0x5d: {  	_ =	shalt  }
0x5e: {  	_ =	shalt  }
0x5f: {  	_ =	shalt  }
0x60: {  	_ =	shalt  }
0x61: {  	_ =	shalt  }
0x62: {  	_ =	shalt  }
0x63: {  	_ =	shalt  }
0x64: {  	_ =	shalt  }
0x65: {  	_ =	shalt  }
0x66: {  	_ =	shalt  }
0x67: {  	_ =	shalt  }
0x68: {  	_ =	shalt  }
0x69: {  	_ =	shalt  }
0x6a: {  	_ =	shalt  }
0x6b: {  	_ =	shalt  }
0x6c: {  	_ =	shalt  }
0x6d: {  	_ =	shalt  }
0x6e: {  	_ =	shalt  }
0x6f: {  	_ =	shalt  }
0x70: {  	_ =	shalt  }
0x71: {  	_ =	shalt  }
0x72: {  	_ =	shalt  }
0x73: {  	_ =	shalt  }
0x74: {  	_ =	shalt  }
0x75: {  	_ =	shalt  }
0x76: {  	_ =	shalt  }
0x77: {  	_ =	shalt  }
0x78: {  	_ =	shalt  }
0x79: {  	_ =	shalt  }
0x7a: {  	_ =	shalt  }
0x7b: {  	_ =	shalt  }
0x7c: {  	_ =	shalt  }
0x7d: {  	_ =	shalt  }
0x7e: {  	_ =	shalt  }
0x7f: {  	_ =	shalt  }
0x80: {  	_ =	shalt  }
0x81: {  	_ =	shalt  }
0x82: {  	_ =	shalt  }
0x83: {  	_ =	shalt  }
0x84: {  	_ =	shalt  }
0x85: {  	_ =	shalt  }
0x86: {  	_ =	shalt  }
0x87: {  	_ =	shalt  }
.Lfunc_end0:
.L_simem_size_0:
called_computation.2_lowered:
.L_overlay_start_0:
0x88: {  	s2 =	sld [smem:$0x3FD9]  }
0x89: {  	s3 =	sld [smem:$0x3FFE];
	_ =	sdelay $0x1  }
0x8a: {  	s1 =	srdreg.scid  }
0x8b: {  	s0 =	sand.u32 $0x1, s1  }
0x8c: {  	s17 =	sshll.u32 s0, $0xA;
	s2 =	sadd.s32 s3, s2  }
0x8d: {  	s2 =	sadd.s32 s2, s17  }
0x8e: {  	[smem:$0x3FBD] =	sst s2  }
0x8f: {  	_ = 	snop  }
0x90: {  	(tm) =	ssettm $0x1  }
0x91: {  	s18 =	sld [smem:$0x3FFB];
	_ =	sdelay $0x3  }
0x92: {  	_ =	strace s18  }
0x93: {  	s2 =	sld [smem:$0x3FFC];
	_ =	sdelay $0x3  }
0x94: {  	_ =	strace s2  }
0x95: {  	s2 =	sld [smem:$0x3FFD];
	_ =	sdelay $0x3  }
0x96: {  	_ =	strace s2  }
0x97: {  	_ =	strace $0x8FFFFFFF  }
0x98: {  	s19 =	sld [smem:$0x3FDB];
	_ =	sdelay $0x1  }
0x99: {  	s20 =	simm.s32 $_scs_section_size  }
0x9a: {  	s4 =	simm.s32 $_size__tile_overlayer_lowered;
	s5 =	simm.s32 $_tile_overlayer_lowered  }
0x9b: {  	s6 =	simm.s32 $0x1BFF;
	s21 =	sshll.u32 s5, $0x1;
	s3 =	sadd.s32 s20, s19  }
0x9c: {  	s22 =	simm.s32 $0x0;
	s4 =	sshll.u32 s4, $0x1;
	s5 =	sadd.s32 s21, s3  }
0x9d: {  	[timem:s22], [sflag:s6] =	dma.local [hbm:s5], s4  }
0x9e: {  	_ =	swait.ge [sflag:s6], s4  }
0x9f: {  	s4 =	ssub.s32 $0x0, s4;
	[sflag:s6] =	ssyncset.done $0x0  }
0xa0: {  	[sflag:s6] =	ssyncadd.s32 s4;
	_ =	sdelay $0x1  }
0xa1: {  	s23 =	simm.s32 $0x1B8B  }
0xa2: {  	_ =	swait.ge [sflag:s23], $0x1  }
0xa3: {  	[sflag:s23] =	ssyncset.done $0x0  }
0xa4: {  	[sflag:s23] =	ssyncadd.s32 $0xFFFFFFFF  }
0xa5: {  	s4 =	sld [smem:$0x0]  }
0xa6: {  	s5 =	sand.u32 $0xFFFFFFFE, s1  }
0xa7: {  	p0 =	sne.s32 s1, s5  }
0xa8: {  	s5 =	sshll.u32 @p0 s5, $0xE  }
0xa9: {  	s5 =	sadd.s32 @p0 $0x11B8D, s5;
	s6 =	sshll.u32 @p0 s4, $0x11  }
0xaa: {  	s5 =	sor.u32 @p0 s6, s5  }
0xab: {  	[sflag:s5] =	ssyncadd.remote.s32 @p0 $0x1;
	_ =	sdelay $0x1  }
0xac: {  	s5 =	simm.s32 @p0 $0x1B8D  }
0xad: {  	_ =	swait.eq @p0 [sflag:s5], $0x1  }
0xae: {  	[sflag:s5] =	ssyncadd.s32 @p0 $0xFFFFFFFF  }
0xaf: {  	s6 =	sshll.u32 @!p0 s1, $0xE  }
0xb0: {  	s6 =	sor.u32 @!p0 $0x4000, s6;
	s5 =	simm.s32 @!p0 $0x1B8D  }
0xb1: {  	s4 =	sshll.u32 @!p0 s4, $0x11;
	s6 =	sadd.s32 @!p0 $0x11B8D, s6;
	_ =	swait.eq @!p0 [sflag:s5], $0x1  }
0xb2: {  	s4 =	sor.u32 @!p0 s4, s6;
	[sflag:s5] =	ssyncadd.s32 @!p0 $0xFFFFFFFF  }
0xb3: {  	s25 =	simm.s32 $0x1B8E;
	s24 =	sld [smem:$0x3FFE];
	[sflag:s4] =	ssyncadd.remote.s32 @!p0 $0x1  }
0xb4: {  	s26 =	simm.s32 $execute0_lowered;
	[smem:$0x3FD2] =	sst s25  }
0xb5: {  	s5 =	sshll.u32 s26, $0x1;
	_ =	strace $0x8000004F;
	[dreg:$0x1] =	wrdreg $0xFFFFFFFF  }
0xb6: {  	s28 =	simm.s32 $_size_execute0_lowered;
	s3 =	sadd.s32 s3, s5;
	[dreg:$0x0] =	wrdreg $0x0  }
0xb7: {  	s5 =	sshll.u32 s28, $0x1;
	[dreg:$0x2] =	wrdreg s3  }
0xb8: {  	[dreg:$0x3] =	wrdreg s5  }
0xb9: {  	[dreg:$0x4] =	wrdreg $0xC0  }
0xba: {  	_ =	task [dreg:s22], $0x5FFFF  }
0xbb: {  	[dreg:$0x1] =	wrdreg $0xFFFFFFFF  }
0xbc: {  	[dreg:$0x0] =	wrdreg $0x60  }
0xbd: {  	[dreg:$0x2] =	wrdreg s24  }
0xbe: {  	[dreg:$0x3] =	wrdreg $0x150000  }
0xbf: {  	[dreg:$0x4] =	wrdreg $0x9  }
0xc0: {  	_ =	task.clear_ibuf [dreg:s22], $0x5FFFF;
	_ =	strace $0x9000004F  }
0xc1: {  	s29 =	simm.s32 $0x9;
	_ =	strace $0x80000051  }
0xc2: {  	_ =	swait.ge [sflag:s29], $0x1  }
0xc3: {  	[sflag:s29] =	ssyncadd.s32 $0xFFFFFFFF  }
0xc4: {  	_ =	strace $0x90000051  }
0xc5: {  	_ =	sfence  }
0xc6: {  	s30 =	sld [smem:$0x0];
	_ =	sdelay $0x2  }
0xc7: {  	s31 =	sshll.u32 s1, $0xD;
	s1 =	sshrl.u32 s1, $0x2  }
0xc8: {  	s4 =	sand.u32 $0x4000, s31;
	s1 =	sadd.s32 s1, s30  }
0xc9: {  	s0 =	sor.u32 s4, s0;
	s1 =	sshll.u32 s1, $0x11  }
0xca: {  	s0 =	sor.u32 s1, s0  }
0xcb: {  	s0 =	sadd.s32 $0x8F2B, s0  }
0xcc: {  	[sflag:s0] =	ssyncadd.remote.s32 $0x1  }
0xcd: {  	_ =	sfence.sel $0xFFFF  }
0xce: {  	[dreg:$0x0] =	wrdreg $0xFFFFFFFF;
	(pc) =	sbr.abs _section_cstart, $3  }
0xcf: {  	[dreg:$0x1] =	wrdreg $0xFFFFFFFF  }
0xd0: {  	_ =	task.clear_ibuf [dreg:s22], $0x2FFFF;
	_ =	strace $0x9FFFFFFF  }
0xd1: {  	(tm) =	ssettm $0x7FFFFFFF  }
tec
execute0_lowered:
.L_overlay_start_1:
0x0: {  	(tag) =	ssettag $0x1  }
0x1: {  	s0 =	srdreg.scid  }
0x2: {  	s8 =	stileid.u32;
	s3 =	rddreg [dreg:$0x0]  }
0x3: {  	s2 =	rddreg [dreg:$0x1];
	s4 =	simm.s32 $0x0;
	s10 =	simm.s32 $0x11  }
0x4: {  	s14 =	simm.s32 $0x80;
	s15 =	simm.s32 $0x5000;
	s16 =	simm.s32 $0x7000  }
0x5: {  	s18 =	simm.s32 $0x9000;
	s20 =	simm.s32 $0xB000;
	s21 =	simm.s32 $0x1  }
0x6: {  	s22 =	simm.s32 $0xD000;
	s28 =	simm.s32 $0x4;
	s29 =	simm.s32 $0x13000  }
0x7: {  	s30 =	simm.s32 $0x5;
	s31 =	simm.s32 $0x7;
	s17 =	simm.s32 $0xB  }
0x8: {  	s19 =	simm.s32 $0xC;
	s9 =	simm.s32 $0x0;
	s0 =	sand.u32 $0x1, s0  }
0x9: {  	s1 =	sshll.u32 s8, $0x1;
	s5 =	smul.u32 $0xA000, s8;
	[smem:$0x7FF] =	sst s4  }
0xa: {  	s4 =	sadd.s32 $0x1A9200, s3;
	s7 =	sadd.s32 $0x175E00, s3;
	s26 =	sshll.u32 s8, $0x6  }
0xb: {  	s8 =	simm.s32 $0x10;
	s1 =	sor.u32 s0, s1;
	s6 =	smul.u32 $0xA0000, s0  }
0xc: {  	_ =	strace $0x80000050;
	s0 =	ssub.s32 $0x2, s0;
	[dreg:$0x3] =	wrdreg s7  }
0xd: {  	s12 =	sor.u32 $0x1C11, s26;
	s26 =	simm.s32 $0x11000;
	s1 =	smul.u32 $0x500, s1  }
0xe: {  	s23 =	sshrl.u32 s0, $0x1;
	s25 =	sadd.s32 s5, s2;
	s6 =	sadd.s32 s5, s6  }
0xf: {  	s0 =	ssub.s32 s0, s23;
	s13 =	sshrl.u32 s25, $0x3;
	s23 =	simm.s32 $0x2  }
.Ltmp0:
0x10: {  	s1 =	sadd.s32 s1, s3;
	s0 =	smax.u32 s0, $0x1;
	(pc) =	sbr.rel .LBB2_1-.Ltmp0, $4  }
0x11: {  	s6 =	sshrl.u32 s6, $0x3;
	s24 =	sadd.s32 $0x19F200, s1;
	[dreg:$0x7] =	wrdreg s0  }
0x12: {  	s3 =	sadd.s32 s6, s3;
	s1 =	sadd.s32 $0x2400, s1;
	[dreg:$0x4] =	wrdreg s24  }
0x13: {  	s25 =	simm.s32 $0x3;
	[dreg:$0x5] =	wrdreg s1;
	s3 =	sadd.s32 $0x16400, s3  }
0x14: {  	s24 =	simm.s32 $0xF000;
	s1 =	simm.s32 $0x8;
	[dreg:$0x6] =	wrdreg s3  }
.LBB2_4:
0x15: {  	_ =	swait.ge [sflag:s1], $0x2000  }
0x16: {  	[sflag:s1] =	ssyncset.done $0x0  }
0x17: {  	s0 =	simm.s32 $0x9;
	[sflag:s1] =	ssyncadd.s32 $0xFFFFE000  }
0x18: {  	[spmem:s2] =	stream.indirect.scatter.add.f32 [tilespmem:s29], [sflag:$0x10], $0x40, s11, s14, $0xb8;
	[tilespmem:$0x1F000] =	vst v63  }
0x19: {  	_ =	swait.ge [sflag:s0], $0x2000  }
0x1a: {  	[sflag:s0] =	ssyncset.done $0x0  }
0x1b: {  	s11 =	simm.s32 $0xA;
	[sflag:s0] =	ssyncadd.s32 $0xFFFFE000  }
0x1c: {  	_ =	swait.ge [sflag:s11], $0x2000  }
0x1d: {  	[sflag:s11] =	ssyncset.done $0x0  }
0x1e: {  	[sflag:s11] =	ssyncadd.s32 $0xFFFFE000  }
0x1f: {  	_ =	swait.ge [sflag:s17], $0x2000  }
0x20: {  	[sflag:s17] =	ssyncset.done $0x0  }
0x21: {  	[sflag:s17] =	ssyncadd.s32 $0xFFFFE000  }
0x22: {  	_ =	swait.ge [sflag:s19], $0x2000  }
0x23: {  	[sflag:s19] =	ssyncset.done $0x0  }
0x24: {  	s3 =	simm.s32 $0xD;
	[sflag:s19] =	ssyncadd.s32 $0xFFFFE000  }
0x25: {  	_ =	swait.ge [sflag:s3], $0x2000  }
0x26: {  	[sflag:s3] =	ssyncset.done $0x0  }
0x27: {  	s5 =	simm.s32 $0xE;
	[sflag:s3] =	ssyncadd.s32 $0xFFFFE000  }
0x28: {  	_ =	swait.ge [sflag:s5], $0x2000  }
0x29: {  	[sflag:s5] =	ssyncset.done $0x0  }
0x2a: {  	s6 =	simm.s32 $0xF;
	[sflag:s5] =	ssyncadd.s32 $0xFFFFE000  }
0x2b: {  	_ =	swait.ge [sflag:s6], $0x2000  }
0x2c: {  	[sflag:s6] =	ssyncset.done $0x0  }
0x2d: {  	[sflag:s6] =	ssyncadd.s32 $0xFFFFE000  }
0x2e: {  	_ =	swait.ge [sflag:s8], $0x2000  }
0x2f: {  	[sflag:s8] =	ssyncset.done $0x0  }
0x30: {  	[sflag:s8] =	ssyncadd.s32 $0xFFFFE000  }
0x31: {  	[bflag:$0x0] =	sbarrier.arrive $0xFFFF  }
0x32: {  	s7 =	rddreg [dreg:$0x6]  }
0x33: {  	[hbm:s7], [sflag:s12] =	dma.local [spmem:s13], $0x1400  }
0x34: {  	_ =	swait.ge [sflag:s10], $0x1400  }
0x35: {  	s9 =	sadd.s32 $0x1, s9;
	s11 =	rddreg [dreg:$0x7]  }
0x36: {  	p0 =	sne.s32 s9, s11  }
.Ltmp1:
0x37: {  	_ = 	snop;
	(pc) =	sbr.rel @!p0 .LBB2_5-.Ltmp1, $3  }
0x38: {  	_ =	sdelay $0x1  }
0x39: {  	[sflag:s10] =	ssyncset.done $0x0  }
0x3a: {  	[sflag:s10] =	ssyncadd.s32 $0xFFFFEC00  }
.LBB2_1:
0x3b: {  	s0 =	simm.s32 $0x0;
	s3 =	rddreg [dreg:$0x4]  }
0x3c: {  	[tilespmem:s0], [sflag:$0x11] =	stream.linear.gather [hbm4b:s3+s0], $0x2800, $0x38;
	[tilespmem:$0x1F000] =	vst v63  }
0x3d: {  	_ =	swait.ge [sflag:s10], $0x2800  }
0x3e: {  	[sflag:s10] =	ssyncset.done $0x0  }
0x3f: {  	s5 =	simm.s32 $0x2800;
	s11 =	rddreg [dreg:$0x5];
	[sflag:s10] =	ssyncadd.s32 $0xFFFFD800  }
0x40: {  	[tilespmem:s5], [sflag:$0x11] =	stream.linear.gather [hbm4b:s11+s0], $0x2800, $0x38;
	[tilespmem:$0x1F000] =	vst v63  }
0x41: {  	_ =	swait.ge [sflag:s10], $0x2800  }
0x42: {  	[sflag:s10] =	ssyncset.done $0x0  }
0x43: {  	s6 =	rddreg [dreg:$0x3];
	[sflag:s10] =	ssyncadd.s32 $0xFFFFD800  }
0x44: {  	[spmem:s13], [sflag:s12] =	dma.local [hbm:s6], $0x1400  }
0x45: {  	_ =	swait.ge [sflag:s10], $0x1400  }
0x46: {  	[sflag:s10] =	ssyncset.done $0x0  }
0x47: {  	[sflag:s10] =	ssyncadd.s32 $0xFFFFEC00  }
0x48: {  	[bflag:$0x0] =	sbarrier.arrive $0xFFFF  }
0x49: {  	[tilespmem:s15], [sflag:$0x1] =	stream.indirect.gather [hbm4b:s4+s14], $0x40, s0, s14, $0xb8;
	[tilespmem:$0x1F000] =	vst v63  }
0x4a: {  	_ = 	snop  }
0x4b: {  	[tilespmem:s16], [sflag:$0x2] =	stream.indirect.gather [hbm4b:s4+s14], $0x40, s14, s14, $0xb8;
	[tilespmem:$0x1F000] =	vst v63  }
0x4c: {  	s7 =	simm.s32 $0x100  }
0x4d: {  	[tilespmem:s18], [sflag:$0x3] =	stream.indirect.gather [hbm4b:s4+s14], $0x40, s7, s14, $0xb8;
	[tilespmem:$0x1F000] =	vst v63  }
0x4e: {  	s3 =	simm.s32 $0x0;
	s11 =	simm.s32 $0x180  }
0x4f: {  	[tilespmem:s20], [sflag:$0x4] =	stream.indirect.gather [hbm4b:s4+s14], $0x40, s11, s14, $0xb8;
	[tilespmem:$0x1F000] =	vst v63  }
.LBB2_2:
0x50: {  	_ =	swait.ge [sflag:s21], $0x2000  }
0x51: {  	s0 =	sshra.s32 s3, $0x2;
	[sflag:s21] =	ssyncset.done $0x0  }
0x52: {  	p0 =	seq.s32 s3, $0x0;
	s11 =	sadd.s32 $0x2800, s0;
	[sflag:s21] =	ssyncadd.s32 $0xFFFFE000  }
0x53: {  	[spmem:s2] =	stream.indirect.scatter.add.f32 [tilespmem:s15], [sflag:$0x9], $0x40, s11, s14, $0xb8;
	[tilespmem:$0x1F000] =	vst v63  }
0x54: {  	s11 =	simm.s32 @!p0 $0xD  }
0x55: {  	_ =	swait.ge @!p0 [sflag:s11], $0x2000  }
0x56: {  	[sflag:s11] =	ssyncset.done @!p0 $0x0  }
0x57: {  	s6 =	sadd.s32 $0x200, s0;
	[sflag:s11] =	ssyncadd.s32 @!p0 $0xFFFFE000  }
0x58: {  	[tilespmem:s22], [sflag:$0x5] =	stream.indirect.gather [hbm4b:s4+s14], $0x40, s6, s14, $0xb8;
	[tilespmem:$0x1F000] =	vst v63  }
0x59: {  	_ =	swait.ge [sflag:s23], $0x2000  }
0x5a: {  	[sflag:s23] =	ssyncset.done $0x0  }
0x5b: {  	s7 =	sadd.s32 $0x2880, s0;
	s11 =	simm.s32 @!p0 $0xE;
	[sflag:s23] =	ssyncadd.s32 $0xFFFFE000  }
0x5c: {  	[spmem:s2] =	stream.indirect.scatter.add.f32 [tilespmem:s16], [sflag:$0xA], $0x40, s7, s14, $0xb8;
	[tilespmem:$0x1F000] =	vst v63  }
0x5d: {  	_ =	swait.ge @!p0 [sflag:s11], $0x2000  }
0x5e: {  	[sflag:s11] =	ssyncset.done @!p0 $0x0  }
0x5f: {  	s5 =	sadd.s32 $0x280, s0;
	[sflag:s11] =	ssyncadd.s32 @!p0 $0xFFFFE000  }
0x60: {  	[tilespmem:s24], [sflag:$0x6] =	stream.indirect.gather [hbm4b:s4+s14], $0x40, s5, s14, $0xb8;
	[tilespmem:$0x1F000] =	vst v63  }
0x61: {  	_ =	swait.ge [sflag:s25], $0x2000  }
0x62: {  	[sflag:s25] =	ssyncset.done $0x0  }
0x63: {  	s6 =	sadd.s32 $0x2900, s0;
	s11 =	simm.s32 @!p0 $0xF;
	[sflag:s25] =	ssyncadd.s32 $0xFFFFE000  }
0x64: {  	[spmem:s2] =	stream.indirect.scatter.add.f32 [tilespmem:s18], [sflag:$0xB], $0x40, s6, s14, $0xb8;
	[tilespmem:$0x1F000] =	vst v63  }
0x65: {  	_ =	swait.ge @!p0 [sflag:s11], $0x2000  }
0x66: {  	[sflag:s11] =	ssyncset.done @!p0 $0x0  }
0x67: {  	s7 =	sadd.s32 $0x300, s0;
	[sflag:s11] =	ssyncadd.s32 @!p0 $0xFFFFE000  }
0x68: {  	[tilespmem:s26], [sflag:$0x7] =	stream.indirect.gather [hbm4b:s4+s14], $0x40, s7, s14, $0xb8;
	[tilespmem:$0x1F000] =	vst v63  }
0x69: {  	_ =	swait.ge [sflag:s28], $0x2000  }
0x6a: {  	[sflag:s28] =	ssyncset.done $0x0  }
0x6b: {  	s5 =	sadd.s32 $0x2980, s0;
	s11 =	simm.s32 @!p0 $0x10;
	[sflag:s28] =	ssyncadd.s32 $0xFFFFE000  }
0x6c: {  	[spmem:s2] =	stream.indirect.scatter.add.f32 [tilespmem:s20], [sflag:$0xC], $0x40, s5, s14, $0xb8;
	[tilespmem:$0x1F000] =	vst v63  }
0x6d: {  	_ =	swait.ge @!p0 [sflag:s11], $0x2000  }
0x6e: {  	[sflag:s11] =	ssyncset.done @!p0 $0x0  }
0x6f: {  	s6 =	sadd.s32 $0x380, s0;
	[sflag:s11] =	ssyncadd.s32 @!p0 $0xFFFFE000  }
0x70: {  	[tilespmem:s29], [sflag:$0x8] =	stream.indirect.gather [hbm4b:s4+s14], $0x40, s6, s14, $0xb8;
	[tilespmem:$0x1F000] =	vst v63  }
0x71: {  	_ =	swait.ge [sflag:s30], $0x2000  }
0x72: {  	p0 =	seq.s32 s3, $0x9000;
	[sflag:s30] =	ssyncset.done $0x0  }
0x73: {  	s7 =	sadd.s32 $0x2A00, s0;
	s11 =	simm.s32 @p0 $0x6;
	[sflag:s30] =	ssyncadd.s32 $0xFFFFE000  }
0x74: {  	[spmem:s2] =	stream.indirect.scatter.add.f32 [tilespmem:s22], [sflag:$0xD], $0x40, s7, s14, $0xb8;
	[tilespmem:$0x1F000] =	vst v63  }
0x75: {  	_ =	swait.ge @p0 [sflag:s11], $0x2000  }
0x76: {  	[sflag:s11] =	ssyncset.done @p0 $0x0  }
0x77: {  	[sflag:s11] =	ssyncadd.s32 @p0 $0xFFFFE000;
	s11 =	sshra.s32 @p0 s3, $0x2  }
0x78: {  	s5 =	simm.s32 @p0 $0x80;
	s6 =	simm.s32 @p0 $0xF000;
	s11 =	sadd.s32 @p0 $0x2A80, s11  }
0x79: {  	[spmem:s2] =	stream.indirect.scatter.add.f32 @p0 [tilespmem:s6], [sflag:$0xE], $0x40, s11, s5, $0xb8;
	[tilespmem:$0x1F000] =	vst v63  }
0x7a: {  	s5 =	simm.s32 @!p0 $0x9  }
0x7b: {  	_ =	swait.ge @!p0 [sflag:s5], $0x2000  }
0x7c: {  	[sflag:s5] =	ssyncset.done @!p0 $0x0  }
0x7d: {  	[sflag:s5] =	ssyncadd.s32 @!p0 $0xFFFFE000;
	s5 =	sshra.s32 @!p0 s3, $0x2  }
0x7e: {  	s7 =	simm.s32 @!p0 $0x5000;
	s11 =	simm.s32 @!p0 $0x80;
	s6 =	sadd.s32 @!p0 $0x400, s5  }
0x7f: {  	[tilespmem:s7], [sflag:$0x1] =	stream.indirect.gather @!p0 [hbm4b:s4+s11], $0x40, s6, s11, $0xb8;
	[tilespmem:$0x1F000] =	vst v63  }
0x80: {  	s6 =	simm.s32 @!p0 $0x6  }
0x81: {  	_ =	swait.ge @!p0 [sflag:s6], $0x2000  }
0x82: {  	[sflag:s6] =	ssyncset.done @!p0 $0x0  }
0x83: {  	s7 =	simm.s32 @!p0 $0xF000;
	[sflag:s6] =	ssyncadd.s32 @!p0 $0xFFFFE000;
	s6 =	sadd.s32 @!p0 $0x2A80, s5  }
0x84: {  	[spmem:s2] =	stream.indirect.scatter.add.f32 @!p0 [tilespmem:s7], [sflag:$0xE], $0x40, s6, s11, $0xb8;
	[tilespmem:$0x1F000] =	vst v63  }
0x85: {  	s6 =	simm.s32 @!p0 $0xA  }
0x86: {  	_ =	swait.ge @!p0 [sflag:s6], $0x2000  }
0x87: {  	[sflag:s6] =	ssyncset.done @!p0 $0x0  }
0x88: {  	s5 =	sadd.s32 @!p0 $0x480, s5;
	[sflag:s6] =	ssyncadd.s32 @!p0 $0xFFFFE000;
	s6 =	simm.s32 @!p0 $0x7000  }
0x89: {  	[tilespmem:s6], [sflag:$0x2] =	stream.indirect.gather @!p0 [hbm4b:s4+s11], $0x40, s5, s11, $0xb8;
	[tilespmem:$0x1F000] =	vst v63  }
.Ltmp2:
0x8a: {  	_ =	swait.ge [sflag:s31], $0x2000;
	(pc) =	sbr.rel @p0 .LBB2_4-.Ltmp2, $4  }
0x8b: {  	[sflag:s31] =	ssyncset.done $0x0  }
0x8c: {  	s11 =	sadd.s32 $0x2B00, s0;
	[sflag:s31] =	ssyncadd.s32 $0xFFFFE000  }
0x8d: {  	[spmem:s2] =	stream.indirect.scatter.add.f32 [tilespmem:s26], [sflag:$0xF], $0x40, s11, s14, $0xb8;
	[tilespmem:$0x1F000] =	vst v63  }
0x8e: {  	s11 =	sadd.s32 $0x2B80, s0  }
0x8f: {  	_ =	swait.ge [sflag:s17], $0x2000  }
0x90: {  	[sflag:s17] =	ssyncset.done $0x0  }
0x91: {  	s5 =	sadd.s32 $0x500, s0;
	[sflag:s17] =	ssyncadd.s32 $0xFFFFE000  }
0x92: {  	[tilespmem:s18], [sflag:$0x3] =	stream.indirect.gather [hbm4b:s4+s14], $0x40, s5, s14, $0xb8;
	[tilespmem:$0x1F000] =	vst v63  }
0x93: {  	_ =	swait.ge [sflag:s1], $0x2000  }
0x94: {  	[sflag:s1] =	ssyncset.done $0x0  }
0x95: {  	[sflag:s1] =	ssyncadd.s32 $0xFFFFE000  }
0x96: {  	[spmem:s2] =	stream.indirect.scatter.add.f32 [tilespmem:s29], [sflag:$0x10], $0x40, s11, s14, $0xb8;
	[tilespmem:$0x1F000] =	vst v63  }
.Ltmp3:
0x97: {  	_ = 	snop;
	(pc) =	sbr.rel .LBB2_2-.Ltmp3, $4  }
0x98: {  	_ =	swait.ge [sflag:s19], $0x2000  }
0x99: {  	[sflag:s19] =	ssyncset.done $0x0  }
0x9a: {  	s3 =	sadd.s32 $0x1000, s3;
	s11 =	sadd.s32 $0x580, s0;
	[sflag:s19] =	ssyncadd.s32 $0xFFFFE000  }
0x9b: {  	[tilespmem:s20], [sflag:$0x4] =	stream.indirect.gather [hbm4b:s4+s14], $0x40, s11, s14, $0xb8;
	[tilespmem:$0x1F000] =	vst v63  }
.LBB2_5:
0x9c: {  	_ =	sfence.sel $0x180000  }
0x9d: {  	[bflag:$0x0] =	sbarrier.arrive $0xFFFF  }
0x9e: {  	_ =	strace $0x90000050  }
0x9f: {  	s0 =	stileid.u32;
	[bflag:$0x2] =	sbarrier.arrive $0xFFFF  }
0xa0: {  	p0 =	sne.s32 s0, $0x0;
	s0 =	rddreg [dreg:$0x2]  }
0xa1: {  	s0 =	sadd.s32 @!p0 $0x100000, s0  }
0xa2: {  	[sflag:s0] =	ssyncadd.tile.s32 @!p0 $0x1;
	_ =	shalt  }
.Lfunc_end2:
_tile_overlayer_lowered:
.L_overlay_start_2:
0xa3: {  	(tag) =	ssettag $0x2  }
0xa4: {  	s0 =	rddreg [dreg:$0x0];
	s2 =	stileid.u32  }
0xa5: {  	s1 =	rddreg [dreg:$0x1];
	p0 =	sne.s32 s2, $0x0  }
0xa6: {  	s3 =	rddreg [dreg:$0x2];
	[bflag:$0x3] =	sbarrier.arrive $0xFFFF;
	s2 =	simm.s32 @!p0 $0x1C11  }
0xa7: {  	[timem:s3], [sflag:s2] =	dma.local @!p0 [hbm:s0], s1  }
0xa8: {  	s0 =	simm.s32 @!p0 $0x11  }
0xa9: {  	_ =	swait.ge @!p0 [sflag:s0], s1  }
0xaa: {  	s1 =	ssub.s32 @!p0 $0x0, s1;
	[sflag:s0] =	ssyncset.done @!p0 $0x0  }
0xab: {  	[sflag:s0] =	ssyncadd.s32 @!p0 s1  }
0xac: {  	[bflag:$0x3] =	sbarrier.arrive $0xFFFF  }
0xad: {  	_ =	shalt  }

// kernel: kernel.18.cloned.1.call-start
scs
__scs_entry_jumppad:
0x0: {  	(pc) =	sbr.rel $0x88, $3  }
0x1: {  	(tag) =	ssettag $0x0;
	lr =	simm.s32 $0x1  }
0x2: {  	[smem:$0x3F96] =	sst lr;
	_ =	strace $0xD0000000  }
0x3: {  	_ = 	snop  }
0x4: {  	_ = 	snop  }
0x5: {  	_ = 	snop  }
0x6: {  	_ = 	snop  }
0x7: {  	_ = 	snop  }
__scs_overlays_trampoline_lowered:
0x8: {  	[smem:$0x3FA5] =	sst s0  }
0x9: {  	[smem:$0x3FA6] =	sst s1  }
0xa: {  	[smem:$0x3FA7] =	sst s2  }
0xb: {  	[smem:$0x3FA8] =	sst s3  }
0xc: {  	[smem:$0x3FA9] =	sst s4  }
0xd: {  	[smem:$0x3FAA] =	sst s5  }
0xe: {  	[smem:$0x3FAB] =	sst s6  }
0xf: {  	[smem:$0x3FAC] =	sst s7  }
0x10: {  	[smem:$0x3FAD] =	sst s8  }
0x11: {  	[smem:$0x3FAE] =	sst s9;
	s0 =	simm.s32 @!p0 $0x0  }
0x12: {  	s1 =	sld [smem:$0x3F94];
	s0 =	simm.s32 @p0 $0x1  }
0x13: {  	[smem:$0x3FAF] =	sst s0;
	s0 =	simm.s32 @!p1 $0x0  }
0x14: {  	s2 =	sld [smem:$0x3F93];
	s0 =	simm.s32 @p1 $0x1  }
0x15: {  	[smem:$0x3FB0] =	sst s0;
	s0 =	simm.s32 @!p2 $0x0  }
0x16: {  	s3 =	sld [smem:$0x3FDB];
	s0 =	simm.s32 @p2 $0x1  }
0x17: {  	s4 =	simm.s32 $0x1BF5;
	[smem:$0x3FB2] =	sst s0  }
0x18: {  	s0 =	sld [smem:$0x3F95];
	_ =	swait.ge [sflag:s4], $0x0  }
0x19: {  	s7 =	sld [smem:$0x3F96]  }
0x1a: {  	s8 =	sadd.s32 $0xFFFFE003, lr  }
0x1b: {  	s9 =	sadd.s32 $0xFFFFFEF7, lr;
	s5 =	simm.s32 $0xFFFFFFFF;
	p2 =	slt.u32 s8, $0xFFFFF086  }
0x1c: {  	p1 =	slt.u32 s9, $0xF7A;
	s5 =	simm.s32 @!p2 $0x0  }
0x1d: {  	s5 =	simm.s32 @p1 $0x1;
	p0 =	seq.s32 s7, s2  }
0x1e: {  	s7 =	smul.u32 @!p0 $0xF7A, s2;
	p2 =	seq.s32 @!p0 s5, $0x0  }
0x1f: {  	s9 =	smul.u32 $0xF7A, s1;
	s8 =	simm.s32 @!p0 $0x1BF5;
	p2 =	por !p2, p0  }
0x20: {  	[sflag:s8] =	ssyncset.s32 @!p0 $0xFFFFF086;
	s6 =	sadd.s32 @!p0 s3, s7;
	s7 =	simm.s32 @!p0 $0x108  }
0x21: {  	s3 =	sadd.s32 s3, s9;
	s6 =	sadd.s32 @!p0 $0x88, s6;
	s7 =	simm.s32 @p2 $0x1082  }
0x22: {  	[simem:s7], [sflag:s8] =	dma.local @!p0 [hbm:s6], $0xF7A  }
0x23: {  	s9 =	sor.u32 $0xD0000000, s2;
	s6 =	simm.s32 $0x108;
	_ =	swait.ge @!p0 [sflag:s8], $0x0  }
0x24: {  	s3 =	sadd.s32 $0x88, s3;
	s6 =	simm.s32 @!p1 $0x1082;
	[sflag:s4] =	ssyncset.s32 $0xFFFFF086  }
0x25: {  	[simem:s6], [sflag:s4] =	dma.local [hbm:s3], $0xF7A  }
0x26: {  	[smem:$0x3F96] =	sst s1;
	(tag) =	ssettag s2;
	_ =	strace s9  }
0x27: {  	s1 =	sld [smem:$0x3FA6]  }
0x28: {  	s2 =	sld [smem:$0x3FA7]  }
0x29: {  	s4 =	sld [smem:$0x3FA9]  }
0x2a: {  	p0 =	seq.s32 s5, $0x0;
	s5 =	sld [smem:$0x3FAA]  }
0x2b: {  	s6 =	sld [smem:$0x3FAB]  }
0x2c: {  	s7 =	sld [smem:$0x3FAC]  }
0x2d: {  	s3 =	simm.s32 $0x108;
	s8 =	sld [smem:$0x3FAD]  }
0x2e: {  	s3 =	simm.s32 @!p0 $0x1082;
	s9 =	sld [smem:$0x3FAE]  }
0x2f: {  	lr =	sadd.s32 s0, s3;
	s0 =	sld [smem:$0x3FA5]  }
0x30: {  	s3 =	sld [smem:$0x3FA8]  }
0x31: {  	[smem:$0x3FB1] =	sst s10  }
0x32: {  	s10 =	sld [smem:$0x3FAF];
	_ =	sdelay $0x3  }
0x33: {  	p0 =	seq.s32 s10, $0x1;
	s10 =	sld [smem:$0x3FB1];
	_ =	sdelay $0x3  }
0x34: {  	[smem:$0x3FB1] =	sst s10  }
0x35: {  	s10 =	sld [smem:$0x3FB0];
	_ =	sdelay $0x3  }
0x36: {  	p1 =	seq.s32 s10, $0x1;
	s10 =	sld [smem:$0x3FB1];
	_ =	sdelay $0x3  }
0x37: {  	[smem:$0x3FB1] =	sst s10  }
0x38: {  	s10 =	sld [smem:$0x3FB2]  }
0x39: {  	_ = 	snop;
	(pc) =	sbr.ind lr, $3  }
0x3a: {  	_ = 	snop  }
0x3b: {  	_ = 	snop  }
0x3c: {  	p2 =	seq.s32 s10, $0x1;
	s10 =	sld [smem:$0x3FB1]  }
0x3d: {  	_ =	shalt  }
0x3e: {  	_ =	shalt  }
0x3f: {  	_ =	shalt  }
0x40: {  	_ =	shalt  }
0x41: {  	_ =	shalt  }
0x42: {  	_ =	shalt  }
0x43: {  	_ =	shalt  }
0x44: {  	_ =	shalt  }
0x45: {  	_ =	shalt  }
0x46: {  	_ =	shalt  }
0x47: {  	_ =	shalt  }
0x48: {  	_ =	shalt  }
0x49: {  	_ =	shalt  }
0x4a: {  	_ =	shalt  }
0x4b: {  	_ =	shalt  }
0x4c: {  	_ =	shalt  }
0x4d: {  	_ =	shalt  }
0x4e: {  	_ =	shalt  }
0x4f: {  	_ =	shalt  }
0x50: {  	_ =	shalt  }
0x51: {  	_ =	shalt  }
0x52: {  	_ =	shalt  }
0x53: {  	_ =	shalt  }
0x54: {  	_ =	shalt  }
0x55: {  	_ =	shalt  }
0x56: {  	_ =	shalt  }
0x57: {  	_ =	shalt  }
0x58: {  	_ =	shalt  }
0x59: {  	_ =	shalt  }
0x5a: {  	_ =	shalt  }
0x5b: {  	_ =	shalt  }
0x5c: {  	_ =	shalt  }
0x5d: {  	_ =	shalt  }
0x5e: {  	_ =	shalt  }
0x5f: {  	_ =	shalt  }
0x60: {  	_ =	shalt  }
0x61: {  	_ =	shalt  }
0x62: {  	_ =	shalt  }
0x63: {  	_ =	shalt  }
0x64: {  	_ =	shalt  }
0x65: {  	_ =	shalt  }
0x66: {  	_ =	shalt  }
0x67: {  	_ =	shalt  }
0x68: {  	_ =	shalt  }
0x69: {  	_ =	shalt  }
0x6a: {  	_ =	shalt  }
0x6b: {  	_ =	shalt  }
0x6c: {  	_ =	shalt  }
0x6d: {  	_ =	shalt  }
0x6e: {  	_ =	shalt  }
0x6f: {  	_ =	shalt  }
0x70: {  	_ =	shalt  }
0x71: {  	_ =	shalt  }
0x72: {  	_ =	shalt  }
0x73: {  	_ =	shalt  }
0x74: {  	_ =	shalt  }
0x75: {  	_ =	shalt  }
0x76: {  	_ =	shalt  }
0x77: {  	_ =	shalt  }
0x78: {  	_ =	shalt  }
0x79: {  	_ =	shalt  }
0x7a: {  	_ =	shalt  }
0x7b: {  	_ =	shalt  }
0x7c: {  	_ =	shalt  }
0x7d: {  	_ =	shalt  }
0x7e: {  	_ =	shalt  }
0x7f: {  	_ =	shalt  }
0x80: {  	_ =	shalt  }
0x81: {  	_ =	shalt  }
0x82: {  	_ =	shalt  }
0x83: {  	_ =	shalt  }
0x84: {  	_ =	shalt  }
0x85: {  	_ =	shalt  }
0x86: {  	_ =	shalt  }
0x87: {  	_ =	shalt  }
.Lfunc_end0:
.L_simem_size_0:
called_computation.3_lowered:
.L_overlay_start_0:
0x88: {  	s2 =	sld [smem:$0x3FD9]  }
0x89: {  	s3 =	sld [smem:$0x3FFE];
	_ =	sdelay $0x1  }
0x8a: {  	s1 =	srdreg.scid  }
0x8b: {  	s0 =	sand.u32 $0x1, s1  }
0x8c: {  	s16 =	sshll.u32 s0, $0xA;
	s2 =	sadd.s32 s3, s2  }
0x8d: {  	s2 =	sadd.s32 s2, s16  }
0x8e: {  	[smem:$0x3FBD] =	sst s2  }
0x8f: {  	_ = 	snop  }
0x90: {  	(tm) =	ssettm $0x1  }
0x91: {  	s17 =	sld [smem:$0x3FFB];
	_ =	sdelay $0x3  }
0x92: {  	_ =	strace s17  }
0x93: {  	s2 =	sld [smem:$0x3FFC];
	_ =	sdelay $0x3  }
0x94: {  	_ =	strace s2  }
0x95: {  	s2 =	sld [smem:$0x3FFD];
	_ =	sdelay $0x3  }
0x96: {  	_ =	strace s2  }
0x97: {  	_ =	strace $0x8FFFFFFF  }
0x98: {  	s18 =	sld [smem:$0x3FDB];
	_ =	sdelay $0x1  }
0x99: {  	s19 =	simm.s32 $_scs_section_size  }
0x9a: {  	s4 =	simm.s32 $_size__tile_overlayer_lowered;
	s5 =	simm.s32 $_tile_overlayer_lowered  }
0x9b: {  	s22 =	simm.s32 $0x1BFF;
	s21 =	sshll.u32 s5, $0x1;
	s2 =	sadd.s32 s19, s18  }
0x9c: {  	s6 =	simm.s32 $0x0;
	s20 =	sshll.u32 s4, $0x1;
	s4 =	sadd.s32 s21, s2  }
0x9d: {  	[timem:s6], [sflag:s22] =	dma.local [hbm:s4], s20  }
0x9e: {  	_ =	swait.ge [sflag:s22], s20  }
0x9f: {  	s3 =	ssub.s32 $0x0, s20;
	[sflag:s22] =	ssyncset.done $0x0  }
0xa0: {  	[sflag:s22] =	ssyncadd.s32 s3;
	_ =	sdelay $0x1  }
0xa1: {  	s23 =	simm.s32 $0x1B8B  }
0xa2: {  	_ =	swait.ge [sflag:s23], $0x1  }
0xa3: {  	[sflag:s23] =	ssyncset.done $0x0  }
0xa4: {  	s25 =	simm.s32 $0x1B8E;
	s24 =	sld [smem:$0x3FFE];
	[sflag:s23] =	ssyncadd.s32 $0xFFFFFFFF  }
0xa5: {  	s26 =	simm.s32 $execute0_lowered;
	[smem:$0x3FD2] =	sst s25  }
0xa6: {  	s4 =	sshll.u32 s26, $0x1;
	_ =	strace $0x8000004C;
	[dreg:$0x1] =	wrdreg $0xFFFFFFFF  }
0xa7: {  	s28 =	simm.s32 $_size_execute0_lowered;
	s2 =	sadd.s32 s2, s4;
	[dreg:$0x0] =	wrdreg $0x0  }
0xa8: {  	s4 =	sshll.u32 s28, $0x1;
	[dreg:$0x2] =	wrdreg s2  }
0xa9: {  	[dreg:$0x3] =	wrdreg s4  }
0xaa: {  	[dreg:$0x4] =	wrdreg $0xC0  }
0xab: {  	_ =	task [dreg:s6], $0x5FFFF  }
0xac: {  	[dreg:$0x1] =	wrdreg $0xFFFFFFFF  }
0xad: {  	[dreg:$0x0] =	wrdreg $0x60  }
0xae: {  	[dreg:$0x2] =	wrdreg s24  }
0xaf: {  	[dreg:$0x3] =	wrdreg $0x150000  }
0xb0: {  	[dreg:$0x4] =	wrdreg $0xA  }
0xb1: {  	_ =	task.clear_ibuf [dreg:s6], $0x5FFFF;
	_ =	strace $0x9000004C  }
0xb2: {  	s29 =	simm.s32 $0xA;
	_ =	strace $0x8000004E  }
0xb3: {  	_ =	swait.ge [sflag:s29], $0x1  }
0xb4: {  	[sflag:s29] =	ssyncadd.s32 $0xFFFFFFFF  }
0xb5: {  	_ =	strace $0x9000004E  }
0xb6: {  	_ =	sfence  }
0xb7: {  	s30 =	sld [smem:$0x0];
	_ =	sdelay $0x2  }
0xb8: {  	s31 =	sshll.u32 s1, $0xD;
	s1 =	sshrl.u32 s1, $0x2  }
0xb9: {  	s3 =	sand.u32 $0x4000, s31;
	s1 =	sadd.s32 s1, s30  }
0xba: {  	s0 =	sor.u32 s3, s0;
	s1 =	sshll.u32 s1, $0x11  }
0xbb: {  	s0 =	sor.u32 s1, s0  }
0xbc: {  	s0 =	sadd.s32 $0x8F2B, s0  }
0xbd: {  	[sflag:s0] =	ssyncadd.remote.s32 $0x1  }
0xbe: {  	_ =	sfence.sel $0xFFFF  }
0xbf: {  	[dreg:$0x0] =	wrdreg $0xFFFFFFFF;
	(pc) =	sbr.abs _section_cstart, $3  }
0xc0: {  	[dreg:$0x1] =	wrdreg $0xFFFFFFFF  }
0xc1: {  	_ =	task.clear_ibuf [dreg:s6], $0x2FFFF;
	_ =	strace $0x9FFFFFFF  }
0xc2: {  	(tm) =	ssettm $0x7FFFFFFF  }
0xc3: {  	_ =	shalt  }
tec
execute0_lowered:
.L_overlay_start_1:
0x0: {  	(tag) =	ssettag $0x1  }
0x1: {  	s0 =	srdreg.scid  }
0x2: {  	s8 =	stileid.u32;
	s3 =	rddreg [dreg:$0x0]  }
0x3: {  	s2 =	rddreg [dreg:$0x1];
	s4 =	simm.s32 $0x0;
	s10 =	simm.s32 $0x11  }
0x4: {  	s14 =	simm.s32 $0x80;
	s15 =	simm.s32 $0x5000;
	s16 =	simm.s32 $0x7000  }
0x5: {  	s18 =	simm.s32 $0x9000;
	s20 =	simm.s32 $0xB000;
	s21 =	simm.s32 $0x1  }
0x6: {  	s22 =	simm.s32 $0xD000;
	s28 =	simm.s32 $0x4;
	s29 =	simm.s32 $0x13000  }
0x7: {  	s30 =	simm.s32 $0x5;
	s31 =	simm.s32 $0x7;
	s17 =	simm.s32 $0xB  }
0x8: {  	s19 =	simm.s32 $0xC;
	s9 =	simm.s32 $0x0;
	s0 =	sand.u32 $0x1, s0  }
0x9: {  	s1 =	sshll.u32 s8, $0x1;
	s5 =	smul.u32 $0xA000, s8;
	[smem:$0x7FF] =	sst s4  }
0xa: {  	s4 =	sadd.s32 $0x1A9200, s3;
	s7 =	sadd.s32 $0x175E00, s3;
	s26 =	sshll.u32 s8, $0x6  }
0xb: {  	s8 =	simm.s32 $0x10;
	s1 =	sor.u32 s0, s1;
	s6 =	smul.u32 $0xA0000, s0  }
0xc: {  	_ =	strace $0x8000004D;
	s0 =	ssub.s32 $0x2, s0;
	[dreg:$0x3] =	wrdreg s7  }
0xd: {  	s12 =	sor.u32 $0x1C11, s26;
	s26 =	simm.s32 $0x11000;
	s1 =	smul.u32 $0x500, s1  }
0xe: {  	s23 =	sshrl.u32 s0, $0x1;
	s25 =	sadd.s32 s5, s2;
	s6 =	sadd.s32 s5, s6  }
0xf: {  	s0 =	ssub.s32 s0, s23;
	s13 =	sshrl.u32 s25, $0x3;
	s23 =	simm.s32 $0x2  }
.Ltmp0:
0x10: {  	s1 =	sadd.s32 s1, s3;
	s0 =	smax.u32 s0, $0x1;
	(pc) =	sbr.rel .LBB2_1-.Ltmp0, $4  }
0x11: {  	s6 =	sshrl.u32 s6, $0x3;
	s24 =	sadd.s32 $0xC400, s1;
	[dreg:$0x7] =	wrdreg s0  }
0x12: {  	s3 =	sadd.s32 s6, s3;
	s1 =	sadd.s32 $0x2400, s1;
	[dreg:$0x4] =	wrdreg s24  }
0x13: {  	s25 =	simm.s32 $0x3;
	[dreg:$0x5] =	wrdreg s1;
	s3 =	sadd.s32 $0x177200, s3  }
0x14: {  	s24 =	simm.s32 $0xF000;
	s1 =	simm.s32 $0x8;
	[dreg:$0x6] =	wrdreg s3  }
.LBB2_4:
0x15: {  	_ =	swait.ge [sflag:s1], $0x2000  }
0x16: {  	[sflag:s1] =	ssyncset.done $0x0  }
0x17: {  	s0 =	simm.s32 $0x9;
	[sflag:s1] =	ssyncadd.s32 $0xFFFFE000  }
0x18: {  	[spmem:s2] =	stream.indirect.scatter.add.f32 [tilespmem:s29], [sflag:$0x10], $0x40, s11, s14, $0xb8;
	[tilespmem:$0x1F000] =	vst v63  }
0x19: {  	_ =	swait.ge [sflag:s0], $0x2000  }
0x1a: {  	[sflag:s0] =	ssyncset.done $0x0  }
0x1b: {  	s11 =	simm.s32 $0xA;
	[sflag:s0] =	ssyncadd.s32 $0xFFFFE000  }
0x1c: {  	_ =	swait.ge [sflag:s11], $0x2000  }
0x1d: {  	[sflag:s11] =	ssyncset.done $0x0  }
0x1e: {  	[sflag:s11] =	ssyncadd.s32 $0xFFFFE000  }
0x1f: {  	_ =	swait.ge [sflag:s17], $0x2000  }
0x20: {  	[sflag:s17] =	ssyncset.done $0x0  }
0x21: {  	[sflag:s17] =	ssyncadd.s32 $0xFFFFE000  }
0x22: {  	_ =	swait.ge [sflag:s19], $0x2000  }
0x23: {  	[sflag:s19] =	ssyncset.done $0x0  }
0x24: {  	s3 =	simm.s32 $0xD;
	[sflag:s19] =	ssyncadd.s32 $0xFFFFE000  }
0x25: {  	_ =	swait.ge [sflag:s3], $0x2000  }
0x26: {  	[sflag:s3] =	ssyncset.done $0x0  }
0x27: {  	s5 =	simm.s32 $0xE;
	[sflag:s3] =	ssyncadd.s32 $0xFFFFE000  }
0x28: {  	_ =	swait.ge [sflag:s5], $0x2000  }
0x29: {  	[sflag:s5] =	ssyncset.done $0x0  }
0x2a: {  	s6 =	simm.s32 $0xF;
	[sflag:s5] =	ssyncadd.s32 $0xFFFFE000  }
0x2b: {  	_ =	swait.ge [sflag:s6], $0x2000  }
0x2c: {  	[sflag:s6] =	ssyncset.done $0x0  }
0x2d: {  	[sflag:s6] =	ssyncadd.s32 $0xFFFFE000  }
0x2e: {  	_ =	swait.ge [sflag:s8], $0x2000  }
0x2f: {  	[sflag:s8] =	ssyncset.done $0x0  }
0x30: {  	[sflag:s8] =	ssyncadd.s32 $0xFFFFE000  }
0x31: {  	[bflag:$0x0] =	sbarrier.arrive $0xFFFF  }
0x32: {  	s7 =	rddreg [dreg:$0x6]  }
0x33: {  	[hbm:s7], [sflag:s12] =	dma.local [spmem:s13], $0x1400  }
0x34: {  	_ =	swait.ge [sflag:s10], $0x1400  }
0x35: {  	s9 =	sadd.s32 $0x1, s9;
	s11 =	rddreg [dreg:$0x7]  }
0x36: {  	p0 =	sne.s32 s9, s11  }
.Ltmp1:
0x37: {  	_ = 	snop;
	(pc) =	sbr.rel @!p0 .LBB2_5-.Ltmp1, $3  }
0x38: {  	_ =	sdelay $0x1  }
0x39: {  	[sflag:s10] =	ssyncset.done $0x0  }
0x3a: {  	[sflag:s10] =	ssyncadd.s32 $0xFFFFEC00  }
.LBB2_1:
0x3b: {  	s0 =	simm.s32 $0x0;
	s3 =	rddreg [dreg:$0x4]  }
0x3c: {  	[tilespmem:s0], [sflag:$0x11] =	stream.linear.gather [hbm4b:s3+s0], $0x2800, $0x38;
	[tilespmem:$0x1F000] =	vst v63  }
0x3d: {  	_ =	swait.ge [sflag:s10], $0x2800  }
0x3e: {  	[sflag:s10] =	ssyncset.done $0x0  }
0x3f: {  	s5 =	simm.s32 $0x2800;
	s11 =	rddreg [dreg:$0x5];
	[sflag:s10] =	ssyncadd.s32 $0xFFFFD800  }
0x40: {  	[tilespmem:s5], [sflag:$0x11] =	stream.linear.gather [hbm4b:s11+s0], $0x2800, $0x38;
	[tilespmem:$0x1F000] =	vst v63  }
0x41: {  	_ =	swait.ge [sflag:s10], $0x2800  }
0x42: {  	[sflag:s10] =	ssyncset.done $0x0  }
0x43: {  	s6 =	rddreg [dreg:$0x3];
	[sflag:s10] =	ssyncadd.s32 $0xFFFFD800  }
0x44: {  	[spmem:s13], [sflag:s12] =	dma.local [hbm:s6], $0x1400  }
0x45: {  	_ =	swait.ge [sflag:s10], $0x1400  }
0x46: {  	[sflag:s10] =	ssyncset.done $0x0  }
0x47: {  	[sflag:s10] =	ssyncadd.s32 $0xFFFFEC00  }
0x48: {  	[bflag:$0x0] =	sbarrier.arrive $0xFFFF  }
0x49: {  	[tilespmem:s15], [sflag:$0x1] =	stream.indirect.gather [hbm4b:s4+s14], $0x40, s0, s14, $0xb8;
	[tilespmem:$0x1F000] =	vst v63  }
0x4a: {  	_ = 	snop  }
0x4b: {  	[tilespmem:s16], [sflag:$0x2] =	stream.indirect.gather [hbm4b:s4+s14], $0x40, s14, s14, $0xb8;
	[tilespmem:$0x1F000] =	vst v63  }
0x4c: {  	s7 =	simm.s32 $0x100  }
0x4d: {  	[tilespmem:s18], [sflag:$0x3] =	stream.indirect.gather [hbm4b:s4+s14], $0x40, s7, s14, $0xb8;
	[tilespmem:$0x1F000] =	vst v63  }
0x4e: {  	s3 =	simm.s32 $0x0;
	s11 =	simm.s32 $0x180  }
0x4f: {  	[tilespmem:s20], [sflag:$0x4] =	stream.indirect.gather [hbm4b:s4+s14], $0x40, s11, s14, $0xb8;
	[tilespmem:$0x1F000] =	vst v63  }
.LBB2_2:
0x50: {  	_ =	swait.ge [sflag:s21], $0x2000  }
0x51: {  	s0 =	sshra.s32 s3, $0x2;
	[sflag:s21] =	ssyncset.done $0x0  }
0x52: {  	p0 =	seq.s32 s3, $0x0;
	s11 =	sadd.s32 $0x2800, s0;
	[sflag:s21] =	ssyncadd.s32 $0xFFFFE000  }
0x53: {  	[spmem:s2] =	stream.indirect.scatter.add.f32 [tilespmem:s15], [sflag:$0x9], $0x40, s11, s14, $0xb8;
	[tilespmem:$0x1F000] =	vst v63  }
0x54: {  	s11 =	simm.s32 @!p0 $0xD  }
0x55: {  	_ =	swait.ge @!p0 [sflag:s11], $0x2000  }
0x56: {  	[sflag:s11] =	ssyncset.done @!p0 $0x0  }
0x57: {  	s6 =	sadd.s32 $0x200, s0;
	[sflag:s11] =	ssyncadd.s32 @!p0 $0xFFFFE000  }
0x58: {  	[tilespmem:s22], [sflag:$0x5] =	stream.indirect.gather [hbm4b:s4+s14], $0x40, s6, s14, $0xb8;
	[tilespmem:$0x1F000] =	vst v63  }
0x59: {  	_ =	swait.ge [sflag:s23], $0x2000  }
0x5a: {  	[sflag:s23] =	ssyncset.done $0x0  }
0x5b: {  	s7 =	sadd.s32 $0x2880, s0;
	s11 =	simm.s32 @!p0 $0xE;
	[sflag:s23] =	ssyncadd.s32 $0xFFFFE000  }
0x5c: {  	[spmem:s2] =	stream.indirect.scatter.add.f32 [tilespmem:s16], [sflag:$0xA], $0x40, s7, s14, $0xb8;
	[tilespmem:$0x1F000] =	vst v63  }
0x5d: {  	_ =	swait.ge @!p0 [sflag:s11], $0x2000  }
0x5e: {  	[sflag:s11] =	ssyncset.done @!p0 $0x0  }
0x5f: {  	s5 =	sadd.s32 $0x280, s0;
	[sflag:s11] =	ssyncadd.s32 @!p0 $0xFFFFE000  }
0x60: {  	[tilespmem:s24], [sflag:$0x6] =	stream.indirect.gather [hbm4b:s4+s14], $0x40, s5, s14, $0xb8;
	[tilespmem:$0x1F000] =	vst v63  }
0x61: {  	_ =	swait.ge [sflag:s25], $0x2000  }
0x62: {  	[sflag:s25] =	ssyncset.done $0x0  }
0x63: {  	s6 =	sadd.s32 $0x2900, s0;
	s11 =	simm.s32 @!p0 $0xF;
	[sflag:s25] =	ssyncadd.s32 $0xFFFFE000  }
0x64: {  	[spmem:s2] =	stream.indirect.scatter.add.f32 [tilespmem:s18], [sflag:$0xB], $0x40, s6, s14, $0xb8;
	[tilespmem:$0x1F000] =	vst v63  }
0x65: {  	_ =	swait.ge @!p0 [sflag:s11], $0x2000  }
0x66: {  	[sflag:s11] =	ssyncset.done @!p0 $0x0  }
0x67: {  	s7 =	sadd.s32 $0x300, s0;
	[sflag:s11] =	ssyncadd.s32 @!p0 $0xFFFFE000  }
0x68: {  	[tilespmem:s26], [sflag:$0x7] =	stream.indirect.gather [hbm4b:s4+s14], $0x40, s7, s14, $0xb8;
	[tilespmem:$0x1F000] =	vst v63  }
0x69: {  	_ =	swait.ge [sflag:s28], $0x2000  }
0x6a: {  	[sflag:s28] =	ssyncset.done $0x0  }
0x6b: {  	s5 =	sadd.s32 $0x2980, s0;
	s11 =	simm.s32 @!p0 $0x10;
	[sflag:s28] =	ssyncadd.s32 $0xFFFFE000  }
0x6c: {  	[spmem:s2] =	stream.indirect.scatter.add.f32 [tilespmem:s20], [sflag:$0xC], $0x40, s5, s14, $0xb8;
	[tilespmem:$0x1F000] =	vst v63  }
0x6d: {  	_ =	swait.ge @!p0 [sflag:s11], $0x2000  }
0x6e: {  	[sflag:s11] =	ssyncset.done @!p0 $0x0  }
0x6f: {  	s6 =	sadd.s32 $0x380, s0;
	[sflag:s11] =	ssyncadd.s32 @!p0 $0xFFFFE000  }
0x70: {  	[tilespmem:s29], [sflag:$0x8] =	stream.indirect.gather [hbm4b:s4+s14], $0x40, s6, s14, $0xb8;
	[tilespmem:$0x1F000] =	vst v63  }
0x71: {  	_ =	swait.ge [sflag:s30], $0x2000  }
0x72: {  	p0 =	seq.s32 s3, $0x9000;
	[sflag:s30] =	ssyncset.done $0x0  }
0x73: {  	s7 =	sadd.s32 $0x2A00, s0;
	s11 =	simm.s32 @p0 $0x6;
	[sflag:s30] =	ssyncadd.s32 $0xFFFFE000  }
0x74: {  	[spmem:s2] =	stream.indirect.scatter.add.f32 [tilespmem:s22], [sflag:$0xD], $0x40, s7, s14, $0xb8;
	[tilespmem:$0x1F000] =	vst v63  }
0x75: {  	_ =	swait.ge @p0 [sflag:s11], $0x2000  }
0x76: {  	[sflag:s11] =	ssyncset.done @p0 $0x0  }
0x77: {  	[sflag:s11] =	ssyncadd.s32 @p0 $0xFFFFE000;
	s11 =	sshra.s32 @p0 s3, $0x2  }
0x78: {  	s5 =	simm.s32 @p0 $0x80;
	s6 =	simm.s32 @p0 $0xF000;
	s11 =	sadd.s32 @p0 $0x2A80, s11  }
0x79: {  	[spmem:s2] =	stream.indirect.scatter.add.f32 @p0 [tilespmem:s6], [sflag:$0xE], $0x40, s11, s5, $0xb8;
	[tilespmem:$0x1F000] =	vst v63  }
0x7a: {  	s5 =	simm.s32 @!p0 $0x9  }
0x7b: {  	_ =	swait.ge @!p0 [sflag:s5], $0x2000  }
0x7c: {  	[sflag:s5] =	ssyncset.done @!p0 $0x0  }
0x7d: {  	[sflag:s5] =	ssyncadd.s32 @!p0 $0xFFFFE000;
	s5 =	sshra.s32 @!p0 s3, $0x2  }
0x7e: {  	s7 =	simm.s32 @!p0 $0x5000;
	s11 =	simm.s32 @!p0 $0x80;
	s6 =	sadd.s32 @!p0 $0x400, s5  }
0x7f: {  	[tilespmem:s7], [sflag:$0x1] =	stream.indirect.gather @!p0 [hbm4b:s4+s11], $0x40, s6, s11, $0xb8;
	[tilespmem:$0x1F000] =	vst v63  }
0x80: {  	s6 =	simm.s32 @!p0 $0x6  }
0x81: {  	_ =	swait.ge @!p0 [sflag:s6], $0x2000  }
0x82: {  	[sflag:s6] =	ssyncset.done @!p0 $0x0  }
0x83: {  	s7 =	simm.s32 @!p0 $0xF000;
	[sflag:s6] =	ssyncadd.s32 @!p0 $0xFFFFE000;
	s6 =	sadd.s32 @!p0 $0x2A80, s5  }
0x84: {  	[spmem:s2] =	stream.indirect.scatter.add.f32 @!p0 [tilespmem:s7], [sflag:$0xE], $0x40, s6, s11, $0xb8;
	[tilespmem:$0x1F000] =	vst v63  }
0x85: {  	s6 =	simm.s32 @!p0 $0xA  }
0x86: {  	_ =	swait.ge @!p0 [sflag:s6], $0x2000  }
0x87: {  	[sflag:s6] =	ssyncset.done @!p0 $0x0  }
0x88: {  	s5 =	sadd.s32 @!p0 $0x480, s5;
	[sflag:s6] =	ssyncadd.s32 @!p0 $0xFFFFE000;
	s6 =	simm.s32 @!p0 $0x7000  }
0x89: {  	[tilespmem:s6], [sflag:$0x2] =	stream.indirect.gather @!p0 [hbm4b:s4+s11], $0x40, s5, s11, $0xb8;
	[tilespmem:$0x1F000] =	vst v63  }
.Ltmp2:
0x8a: {  	_ =	swait.ge [sflag:s31], $0x2000;
	(pc) =	sbr.rel @p0 .LBB2_4-.Ltmp2, $4  }
0x8b: {  	[sflag:s31] =	ssyncset.done $0x0  }
0x8c: {  	s11 =	sadd.s32 $0x2B00, s0;
	[sflag:s31] =	ssyncadd.s32 $0xFFFFE000  }
0x8d: {  	[spmem:s2] =	stream.indirect.scatter.add.f32 [tilespmem:s26], [sflag:$0xF], $0x40, s11, s14, $0xb8;
	[tilespmem:$0x1F000] =	vst v63  }
0x8e: {  	s11 =	sadd.s32 $0x2B80, s0  }
0x8f: {  	_ =	swait.ge [sflag:s17], $0x2000  }
0x90: {  	[sflag:s17] =	ssyncset.done $0x0  }
0x91: {  	s5 =	sadd.s32 $0x500, s0;
	[sflag:s17] =	ssyncadd.s32 $0xFFFFE000  }
0x92: {  	[tilespmem:s18], [sflag:$0x3] =	stream.indirect.gather [hbm4b:s4+s14], $0x40, s5, s14, $0xb8;
	[tilespmem:$0x1F000] =	vst v63  }
0x93: {  	_ =	swait.ge [sflag:s1], $0x2000  }
0x94: {  	[sflag:s1] =	ssyncset.done $0x0  }
0x95: {  	[sflag:s1] =	ssyncadd.s32 $0xFFFFE000  }
0x96: {  	[spmem:s2] =	stream.indirect.scatter.add.f32 [tilespmem:s29], [sflag:$0x10], $0x40, s11, s14, $0xb8;
	[tilespmem:$0x1F000] =	vst v63  }
.Ltmp3:
0x97: {  	_ = 	snop;
	(pc) =	sbr.rel .LBB2_2-.Ltmp3, $4  }
0x98: {  	_ =	swait.ge [sflag:s19], $0x2000  }
0x99: {  	[sflag:s19] =	ssyncset.done $0x0  }
0x9a: {  	s3 =	sadd.s32 $0x1000, s3;
	s11 =	sadd.s32 $0x580, s0;
	[sflag:s19] =	ssyncadd.s32 $0xFFFFE000  }
0x9b: {  	[tilespmem:s20], [sflag:$0x4] =	stream.indirect.gather [hbm4b:s4+s14], $0x40, s11, s14, $0xb8;
	[tilespmem:$0x1F000] =	vst v63  }
.LBB2_5:
0x9c: {  	_ =	sfence.sel $0x180000  }
0x9d: {  	[bflag:$0x0] =	sbarrier.arrive $0xFFFF  }
0x9e: {  	_ =	strace $0x9000004D  }
0x9f: {  	s0 =	stileid.u32;
	[bflag:$0x2] =	sbarrier.arrive $0xFFFF  }
0xa0: {  	p0 =	sne.s32 s0, $0x0;
	s0 =	rddreg [dreg:$0x2]  }
0xa1: {  	s0 =	sadd.s32 @!p0 $0x100000, s0  }
0xa2: {  	[sflag:s0] =	ssyncadd.tile.s32 @!p0 $0x1;
	_ =	shalt  }
.Lfunc_end2:
_tile_overlayer_lowered:
.L_overlay_start_2:
0xa3: {  	(tag) =	ssettag $0x2  }
0xa4: {  	s0 =	rddreg [dreg:$0x0];
	s2 =	stileid.u32  }
0xa5: {  	s1 =	rddreg [dreg:$0x1];
	p0 =	sne.s32 s2, $0x0  }
0xa6: {  	s3 =	rddreg [dreg:$0x2];
	[bflag:$0x3] =	sbarrier.arrive $0xFFFF;
	s2 =	simm.s32 @!p0 $0x1C11  }
0xa7: {  	[timem:s3], [sflag:s2] =	dma.local @!p0 [hbm:s0], s1  }
0xa8: {  	s0 =	simm.s32 @!p0 $0x11  }
0xa9: {  	_ =	swait.ge @!p0 [sflag:s0], s1  }
0xaa: {  	s1 =	ssub.s32 @!p0 $0x0, s1;
	[sflag:s0] =	ssyncset.done @!p0 $0x0  }
0xab: {  	[sflag:s0] =	ssyncadd.s32 @!p0 s1  }
0xac: {  	[bflag:$0x3] =	sbarrier.arrive $0xFFFF  }
0xad: {  	_ =	shalt  }

// kernel: kernel.9.cloned.1.call-start
scs
__scs_entry_jumppad:
0x0: {  	(pc) =	sbr.rel $0x88, $3  }
0x1: {  	(tag) =	ssettag $0x0;
	lr =	simm.s32 $0x1  }
0x2: {  	[smem:$0x3F96] =	sst lr;
	_ =	strace $0xD0000000  }
0x3: {  	_ = 	snop  }
0x4: {  	_ = 	snop  }
0x5: {  	_ = 	snop  }
0x6: {  	_ = 	snop  }
0x7: {  	_ = 	snop  }
__scs_overlays_trampoline_lowered:
0x8: {  	[smem:$0x3FA5] =	sst s0  }
0x9: {  	[smem:$0x3FA6] =	sst s1  }
0xa: {  	[smem:$0x3FA7] =	sst s2  }
0xb: {  	[smem:$0x3FA8] =	sst s3  }
0xc: {  	[smem:$0x3FA9] =	sst s4  }
0xd: {  	[smem:$0x3FAA] =	sst s5  }
0xe: {  	[smem:$0x3FAB] =	sst s6  }
0xf: {  	[smem:$0x3FAC] =	sst s7  }
0x10: {  	[smem:$0x3FAD] =	sst s8  }
0x11: {  	[smem:$0x3FAE] =	sst s9;
	s0 =	simm.s32 @!p0 $0x0  }
0x12: {  	s1 =	sld [smem:$0x3F94];
	s0 =	simm.s32 @p0 $0x1  }
0x13: {  	[smem:$0x3FAF] =	sst s0;
	s0 =	simm.s32 @!p1 $0x0  }
0x14: {  	s2 =	sld [smem:$0x3F93];
	s0 =	simm.s32 @p1 $0x1  }
0x15: {  	[smem:$0x3FB0] =	sst s0;
	s0 =	simm.s32 @!p2 $0x0  }
0x16: {  	s3 =	sld [smem:$0x3FDB];
	s0 =	simm.s32 @p2 $0x1  }
0x17: {  	s4 =	simm.s32 $0x1BF5;
	[smem:$0x3FB2] =	sst s0  }
0x18: {  	s0 =	sld [smem:$0x3F95];
	_ =	swait.ge [sflag:s4], $0x0  }
0x19: {  	s7 =	sld [smem:$0x3F96]  }
0x1a: {  	s8 =	sadd.s32 $0xFFFFE003, lr  }
0x1b: {  	s9 =	sadd.s32 $0xFFFFFEF7, lr;
	s5 =	simm.s32 $0xFFFFFFFF;
	p2 =	slt.u32 s8, $0xFFFFF086  }
0x1c: {  	p1 =	slt.u32 s9, $0xF7A;
	s5 =	simm.s32 @!p2 $0x0  }
0x1d: {  	s5 =	simm.s32 @p1 $0x1;
	p0 =	seq.s32 s7, s2  }
0x1e: {  	s7 =	smul.u32 @!p0 $0xF7A, s2;
	p2 =	seq.s32 @!p0 s5, $0x0  }
0x1f: {  	s9 =	smul.u32 $0xF7A, s1;
	s8 =	simm.s32 @!p0 $0x1BF5;
	p2 =	por !p2, p0  }
0x20: {  	[sflag:s8] =	ssyncset.s32 @!p0 $0xFFFFF086;
	s6 =	sadd.s32 @!p0 s3, s7;
	s7 =	simm.s32 @!p0 $0x108  }
0x21: {  	s3 =	sadd.s32 s3, s9;
	s6 =	sadd.s32 @!p0 $0x88, s6;
	s7 =	simm.s32 @p2 $0x1082  }
0x22: {  	[simem:s7], [sflag:s8] =	dma.local @!p0 [hbm:s6], $0xF7A  }
0x23: {  	s9 =	sor.u32 $0xD0000000, s2;
	s6 =	simm.s32 $0x108;
	_ =	swait.ge @!p0 [sflag:s8], $0x0  }
0x24: {  	s3 =	sadd.s32 $0x88, s3;
	s6 =	simm.s32 @!p1 $0x1082;
	[sflag:s4] =	ssyncset.s32 $0xFFFFF086  }
0x25: {  	[simem:s6], [sflag:s4] =	dma.local [hbm:s3], $0xF7A  }
0x26: {  	[smem:$0x3F96] =	sst s1;
	(tag) =	ssettag s2;
	_ =	strace s9  }
0x27: {  	s1 =	sld [smem:$0x3FA6]  }
0x28: {  	s2 =	sld [smem:$0x3FA7]  }
0x29: {  	s4 =	sld [smem:$0x3FA9]  }
0x2a: {  	p0 =	seq.s32 s5, $0x0;
	s5 =	sld [smem:$0x3FAA]  }
0x2b: {  	s6 =	sld [smem:$0x3FAB]  }
0x2c: {  	s7 =	sld [smem:$0x3FAC]  }
0x2d: {  	s3 =	simm.s32 $0x108;
	s8 =	sld [smem:$0x3FAD]  }
0x2e: {  	s3 =	simm.s32 @!p0 $0x1082;
	s9 =	sld [smem:$0x3FAE]  }
0x2f: {  	lr =	sadd.s32 s0, s3;
	s0 =	sld [smem:$0x3FA5]  }
0x30: {  	s3 =	sld [smem:$0x3FA8]  }
0x31: {  	[smem:$0x3FB1] =	sst s10  }
0x32: {  	s10 =	sld [smem:$0x3FAF];
	_ =	sdelay $0x3  }
0x33: {  	p0 =	seq.s32 s10, $0x1;
	s10 =	sld [smem:$0x3FB1];
	_ =	sdelay $0x3  }
0x34: {  	[smem:$0x3FB1] =	sst s10  }
0x35: {  	s10 =	sld [smem:$0x3FB0];
	_ =	sdelay $0x3  }
0x36: {  	p1 =	seq.s32 s10, $0x1;
	s10 =	sld [smem:$0x3FB1];
	_ =	sdelay $0x3  }
0x37: {  	[smem:$0x3FB1] =	sst s10  }
0x38: {  	s10 =	sld [smem:$0x3FB2]  }
0x39: {  	_ = 	snop;
	(pc) =	sbr.ind lr, $3  }
0x3a: {  	_ = 	snop  }
0x3b: {  	_ = 	snop  }
0x3c: {  	p2 =	seq.s32 s10, $0x1;
	s10 =	sld [smem:$0x3FB1]  }
0x3d: {  	_ =	shalt  }
0x3e: {  	_ =	shalt  }
0x3f: {  	_ =	shalt  }
0x40: {  	_ =	shalt  }
0x41: {  	_ =	shalt  }
0x42: {  	_ =	shalt  }
0x43: {  	_ =	shalt  }
0x44: {  	_ =	shalt  }
0x45: {  	_ =	shalt  }
0x46: {  	_ =	shalt  }
0x47: {  	_ =	shalt  }
0x48: {  	_ =	shalt  }
0x49: {  	_ =	shalt  }
0x4a: {  	_ =	shalt  }
0x4b: {  	_ =	shalt  }
0x4c: {  	_ =	shalt  }
0x4d: {  	_ =	shalt  }
0x4e: {  	_ =	shalt  }
0x4f: {  	_ =	shalt  }
0x50: {  	_ =	shalt  }
0x51: {  	_ =	shalt  }
0x52: {  	_ =	shalt  }
0x53: {  	_ =	shalt  }
0x54: {  	_ =	shalt  }
0x55: {  	_ =	shalt  }
0x56: {  	_ =	shalt  }
0x57: {  	_ =	shalt  }
0x58: {  	_ =	shalt  }
0x59: {  	_ =	shalt  }
0x5a: {  	_ =	shalt  }
0x5b: {  	_ =	shalt  }
0x5c: {  	_ =	shalt  }
0x5d: {  	_ =	shalt  }
0x5e: {  	_ =	shalt  }
0x5f: {  	_ =	shalt  }
0x60: {  	_ =	shalt  }
0x61: {  	_ =	shalt  }
0x62: {  	_ =	shalt  }
0x63: {  	_ =	shalt  }
0x64: {  	_ =	shalt  }
0x65: {  	_ =	shalt  }
0x66: {  	_ =	shalt  }
0x67: {  	_ =	shalt  }
0x68: {  	_ =	shalt  }
0x69: {  	_ =	shalt  }
0x6a: {  	_ =	shalt  }
0x6b: {  	_ =	shalt  }
0x6c: {  	_ =	shalt  }
0x6d: {  	_ =	shalt  }
0x6e: {  	_ =	shalt  }
0x6f: {  	_ =	shalt  }
0x70: {  	_ =	shalt  }
0x71: {  	_ =	shalt  }
0x72: {  	_ =	shalt  }
0x73: {  	_ =	shalt  }
0x74: {  	_ =	shalt  }
0x75: {  	_ =	shalt  }
0x76: {  	_ =	shalt  }
0x77: {  	_ =	shalt  }
0x78: {  	_ =	shalt  }
0x79: {  	_ =	shalt  }
0x7a: {  	_ =	shalt  }
0x7b: {  	_ =	shalt  }
0x7c: {  	_ =	shalt  }
0x7d: {  	_ =	shalt  }
0x7e: {  	_ =	shalt  }
0x7f: {  	_ =	shalt  }
0x80: {  	_ =	shalt  }
0x81: {  	_ =	shalt  }
0x82: {  	_ =	shalt  }
0x83: {  	_ =	shalt  }
0x84: {  	_ =	shalt  }
0x85: {  	_ =	shalt  }
0x86: {  	_ =	shalt  }
0x87: {  	_ =	shalt  }
.Lfunc_end0:
.L_simem_size_0:
called_computation_lowered:
.L_overlay_start_0:
0x88: {  	s2 =	sld [smem:$0x3FD9]  }
0x89: {  	s3 =	sld [smem:$0x3FFE];
	_ =	sdelay $0x1  }
0x8a: {  	s1 =	srdreg.scid  }
0x8b: {  	s0 =	sand.u32 $0x1, s1  }
0x8c: {  	s17 =	sshll.u32 s0, $0xA;
	s2 =	sadd.s32 s3, s2  }
0x8d: {  	s2 =	sadd.s32 s2, s17  }
0x8e: {  	[smem:$0x3FBD] =	sst s2  }
0x8f: {  	_ = 	snop  }
0x90: {  	(tm) =	ssettm $0x1  }
0x91: {  	s18 =	sld [smem:$0x3FFB];
	_ =	sdelay $0x3  }
0x92: {  	_ =	strace s18  }
0x93: {  	s2 =	sld [smem:$0x3FFC];
	_ =	sdelay $0x3  }
0x94: {  	_ =	strace s2  }
0x95: {  	s2 =	sld [smem:$0x3FFD];
	_ =	sdelay $0x3  }
0x96: {  	_ =	strace s2  }
0x97: {  	_ =	strace $0x8FFFFFFF  }
0x98: {  	s19 =	sld [smem:$0x3FDB];
	_ =	sdelay $0x1  }
0x99: {  	s20 =	simm.s32 $_scs_section_size  }
0x9a: {  	s4 =	simm.s32 $_size__tile_overlayer_lowered;
	s5 =	simm.s32 $_tile_overlayer_lowered  }
0x9b: {  	s6 =	simm.s32 $0x1BFF;
	s21 =	sshll.u32 s5, $0x1;
	s3 =	sadd.s32 s20, s19  }
0x9c: {  	s22 =	simm.s32 $0x0;
	s4 =	sshll.u32 s4, $0x1;
	s5 =	sadd.s32 s21, s3  }
0x9d: {  	[timem:s22], [sflag:s6] =	dma.local [hbm:s5], s4  }
0x9e: {  	_ =	swait.ge [sflag:s6], s4  }
0x9f: {  	s4 =	ssub.s32 $0x0, s4;
	[sflag:s6] =	ssyncset.done $0x0  }
0xa0: {  	[sflag:s6] =	ssyncadd.s32 s4;
	_ =	sdelay $0x1  }
0xa1: {  	s23 =	simm.s32 $0x1B8B  }
0xa2: {  	_ =	swait.ge [sflag:s23], $0x1  }
0xa3: {  	[sflag:s23] =	ssyncset.done $0x0  }
0xa4: {  	[sflag:s23] =	ssyncadd.s32 $0xFFFFFFFF  }
0xa5: {  	s4 =	sld [smem:$0x0]  }
0xa6: {  	s5 =	sand.u32 $0xFFFFFFFE, s1  }
0xa7: {  	p0 =	sne.s32 s1, s5  }
0xa8: {  	s5 =	sshll.u32 @p0 s5, $0xE  }
0xa9: {  	s5 =	sadd.s32 @p0 $0x11B8D, s5;
	s6 =	sshll.u32 @p0 s4, $0x11  }
0xaa: {  	s5 =	sor.u32 @p0 s6, s5  }
0xab: {  	[sflag:s5] =	ssyncadd.remote.s32 @p0 $0x1;
	_ =	sdelay $0x1  }
0xac: {  	s5 =	simm.s32 @p0 $0x1B8D  }
0xad: {  	_ =	swait.eq @p0 [sflag:s5], $0x1  }
0xae: {  	[sflag:s5] =	ssyncadd.s32 @p0 $0xFFFFFFFF  }
0xaf: {  	s6 =	sshll.u32 @!p0 s1, $0xE  }
0xb0: {  	s6 =	sor.u32 @!p0 $0x4000, s6;
	s5 =	simm.s32 @!p0 $0x1B8D  }
0xb1: {  	s4 =	sshll.u32 @!p0 s4, $0x11;
	s6 =	sadd.s32 @!p0 $0x11B8D, s6;
	_ =	swait.eq @!p0 [sflag:s5], $0x1  }
0xb2: {  	s4 =	sor.u32 @!p0 s4, s6;
	[sflag:s5] =	ssyncadd.s32 @!p0 $0xFFFFFFFF  }
0xb3: {  	s25 =	simm.s32 $0x1B8E;
	s24 =	sld [smem:$0x3FFE];
	[sflag:s4] =	ssyncadd.remote.s32 @!p0 $0x1  }
0xb4: {  	s26 =	simm.s32 $execute0_lowered;
	[smem:$0x3FD2] =	sst s25  }
0xb5: {  	s5 =	sshll.u32 s26, $0x1;
	_ =	strace $0x80000049;
	[dreg:$0x1] =	wrdreg $0xFFFFFFFF  }
0xb6: {  	s28 =	simm.s32 $_size_execute0_lowered;
	s3 =	sadd.s32 s3, s5;
	[dreg:$0x0] =	wrdreg $0x0  }
0xb7: {  	s5 =	sshll.u32 s28, $0x1;
	[dreg:$0x2] =	wrdreg s3  }
0xb8: {  	[dreg:$0x3] =	wrdreg s5  }
0xb9: {  	[dreg:$0x4] =	wrdreg $0xC0  }
0xba: {  	_ =	task [dreg:s22], $0x5FFFF  }
0xbb: {  	[dreg:$0x1] =	wrdreg $0xFFFFFFFF  }
0xbc: {  	[dreg:$0x0] =	wrdreg $0x60  }
0xbd: {  	[dreg:$0x2] =	wrdreg s24  }
0xbe: {  	[dreg:$0x3] =	wrdreg $0x150000  }
0xbf: {  	[dreg:$0x4] =	wrdreg $0x9  }
0xc0: {  	_ =	task.clear_ibuf [dreg:s22], $0x5FFFF;
	_ =	strace $0x90000049  }
0xc1: {  	s29 =	simm.s32 $0x9;
	_ =	strace $0x8000004B  }
0xc2: {  	_ =	swait.ge [sflag:s29], $0x1  }
0xc3: {  	[sflag:s29] =	ssyncadd.s32 $0xFFFFFFFF  }
0xc4: {  	_ =	strace $0x9000004B  }
0xc5: {  	_ =	sfence  }
0xc6: {  	s30 =	sld [smem:$0x0];
	_ =	sdelay $0x2  }
0xc7: {  	s31 =	sshll.u32 s1, $0xD;
	s1 =	sshrl.u32 s1, $0x2  }
0xc8: {  	s4 =	sand.u32 $0x4000, s31;
	s1 =	sadd.s32 s1, s30  }
0xc9: {  	s0 =	sor.u32 s4, s0;
	s1 =	sshll.u32 s1, $0x11  }
0xca: {  	s0 =	sor.u32 s1, s0  }
0xcb: {  	s0 =	sadd.s32 $0x8F2B, s0  }
0xcc: {  	[sflag:s0] =	ssyncadd.remote.s32 $0x1  }
0xcd: {  	_ =	sfence.sel $0xFFFF  }
0xce: {  	[dreg:$0x0] =	wrdreg $0xFFFFFFFF;
	(pc) =	sbr.abs _section_cstart, $3  }
0xcf: {  	[dreg:$0x1] =	wrdreg $0xFFFFFFFF  }
0xd0: {  	_ =	task.clear_ibuf [dreg:s22], $0x2FFFF;
	_ =	strace $0x9FFFFFFF  }
0xd1: {  	(tm) =	ssettm $0x7FFFFFFF  }
tec
execute0_lowered:
.L_overlay_start_1:
0x0: {  	(tag) =	ssettag $0x1  }
0x1: {  	s0 =	srdreg.scid  }
0x2: {  	s8 =	stileid.u32;
	s3 =	rddreg [dreg:$0x0]  }
0x3: {  	s2 =	rddreg [dreg:$0x1];
	s4 =	simm.s32 $0x0;
	s10 =	simm.s32 $0x11  }
0x4: {  	s14 =	simm.s32 $0x80;
	s15 =	simm.s32 $0x5000;
	s16 =	simm.s32 $0x7000  }
0x5: {  	s18 =	simm.s32 $0x9000;
	s20 =	simm.s32 $0xB000;
	s21 =	simm.s32 $0x1  }
0x6: {  	s22 =	simm.s32 $0xD000;
	s28 =	simm.s32 $0x4;
	s29 =	simm.s32 $0x13000  }
0x7: {  	s30 =	simm.s32 $0x5;
	s31 =	simm.s32 $0x7;
	s17 =	simm.s32 $0xB  }
0x8: {  	s19 =	simm.s32 $0xC;
	s9 =	simm.s32 $0x0;
	s0 =	sand.u32 $0x1, s0  }
0x9: {  	s1 =	sshll.u32 s8, $0x1;
	s5 =	smul.u32 $0xA000, s8;
	[smem:$0x7FF] =	sst s4  }
0xa: {  	s4 =	sadd.s32 $0x16400, s3;
	s7 =	sadd.s32 $0x175E00, s3;
	s26 =	sshll.u32 s8, $0x6  }
0xb: {  	s8 =	simm.s32 $0x10;
	s1 =	sor.u32 s0, s1;
	s6 =	smul.u32 $0xA0000, s0  }
0xc: {  	_ =	strace $0x8000004A;
	s0 =	ssub.s32 $0x2, s0;
	[dreg:$0x3] =	wrdreg s7  }
0xd: {  	s12 =	sor.u32 $0x1C11, s26;
	s26 =	simm.s32 $0x11000;
	s1 =	smul.u32 $0x500, s1  }
0xe: {  	s23 =	sshrl.u32 s0, $0x1;
	s25 =	sadd.s32 s5, s2;
	s6 =	sadd.s32 s5, s6  }
0xf: {  	s0 =	ssub.s32 s0, s23;
	s13 =	sshrl.u32 s25, $0x3;
	s23 =	simm.s32 $0x2  }
.Ltmp0:
0x10: {  	s1 =	sadd.s32 s1, s3;
	s0 =	smax.u32 s0, $0x1;
	(pc) =	sbr.rel .LBB2_1-.Ltmp0, $4  }
0x11: {  	s6 =	sshrl.u32 s6, $0x3;
	s24 =	sadd.s32 $0x19F200, s1;
	[dreg:$0x7] =	wrdreg s0  }
0x12: {  	s3 =	sadd.s32 s6, s3;
	s1 =	sadd.s32 $0x2400, s1;
	[dreg:$0x4] =	wrdreg s24  }
0x13: {  	s25 =	simm.s32 $0x3;
	[dreg:$0x5] =	wrdreg s1;
	s3 =	sadd.s32 $0x1A9200, s3  }
0x14: {  	s24 =	simm.s32 $0xF000;
	s1 =	simm.s32 $0x8;
	[dreg:$0x6] =	wrdreg s3  }
.LBB2_4:
0x15: {  	_ =	swait.ge [sflag:s1], $0x2000  }
0x16: {  	[sflag:s1] =	ssyncset.done $0x0  }
0x17: {  	s0 =	simm.s32 $0x9;
	[sflag:s1] =	ssyncadd.s32 $0xFFFFE000  }
0x18: {  	[spmem:s2] =	stream.indirect.scatter.add.f32 [tilespmem:s29], [sflag:$0x10], $0x40, s11, s14, $0xb8;
	[tilespmem:$0x1F000] =	vst v63  }
0x19: {  	_ =	swait.ge [sflag:s0], $0x2000  }
0x1a: {  	[sflag:s0] =	ssyncset.done $0x0  }
0x1b: {  	s11 =	simm.s32 $0xA;
	[sflag:s0] =	ssyncadd.s32 $0xFFFFE000  }
0x1c: {  	_ =	swait.ge [sflag:s11], $0x2000  }
0x1d: {  	[sflag:s11] =	ssyncset.done $0x0  }
0x1e: {  	[sflag:s11] =	ssyncadd.s32 $0xFFFFE000  }
0x1f: {  	_ =	swait.ge [sflag:s17], $0x2000  }
0x20: {  	[sflag:s17] =	ssyncset.done $0x0  }
0x21: {  	[sflag:s17] =	ssyncadd.s32 $0xFFFFE000  }
0x22: {  	_ =	swait.ge [sflag:s19], $0x2000  }
0x23: {  	[sflag:s19] =	ssyncset.done $0x0  }
0x24: {  	s3 =	simm.s32 $0xD;
	[sflag:s19] =	ssyncadd.s32 $0xFFFFE000  }
0x25: {  	_ =	swait.ge [sflag:s3], $0x2000  }
0x26: {  	[sflag:s3] =	ssyncset.done $0x0  }
0x27: {  	s5 =	simm.s32 $0xE;
	[sflag:s3] =	ssyncadd.s32 $0xFFFFE000  }
0x28: {  	_ =	swait.ge [sflag:s5], $0x2000  }
0x29: {  	[sflag:s5] =	ssyncset.done $0x0  }
0x2a: {  	s6 =	simm.s32 $0xF;
	[sflag:s5] =	ssyncadd.s32 $0xFFFFE000  }
0x2b: {  	_ =	swait.ge [sflag:s6], $0x2000  }
0x2c: {  	[sflag:s6] =	ssyncset.done $0x0  }
0x2d: {  	[sflag:s6] =	ssyncadd.s32 $0xFFFFE000  }
0x2e: {  	_ =	swait.ge [sflag:s8], $0x2000  }
0x2f: {  	[sflag:s8] =	ssyncset.done $0x0  }
0x30: {  	[sflag:s8] =	ssyncadd.s32 $0xFFFFE000  }
0x31: {  	[bflag:$0x0] =	sbarrier.arrive $0xFFFF  }
0x32: {  	s7 =	rddreg [dreg:$0x6]  }
0x33: {  	[hbm:s7], [sflag:s12] =	dma.local [spmem:s13], $0x1400  }
0x34: {  	_ =	swait.ge [sflag:s10], $0x1400  }
0x35: {  	s9 =	sadd.s32 $0x1, s9;
	s11 =	rddreg [dreg:$0x7]  }
0x36: {  	p0 =	sne.s32 s9, s11  }
.Ltmp1:
0x37: {  	_ = 	snop;
	(pc) =	sbr.rel @!p0 .LBB2_5-.Ltmp1, $3  }
0x38: {  	_ =	sdelay $0x1  }
0x39: {  	[sflag:s10] =	ssyncset.done $0x0  }
0x3a: {  	[sflag:s10] =	ssyncadd.s32 $0xFFFFEC00  }
.LBB2_1:
0x3b: {  	s0 =	simm.s32 $0x0;
	s3 =	rddreg [dreg:$0x4]  }
0x3c: {  	[tilespmem:s0], [sflag:$0x11] =	stream.linear.gather [hbm4b:s3+s0], $0x2800, $0x38;
	[tilespmem:$0x1F000] =	vst v63  }
0x3d: {  	_ =	swait.ge [sflag:s10], $0x2800  }
0x3e: {  	[sflag:s10] =	ssyncset.done $0x0  }
0x3f: {  	s5 =	simm.s32 $0x2800;
	s11 =	rddreg [dreg:$0x5];
	[sflag:s10] =	ssyncadd.s32 $0xFFFFD800  }
0x40: {  	[tilespmem:s5], [sflag:$0x11] =	stream.linear.gather [hbm4b:s11+s0], $0x2800, $0x38;
	[tilespmem:$0x1F000] =	vst v63  }
0x41: {  	_ =	swait.ge [sflag:s10], $0x2800  }
0x42: {  	[sflag:s10] =	ssyncset.done $0x0  }
0x43: {  	s6 =	rddreg [dreg:$0x3];
	[sflag:s10] =	ssyncadd.s32 $0xFFFFD800  }
0x44: {  	[spmem:s13], [sflag:s12] =	dma.local [hbm:s6], $0x1400  }
0x45: {  	_ =	swait.ge [sflag:s10], $0x1400  }
0x46: {  	[sflag:s10] =	ssyncset.done $0x0  }
0x47: {  	[sflag:s10] =	ssyncadd.s32 $0xFFFFEC00  }
0x48: {  	[bflag:$0x0] =	sbarrier.arrive $0xFFFF  }
0x49: {  	[tilespmem:s15], [sflag:$0x1] =	stream.indirect.gather [hbm4b:s4+s14], $0x40, s0, s14, $0xb8;
	[tilespmem:$0x1F000] =	vst v63  }
0x4a: {  	_ = 	snop  }
0x4b: {  	[tilespmem:s16], [sflag:$0x2] =	stream.indirect.gather [hbm4b:s4+s14], $0x40, s14, s14, $0xb8;
	[tilespmem:$0x1F000] =	vst v63  }
0x4c: {  	s7 =	simm.s32 $0x100  }
0x4d: {  	[tilespmem:s18], [sflag:$0x3] =	stream.indirect.gather [hbm4b:s4+s14], $0x40, s7, s14, $0xb8;
	[tilespmem:$0x1F000] =	vst v63  }
0x4e: {  	s3 =	simm.s32 $0x0;
	s11 =	simm.s32 $0x180  }
0x4f: {  	[tilespmem:s20], [sflag:$0x4] =	stream.indirect.gather [hbm4b:s4+s14], $0x40, s11, s14, $0xb8;
	[tilespmem:$0x1F000] =	vst v63  }
.LBB2_2:
0x50: {  	_ =	swait.ge [sflag:s21], $0x2000  }
0x51: {  	s0 =	sshra.s32 s3, $0x2;
	[sflag:s21] =	ssyncset.done $0x0  }
0x52: {  	p0 =	seq.s32 s3, $0x0;
	s11 =	sadd.s32 $0x2800, s0;
	[sflag:s21] =	ssyncadd.s32 $0xFFFFE000  }
0x53: {  	[spmem:s2] =	stream.indirect.scatter.add.f32 [tilespmem:s15], [sflag:$0x9], $0x40, s11, s14, $0xb8;
	[tilespmem:$0x1F000] =	vst v63  }
0x54: {  	s11 =	simm.s32 @!p0 $0xD  }
0x55: {  	_ =	swait.ge @!p0 [sflag:s11], $0x2000  }
0x56: {  	[sflag:s11] =	ssyncset.done @!p0 $0x0  }
0x57: {  	s6 =	sadd.s32 $0x200, s0;
	[sflag:s11] =	ssyncadd.s32 @!p0 $0xFFFFE000  }
0x58: {  	[tilespmem:s22], [sflag:$0x5] =	stream.indirect.gather [hbm4b:s4+s14], $0x40, s6, s14, $0xb8;
	[tilespmem:$0x1F000] =	vst v63  }
0x59: {  	_ =	swait.ge [sflag:s23], $0x2000  }
0x5a: {  	[sflag:s23] =	ssyncset.done $0x0  }
0x5b: {  	s7 =	sadd.s32 $0x2880, s0;
	s11 =	simm.s32 @!p0 $0xE;
	[sflag:s23] =	ssyncadd.s32 $0xFFFFE000  }
0x5c: {  	[spmem:s2] =	stream.indirect.scatter.add.f32 [tilespmem:s16], [sflag:$0xA], $0x40, s7, s14, $0xb8;
	[tilespmem:$0x1F000] =	vst v63  }
0x5d: {  	_ =	swait.ge @!p0 [sflag:s11], $0x2000  }
0x5e: {  	[sflag:s11] =	ssyncset.done @!p0 $0x0  }
0x5f: {  	s5 =	sadd.s32 $0x280, s0;
	[sflag:s11] =	ssyncadd.s32 @!p0 $0xFFFFE000  }
0x60: {  	[tilespmem:s24], [sflag:$0x6] =	stream.indirect.gather [hbm4b:s4+s14], $0x40, s5, s14, $0xb8;
	[tilespmem:$0x1F000] =	vst v63  }
0x61: {  	_ =	swait.ge [sflag:s25], $0x2000  }
0x62: {  	[sflag:s25] =	ssyncset.done $0x0  }
0x63: {  	s6 =	sadd.s32 $0x2900, s0;
	s11 =	simm.s32 @!p0 $0xF;
	[sflag:s25] =	ssyncadd.s32 $0xFFFFE000  }
0x64: {  	[spmem:s2] =	stream.indirect.scatter.add.f32 [tilespmem:s18], [sflag:$0xB], $0x40, s6, s14, $0xb8;
	[tilespmem:$0x1F000] =	vst v63  }
0x65: {  	_ =	swait.ge @!p0 [sflag:s11], $0x2000  }
0x66: {  	[sflag:s11] =	ssyncset.done @!p0 $0x0  }
0x67: {  	s7 =	sadd.s32 $0x300, s0;
	[sflag:s11] =	ssyncadd.s32 @!p0 $0xFFFFE000  }
0x68: {  	[tilespmem:s26], [sflag:$0x7] =	stream.indirect.gather [hbm4b:s4+s14], $0x40, s7, s14, $0xb8;
	[tilespmem:$0x1F000] =	vst v63  }
0x69: {  	_ =	swait.ge [sflag:s28], $0x2000  }
0x6a: {  	[sflag:s28] =	ssyncset.done $0x0  }
0x6b: {  	s5 =	sadd.s32 $0x2980, s0;
	s11 =	simm.s32 @!p0 $0x10;
	[sflag:s28] =	ssyncadd.s32 $0xFFFFE000  }
0x6c: {  	[spmem:s2] =	stream.indirect.scatter.add.f32 [tilespmem:s20], [sflag:$0xC], $0x40, s5, s14, $0xb8;
	[tilespmem:$0x1F000] =	vst v63  }
0x6d: {  	_ =	swait.ge @!p0 [sflag:s11], $0x2000  }
0x6e: {  	[sflag:s11] =	ssyncset.done @!p0 $0x0  }
0x6f: {  	s6 =	sadd.s32 $0x380, s0;
	[sflag:s11] =	ssyncadd.s32 @!p0 $0xFFFFE000  }
0x70: {  	[tilespmem:s29], [sflag:$0x8] =	stream.indirect.gather [hbm4b:s4+s14], $0x40, s6, s14, $0xb8;
	[tilespmem:$0x1F000] =	vst v63  }
0x71: {  	_ =	swait.ge [sflag:s30], $0x2000  }
0x72: {  	p0 =	seq.s32 s3, $0x9000;
	[sflag:s30] =	ssyncset.done $0x0  }
0x73: {  	s7 =	sadd.s32 $0x2A00, s0;
	s11 =	simm.s32 @p0 $0x6;
	[sflag:s30] =	ssyncadd.s32 $0xFFFFE000  }
0x74: {  	[spmem:s2] =	stream.indirect.scatter.add.f32 [tilespmem:s22], [sflag:$0xD], $0x40, s7, s14, $0xb8;
	[tilespmem:$0x1F000] =	vst v63  }
0x75: {  	_ =	swait.ge @p0 [sflag:s11], $0x2000  }
0x76: {  	[sflag:s11] =	ssyncset.done @p0 $0x0  }
0x77: {  	[sflag:s11] =	ssyncadd.s32 @p0 $0xFFFFE000;
	s11 =	sshra.s32 @p0 s3, $0x2  }
0x78: {  	s5 =	simm.s32 @p0 $0x80;
	s6 =	simm.s32 @p0 $0xF000;
	s11 =	sadd.s32 @p0 $0x2A80, s11  }
0x79: {  	[spmem:s2] =	stream.indirect.scatter.add.f32 @p0 [tilespmem:s6], [sflag:$0xE], $0x40, s11, s5, $0xb8;
	[tilespmem:$0x1F000] =	vst v63  }
0x7a: {  	s5 =	simm.s32 @!p0 $0x9  }
0x7b: {  	_ =	swait.ge @!p0 [sflag:s5], $0x2000  }
0x7c: {  	[sflag:s5] =	ssyncset.done @!p0 $0x0  }
0x7d: {  	[sflag:s5] =	ssyncadd.s32 @!p0 $0xFFFFE000;
	s5 =	sshra.s32 @!p0 s3, $0x2  }
0x7e: {  	s7 =	simm.s32 @!p0 $0x5000;
	s11 =	simm.s32 @!p0 $0x80;
	s6 =	sadd.s32 @!p0 $0x400, s5  }
0x7f: {  	[tilespmem:s7], [sflag:$0x1] =	stream.indirect.gather @!p0 [hbm4b:s4+s11], $0x40, s6, s11, $0xb8;
	[tilespmem:$0x1F000] =	vst v63  }
0x80: {  	s6 =	simm.s32 @!p0 $0x6  }
0x81: {  	_ =	swait.ge @!p0 [sflag:s6], $0x2000  }
0x82: {  	[sflag:s6] =	ssyncset.done @!p0 $0x0  }
0x83: {  	s7 =	simm.s32 @!p0 $0xF000;
	[sflag:s6] =	ssyncadd.s32 @!p0 $0xFFFFE000;
	s6 =	sadd.s32 @!p0 $0x2A80, s5  }
0x84: {  	[spmem:s2] =	stream.indirect.scatter.add.f32 @!p0 [tilespmem:s7], [sflag:$0xE], $0x40, s6, s11, $0xb8;
	[tilespmem:$0x1F000] =	vst v63  }
0x85: {  	s6 =	simm.s32 @!p0 $0xA  }
0x86: {  	_ =	swait.ge @!p0 [sflag:s6], $0x2000  }
0x87: {  	[sflag:s6] =	ssyncset.done @!p0 $0x0  }
0x88: {  	s5 =	sadd.s32 @!p0 $0x480, s5;
	[sflag:s6] =	ssyncadd.s32 @!p0 $0xFFFFE000;
	s6 =	simm.s32 @!p0 $0x7000  }
0x89: {  	[tilespmem:s6], [sflag:$0x2] =	stream.indirect.gather @!p0 [hbm4b:s4+s11], $0x40, s5, s11, $0xb8;
	[tilespmem:$0x1F000] =	vst v63  }
.Ltmp2:
0x8a: {  	_ =	swait.ge [sflag:s31], $0x2000;
	(pc) =	sbr.rel @p0 .LBB2_4-.Ltmp2, $4  }
0x8b: {  	[sflag:s31] =	ssyncset.done $0x0  }
0x8c: {  	s11 =	sadd.s32 $0x2B00, s0;
	[sflag:s31] =	ssyncadd.s32 $0xFFFFE000  }
0x8d: {  	[spmem:s2] =	stream.indirect.scatter.add.f32 [tilespmem:s26], [sflag:$0xF], $0x40, s11, s14, $0xb8;
	[tilespmem:$0x1F000] =	vst v63  }
0x8e: {  	s11 =	sadd.s32 $0x2B80, s0  }
0x8f: {  	_ =	swait.ge [sflag:s17], $0x2000  }
0x90: {  	[sflag:s17] =	ssyncset.done $0x0  }
0x91: {  	s5 =	sadd.s32 $0x500, s0;
	[sflag:s17] =	ssyncadd.s32 $0xFFFFE000  }
0x92: {  	[tilespmem:s18], [sflag:$0x3] =	stream.indirect.gather [hbm4b:s4+s14], $0x40, s5, s14, $0xb8;
	[tilespmem:$0x1F000] =	vst v63  }
0x93: {  	_ =	swait.ge [sflag:s1], $0x2000  }
0x94: {  	[sflag:s1] =	ssyncset.done $0x0  }
0x95: {  	[sflag:s1] =	ssyncadd.s32 $0xFFFFE000  }
0x96: {  	[spmem:s2] =	stream.indirect.scatter.add.f32 [tilespmem:s29], [sflag:$0x10], $0x40, s11, s14, $0xb8;
	[tilespmem:$0x1F000] =	vst v63  }
.Ltmp3:
0x97: {  	_ = 	snop;
	(pc) =	sbr.rel .LBB2_2-.Ltmp3, $4  }
0x98: {  	_ =	swait.ge [sflag:s19], $0x2000  }
0x99: {  	[sflag:s19] =	ssyncset.done $0x0  }
0x9a: {  	s3 =	sadd.s32 $0x1000, s3;
	s11 =	sadd.s32 $0x580, s0;
	[sflag:s19] =	ssyncadd.s32 $0xFFFFE000  }
0x9b: {  	[tilespmem:s20], [sflag:$0x4] =	stream.indirect.gather [hbm4b:s4+s14], $0x40, s11, s14, $0xb8;
	[tilespmem:$0x1F000] =	vst v63  }
.LBB2_5:
0x9c: {  	_ =	sfence.sel $0x180000  }
0x9d: {  	[bflag:$0x0] =	sbarrier.arrive $0xFFFF  }
0x9e: {  	_ =	strace $0x9000004A  }
0x9f: {  	s0 =	stileid.u32;
	[bflag:$0x2] =	sbarrier.arrive $0xFFFF  }
0xa0: {  	p0 =	sne.s32 s0, $0x0;
	s0 =	rddreg [dreg:$0x2]  }
0xa1: {  	s0 =	sadd.s32 @!p0 $0x100000, s0  }
0xa2: {  	[sflag:s0] =	ssyncadd.tile.s32 @!p0 $0x1;
	_ =	shalt  }
.Lfunc_end2:
_tile_overlayer_lowered:
.L_overlay_start_2:
0xa3: {  	(tag) =	ssettag $0x2  }
0xa4: {  	s0 =	rddreg [dreg:$0x0];
	s2 =	stileid.u32  }
0xa5: {  	s1 =	rddreg [dreg:$0x1];
	p0 =	sne.s32 s2, $0x0  }
0xa6: {  	s3 =	rddreg [dreg:$0x2];
	[bflag:$0x3] =	sbarrier.arrive $0xFFFF;
	s2 =	simm.s32 @!p0 $0x1C11  }
0xa7: {  	[timem:s3], [sflag:s2] =	dma.local @!p0 [hbm:s0], s1  }
0xa8: {  	s0 =	simm.s32 @!p0 $0x11  }
0xa9: {  	_ =	swait.ge @!p0 [sflag:s0], s1  }
0xaa: {  	s1 =	ssub.s32 @!p0 $0x0, s1;
	[sflag:s0] =	ssyncset.done @!p0 $0x0  }
0xab: {  	[sflag:s0] =	ssyncadd.s32 @!p0 s1  }
0xac: {  	[bflag:$0x3] =	sbarrier.arrive $0xFFFF  }
0xad: {  	_ =	shalt  }

</sc_bundles>
